<compile_context>
chip_gen: v7x
topology: tpu7x:2x2x1
jax: 0.10.2.dev20260603
libtpu: 0.0.44.dev20260713+nightly
codegen_flags: <defaults>
</compile_context>

<pallas_src>
import functools

import jax
import jax.numpy as jnp
from jax import lax
from jax.experimental import pallas as pl
from jax.experimental.pallas import tpu as pltpu
from jax.experimental.pallas import tpu_sc as plsc

B = 64
H = 64
NOPE = 128
ROPE = 64
KV_LORA = 512
V_HEAD = 128
KV_LEN = 32768
TOPK = 2048
DKV = KV_LORA + ROPE
DQ = 768
PK = DQ // 2
SCALE = float((NOPE + ROPE) ** -0.5)

NC = 2
NS = 16
NW = NC * NS
G = 4
BG = B // G
ROWS = BG * TOPK
RPW = ROWS // NW
CH = 128
NCHUNK = RPW // CH


@functools.cache
def _make_sc_gather():
    mesh = plsc.VectorSubcoreMesh(core_axis_name="c", subcore_axis_name="s")

    @functools.partial(
        pl.kernel,
        mesh=mesh,
        out_type=jax.ShapeDtypeStruct((ROWS, PK), jnp.int32),
        scratch_types=[
            pltpu.VMEM((RPW,), jnp.int32),
            pltpu.VMEM((2, CH, PK), jnp.int32),
            pltpu.SemaphoreType.DMA,
            pltpu.SemaphoreType.DMA,
        ],
    )
    def _sc_gather(table_hbm, idx_hbm, out_hbm, idx_v, rows_v, sem0, sem1):
        wid = lax.axis_index("s") * NC + lax.axis_index("c")
        base = wid * RPW
        pltpu.sync_copy(idx_hbm.at[pl.ds(base, RPW)], idx_v)

        def start(c, buf, sem):
            pltpu.async_copy(
                table_hbm.at[idx_v.at[pl.ds(c * CH, CH)]], rows_v.at[buf], sem)

        def wait(buf, sem):
            pltpu.make_async_copy(
                table_hbm.at[idx_v.at[pl.ds(0, CH)]], rows_v.at[buf], sem).wait()

        def store(c, buf):
            pltpu.sync_copy(rows_v.at[buf], out_hbm.at[pl.ds(base + c * CH, CH)])

        start(0, 0, sem0)

        def body(p, carry):
            c0 = 2 * p
            c1 = c0 + 1
            start(c1, 1, sem1)
            wait(0, sem0)
            store(c0, 0)

            @pl.when(c1 + 1 < NCHUNK)
            def _():
                start(c1 + 1, 0, sem0)

            wait(1, sem1)
            store(c1, 1)
            return carry

        lax.fori_loop(0, NCHUNK // 2, body, 0)

    return _sc_gather


HB = 8


def _qproj_body(q_ref, wuk_ref, qf_ref):
    for hh in range(HB):
        qn = q_ref[:, hh, :NOPE]
        qp = q_ref[:, hh, NOPE:]
        ql = lax.dot_general(qn, wuk_ref[hh], (((1,), (0,)), ((), ())),
                             preferred_element_type=jnp.float32)
        qf_ref[:, hh, :KV_LORA] = ql * SCALE
        qf_ref[:, hh, KV_LORA:DKV] = qp * SCALE
        qf_ref[:, hh, DKV:] = jnp.zeros((B, DQ - DKV), jnp.float32)


_qproj = pl.pallas_call(
    _qproj_body,
    grid=(H // HB,),
    in_specs=[
        pl.BlockSpec((B, HB, NOPE + ROPE), lambda h: (0, h, 0)),
        pl.BlockSpec((HB, NOPE, KV_LORA), lambda h: (h, 0, 0)),
    ],
    out_specs=pl.BlockSpec((B, HB, DQ), lambda h: (0, h, 0)),
    out_shape=jax.ShapeDtypeStruct((B, H, DQ), jnp.float32),
)


def _attn_body(qf_ref, sink_ref, kv0_ref, kv1_ref, o_ref):
    qf = qf_ref[...].astype(jnp.bfloat16)
    kw0 = kv0_ref[...]
    kw1 = kv1_ref[...]
    k0_lo = lax.bitcast_convert_type(
        lax.shift_left(kw0, 16), jnp.float32).astype(jnp.bfloat16)
    k0_hi = lax.bitcast_convert_type(
        jnp.bitwise_and(kw0, jnp.int32(-65536)),
        jnp.float32).astype(jnp.bfloat16)
    k1_lo = lax.bitcast_convert_type(
        lax.shift_left(kw1, 16), jnp.float32).astype(jnp.bfloat16)
    logits = (lax.dot_general(qf[:, :256], k0_lo, (((1,), (1,)), ((), ())),
                              preferred_element_type=jnp.float32)
              + lax.dot_general(qf[:, 256:PK], k1_lo, (((1,), (1,)), ((), ())),
                                preferred_element_type=jnp.float32)
              + lax.dot_general(qf[:, PK:640], k0_hi, (((1,), (1,)), ((), ())),
                                preferred_element_type=jnp.float32))
    sink = sink_ref[...]
    m = jnp.maximum(jnp.max(logits, axis=1, keepdims=True), sink)
    p = jnp.exp(logits - m)
    l = jnp.sum(p, axis=1, keepdims=True) + jnp.exp(sink - m)
    rinv = 1.0 / l
    pb = p.astype(jnp.bfloat16)
    o0 = lax.dot_general(pb, k0_lo, (((1,), (0,)), ((), ())),
                         preferred_element_type=jnp.float32)
    o1 = lax.dot_general(pb, k1_lo, (((1,), (0,)), ((), ())),
                         preferred_element_type=jnp.float32)
    o2 = lax.dot_general(pb, k0_hi[:, :KV_LORA - PK], (((1,), (0,)), ((), ())),
                         preferred_element_type=jnp.float32)
    o_ref[:, :256] = o0 * rinv
    o_ref[:, 256:PK] = o1 * rinv
    o_ref[:, PK:] = o2 * rinv


def _make_attn(g):
    return pl.pallas_call(
        _attn_body,
        grid=(BG,),
        in_specs=[
            pl.BlockSpec((None, H, DQ), lambda b: (g * BG + b, 0, 0)),
            pl.BlockSpec((H, 1), lambda b: (0, 0)),
            pl.BlockSpec((None, TOPK, 256), lambda b: (b, 0, 0)),
            pl.BlockSpec((None, TOPK, 128), lambda b: (b, 0, 2)),
        ],
        out_specs=pl.BlockSpec((None, H, KV_LORA), lambda b: (b, 0, 0)),
        out_shape=jax.ShapeDtypeStruct((BG, H, KV_LORA), jnp.float32),
    )


def _oproj_body(o_ref, wuv_ref, out_ref):
    for hh in range(HB):
        out_ref[:, hh, :] = lax.dot_general(
            o_ref[:, hh, :], wuv_ref[hh], (((1,), (0,)), ((), ())),
            preferred_element_type=jnp.float32)


_oproj = pl.pallas_call(
    _oproj_body,
    grid=(H // HB,),
    in_specs=[
        pl.BlockSpec((B, HB, KV_LORA), lambda h: (0, h, 0)),
        pl.BlockSpec((HB, KV_LORA, V_HEAD), lambda h: (h, 0, 0)),
    ],
    out_specs=pl.BlockSpec((B, HB, V_HEAD), lambda h: (0, h, 0)),
    out_shape=jax.ShapeDtypeStruct((B, H, V_HEAD), jnp.float32),
)


PBLK = 2048



def _pack_body(kvt_ref, out_ref):
    x = kvt_ref[...]
    lo_b = x[:PK, :].astype(jnp.bfloat16).astype(jnp.float32)
    hi_b = x[PK:, :].astype(jnp.bfloat16).astype(jnp.float32)
    lo_u = lax.bitcast_convert_type(lo_b, jnp.uint32) >> 16
    hi_u = lax.bitcast_convert_type(hi_b, jnp.uint32) & jnp.uint32(0xFFFF0000)
    hi_full = jnp.concatenate(
        [hi_u, jnp.zeros((DQ - DKV, PBLK), jnp.uint32)], axis=0)
    wt = lax.bitcast_convert_type(lo_u | hi_full, jnp.int32)
    out_ref[...] = lax.transpose(wt, (1, 0))


_pack_cache = pl.pallas_call(
    _pack_body,
    grid=(KV_LEN // PBLK,),
    in_specs=[pl.BlockSpec((DKV, PBLK), lambda i: (0, i))],
    out_specs=pl.BlockSpec((PBLK, PK), lambda i: (i, 0)),
    out_shape=jax.ShapeDtypeStruct((KV_LEN, PK), jnp.int32),
)


def kernel(q, kv_cache, W_UK, W_UV, attn_sink, topk_indices):
    idx = topk_indices.astype(jnp.int32).reshape(G, ROWS)
    table = _pack_cache(kv_cache.T)
    q_full = _qproj(q, W_UK)
    sink2 = attn_sink.reshape(H, 1)
    gather = _make_sc_gather()
    kv_parts = [gather(table, idx[g]).reshape(BG, TOPK, PK) for g in range(G)]
    o_parts = [_make_attn(g)(q_full, sink2, kv_parts[g], kv_parts[g])
               for g in range(G)]
    o_lat = jnp.concatenate(o_parts, axis=0)
    out = _oproj(o_lat, W_UV)
    return out.reshape(B, H * V_HEAD)

# --- scband reference (transcript-rebuilt; emitter-appended) ---
"""Pipeline reference for scband-deepseek-v4-mlaattention-6287832121444 (READ-ONLY COPY).

The authoritative reference and input builder live on the scoring server;
editing this copy changes nothing except your own understanding.
"""

import jax, jax.numpy as jnp
import numpy as np

B = 64
H = 64
NOPE = 128
ROPE = 64
KV_LORA = 512
V_HEAD = 128
KV_LEN = 32768
TOPK = 2048
SCALE = 1.0 / np.sqrt(NOPE + ROPE)


def setup_inputs(seed: int = 0) -> dict:
    key = jax.random.key(seed)
    ks = jax.random.split(key, 6)
    q = jax.random.normal(ks[0], (B, H, NOPE + ROPE), dtype=jnp.float32)
    kv_cache = jax.random.normal(ks[1], (KV_LEN, KV_LORA + ROPE), dtype=jnp.float32)
    W_UK = jax.random.normal(ks[2], (H, NOPE, KV_LORA), dtype=jnp.float32) * 0.02
    W_UV = jax.random.normal(ks[3], (H, KV_LORA, V_HEAD), dtype=jnp.float32) * 0.02
    attn_sink = jax.random.normal(ks[4], (H,), dtype=jnp.float32)
    topk_indices = jax.random.randint(ks[5], (B, TOPK), 0, KV_LEN, dtype=jnp.int64)
    return {
        "q": q,
        "kv_cache": kv_cache,
        "W_UK": W_UK,
        "W_UV": W_UV,
        "attn_sink": attn_sink,
        "topk_indices": topk_indices,
    }


def reference(q, kv_cache, W_UK, W_UV, attn_sink, topk_indices):
    # Split query into no-position (nope) and rotary (rope) parts.
    q_nope = q[..., :NOPE]          # [B, H, NOPE]
    q_pe = q[..., NOPE:]            # [B, H, ROPE]
    # MLA weight absorption: project per-head q_nope into the shared latent space
    # so attention scores can be computed directly against the compressed KV cache.
    q_latent = jnp.einsum('bhd,hdr->bhr', q_nope, W_UK)  # [B, H, KV_LORA]
    # Sparse top-k gather from the latent KV cache (the SparseCore-style gather).
    kv_sel = jnp.take(kv_cache, topk_indices, axis=0)    # [B, TOPK, KV_LORA+ROPE]
    k_latent = kv_sel[..., :KV_LORA]                      # [B, TOPK, KV_LORA]
    k_pe = kv_sel[..., KV_LORA:]                          # [B, TOPK, ROPE]
    # Attention logits: latent (absorbed nope) part + rope part, scaled.
    logits = (
        jnp.einsum('bhr,btr->bht', q_latent, k_latent)
        + jnp.einsum('bhd,btd->bht', q_pe, k_pe)
    ) * SCALE                                             # [B, H, TOPK]
    # Per-head attention sink: an extra learned logit that absorbs probability mass.
    sink = jnp.broadcast_to(attn_sink[None, :, None], (B, H, 1))
    logits_full = jnp.concatenate([logits, sink], axis=-1)  # [B, H, TOPK+1]
    probs = jax.nn.softmax(logits_full, axis=-1)[..., :TOPK]  # drop sink column
    # Aggregate selected latent values, then decompress with W_UV (absorbed output proj).
    o_latent = jnp.einsum('bht,btr->bhr', probs, k_latent)   # [B, H, KV_LORA]
    out = jnp.einsum('bhr,hrv->bhv', o_latent, W_UV)          # [B, H, V_HEAD]
    return out.reshape(B, H * V_HEAD)

if __name__ == "__main__":
    import jax
    _d = setup_inputs()
    print(jax.jit(kernel)(*tuple(_d.values())))

</pallas_src>

<mosaic_0001>
#map = affine_map<(d0, d1) -> (0, 0)>
#map1 = affine_map<(d0, d1) -> (0)>
module attributes {stable_mosaic.version = 14 : i64} {
  func.func @_sc_gather(%arg0: i32, %arg1: i32, %arg2: memref<32768x384xi32, #tpu.memory_space<hbm>>, %arg3: memref<32768xi32, #tpu.memory_space<hbm>>, %arg4: memref<32768x384xi32, #tpu.memory_space<hbm>>, %arg5: memref<1024xi32, #tpu.memory_space<vmem>>, %arg6: memref<2x128x384xi32, #tpu.memory_space<vmem>>, %arg7: memref<!tpu.dma_semaphore, #tpu.memory_space<semaphore_mem>>, %arg8: memref<!tpu.dma_semaphore, #tpu.memory_space<semaphore_mem>>) attributes {dimension_semantics = [#tpu.dimension_semantics<core_parallel>, #tpu.dimension_semantics<subcore_parallel>], iteration_bounds = array<i64: 2, 16>, scalar_prefetch = 0 : i64, scratch_operands = 4 : i64, tpu.core_type = #tpu.core_type<sc_vector_subcore>, window_params = [{transform_indices = #map}, {transform_indices = #map1}, {transform_indices = #map}]} {
    %mul3A = arith.constant 2 : i32
    %mul3A_0 = arith.muli %arg1, %mul3A : i32
    %add3A = arith.addi %mul3A_0, %arg0 : i32
    %mul3A_1 = arith.constant 1024 : i32
    %mul3A_2 = arith.muli %add3A, %mul3A_1 : i32
    "tpu.region"() ({
      %run_scoped3A = tpu.sem_alloc : memref<!tpu.dma_semaphore, #tpu.memory_space<semaphore_mem>>
      %dma_start3A_17 = tpu.memref_slice %arg3[%mul3A_2] : memref<32768xi32, #tpu.memory_space<hbm>> -> memref<1024xi32, #tpu.memory_space<hbm>>
      %dma_start3A_18 = tpu.memref_slice %arg3[%mul3A_2] : memref<32768xi32, #tpu.memory_space<hbm>> -> memref<1024xi32, #tpu.memory_space<hbm>>
      tpu.enqueue_dma source(%dma_start3A_18 : memref<1024xi32, #tpu.memory_space<hbm>>) target(%arg5 : memref<1024xi32, #tpu.memory_space<vmem>>) target_semaphore(%run_scoped3A : memref<!tpu.dma_semaphore, #tpu.memory_space<semaphore_mem>>)
      %dma_wait3A = tpu.memref_slice %arg3[%mul3A_2] : memref<32768xi32, #tpu.memory_space<hbm>> -> memref<1024xi32, #tpu.memory_space<hbm>>
      %dma_wait3A_19 = tpu.memref_slice %arg3[%mul3A_2] : memref<32768xi32, #tpu.memory_space<hbm>> -> memref<1024xi32, #tpu.memory_space<hbm>>
      tpu.wait_dma2 semaphore(%run_scoped3A : memref<!tpu.dma_semaphore, #tpu.memory_space<semaphore_mem>>) src(%dma_wait3A_19 : memref<1024xi32, #tpu.memory_space<hbm>>) dst(%arg5 : memref<1024xi32, #tpu.memory_space<vmem>>)
      tpu.yield
    }) : () -> ()
    %dma_start3A = arith.constant 0 : i32
    %dma_start3A_3 = arith.constant 0 : i32
    %dma_start3A_4 = arith.constant 0 : i32
    %dma_start3A_5 = tpu.memref_slice %arg6[%dma_start3A, %dma_start3A_3, %dma_start3A_4] : memref<2x128x384xi32, #tpu.memory_space<vmem>> -> memref<1x128x384xi32, #tpu.memory_space<vmem>>
    %dma_start3A_6 = tpu.memref_squeeze %dma_start3A_5 : memref<1x128x384xi32, #tpu.memory_space<vmem>> -> memref<128x384xi32, #tpu.memory_space<vmem>>
    %dma_start3A_7 = arith.constant 0 : i32
    %dma_start3A_8 = tpu.memref_slice %arg5[%dma_start3A_7] : memref<1024xi32, #tpu.memory_space<vmem>> -> memref<128xi32, #tpu.memory_space<vmem>>
    %dma_start3A_9 = arith.constant 0 : i32
    %dma_start3A_10 = arith.constant 0 : i32
    %dma_start3A_11 = tpu.memref_slice %arg2[%dma_start3A_9, %dma_start3A_10] : memref<32768x384xi32, #tpu.memory_space<hbm>> -> memref<32768x384xi32, #tpu.memory_space<hbm>>
    tpu.enqueue_indirect_dma source(%dma_start3A_11 : memref<32768x384xi32, #tpu.memory_space<hbm>>) target(%dma_start3A_6 : memref<128x384xi32, #tpu.memory_space<vmem>>) offsets(%dma_start3A_8 : memref<128xi32, #tpu.memory_space<vmem>>) semaphore(%arg7 : memref<!tpu.dma_semaphore, #tpu.memory_space<semaphore_mem>>)
    %scan3A = arith.constant 0 : i32
    %scan3A_12 = arith.constant 0 : i32
    %scan3A_13 = arith.constant 4 : i32
    %scan3A_14 = arith.addi %scan3A_12, %scan3A_13 : i32
    %scan3A_15 = arith.constant 1 : i32
    scf.for %scan3A_17 = %scan3A_12 to %scan3A_14 step %scan3A_15  : i32 {
      %mul3A_18 = arith.constant 2 : i32
      %mul3A_19 = arith.muli %mul3A_18, %scan3A_17 : i32
      %add3A_20 = arith.constant 1 : i32
      %add3A_21 = arith.addi %mul3A_19, %add3A_20 : i32
      %mul3A_22 = arith.constant 128 : i32
      %mul3A_23 = arith.muli %add3A_21, %mul3A_22 : i32
      %dma_start3A_24 = arith.constant 1 : i32
      %dma_start3A_25 = arith.constant 0 : i32
      %dma_start3A_26 = arith.constant 0 : i32
      %dma_start3A_27 = tpu.memref_slice %arg6[%dma_start3A_24, %dma_start3A_25, %dma_start3A_26] : memref<2x128x384xi32, #tpu.memory_space<vmem>> -> memref<1x128x384xi32, #tpu.memory_space<vmem>>
      %dma_start3A_28 = tpu.memref_squeeze %dma_start3A_27 : memref<1x128x384xi32, #tpu.memory_space<vmem>> -> memref<128x384xi32, #tpu.memory_space<vmem>>
      %dma_start3A_29 = tpu.memref_slice %arg5[%mul3A_23] : memref<1024xi32, #tpu.memory_space<vmem>> -> memref<128xi32, #tpu.memory_space<vmem>>
      %dma_start3A_30 = arith.constant 0 : i32
      %dma_start3A_31 = arith.constant 0 : i32
      %dma_start3A_32 = tpu.memref_slice %arg2[%dma_start3A_30, %dma_start3A_31] : memref<32768x384xi32, #tpu.memory_space<hbm>> -> memref<32768x384xi32, #tpu.memory_space<hbm>>
      tpu.enqueue_indirect_dma source(%dma_start3A_32 : memref<32768x384xi32, #tpu.memory_space<hbm>>) target(%dma_start3A_28 : memref<128x384xi32, #tpu.memory_space<vmem>>) offsets(%dma_start3A_29 : memref<128xi32, #tpu.memory_space<vmem>>) semaphore(%arg8 : memref<!tpu.dma_semaphore, #tpu.memory_space<semaphore_mem>>)
      %dma_wait3A = arith.constant 0 : i32
      %dma_wait3A_33 = arith.constant 0 : i32
      %dma_wait3A_34 = arith.constant 0 : i32
      %dma_wait3A_35 = tpu.memref_slice %arg6[%dma_wait3A, %dma_wait3A_33, %dma_wait3A_34] : memref<2x128x384xi32, #tpu.memory_space<vmem>> -> memref<1x128x384xi32, #tpu.memory_space<vmem>>
      %dma_wait3A_36 = tpu.memref_squeeze %dma_wait3A_35 : memref<1x128x384xi32, #tpu.memory_space<vmem>> -> memref<128x384xi32, #tpu.memory_space<vmem>>
      %dma_wait3A_37 = arith.constant 0 : i32
      %dma_wait3A_38 = tpu.memref_slice %arg5[%dma_wait3A_37] : memref<1024xi32, #tpu.memory_space<vmem>> -> memref<128xi32, #tpu.memory_space<vmem>>
      %dma_wait3A_39 = arith.constant 0 : i32
      %dma_wait3A_40 = arith.constant 0 : i32
      %dma_wait3A_41 = tpu.memref_slice %arg2[%dma_wait3A_39, %dma_wait3A_40] : memref<32768x384xi32, #tpu.memory_space<hbm>> -> memref<32768x384xi32, #tpu.memory_space<hbm>>
      tpu.wait_indirect_dma semaphore(%arg7 : memref<!tpu.dma_semaphore, #tpu.memory_space<semaphore_mem>>) src(%dma_wait3A_41 : memref<32768x384xi32, #tpu.memory_space<hbm>>) dst(%dma_wait3A_36 : memref<128x384xi32, #tpu.memory_space<vmem>>)
      %mul3A_42 = arith.constant 128 : i32
      %mul3A_43 = arith.muli %mul3A_19, %mul3A_42 : i32
      %add3A_44 = arith.addi %mul3A_2, %mul3A_43 : i32
      %run_scoped3A = arith.constant 0 : i32
      "tpu.region"() ({
        %run_scoped3A_63 = tpu.sem_alloc : memref<!tpu.dma_semaphore, #tpu.memory_space<semaphore_mem>>
        %dma_start3A_64 = arith.constant 0 : i32
        %dma_start3A_65 = arith.constant 0 : i32
        %dma_start3A_66 = tpu.memref_slice %arg6[%run_scoped3A, %dma_start3A_64, %dma_start3A_65] : memref<2x128x384xi32, #tpu.memory_space<vmem>> -> memref<1x128x384xi32, #tpu.memory_space<vmem>>
        %dma_start3A_67 = tpu.memref_squeeze %dma_start3A_66 : memref<1x128x384xi32, #tpu.memory_space<vmem>> -> memref<128x384xi32, #tpu.memory_space<vmem>>
        %dma_start3A_68 = arith.constant 0 : i32
        %dma_start3A_69 = tpu.memref_slice %arg4[%add3A_44, %dma_start3A_68] : memref<32768x384xi32, #tpu.memory_space<hbm>> -> memref<128x384xi32, #tpu.memory_space<hbm>>
        %dma_start3A_70 = arith.constant 0 : i32
        %dma_start3A_71 = tpu.memref_slice %arg4[%add3A_44, %dma_start3A_70] : memref<32768x384xi32, #tpu.memory_space<hbm>> -> memref<128x384xi32, #tpu.memory_space<hbm>>
        %dma_start3A_72 = arith.constant 0 : i32
        %dma_start3A_73 = arith.constant 0 : i32
        %dma_start3A_74 = tpu.memref_slice %arg6[%run_scoped3A, %dma_start3A_72, %dma_start3A_73] : memref<2x128x384xi32, #tpu.memory_space<vmem>> -> memref<1x128x384xi32, #tpu.memory_space<vmem>>
        %dma_start3A_75 = tpu.memref_squeeze %dma_start3A_74 : memref<1x128x384xi32, #tpu.memory_space<vmem>> -> memref<128x384xi32, #tpu.memory_space<vmem>>
        tpu.enqueue_dma source(%dma_start3A_75 : memref<128x384xi32, #tpu.memory_space<vmem>>) target(%dma_start3A_71 : memref<128x384xi32, #tpu.memory_space<hbm>>) target_semaphore(%run_scoped3A_63 : memref<!tpu.dma_semaphore, #tpu.memory_space<semaphore_mem>>)
        %dma_wait3A_76 = arith.constant 0 : i32
        %dma_wait3A_77 = arith.constant 0 : i32
        %dma_wait3A_78 = tpu.memref_slice %arg6[%run_scoped3A, %dma_wait3A_76, %dma_wait3A_77] : memref<2x128x384xi32, #tpu.memory_space<vmem>> -> memref<1x128x384xi32, #tpu.memory_space<vmem>>
        %dma_wait3A_79 = tpu.memref_squeeze %dma_wait3A_78 : memref<1x128x384xi32, #tpu.memory_space<vmem>> -> memref<128x384xi32, #tpu.memory_space<vmem>>
        %dma_wait3A_80 = arith.constant 0 : i32
        %dma_wait3A_81 = tpu.memref_slice %arg4[%add3A_44, %dma_wait3A_80] : memref<32768x384xi32, #tpu.memory_space<hbm>> -> memref<128x384xi32, #tpu.memory_space<hbm>>
        %dma_wait3A_82 = arith.constant 0 : i32
        %dma_wait3A_83 = tpu.memref_slice %arg4[%add3A_44, %dma_wait3A_82] : memref<32768x384xi32, #tpu.memory_space<hbm>> -> memref<128x384xi32, #tpu.memory_space<hbm>>
        %dma_wait3A_84 = arith.constant 0 : i32
        %dma_wait3A_85 = arith.constant 0 : i32
        %dma_wait3A_86 = tpu.memref_slice %arg6[%run_scoped3A, %dma_wait3A_84, %dma_wait3A_85] : memref<2x128x384xi32, #tpu.memory_space<vmem>> -> memref<1x128x384xi32, #tpu.memory_space<vmem>>
        %dma_wait3A_87 = tpu.memref_squeeze %dma_wait3A_86 : memref<1x128x384xi32, #tpu.memory_space<vmem>> -> memref<128x384xi32, #tpu.memory_space<vmem>>
        tpu.wait_dma2 semaphore(%run_scoped3A_63 : memref<!tpu.dma_semaphore, #tpu.memory_space<semaphore_mem>>) src(%dma_wait3A_87 : memref<128x384xi32, #tpu.memory_space<vmem>>) dst(%dma_wait3A_83 : memref<128x384xi32, #tpu.memory_space<hbm>>)
        tpu.yield
      }) : () -> ()
      %add3A_45 = arith.constant 1 : i32
      %add3A_46 = arith.addi %add3A_21, %add3A_45 : i32
      %lt3A = arith.constant 8 : i32
      %lt3A_47 = arith.cmpi slt, %add3A_46, %lt3A : i32
      %convert_element_type3A = arith.extui %lt3A_47 : i1 to i32
      %cond3A = arith.constant 0 : i32
      %cond3A_48 = arith.cmpi ne, %convert_element_type3A, %cond3A : i32
      scf.if %cond3A_48 {
        %add3A_63 = arith.constant 1 : i32
        %add3A_64 = arith.addi %add3A_21, %add3A_63 : i32
        %mul3A_65 = arith.constant 128 : i32
        %mul3A_66 = arith.muli %add3A_64, %mul3A_65 : i32
        %dma_start3A_67 = arith.constant 0 : i32
        %dma_start3A_68 = arith.constant 0 : i32
        %dma_start3A_69 = arith.constant 0 : i32
        %dma_start3A_70 = tpu.memref_slice %arg6[%dma_start3A_67, %dma_start3A_68, %dma_start3A_69] : memref<2x128x384xi32, #tpu.memory_space<vmem>> -> memref<1x128x384xi32, #tpu.memory_space<vmem>>
        %dma_start3A_71 = tpu.memref_squeeze %dma_start3A_70 : memref<1x128x384xi32, #tpu.memory_space<vmem>> -> memref<128x384xi32, #tpu.memory_space<vmem>>
        %dma_start3A_72 = tpu.memref_slice %arg5[%mul3A_66] : memref<1024xi32, #tpu.memory_space<vmem>> -> memref<128xi32, #tpu.memory_space<vmem>>
        %dma_start3A_73 = arith.constant 0 : i32
        %dma_start3A_74 = arith.constant 0 : i32
        %dma_start3A_75 = tpu.memref_slice %arg2[%dma_start3A_73, %dma_start3A_74] : memref<32768x384xi32, #tpu.memory_space<hbm>> -> memref<32768x384xi32, #tpu.memory_space<hbm>>
        tpu.enqueue_indirect_dma source(%dma_start3A_75 : memref<32768x384xi32, #tpu.memory_space<hbm>>) target(%dma_start3A_71 : memref<128x384xi32, #tpu.memory_space<vmem>>) offsets(%dma_start3A_72 : memref<128xi32, #tpu.memory_space<vmem>>) semaphore(%arg7 : memref<!tpu.dma_semaphore, #tpu.memory_space<semaphore_mem>>)
      } else {
      }
      %dma_wait3A_49 = arith.constant 1 : i32
      %dma_wait3A_50 = arith.constant 0 : i32
      %dma_wait3A_51 = arith.constant 0 : i32
      %dma_wait3A_52 = tpu.memref_slice %arg6[%dma_wait3A_49, %dma_wait3A_50, %dma_wait3A_51] : memref<2x128x384xi32, #tpu.memory_space<vmem>> -> memref<1x128x384xi32, #tpu.memory_space<vmem>>
      %dma_wait3A_53 = tpu.memref_squeeze %dma_wait3A_52 : memref<1x128x384xi32, #tpu.memory_space<vmem>> -> memref<128x384xi32, #tpu.memory_space<vmem>>
      %dma_wait3A_54 = arith.constant 0 : i32
      %dma_wait3A_55 = tpu.memref_slice %arg5[%dma_wait3A_54] : memref<1024xi32, #tpu.memory_space<vmem>> -> memref<128xi32, #tpu.memory_space<vmem>>
      %dma_wait3A_56 = arith.constant 0 : i32
      %dma_wait3A_57 = arith.constant 0 : i32
      %dma_wait3A_58 = tpu.memref_slice %arg2[%dma_wait3A_56, %dma_wait3A_57] : memref<32768x384xi32, #tpu.memory_space<hbm>> -> memref<32768x384xi32, #tpu.memory_space<hbm>>
      tpu.wait_indirect_dma semaphore(%arg8 : memref<!tpu.dma_semaphore, #tpu.memory_space<semaphore_mem>>) src(%dma_wait3A_58 : memref<32768x384xi32, #tpu.memory_space<hbm>>) dst(%dma_wait3A_53 : memref<128x384xi32, #tpu.memory_space<vmem>>)
      %mul3A_59 = arith.constant 128 : i32
      %mul3A_60 = arith.muli %add3A_21, %mul3A_59 : i32
      %add3A_61 = arith.addi %mul3A_2, %mul3A_60 : i32
      %run_scoped3A_62 = arith.constant 1 : i32
      "tpu.region"() ({
        %run_scoped3A_63 = tpu.sem_alloc : memref<!tpu.dma_semaphore, #tpu.memory_space<semaphore_mem>>
        %dma_start3A_64 = arith.constant 0 : i32
        %dma_start3A_65 = arith.constant 0 : i32
        %dma_start3A_66 = tpu.memref_slice %arg6[%run_scoped3A_62, %dma_start3A_64, %dma_start3A_65] : memref<2x128x384xi32, #tpu.memory_space<vmem>> -> memref<1x128x384xi32, #tpu.memory_space<vmem>>
        %dma_start3A_67 = tpu.memref_squeeze %dma_start3A_66 : memref<1x128x384xi32, #tpu.memory_space<vmem>> -> memref<128x384xi32, #tpu.memory_space<vmem>>
        %dma_start3A_68 = arith.constant 0 : i32
        %dma_start3A_69 = tpu.memref_slice %arg4[%add3A_61, %dma_start3A_68] : memref<32768x384xi32, #tpu.memory_space<hbm>> -> memref<128x384xi32, #tpu.memory_space<hbm>>
        %dma_start3A_70 = arith.constant 0 : i32
        %dma_start3A_71 = tpu.memref_slice %arg4[%add3A_61, %dma_start3A_70] : memref<32768x384xi32, #tpu.memory_space<hbm>> -> memref<128x384xi32, #tpu.memory_space<hbm>>
        %dma_start3A_72 = arith.constant 0 : i32
        %dma_start3A_73 = arith.constant 0 : i32
        %dma_start3A_74 = tpu.memref_slice %arg6[%run_scoped3A_62, %dma_start3A_72, %dma_start3A_73] : memref<2x128x384xi32, #tpu.memory_space<vmem>> -> memref<1x128x384xi32, #tpu.memory_space<vmem>>
        %dma_start3A_75 = tpu.memref_squeeze %dma_start3A_74 : memref<1x128x384xi32, #tpu.memory_space<vmem>> -> memref<128x384xi32, #tpu.memory_space<vmem>>
        tpu.enqueue_dma source(%dma_start3A_75 : memref<128x384xi32, #tpu.memory_space<vmem>>) target(%dma_start3A_71 : memref<128x384xi32, #tpu.memory_space<hbm>>) target_semaphore(%run_scoped3A_63 : memref<!tpu.dma_semaphore, #tpu.memory_space<semaphore_mem>>)
        %dma_wait3A_76 = arith.constant 0 : i32
        %dma_wait3A_77 = arith.constant 0 : i32
        %dma_wait3A_78 = tpu.memref_slice %arg6[%run_scoped3A_62, %dma_wait3A_76, %dma_wait3A_77] : memref<2x128x384xi32, #tpu.memory_space<vmem>> -> memref<1x128x384xi32, #tpu.memory_space<vmem>>
        %dma_wait3A_79 = tpu.memref_squeeze %dma_wait3A_78 : memref<1x128x384xi32, #tpu.memory_space<vmem>> -> memref<128x384xi32, #tpu.memory_space<vmem>>
        %dma_wait3A_80 = arith.constant 0 : i32
        %dma_wait3A_81 = tpu.memref_slice %arg4[%add3A_61, %dma_wait3A_80] : memref<32768x384xi32, #tpu.memory_space<hbm>> -> memref<128x384xi32, #tpu.memory_space<hbm>>
        %dma_wait3A_82 = arith.constant 0 : i32
        %dma_wait3A_83 = tpu.memref_slice %arg4[%add3A_61, %dma_wait3A_82] : memref<32768x384xi32, #tpu.memory_space<hbm>> -> memref<128x384xi32, #tpu.memory_space<hbm>>
        %dma_wait3A_84 = arith.constant 0 : i32
        %dma_wait3A_85 = arith.constant 0 : i32
        %dma_wait3A_86 = tpu.memref_slice %arg6[%run_scoped3A_62, %dma_wait3A_84, %dma_wait3A_85] : memref<2x128x384xi32, #tpu.memory_space<vmem>> -> memref<1x128x384xi32, #tpu.memory_space<vmem>>
        %dma_wait3A_87 = tpu.memref_squeeze %dma_wait3A_86 : memref<1x128x384xi32, #tpu.memory_space<vmem>> -> memref<128x384xi32, #tpu.memory_space<vmem>>
        tpu.wait_dma2 semaphore(%run_scoped3A_63 : memref<!tpu.dma_semaphore, #tpu.memory_space<semaphore_mem>>) src(%dma_wait3A_87 : memref<128x384xi32, #tpu.memory_space<vmem>>) dst(%dma_wait3A_83 : memref<128x384xi32, #tpu.memory_space<hbm>>)
        tpu.yield
      }) : () -> ()
    }
    %scan3A_16 = arith.constant 4 : i32
    return
  }
}

#map = affine_map<(d0, d1) -> (0, 0)>
#map1 = affine_map<(d0, d1) -> (0)>
module attributes {stable_mosaic.version = 14 : i64} {
  func.func @_sc_gather(%arg0: i32, %arg1: i32, %arg2: memref<32768x384xi32, #tpu.memory_space<hbm>>, %arg3: memref<32768xi32, #tpu.memory_space<hbm>>, %arg4: memref<32768x384xi32, #tpu.memory_space<hbm>>, %arg5: memref<1024xi32, #tpu.memory_space<vmem>>, %arg6: memref<2x128x384xi32, #tpu.memory_space<vmem>>, %arg7: memref<!tpu.dma_semaphore, #tpu.memory_space<semaphore_mem>>, %arg8: memref<!tpu.dma_semaphore, #tpu.memory_space<semaphore_mem>>) attributes {dimension_semantics = [#tpu.dimension_semantics<core_parallel>, #tpu.dimension_semantics<subcore_parallel>], iteration_bounds = array<i64: 2, 16>, scalar_prefetch = 0 : i64, scratch_operands = 4 : i64, tpu.core_type = #tpu.core_type<sc_vector_subcore>, window_params = [{transform_indices = #map}, {transform_indices = #map1}, {transform_indices = #map}]} {
    %mul3A = arith.constant 2 : i32
    %mul3A_0 = arith.muli %arg1, %mul3A : i32
    %add3A = arith.addi %mul3A_0, %arg0 : i32
    %mul3A_1 = arith.constant 1024 : i32
    %mul3A_2 = arith.muli %add3A, %mul3A_1 : i32
    "tpu.region"() ({
      %run_scoped3A = tpu.sem_alloc : memref<!tpu.dma_semaphore, #tpu.memory_space<semaphore_mem>>
      %dma_start3A_17 = tpu.memref_slice %arg3[%mul3A_2] : memref<32768xi32, #tpu.memory_space<hbm>> -> memref<1024xi32, #tpu.memory_space<hbm>>
      %dma_start3A_18 = tpu.memref_slice %arg3[%mul3A_2] : memref<32768xi32, #tpu.memory_space<hbm>> -> memref<1024xi32, #tpu.memory_space<hbm>>
      tpu.enqueue_dma source(%dma_start3A_18 : memref<1024xi32, #tpu.memory_space<hbm>>) target(%arg5 : memref<1024xi32, #tpu.memory_space<vmem>>) target_semaphore(%run_scoped3A : memref<!tpu.dma_semaphore, #tpu.memory_space<semaphore_mem>>)
      %dma_wait3A = tpu.memref_slice %arg3[%mul3A_2] : memref<32768xi32, #tpu.memory_space<hbm>> -> memref<1024xi32, #tpu.memory_space<hbm>>
      %dma_wait3A_19 = tpu.memref_slice %arg3[%mul3A_2] : memref<32768xi32, #tpu.memory_space<hbm>> -> memref<1024xi32, #tpu.memory_space<hbm>>
      tpu.wait_dma2 semaphore(%run_scoped3A : memref<!tpu.dma_semaphore, #tpu.memory_space<semaphore_mem>>) src(%dma_wait3A_19 : memref<1024xi32, #tpu.memory_space<hbm>>) dst(%arg5 : memref<1024xi32, #tpu.memory_space<vmem>>)
      tpu.yield
    }) : () -> ()
    %dma_start3A = arith.constant 0 : i32
    %dma_start3A_3 = arith.constant 0 : i32
    %dma_start3A_4 = arith.constant 0 : i32
    %dma_start3A_5 = tpu.memref_slice %arg6[%dma_start3A, %dma_start3A_3, %dma_start3A_4] : memref<2x128x384xi32, #tpu.memory_space<vmem>> -> memref<1x128x384xi32, #tpu.memory_space<vmem>>
    %dma_start3A_6 = tpu.memref_squeeze %dma_start3A_5 : memref<1x128x384xi32, #tpu.memory_space<vmem>> -> memref<128x384xi32, #tpu.memory_space<vmem>>
    %dma_start3A_7 = arith.constant 0 : i32
    %dma_start3A_8 = tpu.memref_slice %arg5[%dma_start3A_7] : memref<1024xi32, #tpu.memory_space<vmem>> -> memref<128xi32, #tpu.memory_space<vmem>>
    %dma_start3A_9 = arith.constant 0 : i32
    %dma_start3A_10 = arith.constant 0 : i32
    %dma_start3A_11 = tpu.memref_slice %arg2[%dma_start3A_9, %dma_start3A_10] : memref<32768x384xi32, #tpu.memory_space<hbm>> -> memref<32768x384xi32, #tpu.memory_space<hbm>>
    tpu.enqueue_indirect_dma source(%dma_start3A_11 : memref<32768x384xi32, #tpu.memory_space<hbm>>) target(%dma_start3A_6 : memref<128x384xi32, #tpu.memory_space<vmem>>) offsets(%dma_start3A_8 : memref<128xi32, #tpu.memory_space<vmem>>) semaphore(%arg7 : memref<!tpu.dma_semaphore, #tpu.memory_space<semaphore_mem>>)
    %scan3A = arith.constant 0 : i32
    %scan3A_12 = arith.constant 0 : i32
    %scan3A_13 = arith.constant 4 : i32
    %scan3A_14 = arith.addi %scan3A_12, %scan3A_13 : i32
    %scan3A_15 = arith.constant 1 : i32
    scf.for %scan3A_17 = %scan3A_12 to %scan3A_14 step %scan3A_15  : i32 {
      %mul3A_18 = arith.constant 2 : i32
      %mul3A_19 = arith.muli %mul3A_18, %scan3A_17 : i32
      %add3A_20 = arith.constant 1 : i32
      %add3A_21 = arith.addi %mul3A_19, %add3A_20 : i32
      %mul3A_22 = arith.constant 128 : i32
      %mul3A_23 = arith.muli %add3A_21, %mul3A_22 : i32
      %dma_start3A_24 = arith.constant 1 : i32
      %dma_start3A_25 = arith.constant 0 : i32
      %dma_start3A_26 = arith.constant 0 : i32
      %dma_start3A_27 = tpu.memref_slice %arg6[%dma_start3A_24, %dma_start3A_25, %dma_start3A_26] : memref<2x128x384xi32, #tpu.memory_space<vmem>> -> memref<1x128x384xi32, #tpu.memory_space<vmem>>
      %dma_start3A_28 = tpu.memref_squeeze %dma_start3A_27 : memref<1x128x384xi32, #tpu.memory_space<vmem>> -> memref<128x384xi32, #tpu.memory_space<vmem>>
      %dma_start3A_29 = tpu.memref_slice %arg5[%mul3A_23] : memref<1024xi32, #tpu.memory_space<vmem>> -> memref<128xi32, #tpu.memory_space<vmem>>
      %dma_start3A_30 = arith.constant 0 : i32
      %dma_start3A_31 = arith.constant 0 : i32
      %dma_start3A_32 = tpu.memref_slice %arg2[%dma_start3A_30, %dma_start3A_31] : memref<32768x384xi32, #tpu.memory_space<hbm>> -> memref<32768x384xi32, #tpu.memory_space<hbm>>
      tpu.enqueue_indirect_dma source(%dma_start3A_32 : memref<32768x384xi32, #tpu.memory_space<hbm>>) target(%dma_start3A_28 : memref<128x384xi32, #tpu.memory_space<vmem>>) offsets(%dma_start3A_29 : memref<128xi32, #tpu.memory_space<vmem>>) semaphore(%arg8 : memref<!tpu.dma_semaphore, #tpu.memory_space<semaphore_mem>>)
      %dma_wait3A = arith.constant 0 : i32
      %dma_wait3A_33 = arith.constant 0 : i32
      %dma_wait3A_34 = arith.constant 0 : i32
      %dma_wait3A_35 = tpu.memref_slice %arg6[%dma_wait3A, %dma_wait3A_33, %dma_wait3A_34] : memref<2x128x384xi32, #tpu.memory_space<vmem>> -> memref<1x128x384xi32, #tpu.memory_space<vmem>>
      %dma_wait3A_36 = tpu.memref_squeeze %dma_wait3A_35 : memref<1x128x384xi32, #tpu.memory_space<vmem>> -> memref<128x384xi32, #tpu.memory_space<vmem>>
      %dma_wait3A_37 = arith.constant 0 : i32
      %dma_wait3A_38 = tpu.memref_slice %arg5[%dma_wait3A_37] : memref<1024xi32, #tpu.memory_space<vmem>> -> memref<128xi32, #tpu.memory_space<vmem>>
      %dma_wait3A_39 = arith.constant 0 : i32
      %dma_wait3A_40 = arith.constant 0 : i32
      %dma_wait3A_41 = tpu.memref_slice %arg2[%dma_wait3A_39, %dma_wait3A_40] : memref<32768x384xi32, #tpu.memory_space<hbm>> -> memref<32768x384xi32, #tpu.memory_space<hbm>>
      tpu.wait_indirect_dma semaphore(%arg7 : memref<!tpu.dma_semaphore, #tpu.memory_space<semaphore_mem>>) src(%dma_wait3A_41 : memref<32768x384xi32, #tpu.memory_space<hbm>>) dst(%dma_wait3A_36 : memref<128x384xi32, #tpu.memory_space<vmem>>)
      %mul3A_42 = arith.constant 128 : i32
      %mul3A_43 = arith.muli %mul3A_19, %mul3A_42 : i32
      %add3A_44 = arith.addi %mul3A_2, %mul3A_43 : i32
      %run_scoped3A = arith.constant 0 : i32
      "tpu.region"() ({
        %run_scoped3A_63 = tpu.sem_alloc : memref<!tpu.dma_semaphore, #tpu.memory_space<semaphore_mem>>
        %dma_start3A_64 = arith.constant 0 : i32
        %dma_start3A_65 = arith.constant 0 : i32
        %dma_start3A_66 = tpu.memref_slice %arg6[%run_scoped3A, %dma_start3A_64, %dma_start3A_65] : memref<2x128x384xi32, #tpu.memory_space<vmem>> -> memref<1x128x384xi32, #tpu.memory_space<vmem>>
        %dma_start3A_67 = tpu.memref_squeeze %dma_start3A_66 : memref<1x128x384xi32, #tpu.memory_space<vmem>> -> memref<128x384xi32, #tpu.memory_space<vmem>>
        %dma_start3A_68 = arith.constant 0 : i32
        %dma_start3A_69 = tpu.memref_slice %arg4[%add3A_44, %dma_start3A_68] : memref<32768x384xi32, #tpu.memory_space<hbm>> -> memref<128x384xi32, #tpu.memory_space<hbm>>
        %dma_start3A_70 = arith.constant 0 : i32
        %dma_start3A_71 = tpu.memref_slice %arg4[%add3A_44, %dma_start3A_70] : memref<32768x384xi32, #tpu.memory_space<hbm>> -> memref<128x384xi32, #tpu.memory_space<hbm>>
        %dma_start3A_72 = arith.constant 0 : i32
        %dma_start3A_73 = arith.constant 0 : i32
        %dma_start3A_74 = tpu.memref_slice %arg6[%run_scoped3A, %dma_start3A_72, %dma_start3A_73] : memref<2x128x384xi32, #tpu.memory_space<vmem>> -> memref<1x128x384xi32, #tpu.memory_space<vmem>>
        %dma_start3A_75 = tpu.memref_squeeze %dma_start3A_74 : memref<1x128x384xi32, #tpu.memory_space<vmem>> -> memref<128x384xi32, #tpu.memory_space<vmem>>
        tpu.enqueue_dma source(%dma_start3A_75 : memref<128x384xi32, #tpu.memory_space<vmem>>) target(%dma_start3A_71 : memref<128x384xi32, #tpu.memory_space<hbm>>) target_semaphore(%run_scoped3A_63 : memref<!tpu.dma_semaphore, #tpu.memory_space<semaphore_mem>>)
        %dma_wait3A_76 = arith.constant 0 : i32
        %dma_wait3A_77 = arith.constant 0 : i32
        %dma_wait3A_78 = tpu.memref_slice %arg6[%run_scoped3A, %dma_wait3A_76, %dma_wait3A_77] : memref<2x128x384xi32, #tpu.memory_space<vmem>> -> memref<1x128x384xi32, #tpu.memory_space<vmem>>
        %dma_wait3A_79 = tpu.memref_squeeze %dma_wait3A_78 : memref<1x128x384xi32, #tpu.memory_space<vmem>> -> memref<128x384xi32, #tpu.memory_space<vmem>>
        %dma_wait3A_80 = arith.constant 0 : i32
        %dma_wait3A_81 = tpu.memref_slice %arg4[%add3A_44, %dma_wait3A_80] : memref<32768x384xi32, #tpu.memory_space<hbm>> -> memref<128x384xi32, #tpu.memory_space<hbm>>
        %dma_wait3A_82 = arith.constant 0 : i32
        %dma_wait3A_83 = tpu.memref_slice %arg4[%add3A_44, %dma_wait3A_82] : memref<32768x384xi32, #tpu.memory_space<hbm>> -> memref<128x384xi32, #tpu.memory_space<hbm>>
        %dma_wait3A_84 = arith.constant 0 : i32
        %dma_wait3A_85 = arith.constant 0 : i32
        %dma_wait3A_86 = tpu.memref_slice %arg6[%run_scoped3A, %dma_wait3A_84, %dma_wait3A_85] : memref<2x128x384xi32, #tpu.memory_space<vmem>> -> memref<1x128x384xi32, #tpu.memory_space<vmem>>
        %dma_wait3A_87 = tpu.memref_squeeze %dma_wait3A_86 : memref<1x128x384xi32, #tpu.memory_space<vmem>> -> memref<128x384xi32, #tpu.memory_space<vmem>>
        tpu.wait_dma2 semaphore(%run_scoped3A_63 : memref<!tpu.dma_semaphore, #tpu.memory_space<semaphore_mem>>) src(%dma_wait3A_87 : memref<128x384xi32, #tpu.memory_space<vmem>>) dst(%dma_wait3A_83 : memref<128x384xi32, #tpu.memory_space<hbm>>)
        tpu.yield
      }) : () -> ()
      %add3A_45 = arith.constant 1 : i32
      %add3A_46 = arith.addi %add3A_21, %add3A_45 : i32
      %lt3A = arith.constant 8 : i32
      %lt3A_47 = arith.cmpi slt, %add3A_46, %lt3A : i32
      %convert_element_type3A = arith.extui %lt3A_47 : i1 to i32
      %cond3A = arith.constant 0 : i32
      %cond3A_48 = arith.cmpi ne, %convert_element_type3A, %cond3A : i32
      scf.if %cond3A_48 {
        %add3A_63 = arith.constant 1 : i32
        %add3A_64 = arith.addi %add3A_21, %add3A_63 : i32
        %mul3A_65 = arith.constant 128 : i32
        %mul3A_66 = arith.muli %add3A_64, %mul3A_65 : i32
        %dma_start3A_67 = arith.constant 0 : i32
        %dma_start3A_68 = arith.constant 0 : i32
        %dma_start3A_69 = arith.constant 0 : i32
        %dma_start3A_70 = tpu.memref_slice %arg6[%dma_start3A_67, %dma_start3A_68, %dma_start3A_69] : memref<2x128x384xi32, #tpu.memory_space<vmem>> -> memref<1x128x384xi32, #tpu.memory_space<vmem>>
        %dma_start3A_71 = tpu.memref_squeeze %dma_start3A_70 : memref<1x128x384xi32, #tpu.memory_space<vmem>> -> memref<128x384xi32, #tpu.memory_space<vmem>>
        %dma_start3A_72 = tpu.memref_slice %arg5[%mul3A_66] : memref<1024xi32, #tpu.memory_space<vmem>> -> memref<128xi32, #tpu.memory_space<vmem>>
        %dma_start3A_73 = arith.constant 0 : i32
        %dma_start3A_74 = arith.constant 0 : i32
        %dma_start3A_75 = tpu.memref_slice %arg2[%dma_start3A_73, %dma_start3A_74] : memref<32768x384xi32, #tpu.memory_space<hbm>> -> memref<32768x384xi32, #tpu.memory_space<hbm>>
        tpu.enqueue_indirect_dma source(%dma_start3A_75 : memref<32768x384xi32, #tpu.memory_space<hbm>>) target(%dma_start3A_71 : memref<128x384xi32, #tpu.memory_space<vmem>>) offsets(%dma_start3A_72 : memref<128xi32, #tpu.memory_space<vmem>>) semaphore(%arg7 : memref<!tpu.dma_semaphore, #tpu.memory_space<semaphore_mem>>)
      } else {
      }
      %dma_wait3A_49 = arith.constant 1 : i32
      %dma_wait3A_50 = arith.constant 0 : i32
      %dma_wait3A_51 = arith.constant 0 : i32
      %dma_wait3A_52 = tpu.memref_slice %arg6[%dma_wait3A_49, %dma_wait3A_50, %dma_wait3A_51] : memref<2x128x384xi32, #tpu.memory_space<vmem>> -> memref<1x128x384xi32, #tpu.memory_space<vmem>>
      %dma_wait3A_53 = tpu.memref_squeeze %dma_wait3A_52 : memref<1x128x384xi32, #tpu.memory_space<vmem>> -> memref<128x384xi32, #tpu.memory_space<vmem>>
      %dma_wait3A_54 = arith.constant 0 : i32
      %dma_wait3A_55 = tpu.memref_slice %arg5[%dma_wait3A_54] : memref<1024xi32, #tpu.memory_space<vmem>> -> memref<128xi32, #tpu.memory_space<vmem>>
      %dma_wait3A_56 = arith.constant 0 : i32
      %dma_wait3A_57 = arith.constant 0 : i32
      %dma_wait3A_58 = tpu.memref_slice %arg2[%dma_wait3A_56, %dma_wait3A_57] : memref<32768x384xi32, #tpu.memory_space<hbm>> -> memref<32768x384xi32, #tpu.memory_space<hbm>>
      tpu.wait_indirect_dma semaphore(%arg8 : memref<!tpu.dma_semaphore, #tpu.memory_space<semaphore_mem>>) src(%dma_wait3A_58 : memref<32768x384xi32, #tpu.memory_space<hbm>>) dst(%dma_wait3A_53 : memref<128x384xi32, #tpu.memory_space<vmem>>)
      %mul3A_59 = arith.constant 128 : i32
      %mul3A_60 = arith.muli %add3A_21, %mul3A_59 : i32
      %add3A_61 = arith.addi %mul3A_2, %mul3A_60 : i32
      %run_scoped3A_62 = arith.constant 1 : i32
      "tpu.region"() ({
        %run_scoped3A_63 = tpu.sem_alloc : memref<!tpu.dma_semaphore, #tpu.memory_space<semaphore_mem>>
        %dma_start3A_64 = arith.constant 0 : i32
        %dma_start3A_65 = arith.constant 0 : i32
        %dma_start3A_66 = tpu.memref_slice %arg6[%run_scoped3A_62, %dma_start3A_64, %dma_start3A_65] : memref<2x128x384xi32, #tpu.memory_space<vmem>> -> memref<1x128x384xi32, #tpu.memory_space<vmem>>
        %dma_start3A_67 = tpu.memref_squeeze %dma_start3A_66 : memref<1x128x384xi32, #tpu.memory_space<vmem>> -> memref<128x384xi32, #tpu.memory_space<vmem>>
        %dma_start3A_68 = arith.constant 0 : i32
        %dma_start3A_69 = tpu.memref_slice %arg4[%add3A_61, %dma_start3A_68] : memref<32768x384xi32, #tpu.memory_space<hbm>> -> memref<128x384xi32, #tpu.memory_space<hbm>>
        %dma_start3A_70 = arith.constant 0 : i32
        %dma_start3A_71 = tpu.memref_slice %arg4[%add3A_61, %dma_start3A_70] : memref<32768x384xi32, #tpu.memory_space<hbm>> -> memref<128x384xi32, #tpu.memory_space<hbm>>
        %dma_start3A_72 = arith.constant 0 : i32
        %dma_start3A_73 = arith.constant 0 : i32
        %dma_start3A_74 = tpu.memref_slice %arg6[%run_scoped3A_62, %dma_start3A_72, %dma_start3A_73] : memref<2x128x384xi32, #tpu.memory_space<vmem>> -> memref<1x128x384xi32, #tpu.memory_space<vmem>>
        %dma_start3A_75 = tpu.memref_squeeze %dma_start3A_74 : memref<1x128x384xi32, #tpu.memory_space<vmem>> -> memref<128x384xi32, #tpu.memory_space<vmem>>
        tpu.enqueue_dma source(%dma_start3A_75 : memref<128x384xi32, #tpu.memory_space<vmem>>) target(%dma_start3A_71 : memref<128x384xi32, #tpu.memory_space<hbm>>) target_semaphore(%run_scoped3A_63 : memref<!tpu.dma_semaphore, #tpu.memory_space<semaphore_mem>>)
        %dma_wait3A_76 = arith.constant 0 : i32
        %dma_wait3A_77 = arith.constant 0 : i32
        %dma_wait3A_78 = tpu.memref_slice %arg6[%run_scoped3A_62, %dma_wait3A_76, %dma_wait3A_77] : memref<2x128x384xi32, #tpu.memory_space<vmem>> -> memref<1x128x384xi32, #tpu.memory_space<vmem>>
        %dma_wait3A_79 = tpu.memref_squeeze %dma_wait3A_78 : memref<1x128x384xi32, #tpu.memory_space<vmem>> -> memref<128x384xi32, #tpu.memory_space<vmem>>
        %dma_wait3A_80 = arith.constant 0 : i32
        %dma_wait3A_81 = tpu.memref_slice %arg4[%add3A_61, %dma_wait3A_80] : memref<32768x384xi32, #tpu.memory_space<hbm>> -> memref<128x384xi32, #tpu.memory_space<hbm>>
        %dma_wait3A_82 = arith.constant 0 : i32
        %dma_wait3A_83 = tpu.memref_slice %arg4[%add3A_61, %dma_wait3A_82] : memref<32768x384xi32, #tpu.memory_space<hbm>> -> memref<128x384xi32, #tpu.memory_space<hbm>>
        %dma_wait3A_84 = arith.constant 0 : i32
        %dma_wait3A_85 = arith.constant 0 : i32
        %dma_wait3A_86 = tpu.memref_slice %arg6[%run_scoped3A_62, %dma_wait3A_84, %dma_wait3A_85] : memref<2x128x384xi32, #tpu.memory_space<vmem>> -> memref<1x128x384xi32, #tpu.memory_space<vmem>>
        %dma_wait3A_87 = tpu.memref_squeeze %dma_wait3A_86 : memref<1x128x384xi32, #tpu.memory_space<vmem>> -> memref<128x384xi32, #tpu.memory_space<vmem>>
        tpu.wait_dma2 semaphore(%run_scoped3A_63 : memref<!tpu.dma_semaphore, #tpu.memory_space<semaphore_mem>>) src(%dma_wait3A_87 : memref<128x384xi32, #tpu.memory_space<vmem>>) dst(%dma_wait3A_83 : memref<128x384xi32, #tpu.memory_space<hbm>>)
        tpu.yield
      }) : () -> ()
    }
    %scan3A_16 = arith.constant 4 : i32
    return
  }
}

#map = affine_map<(d0, d1) -> (0, 0)>
#map1 = affine_map<(d0, d1) -> (0)>
module attributes {stable_mosaic.version = 14 : i64} {
  func.func @_sc_gather(%arg0: i32, %arg1: i32, %arg2: memref<32768x384xi32, #tpu.memory_space<hbm>>, %arg3: memref<32768xi32, #tpu.memory_space<hbm>>, %arg4: memref<32768x384xi32, #tpu.memory_space<hbm>>, %arg5: memref<1024xi32, #tpu.memory_space<vmem>>, %arg6: memref<2x128x384xi32, #tpu.memory_space<vmem>>, %arg7: memref<!tpu.dma_semaphore, #tpu.memory_space<semaphore_mem>>, %arg8: memref<!tpu.dma_semaphore, #tpu.memory_space<semaphore_mem>>) attributes {dimension_semantics = [#tpu.dimension_semantics<core_parallel>, #tpu.dimension_semantics<subcore_parallel>], iteration_bounds = array<i64: 2, 16>, scalar_prefetch = 0 : i64, scratch_operands = 4 : i64, tpu.core_type = #tpu.core_type<sc_vector_subcore>, window_params = [{transform_indices = #map}, {transform_indices = #map1}, {transform_indices = #map}]} {
    %mul3A = arith.constant 2 : i32
    %mul3A_0 = arith.muli %arg1, %mul3A : i32
    %add3A = arith.addi %mul3A_0, %arg0 : i32
    %mul3A_1 = arith.constant 1024 : i32
    %mul3A_2 = arith.muli %add3A, %mul3A_1 : i32
    "tpu.region"() ({
      %run_scoped3A = tpu.sem_alloc : memref<!tpu.dma_semaphore, #tpu.memory_space<semaphore_mem>>
      %dma_start3A_17 = tpu.memref_slice %arg3[%mul3A_2] : memref<32768xi32, #tpu.memory_space<hbm>> -> memref<1024xi32, #tpu.memory_space<hbm>>
      %dma_start3A_18 = tpu.memref_slice %arg3[%mul3A_2] : memref<32768xi32, #tpu.memory_space<hbm>> -> memref<1024xi32, #tpu.memory_space<hbm>>
      tpu.enqueue_dma source(%dma_start3A_18 : memref<1024xi32, #tpu.memory_space<hbm>>) target(%arg5 : memref<1024xi32, #tpu.memory_space<vmem>>) target_semaphore(%run_scoped3A : memref<!tpu.dma_semaphore, #tpu.memory_space<semaphore_mem>>)
      %dma_wait3A = tpu.memref_slice %arg3[%mul3A_2] : memref<32768xi32, #tpu.memory_space<hbm>> -> memref<1024xi32, #tpu.memory_space<hbm>>
      %dma_wait3A_19 = tpu.memref_slice %arg3[%mul3A_2] : memref<32768xi32, #tpu.memory_space<hbm>> -> memref<1024xi32, #tpu.memory_space<hbm>>
      tpu.wait_dma2 semaphore(%run_scoped3A : memref<!tpu.dma_semaphore, #tpu.memory_space<semaphore_mem>>) src(%dma_wait3A_19 : memref<1024xi32, #tpu.memory_space<hbm>>) dst(%arg5 : memref<1024xi32, #tpu.memory_space<vmem>>)
      tpu.yield
    }) : () -> ()
    %dma_start3A = arith.constant 0 : i32
    %dma_start3A_3 = arith.constant 0 : i32
    %dma_start3A_4 = arith.constant 0 : i32
    %dma_start3A_5 = tpu.memref_slice %arg6[%dma_start3A, %dma_start3A_3, %dma_start3A_4] : memref<2x128x384xi32, #tpu.memory_space<vmem>> -> memref<1x128x384xi32, #tpu.memory_space<vmem>>
    %dma_start3A_6 = tpu.memref_squeeze %dma_start3A_5 : memref<1x128x384xi32, #tpu.memory_space<vmem>> -> memref<128x384xi32, #tpu.memory_space<vmem>>
    %dma_start3A_7 = arith.constant 0 : i32
    %dma_start3A_8 = tpu.memref_slice %arg5[%dma_start3A_7] : memref<1024xi32, #tpu.memory_space<vmem>> -> memref<128xi32, #tpu.memory_space<vmem>>
    %dma_start3A_9 = arith.constant 0 : i32
    %dma_start3A_10 = arith.constant 0 : i32
    %dma_start3A_11 = tpu.memref_slice %arg2[%dma_start3A_9, %dma_start3A_10] : memref<32768x384xi32, #tpu.memory_space<hbm>> -> memref<32768x384xi32, #tpu.memory_space<hbm>>
    tpu.enqueue_indirect_dma source(%dma_start3A_11 : memref<32768x384xi32, #tpu.memory_space<hbm>>) target(%dma_start3A_6 : memref<128x384xi32, #tpu.memory_space<vmem>>) offsets(%dma_start3A_8 : memref<128xi32, #tpu.memory_space<vmem>>) semaphore(%arg7 : memref<!tpu.dma_semaphore, #tpu.memory_space<semaphore_mem>>)
    %scan3A = arith.constant 0 : i32
    %scan3A_12 = arith.constant 0 : i32
    %scan3A_13 = arith.constant 4 : i32
    %scan3A_14 = arith.addi %scan3A_12, %scan3A_13 : i32
    %scan3A_15 = arith.constant 1 : i32
    scf.for %scan3A_17 = %scan3A_12 to %scan3A_14 step %scan3A_15  : i32 {
      %mul3A_18 = arith.constant 2 : i32
      %mul3A_19 = arith.muli %mul3A_18, %scan3A_17 : i32
      %add3A_20 = arith.constant 1 : i32
      %add3A_21 = arith.addi %mul3A_19, %add3A_20 : i32
      %mul3A_22 = arith.constant 128 : i32
      %mul3A_23 = arith.muli %add3A_21, %mul3A_22 : i32
      %dma_start3A_24 = arith.constant 1 : i32
      %dma_start3A_25 = arith.constant 0 : i32
      %dma_start3A_26 = arith.constant 0 : i32
      %dma_start3A_27 = tpu.memref_slice %arg6[%dma_start3A_24, %dma_start3A_25, %dma_start3A_26] : memref<2x128x384xi32, #tpu.memory_space<vmem>> -> memref<1x128x384xi32, #tpu.memory_space<vmem>>
      %dma_start3A_28 = tpu.memref_squeeze %dma_start3A_27 : memref<1x128x384xi32, #tpu.memory_space<vmem>> -> memref<128x384xi32, #tpu.memory_space<vmem>>
      %dma_start3A_29 = tpu.memref_slice %arg5[%mul3A_23] : memref<1024xi32, #tpu.memory_space<vmem>> -> memref<128xi32, #tpu.memory_space<vmem>>
      %dma_start3A_30 = arith.constant 0 : i32
      %dma_start3A_31 = arith.constant 0 : i32
      %dma_start3A_32 = tpu.memref_slice %arg2[%dma_start3A_30, %dma_start3A_31] : memref<32768x384xi32, #tpu.memory_space<hbm>> -> memref<32768x384xi32, #tpu.memory_space<hbm>>
      tpu.enqueue_indirect_dma source(%dma_start3A_32 : memref<32768x384xi32, #tpu.memory_space<hbm>>) target(%dma_start3A_28 : memref<128x384xi32, #tpu.memory_space<vmem>>) offsets(%dma_start3A_29 : memref<128xi32, #tpu.memory_space<vmem>>) semaphore(%arg8 : memref<!tpu.dma_semaphore, #tpu.memory_space<semaphore_mem>>)
      %dma_wait3A = arith.constant 0 : i32
      %dma_wait3A_33 = arith.constant 0 : i32
      %dma_wait3A_34 = arith.constant 0 : i32
      %dma_wait3A_35 = tpu.memref_slice %arg6[%dma_wait3A, %dma_wait3A_33, %dma_wait3A_34] : memref<2x128x384xi32, #tpu.memory_space<vmem>> -> memref<1x128x384xi32, #tpu.memory_space<vmem>>
      %dma_wait3A_36 = tpu.memref_squeeze %dma_wait3A_35 : memref<1x128x384xi32, #tpu.memory_space<vmem>> -> memref<128x384xi32, #tpu.memory_space<vmem>>
      %dma_wait3A_37 = arith.constant 0 : i32
      %dma_wait3A_38 = tpu.memref_slice %arg5[%dma_wait3A_37] : memref<1024xi32, #tpu.memory_space<vmem>> -> memref<128xi32, #tpu.memory_space<vmem>>
      %dma_wait3A_39 = arith.constant 0 : i32
      %dma_wait3A_40 = arith.constant 0 : i32
      %dma_wait3A_41 = tpu.memref_slice %arg2[%dma_wait3A_39, %dma_wait3A_40] : memref<32768x384xi32, #tpu.memory_space<hbm>> -> memref<32768x384xi32, #tpu.memory_space<hbm>>
      tpu.wait_indirect_dma semaphore(%arg7 : memref<!tpu.dma_semaphore, #tpu.memory_space<semaphore_mem>>) src(%dma_wait3A_41 : memref<32768x384xi32, #tpu.memory_space<hbm>>) dst(%dma_wait3A_36 : memref<128x384xi32, #tpu.memory_space<vmem>>)
      %mul3A_42 = arith.constant 128 : i32
      %mul3A_43 = arith.muli %mul3A_19, %mul3A_42 : i32
      %add3A_44 = arith.addi %mul3A_2, %mul3A_43 : i32
      %run_scoped3A = arith.constant 0 : i32
      "tpu.region"() ({
        %run_scoped3A_63 = tpu.sem_alloc : memref<!tpu.dma_semaphore, #tpu.memory_space<semaphore_mem>>
        %dma_start3A_64 = arith.constant 0 : i32
        %dma_start3A_65 = arith.constant 0 : i32
        %dma_start3A_66 = tpu.memref_slice %arg6[%run_scoped3A, %dma_start3A_64, %dma_start3A_65] : memref<2x128x384xi32, #tpu.memory_space<vmem>> -> memref<1x128x384xi32, #tpu.memory_space<vmem>>
        %dma_start3A_67 = tpu.memref_squeeze %dma_start3A_66 : memref<1x128x384xi32, #tpu.memory_space<vmem>> -> memref<128x384xi32, #tpu.memory_space<vmem>>
        %dma_start3A_68 = arith.constant 0 : i32
        %dma_start3A_69 = tpu.memref_slice %arg4[%add3A_44, %dma_start3A_68] : memref<32768x384xi32, #tpu.memory_space<hbm>> -> memref<128x384xi32, #tpu.memory_space<hbm>>
        %dma_start3A_70 = arith.constant 0 : i32
        %dma_start3A_71 = tpu.memref_slice %arg4[%add3A_44, %dma_start3A_70] : memref<32768x384xi32, #tpu.memory_space<hbm>> -> memref<128x384xi32, #tpu.memory_space<hbm>>
        %dma_start3A_72 = arith.constant 0 : i32
        %dma_start3A_73 = arith.constant 0 : i32
        %dma_start3A_74 = tpu.memref_slice %arg6[%run_scoped3A, %dma_start3A_72, %dma_start3A_73] : memref<2x128x384xi32, #tpu.memory_space<vmem>> -> memref<1x128x384xi32, #tpu.memory_space<vmem>>
        %dma_start3A_75 = tpu.memref_squeeze %dma_start3A_74 : memref<1x128x384xi32, #tpu.memory_space<vmem>> -> memref<128x384xi32, #tpu.memory_space<vmem>>
        tpu.enqueue_dma source(%dma_start3A_75 : memref<128x384xi32, #tpu.memory_space<vmem>>) target(%dma_start3A_71 : memref<128x384xi32, #tpu.memory_space<hbm>>) target_semaphore(%run_scoped3A_63 : memref<!tpu.dma_semaphore, #tpu.memory_space<semaphore_mem>>)
        %dma_wait3A_76 = arith.constant 0 : i32
        %dma_wait3A_77 = arith.constant 0 : i32
        %dma_wait3A_78 = tpu.memref_slice %arg6[%run_scoped3A, %dma_wait3A_76, %dma_wait3A_77] : memref<2x128x384xi32, #tpu.memory_space<vmem>> -> memref<1x128x384xi32, #tpu.memory_space<vmem>>
        %dma_wait3A_79 = tpu.memref_squeeze %dma_wait3A_78 : memref<1x128x384xi32, #tpu.memory_space<vmem>> -> memref<128x384xi32, #tpu.memory_space<vmem>>
        %dma_wait3A_80 = arith.constant 0 : i32
        %dma_wait3A_81 = tpu.memref_slice %arg4[%add3A_44, %dma_wait3A_80] : memref<32768x384xi32, #tpu.memory_space<hbm>> -> memref<128x384xi32, #tpu.memory_space<hbm>>
        %dma_wait3A_82 = arith.constant 0 : i32
        %dma_wait3A_83 = tpu.memref_slice %arg4[%add3A_44, %dma_wait3A_82] : memref<32768x384xi32, #tpu.memory_space<hbm>> -> memref<128x384xi32, #tpu.memory_space<hbm>>
        %dma_wait3A_84 = arith.constant 0 : i32
        %dma_wait3A_85 = arith.constant 0 : i32
        %dma_wait3A_86 = tpu.memref_slice %arg6[%run_scoped3A, %dma_wait3A_84, %dma_wait3A_85] : memref<2x128x384xi32, #tpu.memory_space<vmem>> -> memref<1x128x384xi32, #tpu.memory_space<vmem>>
        %dma_wait3A_87 = tpu.memref_squeeze %dma_wait3A_86 : memref<1x128x384xi32, #tpu.memory_space<vmem>> -> memref<128x384xi32, #tpu.memory_space<vmem>>
        tpu.wait_dma2 semaphore(%run_scoped3A_63 : memref<!tpu.dma_semaphore, #tpu.memory_space<semaphore_mem>>) src(%dma_wait3A_87 : memref<128x384xi32, #tpu.memory_space<vmem>>) dst(%dma_wait3A_83 : memref<128x384xi32, #tpu.memory_space<hbm>>)
        tpu.yield
      }) : () -> ()
      %add3A_45 = arith.constant 1 : i32
      %add3A_46 = arith.addi %add3A_21, %add3A_45 : i32
      %lt3A = arith.constant 8 : i32
      %lt3A_47 = arith.cmpi slt, %add3A_46, %lt3A : i32
      %convert_element_type3A = arith.extui %lt3A_47 : i1 to i32
      %cond3A = arith.constant 0 : i32
      %cond3A_48 = arith.cmpi ne, %convert_element_type3A, %cond3A : i32
      scf.if %cond3A_48 {
        %add3A_63 = arith.constant 1 : i32
        %add3A_64 = arith.addi %add3A_21, %add3A_63 : i32
        %mul3A_65 = arith.constant 128 : i32
        %mul3A_66 = arith.muli %add3A_64, %mul3A_65 : i32
        %dma_start3A_67 = arith.constant 0 : i32
        %dma_start3A_68 = arith.constant 0 : i32
        %dma_start3A_69 = arith.constant 0 : i32
        %dma_start3A_70 = tpu.memref_slice %arg6[%dma_start3A_67, %dma_start3A_68, %dma_start3A_69] : memref<2x128x384xi32, #tpu.memory_space<vmem>> -> memref<1x128x384xi32, #tpu.memory_space<vmem>>
        %dma_start3A_71 = tpu.memref_squeeze %dma_start3A_70 : memref<1x128x384xi32, #tpu.memory_space<vmem>> -> memref<128x384xi32, #tpu.memory_space<vmem>>
        %dma_start3A_72 = tpu.memref_slice %arg5[%mul3A_66] : memref<1024xi32, #tpu.memory_space<vmem>> -> memref<128xi32, #tpu.memory_space<vmem>>
        %dma_start3A_73 = arith.constant 0 : i32
        %dma_start3A_74 = arith.constant 0 : i32
        %dma_start3A_75 = tpu.memref_slice %arg2[%dma_start3A_73, %dma_start3A_74] : memref<32768x384xi32, #tpu.memory_space<hbm>> -> memref<32768x384xi32, #tpu.memory_space<hbm>>
        tpu.enqueue_indirect_dma source(%dma_start3A_75 : memref<32768x384xi32, #tpu.memory_space<hbm>>) target(%dma_start3A_71 : memref<128x384xi32, #tpu.memory_space<vmem>>) offsets(%dma_start3A_72 : memref<128xi32, #tpu.memory_space<vmem>>) semaphore(%arg7 : memref<!tpu.dma_semaphore, #tpu.memory_space<semaphore_mem>>)
      } else {
      }
      %dma_wait3A_49 = arith.constant 1 : i32
      %dma_wait3A_50 = arith.constant 0 : i32
      %dma_wait3A_51 = arith.constant 0 : i32
      %dma_wait3A_52 = tpu.memref_slice %arg6[%dma_wait3A_49, %dma_wait3A_50, %dma_wait3A_51] : memref<2x128x384xi32, #tpu.memory_space<vmem>> -> memref<1x128x384xi32, #tpu.memory_space<vmem>>
      %dma_wait3A_53 = tpu.memref_squeeze %dma_wait3A_52 : memref<1x128x384xi32, #tpu.memory_space<vmem>> -> memref<128x384xi32, #tpu.memory_space<vmem>>
      %dma_wait3A_54 = arith.constant 0 : i32
      %dma_wait3A_55 = tpu.memref_slice %arg5[%dma_wait3A_54] : memref<1024xi32, #tpu.memory_space<vmem>> -> memref<128xi32, #tpu.memory_space<vmem>>
      %dma_wait3A_56 = arith.constant 0 : i32
      %dma_wait3A_57 = arith.constant 0 : i32
      %dma_wait3A_58 = tpu.memref_slice %arg2[%dma_wait3A_56, %dma_wait3A_57] : memref<32768x384xi32, #tpu.memory_space<hbm>> -> memref<32768x384xi32, #tpu.memory_space<hbm>>
      tpu.wait_indirect_dma semaphore(%arg8 : memref<!tpu.dma_semaphore, #tpu.memory_space<semaphore_mem>>) src(%dma_wait3A_58 : memref<32768x384xi32, #tpu.memory_space<hbm>>) dst(%dma_wait3A_53 : memref<128x384xi32, #tpu.memory_space<vmem>>)
      %mul3A_59 = arith.constant 128 : i32
      %mul3A_60 = arith.muli %add3A_21, %mul3A_59 : i32
      %add3A_61 = arith.addi %mul3A_2, %mul3A_60 : i32
      %run_scoped3A_62 = arith.constant 1 : i32
      "tpu.region"() ({
        %run_scoped3A_63 = tpu.sem_alloc : memref<!tpu.dma_semaphore, #tpu.memory_space<semaphore_mem>>
        %dma_start3A_64 = arith.constant 0 : i32
        %dma_start3A_65 = arith.constant 0 : i32
        %dma_start3A_66 = tpu.memref_slice %arg6[%run_scoped3A_62, %dma_start3A_64, %dma_start3A_65] : memref<2x128x384xi32, #tpu.memory_space<vmem>> -> memref<1x128x384xi32, #tpu.memory_space<vmem>>
        %dma_start3A_67 = tpu.memref_squeeze %dma_start3A_66 : memref<1x128x384xi32, #tpu.memory_space<vmem>> -> memref<128x384xi32, #tpu.memory_space<vmem>>
        %dma_start3A_68 = arith.constant 0 : i32
        %dma_start3A_69 = tpu.memref_slice %arg4[%add3A_61, %dma_start3A_68] : memref<32768x384xi32, #tpu.memory_space<hbm>> -> memref<128x384xi32, #tpu.memory_space<hbm>>
        %dma_start3A_70 = arith.constant 0 : i32
        %dma_start3A_71 = tpu.memref_slice %arg4[%add3A_61, %dma_start3A_70] : memref<32768x384xi32, #tpu.memory_space<hbm>> -> memref<128x384xi32, #tpu.memory_space<hbm>>
        %dma_start3A_72 = arith.constant 0 : i32
        %dma_start3A_73 = arith.constant 0 : i32
        %dma_start3A_74 = tpu.memref_slice %arg6[%run_scoped3A_62, %dma_start3A_72, %dma_start3A_73] : memref<2x128x384xi32, #tpu.memory_space<vmem>> -> memref<1x128x384xi32, #tpu.memory_space<vmem>>
        %dma_start3A_75 = tpu.memref_squeeze %dma_start3A_74 : memref<1x128x384xi32, #tpu.memory_space<vmem>> -> memref<128x384xi32, #tpu.memory_space<vmem>>
        tpu.enqueue_dma source(%dma_start3A_75 : memref<128x384xi32, #tpu.memory_space<vmem>>) target(%dma_start3A_71 : memref<128x384xi32, #tpu.memory_space<hbm>>) target_semaphore(%run_scoped3A_63 : memref<!tpu.dma_semaphore, #tpu.memory_space<semaphore_mem>>)
        %dma_wait3A_76 = arith.constant 0 : i32
        %dma_wait3A_77 = arith.constant 0 : i32
        %dma_wait3A_78 = tpu.memref_slice %arg6[%run_scoped3A_62, %dma_wait3A_76, %dma_wait3A_77] : memref<2x128x384xi32, #tpu.memory_space<vmem>> -> memref<1x128x384xi32, #tpu.memory_space<vmem>>
        %dma_wait3A_79 = tpu.memref_squeeze %dma_wait3A_78 : memref<1x128x384xi32, #tpu.memory_space<vmem>> -> memref<128x384xi32, #tpu.memory_space<vmem>>
        %dma_wait3A_80 = arith.constant 0 : i32
        %dma_wait3A_81 = tpu.memref_slice %arg4[%add3A_61, %dma_wait3A_80] : memref<32768x384xi32, #tpu.memory_space<hbm>> -> memref<128x384xi32, #tpu.memory_space<hbm>>
        %dma_wait3A_82 = arith.constant 0 : i32
        %dma_wait3A_83 = tpu.memref_slice %arg4[%add3A_61, %dma_wait3A_82] : memref<32768x384xi32, #tpu.memory_space<hbm>> -> memref<128x384xi32, #tpu.memory_space<hbm>>
        %dma_wait3A_84 = arith.constant 0 : i32
        %dma_wait3A_85 = arith.constant 0 : i32
        %dma_wait3A_86 = tpu.memref_slice %arg6[%run_scoped3A_62, %dma_wait3A_84, %dma_wait3A_85] : memref<2x128x384xi32, #tpu.memory_space<vmem>> -> memref<1x128x384xi32, #tpu.memory_space<vmem>>
        %dma_wait3A_87 = tpu.memref_squeeze %dma_wait3A_86 : memref<1x128x384xi32, #tpu.memory_space<vmem>> -> memref<128x384xi32, #tpu.memory_space<vmem>>
        tpu.wait_dma2 semaphore(%run_scoped3A_63 : memref<!tpu.dma_semaphore, #tpu.memory_space<semaphore_mem>>) src(%dma_wait3A_87 : memref<128x384xi32, #tpu.memory_space<vmem>>) dst(%dma_wait3A_83 : memref<128x384xi32, #tpu.memory_space<hbm>>)
        tpu.yield
      }) : () -> ()
    }
    %scan3A_16 = arith.constant 4 : i32
    return
  }
}

#map = affine_map<(d0, d1) -> (0, 0)>
#map1 = affine_map<(d0, d1) -> (0)>
module attributes {stable_mosaic.version = 14 : i64} {
  func.func @_sc_gather(%arg0: i32, %arg1: i32, %arg2: memref<32768x384xi32, #tpu.memory_space<hbm>>, %arg3: memref<32768xi32, #tpu.memory_space<hbm>>, %arg4: memref<32768x384xi32, #tpu.memory_space<hbm>>, %arg5: memref<1024xi32, #tpu.memory_space<vmem>>, %arg6: memref<2x128x384xi32, #tpu.memory_space<vmem>>, %arg7: memref<!tpu.dma_semaphore, #tpu.memory_space<semaphore_mem>>, %arg8: memref<!tpu.dma_semaphore, #tpu.memory_space<semaphore_mem>>) attributes {dimension_semantics = [#tpu.dimension_semantics<core_parallel>, #tpu.dimension_semantics<subcore_parallel>], iteration_bounds = array<i64: 2, 16>, scalar_prefetch = 0 : i64, scratch_operands = 4 : i64, tpu.core_type = #tpu.core_type<sc_vector_subcore>, window_params = [{transform_indices = #map}, {transform_indices = #map1}, {transform_indices = #map}]} {
    %mul3A = arith.constant 2 : i32
    %mul3A_0 = arith.muli %arg1, %mul3A : i32
    %add3A = arith.addi %mul3A_0, %arg0 : i32
    %mul3A_1 = arith.constant 1024 : i32
    %mul3A_2 = arith.muli %add3A, %mul3A_1 : i32
    "tpu.region"() ({
      %run_scoped3A = tpu.sem_alloc : memref<!tpu.dma_semaphore, #tpu.memory_space<semaphore_mem>>
      %dma_start3A_17 = tpu.memref_slice %arg3[%mul3A_2] : memref<32768xi32, #tpu.memory_space<hbm>> -> memref<1024xi32, #tpu.memory_space<hbm>>
      %dma_start3A_18 = tpu.memref_slice %arg3[%mul3A_2] : memref<32768xi32, #tpu.memory_space<hbm>> -> memref<1024xi32, #tpu.memory_space<hbm>>
      tpu.enqueue_dma source(%dma_start3A_18 : memref<1024xi32, #tpu.memory_space<hbm>>) target(%arg5 : memref<1024xi32, #tpu.memory_space<vmem>>) target_semaphore(%run_scoped3A : memref<!tpu.dma_semaphore, #tpu.memory_space<semaphore_mem>>)
      %dma_wait3A = tpu.memref_slice %arg3[%mul3A_2] : memref<32768xi32, #tpu.memory_space<hbm>> -> memref<1024xi32, #tpu.memory_space<hbm>>
      %dma_wait3A_19 = tpu.memref_slice %arg3[%mul3A_2] : memref<32768xi32, #tpu.memory_space<hbm>> -> memref<1024xi32, #tpu.memory_space<hbm>>
      tpu.wait_dma2 semaphore(%run_scoped3A : memref<!tpu.dma_semaphore, #tpu.memory_space<semaphore_mem>>) src(%dma_wait3A_19 : memref<1024xi32, #tpu.memory_space<hbm>>) dst(%arg5 : memref<1024xi32, #tpu.memory_space<vmem>>)
      tpu.yield
    }) : () -> ()
    %dma_start3A = arith.constant 0 : i32
    %dma_start3A_3 = arith.constant 0 : i32
    %dma_start3A_4 = arith.constant 0 : i32
    %dma_start3A_5 = tpu.memref_slice %arg6[%dma_start3A, %dma_start3A_3, %dma_start3A_4] : memref<2x128x384xi32, #tpu.memory_space<vmem>> -> memref<1x128x384xi32, #tpu.memory_space<vmem>>
    %dma_start3A_6 = tpu.memref_squeeze %dma_start3A_5 : memref<1x128x384xi32, #tpu.memory_space<vmem>> -> memref<128x384xi32, #tpu.memory_space<vmem>>
    %dma_start3A_7 = arith.constant 0 : i32
    %dma_start3A_8 = tpu.memref_slice %arg5[%dma_start3A_7] : memref<1024xi32, #tpu.memory_space<vmem>> -> memref<128xi32, #tpu.memory_space<vmem>>
    %dma_start3A_9 = arith.constant 0 : i32
    %dma_start3A_10 = arith.constant 0 : i32
    %dma_start3A_11 = tpu.memref_slice %arg2[%dma_start3A_9, %dma_start3A_10] : memref<32768x384xi32, #tpu.memory_space<hbm>> -> memref<32768x384xi32, #tpu.memory_space<hbm>>
    tpu.enqueue_indirect_dma source(%dma_start3A_11 : memref<32768x384xi32, #tpu.memory_space<hbm>>) target(%dma_start3A_6 : memref<128x384xi32, #tpu.memory_space<vmem>>) offsets(%dma_start3A_8 : memref<128xi32, #tpu.memory_space<vmem>>) semaphore(%arg7 : memref<!tpu.dma_semaphore, #tpu.memory_space<semaphore_mem>>)
    %scan3A = arith.constant 0 : i32
    %scan3A_12 = arith.constant 0 : i32
    %scan3A_13 = arith.constant 4 : i32
    %scan3A_14 = arith.addi %scan3A_12, %scan3A_13 : i32
    %scan3A_15 = arith.constant 1 : i32
    scf.for %scan3A_17 = %scan3A_12 to %scan3A_14 step %scan3A_15  : i32 {
      %mul3A_18 = arith.constant 2 : i32
      %mul3A_19 = arith.muli %mul3A_18, %scan3A_17 : i32
      %add3A_20 = arith.constant 1 : i32
      %add3A_21 = arith.addi %mul3A_19, %add3A_20 : i32
      %mul3A_22 = arith.constant 128 : i32
      %mul3A_23 = arith.muli %add3A_21, %mul3A_22 : i32
      %dma_start3A_24 = arith.constant 1 : i32
      %dma_start3A_25 = arith.constant 0 : i32
      %dma_start3A_26 = arith.constant 0 : i32
      %dma_start3A_27 = tpu.memref_slice %arg6[%dma_start3A_24, %dma_start3A_25, %dma_start3A_26] : memref<2x128x384xi32, #tpu.memory_space<vmem>> -> memref<1x128x384xi32, #tpu.memory_space<vmem>>
      %dma_start3A_28 = tpu.memref_squeeze %dma_start3A_27 : memref<1x128x384xi32, #tpu.memory_space<vmem>> -> memref<128x384xi32, #tpu.memory_space<vmem>>
      %dma_start3A_29 = tpu.memref_slice %arg5[%mul3A_23] : memref<1024xi32, #tpu.memory_space<vmem>> -> memref<128xi32, #tpu.memory_space<vmem>>
      %dma_start3A_30 = arith.constant 0 : i32
      %dma_start3A_31 = arith.constant 0 : i32
      %dma_start3A_32 = tpu.memref_slice %arg2[%dma_start3A_30, %dma_start3A_31] : memref<32768x384xi32, #tpu.memory_space<hbm>> -> memref<32768x384xi32, #tpu.memory_space<hbm>>
      tpu.enqueue_indirect_dma source(%dma_start3A_32 : memref<32768x384xi32, #tpu.memory_space<hbm>>) target(%dma_start3A_28 : memref<128x384xi32, #tpu.memory_space<vmem>>) offsets(%dma_start3A_29 : memref<128xi32, #tpu.memory_space<vmem>>) semaphore(%arg8 : memref<!tpu.dma_semaphore, #tpu.memory_space<semaphore_mem>>)
      %dma_wait3A = arith.constant 0 : i32
      %dma_wait3A_33 = arith.constant 0 : i32
      %dma_wait3A_34 = arith.constant 0 : i32
      %dma_wait3A_35 = tpu.memref_slice %arg6[%dma_wait3A, %dma_wait3A_33, %dma_wait3A_34] : memref<2x128x384xi32, #tpu.memory_space<vmem>> -> memref<1x128x384xi32, #tpu.memory_space<vmem>>
      %dma_wait3A_36 = tpu.memref_squeeze %dma_wait3A_35 : memref<1x128x384xi32, #tpu.memory_space<vmem>> -> memref<128x384xi32, #tpu.memory_space<vmem>>
      %dma_wait3A_37 = arith.constant 0 : i32
      %dma_wait3A_38 = tpu.memref_slice %arg5[%dma_wait3A_37] : memref<1024xi32, #tpu.memory_space<vmem>> -> memref<128xi32, #tpu.memory_space<vmem>>
      %dma_wait3A_39 = arith.constant 0 : i32
      %dma_wait3A_40 = arith.constant 0 : i32
      %dma_wait3A_41 = tpu.memref_slice %arg2[%dma_wait3A_39, %dma_wait3A_40] : memref<32768x384xi32, #tpu.memory_space<hbm>> -> memref<32768x384xi32, #tpu.memory_space<hbm>>
      tpu.wait_indirect_dma semaphore(%arg7 : memref<!tpu.dma_semaphore, #tpu.memory_space<semaphore_mem>>) src(%dma_wait3A_41 : memref<32768x384xi32, #tpu.memory_space<hbm>>) dst(%dma_wait3A_36 : memref<128x384xi32, #tpu.memory_space<vmem>>)
      %mul3A_42 = arith.constant 128 : i32
      %mul3A_43 = arith.muli %mul3A_19, %mul3A_42 : i32
      %add3A_44 = arith.addi %mul3A_2, %mul3A_43 : i32
      %run_scoped3A = arith.constant 0 : i32
      "tpu.region"() ({
        %run_scoped3A_63 = tpu.sem_alloc : memref<!tpu.dma_semaphore, #tpu.memory_space<semaphore_mem>>
        %dma_start3A_64 = arith.constant 0 : i32
        %dma_start3A_65 = arith.constant 0 : i32
        %dma_start3A_66 = tpu.memref_slice %arg6[%run_scoped3A, %dma_start3A_64, %dma_start3A_65] : memref<2x128x384xi32, #tpu.memory_space<vmem>> -> memref<1x128x384xi32, #tpu.memory_space<vmem>>
        %dma_start3A_67 = tpu.memref_squeeze %dma_start3A_66 : memref<1x128x384xi32, #tpu.memory_space<vmem>> -> memref<128x384xi32, #tpu.memory_space<vmem>>
        %dma_start3A_68 = arith.constant 0 : i32
        %dma_start3A_69 = tpu.memref_slice %arg4[%add3A_44, %dma_start3A_68] : memref<32768x384xi32, #tpu.memory_space<hbm>> -> memref<128x384xi32, #tpu.memory_space<hbm>>
        %dma_start3A_70 = arith.constant 0 : i32
        %dma_start3A_71 = tpu.memref_slice %arg4[%add3A_44, %dma_start3A_70] : memref<32768x384xi32, #tpu.memory_space<hbm>> -> memref<128x384xi32, #tpu.memory_space<hbm>>
        %dma_start3A_72 = arith.constant 0 : i32
        %dma_start3A_73 = arith.constant 0 : i32
        %dma_start3A_74 = tpu.memref_slice %arg6[%run_scoped3A, %dma_start3A_72, %dma_start3A_73] : memref<2x128x384xi32, #tpu.memory_space<vmem>> -> memref<1x128x384xi32, #tpu.memory_space<vmem>>
        %dma_start3A_75 = tpu.memref_squeeze %dma_start3A_74 : memref<1x128x384xi32, #tpu.memory_space<vmem>> -> memref<128x384xi32, #tpu.memory_space<vmem>>
        tpu.enqueue_dma source(%dma_start3A_75 : memref<128x384xi32, #tpu.memory_space<vmem>>) target(%dma_start3A_71 : memref<128x384xi32, #tpu.memory_space<hbm>>) target_semaphore(%run_scoped3A_63 : memref<!tpu.dma_semaphore, #tpu.memory_space<semaphore_mem>>)
        %dma_wait3A_76 = arith.constant 0 : i32
        %dma_wait3A_77 = arith.constant 0 : i32
        %dma_wait3A_78 = tpu.memref_slice %arg6[%run_scoped3A, %dma_wait3A_76, %dma_wait3A_77] : memref<2x128x384xi32, #tpu.memory_space<vmem>> -> memref<1x128x384xi32, #tpu.memory_space<vmem>>
        %dma_wait3A_79 = tpu.memref_squeeze %dma_wait3A_78 : memref<1x128x384xi32, #tpu.memory_space<vmem>> -> memref<128x384xi32, #tpu.memory_space<vmem>>
        %dma_wait3A_80 = arith.constant 0 : i32
        %dma_wait3A_81 = tpu.memref_slice %arg4[%add3A_44, %dma_wait3A_80] : memref<32768x384xi32, #tpu.memory_space<hbm>> -> memref<128x384xi32, #tpu.memory_space<hbm>>
        %dma_wait3A_82 = arith.constant 0 : i32
        %dma_wait3A_83 = tpu.memref_slice %arg4[%add3A_44, %dma_wait3A_82] : memref<32768x384xi32, #tpu.memory_space<hbm>> -> memref<128x384xi32, #tpu.memory_space<hbm>>
        %dma_wait3A_84 = arith.constant 0 : i32
        %dma_wait3A_85 = arith.constant 0 : i32
        %dma_wait3A_86 = tpu.memref_slice %arg6[%run_scoped3A, %dma_wait3A_84, %dma_wait3A_85] : memref<2x128x384xi32, #tpu.memory_space<vmem>> -> memref<1x128x384xi32, #tpu.memory_space<vmem>>
        %dma_wait3A_87 = tpu.memref_squeeze %dma_wait3A_86 : memref<1x128x384xi32, #tpu.memory_space<vmem>> -> memref<128x384xi32, #tpu.memory_space<vmem>>
        tpu.wait_dma2 semaphore(%run_scoped3A_63 : memref<!tpu.dma_semaphore, #tpu.memory_space<semaphore_mem>>) src(%dma_wait3A_87 : memref<128x384xi32, #tpu.memory_space<vmem>>) dst(%dma_wait3A_83 : memref<128x384xi32, #tpu.memory_space<hbm>>)
        tpu.yield
      }) : () -> ()
      %add3A_45 = arith.constant 1 : i32
      %add3A_46 = arith.addi %add3A_21, %add3A_45 : i32
      %lt3A = arith.constant 8 : i32
      %lt3A_47 = arith.cmpi slt, %add3A_46, %lt3A : i32
      %convert_element_type3A = arith.extui %lt3A_47 : i1 to i32
      %cond3A = arith.constant 0 : i32
      %cond3A_48 = arith.cmpi ne, %convert_element_type3A, %cond3A : i32
      scf.if %cond3A_48 {
        %add3A_63 = arith.constant 1 : i32
        %add3A_64 = arith.addi %add3A_21, %add3A_63 : i32
        %mul3A_65 = arith.constant 128 : i32
        %mul3A_66 = arith.muli %add3A_64, %mul3A_65 : i32
        %dma_start3A_67 = arith.constant 0 : i32
        %dma_start3A_68 = arith.constant 0 : i32
        %dma_start3A_69 = arith.constant 0 : i32
        %dma_start3A_70 = tpu.memref_slice %arg6[%dma_start3A_67, %dma_start3A_68, %dma_start3A_69] : memref<2x128x384xi32, #tpu.memory_space<vmem>> -> memref<1x128x384xi32, #tpu.memory_space<vmem>>
        %dma_start3A_71 = tpu.memref_squeeze %dma_start3A_70 : memref<1x128x384xi32, #tpu.memory_space<vmem>> -> memref<128x384xi32, #tpu.memory_space<vmem>>
        %dma_start3A_72 = tpu.memref_slice %arg5[%mul3A_66] : memref<1024xi32, #tpu.memory_space<vmem>> -> memref<128xi32, #tpu.memory_space<vmem>>
        %dma_start3A_73 = arith.constant 0 : i32
        %dma_start3A_74 = arith.constant 0 : i32
        %dma_start3A_75 = tpu.memref_slice %arg2[%dma_start3A_73, %dma_start3A_74] : memref<32768x384xi32, #tpu.memory_space<hbm>> -> memref<32768x384xi32, #tpu.memory_space<hbm>>
        tpu.enqueue_indirect_dma source(%dma_start3A_75 : memref<32768x384xi32, #tpu.memory_space<hbm>>) target(%dma_start3A_71 : memref<128x384xi32, #tpu.memory_space<vmem>>) offsets(%dma_start3A_72 : memref<128xi32, #tpu.memory_space<vmem>>) semaphore(%arg7 : memref<!tpu.dma_semaphore, #tpu.memory_space<semaphore_mem>>)
      } else {
      }
      %dma_wait3A_49 = arith.constant 1 : i32
      %dma_wait3A_50 = arith.constant 0 : i32
      %dma_wait3A_51 = arith.constant 0 : i32
      %dma_wait3A_52 = tpu.memref_slice %arg6[%dma_wait3A_49, %dma_wait3A_50, %dma_wait3A_51] : memref<2x128x384xi32, #tpu.memory_space<vmem>> -> memref<1x128x384xi32, #tpu.memory_space<vmem>>
      %dma_wait3A_53 = tpu.memref_squeeze %dma_wait3A_52 : memref<1x128x384xi32, #tpu.memory_space<vmem>> -> memref<128x384xi32, #tpu.memory_space<vmem>>
      %dma_wait3A_54 = arith.constant 0 : i32
      %dma_wait3A_55 = tpu.memref_slice %arg5[%dma_wait3A_54] : memref<1024xi32, #tpu.memory_space<vmem>> -> memref<128xi32, #tpu.memory_space<vmem>>
      %dma_wait3A_56 = arith.constant 0 : i32
      %dma_wait3A_57 = arith.constant 0 : i32
      %dma_wait3A_58 = tpu.memref_slice %arg2[%dma_wait3A_56, %dma_wait3A_57] : memref<32768x384xi32, #tpu.memory_space<hbm>> -> memref<32768x384xi32, #tpu.memory_space<hbm>>
      tpu.wait_indirect_dma semaphore(%arg8 : memref<!tpu.dma_semaphore, #tpu.memory_space<semaphore_mem>>) src(%dma_wait3A_58 : memref<32768x384xi32, #tpu.memory_space<hbm>>) dst(%dma_wait3A_53 : memref<128x384xi32, #tpu.memory_space<vmem>>)
      %mul3A_59 = arith.constant 128 : i32
      %mul3A_60 = arith.muli %add3A_21, %mul3A_59 : i32
      %add3A_61 = arith.addi %mul3A_2, %mul3A_60 : i32
      %run_scoped3A_62 = arith.constant 1 : i32
      "tpu.region"() ({
        %run_scoped3A_63 = tpu.sem_alloc : memref<!tpu.dma_semaphore, #tpu.memory_space<semaphore_mem>>
        %dma_start3A_64 = arith.constant 0 : i32
        %dma_start3A_65 = arith.constant 0 : i32
        %dma_start3A_66 = tpu.memref_slice %arg6[%run_scoped3A_62, %dma_start3A_64, %dma_start3A_65] : memref<2x128x384xi32, #tpu.memory_space<vmem>> -> memref<1x128x384xi32, #tpu.memory_space<vmem>>
        %dma_start3A_67 = tpu.memref_squeeze %dma_start3A_66 : memref<1x128x384xi32, #tpu.memory_space<vmem>> -> memref<128x384xi32, #tpu.memory_space<vmem>>
        %dma_start3A_68 = arith.constant 0 : i32
        %dma_start3A_69 = tpu.memref_slice %arg4[%add3A_61, %dma_start3A_68] : memref<32768x384xi32, #tpu.memory_space<hbm>> -> memref<128x384xi32, #tpu.memory_space<hbm>>
        %dma_start3A_70 = arith.constant 0 : i32
        %dma_start3A_71 = tpu.memref_slice %arg4[%add3A_61, %dma_start3A_70] : memref<32768x384xi32, #tpu.memory_space<hbm>> -> memref<128x384xi32, #tpu.memory_space<hbm>>
        %dma_start3A_72 = arith.constant 0 : i32
        %dma_start3A_73 = arith.constant 0 : i32
        %dma_start3A_74 = tpu.memref_slice %arg6[%run_scoped3A_62, %dma_start3A_72, %dma_start3A_73] : memref<2x128x384xi32, #tpu.memory_space<vmem>> -> memref<1x128x384xi32, #tpu.memory_space<vmem>>
        %dma_start3A_75 = tpu.memref_squeeze %dma_start3A_74 : memref<1x128x384xi32, #tpu.memory_space<vmem>> -> memref<128x384xi32, #tpu.memory_space<vmem>>
        tpu.enqueue_dma source(%dma_start3A_75 : memref<128x384xi32, #tpu.memory_space<vmem>>) target(%dma_start3A_71 : memref<128x384xi32, #tpu.memory_space<hbm>>) target_semaphore(%run_scoped3A_63 : memref<!tpu.dma_semaphore, #tpu.memory_space<semaphore_mem>>)
        %dma_wait3A_76 = arith.constant 0 : i32
        %dma_wait3A_77 = arith.constant 0 : i32
        %dma_wait3A_78 = tpu.memref_slice %arg6[%run_scoped3A_62, %dma_wait3A_76, %dma_wait3A_77] : memref<2x128x384xi32, #tpu.memory_space<vmem>> -> memref<1x128x384xi32, #tpu.memory_space<vmem>>
        %dma_wait3A_79 = tpu.memref_squeeze %dma_wait3A_78 : memref<1x128x384xi32, #tpu.memory_space<vmem>> -> memref<128x384xi32, #tpu.memory_space<vmem>>
        %dma_wait3A_80 = arith.constant 0 : i32
        %dma_wait3A_81 = tpu.memref_slice %arg4[%add3A_61, %dma_wait3A_80] : memref<32768x384xi32, #tpu.memory_space<hbm>> -> memref<128x384xi32, #tpu.memory_space<hbm>>
        %dma_wait3A_82 = arith.constant 0 : i32
        %dma_wait3A_83 = tpu.memref_slice %arg4[%add3A_61, %dma_wait3A_82] : memref<32768x384xi32, #tpu.memory_space<hbm>> -> memref<128x384xi32, #tpu.memory_space<hbm>>
        %dma_wait3A_84 = arith.constant 0 : i32
        %dma_wait3A_85 = arith.constant 0 : i32
        %dma_wait3A_86 = tpu.memref_slice %arg6[%run_scoped3A_62, %dma_wait3A_84, %dma_wait3A_85] : memref<2x128x384xi32, #tpu.memory_space<vmem>> -> memref<1x128x384xi32, #tpu.memory_space<vmem>>
        %dma_wait3A_87 = tpu.memref_squeeze %dma_wait3A_86 : memref<1x128x384xi32, #tpu.memory_space<vmem>> -> memref<128x384xi32, #tpu.memory_space<vmem>>
        tpu.wait_dma2 semaphore(%run_scoped3A_63 : memref<!tpu.dma_semaphore, #tpu.memory_space<semaphore_mem>>) src(%dma_wait3A_87 : memref<128x384xi32, #tpu.memory_space<vmem>>) dst(%dma_wait3A_83 : memref<128x384xi32, #tpu.memory_space<hbm>>)
        tpu.yield
      }) : () -> ()
    }
    %scan3A_16 = arith.constant 4 : i32
    return
  }
}

module attributes {stable_mosaic.version = 14 : i64} {
  func.func @_pack_body(%arg0: i32, %arg1: memref<576x2048xf32, #tpu.memory_space<vmem>>, %arg2: memref<2048x384xi32, #tpu.memory_space<vmem>>) attributes {dimension_semantics = [#tpu.dimension_semantics<arbitrary>], iteration_bounds = array<i64: 16>, scalar_prefetch = 0 : i64, scratch_operands = 0 : i64, tpu.core_type = #tpu.core_type<tc>, window_params = [{transform_indices = @transform_0, window_bounds = array<i64: 576, 2048>}, {transform_indices = @transform_1, window_bounds = array<i64: 2048, 384>}]} {
    %get3A = arith.constant 0 : index
    %get3A_0 = arith.constant 0 : index
    %get3A_1 = vector.load %arg1[%get3A, %get3A_0] : memref<576x2048xf32, #tpu.memory_space<vmem>>, vector<576x2048xf32>
    %slice3A = vector.extract_strided_slice %get3A_1 {offsets = [0, 0], sizes = [384, 2048], strides = [1, 1]} : vector<576x2048xf32> to vector<384x2048xf32>
    %convert_element_type3A = arith.truncf %slice3A : vector<384x2048xf32> to vector<384x2048xbf16>
    %convert_element_type3A_2 = arith.extf %convert_element_type3A : vector<384x2048xbf16> to vector<384x2048xf32>
    %slice3A_3 = vector.extract_strided_slice %get3A_1 {offsets = [384, 0], sizes = [192, 2048], strides = [1, 1]} : vector<576x2048xf32> to vector<192x2048xf32>
    %convert_element_type3A_4 = arith.truncf %slice3A_3 : vector<192x2048xf32> to vector<192x2048xbf16>
    %convert_element_type3A_5 = arith.extf %convert_element_type3A_4 : vector<192x2048xbf16> to vector<192x2048xf32>
    %bitcast_convert_type3A = tpu.bitcast %convert_element_type3A_2 : vector<384x2048xf32> -> vector<384x2048xi32>
    %shift_right_logical3A = arith.constant 16 : i32
    %shift_right_logical3A_6 = vector.broadcast %shift_right_logical3A : i32 to vector<384x2048xi32>
    %shift_right_logical3A_7 = arith.shrui %bitcast_convert_type3A, %shift_right_logical3A_6 : vector<384x2048xi32>
    %bitcast_convert_type3A_8 = tpu.bitcast %convert_element_type3A_5 : vector<192x2048xf32> -> vector<192x2048xi32>
    %and3A = arith.constant -65536 : i32
    %and3A_9 = vector.broadcast %and3A : i32 to vector<192x2048xi32>
    %and3A_10 = arith.andi %bitcast_convert_type3A_8, %and3A_9 : vector<192x2048xi32>
    %broadcast_in_dim3A = arith.constant 0 : i32
    %broadcast_in_dim3A_11 = vector.broadcast %broadcast_in_dim3A : i32 to vector<192x2048xi32>
    %concatenate3A = tpu.concatenate %and3A_10, %broadcast_in_dim3A_11 in 0 : vector<192x2048xi32>, vector<192x2048xi32> -> vector<384x2048xi32>
    %or3A = arith.ori %shift_right_logical3A_7, %concatenate3A : vector<384x2048xi32>
    %bitcast_convert_type3A_12 = tpu.bitcast %or3A : vector<384x2048xi32> -> vector<384x2048xi32>
    %transpose3A = tpu.transpose %bitcast_convert_type3A_12, [1, 0] : vector<384x2048xi32> -> vector<2048x384xi32>
    %swap3A = arith.constant 0 : index
    %swap3A_13 = arith.constant 0 : index
    %swap3A_14 = vector.load %arg2[%swap3A, %swap3A_13] : memref<2048x384xi32, #tpu.memory_space<vmem>>, vector<2048x384xi32>
    tpu.vector_store %arg2[%swap3A, %swap3A_13], %transpose3A {strides = array<i32>} : memref<2048x384xi32, #tpu.memory_space<vmem>>, vector<2048x384xi32>,
    return
  }
  func.func @transform_0(%arg0: i32) -> (i32, i32) {
    %c0_i32 = arith.constant 0 : i32
    %c0_i32_0 = arith.constant 0 : i32
    return %c0_i32, %arg0 : i32, i32
  }
  func.func @transform_1(%arg0: i32) -> (i32, i32) {
    %c0_i32 = arith.constant 0 : i32
    %c0_i32_0 = arith.constant 0 : i32
    return %arg0, %c0_i32 : i32, i32
  }
}

module attributes {stable_mosaic.version = 14 : i64} {
  func.func @_qproj_body(%arg0: i32, %arg1: memref<64x8x192xf32, #tpu.memory_space<vmem>>, %arg2: memref<8x128x512xf32, #tpu.memory_space<vmem>>, %arg3: memref<64x8x768xf32, #tpu.memory_space<vmem>>) attributes {dimension_semantics = [#tpu.dimension_semantics<arbitrary>], iteration_bounds = array<i64: 8>, scalar_prefetch = 0 : i64, scratch_operands = 0 : i64, tpu.core_type = #tpu.core_type<tc>, window_params = [{transform_indices = @transform_0, window_bounds = array<i64: 64, 8, 192>}, {transform_indices = @transform_1, window_bounds = array<i64: 8, 128, 512>}, {transform_indices = @transform_2, window_bounds = array<i64: 64, 8, 768>}]} {
    %get3A = arith.constant 0 : index
    %get3A_0 = arith.constant 0 : index
    %get3A_1 = arith.constant 0 : index
    %get3A_2 = vector.load %arg1[%get3A, %get3A_0, %get3A_1] : memref<64x8x192xf32, #tpu.memory_space<vmem>>, vector<64x1x128xf32>
    %get3A_3 = vector.shape_cast %get3A_2 : vector<64x1x128xf32> to vector<64x128xf32>
    %get3A_4 = arith.constant 0 : index
    %get3A_5 = arith.constant 0 : index
    %get3A_6 = arith.constant 128 : index
    %get3A_7 = vector.load %arg1[%get3A_4, %get3A_5, %get3A_6] : memref<64x8x192xf32, #tpu.memory_space<vmem>>, vector<64x1x64xf32>
    %get3A_8 = vector.shape_cast %get3A_7 : vector<64x1x64xf32> to vector<64x64xf32>
    %get3A_9 = arith.constant 0 : index
    %get3A_10 = arith.constant 0 : index
    %get3A_11 = arith.constant 0 : index
    %get3A_12 = vector.load %arg2[%get3A_9, %get3A_10, %get3A_11] : memref<8x128x512xf32, #tpu.memory_space<vmem>>, vector<1x128x512xf32>
    %get3A_13 = vector.shape_cast %get3A_12 : vector<1x128x512xf32> to vector<128x512xf32>
    %dot_general3A = arith.constant dense<0.000000e+00> : vector<64x512xf32>
    %dot_general3A_14 = tpu.matmul %get3A_3, %get3A_13, %dot_general3A {dimension_numbers = #tpu.dot_dimension_numbers<[1], [0], [0], [1], [0, 0, 1, 1], [], []>, transpose_lhs_hint = false} : vector<64x128xf32>, vector<128x512xf32>, vector<64x512xf32> -> vector<64x512xf32>
    %mul3A = arith.constant 0.0721687824 : f32
    %mul3A_15 = vector.broadcast %mul3A : f32 to vector<64x512xf32>
    %mul3A_16 = arith.mulf %dot_general3A_14, %mul3A_15 : vector<64x512xf32>
    %swap3A = arith.constant 0 : index
    %swap3A_17 = arith.constant 0 : index
    %swap3A_18 = arith.constant 0 : index
    %swap3A_19 = vector.load %arg3[%swap3A, %swap3A_17, %swap3A_18] : memref<64x8x768xf32, #tpu.memory_space<vmem>>, vector<64x1x512xf32>
    %swap3A_20 = vector.shape_cast %swap3A_19 : vector<64x1x512xf32> to vector<64x512xf32>
    %swap3A_21 = vector.shape_cast %mul3A_16 : vector<64x512xf32> to vector<64x1x512xf32>
    tpu.vector_store %arg3[%swap3A, %swap3A_17, %swap3A_18], %swap3A_21 {strides = array<i32>} : memref<64x8x768xf32, #tpu.memory_space<vmem>>, vector<64x1x512xf32>,
    %mul3A_22 = arith.constant 0.0721687824 : f32
    %mul3A_23 = vector.broadcast %mul3A_22 : f32 to vector<64x64xf32>
    %mul3A_24 = arith.mulf %get3A_8, %mul3A_23 : vector<64x64xf32>
    %swap3A_25 = arith.constant 0 : index
    %swap3A_26 = arith.constant 0 : index
    %swap3A_27 = arith.constant 512 : index
    %swap3A_28 = vector.load %arg3[%swap3A_25, %swap3A_26, %swap3A_27] : memref<64x8x768xf32, #tpu.memory_space<vmem>>, vector<64x1x64xf32>
    %swap3A_29 = vector.shape_cast %swap3A_28 : vector<64x1x64xf32> to vector<64x64xf32>
    %swap3A_30 = vector.shape_cast %mul3A_24 : vector<64x64xf32> to vector<64x1x64xf32>
    tpu.vector_store %arg3[%swap3A_25, %swap3A_26, %swap3A_27], %swap3A_30 {strides = array<i32>} : memref<64x8x768xf32, #tpu.memory_space<vmem>>, vector<64x1x64xf32>,
    %broadcast_in_dim3A = arith.constant 0.000000e+00 : f32
    %broadcast_in_dim3A_31 = vector.broadcast %broadcast_in_dim3A : f32 to vector<64x192xf32>
    %swap3A_32 = arith.constant 0 : index
    %swap3A_33 = arith.constant 0 : index
    %swap3A_34 = arith.constant 576 : index
    %swap3A_35 = vector.load %arg3[%swap3A_32, %swap3A_33, %swap3A_34] : memref<64x8x768xf32, #tpu.memory_space<vmem>>, vector<64x1x192xf32>
    %swap3A_36 = vector.shape_cast %swap3A_35 : vector<64x1x192xf32> to vector<64x192xf32>
    %swap3A_37 = vector.shape_cast %broadcast_in_dim3A_31 : vector<64x192xf32> to vector<64x1x192xf32>
    tpu.vector_store %arg3[%swap3A_32, %swap3A_33, %swap3A_34], %swap3A_37 {strides = array<i32>} : memref<64x8x768xf32, #tpu.memory_space<vmem>>, vector<64x1x192xf32>,
    %get3A_38 = arith.constant 0 : index
    %get3A_39 = arith.constant 1 : index
    %get3A_40 = arith.constant 0 : index
    %get3A_41 = vector.load %arg1[%get3A_38, %get3A_39, %get3A_40] : memref<64x8x192xf32, #tpu.memory_space<vmem>>, vector<64x1x128xf32>
    %get3A_42 = vector.shape_cast %get3A_41 : vector<64x1x128xf32> to vector<64x128xf32>
    %get3A_43 = arith.constant 0 : index
    %get3A_44 = arith.constant 1 : index
    %get3A_45 = arith.constant 128 : index
    %get3A_46 = vector.load %arg1[%get3A_43, %get3A_44, %get3A_45] : memref<64x8x192xf32, #tpu.memory_space<vmem>>, vector<64x1x64xf32>
    %get3A_47 = vector.shape_cast %get3A_46 : vector<64x1x64xf32> to vector<64x64xf32>
    %get3A_48 = arith.constant 1 : index
    %get3A_49 = arith.constant 0 : index
    %get3A_50 = arith.constant 0 : index
    %get3A_51 = vector.load %arg2[%get3A_48, %get3A_49, %get3A_50] : memref<8x128x512xf32, #tpu.memory_space<vmem>>, vector<1x128x512xf32>
    %get3A_52 = vector.shape_cast %get3A_51 : vector<1x128x512xf32> to vector<128x512xf32>
    %dot_general3A_53 = arith.constant dense<0.000000e+00> : vector<64x512xf32>
    %dot_general3A_54 = tpu.matmul %get3A_42, %get3A_52, %dot_general3A_53 {dimension_numbers = #tpu.dot_dimension_numbers<[1], [0], [0], [1], [0, 0, 1, 1], [], []>, transpose_lhs_hint = false} : vector<64x128xf32>, vector<128x512xf32>, vector<64x512xf32> -> vector<64x512xf32>
    %mul3A_55 = arith.constant 0.0721687824 : f32
    %mul3A_56 = vector.broadcast %mul3A_55 : f32 to vector<64x512xf32>
    %mul3A_57 = arith.mulf %dot_general3A_54, %mul3A_56 : vector<64x512xf32>
    %swap3A_58 = arith.constant 0 : index
    %swap3A_59 = arith.constant 1 : index
    %swap3A_60 = arith.constant 0 : index
    %swap3A_61 = vector.load %arg3[%swap3A_58, %swap3A_59, %swap3A_60] : memref<64x8x768xf32, #tpu.memory_space<vmem>>, vector<64x1x512xf32>
    %swap3A_62 = vector.shape_cast %swap3A_61 : vector<64x1x512xf32> to vector<64x512xf32>
    %swap3A_63 = vector.shape_cast %mul3A_57 : vector<64x512xf32> to vector<64x1x512xf32>
    tpu.vector_store %arg3[%swap3A_58, %swap3A_59, %swap3A_60], %swap3A_63 {strides = array<i32>} : memref<64x8x768xf32, #tpu.memory_space<vmem>>, vector<64x1x512xf32>,
    %mul3A_64 = arith.constant 0.0721687824 : f32
    %mul3A_65 = vector.broadcast %mul3A_64 : f32 to vector<64x64xf32>
    %mul3A_66 = arith.mulf %get3A_47, %mul3A_65 : vector<64x64xf32>
    %swap3A_67 = arith.constant 0 : index
    %swap3A_68 = arith.constant 1 : index
    %swap3A_69 = arith.constant 512 : index
    %swap3A_70 = vector.load %arg3[%swap3A_67, %swap3A_68, %swap3A_69] : memref<64x8x768xf32, #tpu.memory_space<vmem>>, vector<64x1x64xf32>
    %swap3A_71 = vector.shape_cast %swap3A_70 : vector<64x1x64xf32> to vector<64x64xf32>
    %swap3A_72 = vector.shape_cast %mul3A_66 : vector<64x64xf32> to vector<64x1x64xf32>
    tpu.vector_store %arg3[%swap3A_67, %swap3A_68, %swap3A_69], %swap3A_72 {strides = array<i32>} : memref<64x8x768xf32, #tpu.memory_space<vmem>>, vector<64x1x64xf32>,
    %broadcast_in_dim3A_73 = arith.constant 0.000000e+00 : f32
    %broadcast_in_dim3A_74 = vector.broadcast %broadcast_in_dim3A_73 : f32 to vector<64x192xf32>
    %swap3A_75 = arith.constant 0 : index
    %swap3A_76 = arith.constant 1 : index
    %swap3A_77 = arith.constant 576 : index
    %swap3A_78 = vector.load %arg3[%swap3A_75, %swap3A_76, %swap3A_77] : memref<64x8x768xf32, #tpu.memory_space<vmem>>, vector<64x1x192xf32>
    %swap3A_79 = vector.shape_cast %swap3A_78 : vector<64x1x192xf32> to vector<64x192xf32>
    %swap3A_80 = vector.shape_cast %broadcast_in_dim3A_74 : vector<64x192xf32> to vector<64x1x192xf32>
    tpu.vector_store %arg3[%swap3A_75, %swap3A_76, %swap3A_77], %swap3A_80 {strides = array<i32>} : memref<64x8x768xf32, #tpu.memory_space<vmem>>, vector<64x1x192xf32>,
    %get3A_81 = arith.constant 0 : index
    %get3A_82 = arith.constant 2 : index
    %get3A_83 = arith.constant 0 : index
    %get3A_84 = vector.load %arg1[%get3A_81, %get3A_82, %get3A_83] : memref<64x8x192xf32, #tpu.memory_space<vmem>>, vector<64x1x128xf32>
    %get3A_85 = vector.shape_cast %get3A_84 : vector<64x1x128xf32> to vector<64x128xf32>
    %get3A_86 = arith.constant 0 : index
    %get3A_87 = arith.constant 2 : index
    %get3A_88 = arith.constant 128 : index
    %get3A_89 = vector.load %arg1[%get3A_86, %get3A_87, %get3A_88] : memref<64x8x192xf32, #tpu.memory_space<vmem>>, vector<64x1x64xf32>
    %get3A_90 = vector.shape_cast %get3A_89 : vector<64x1x64xf32> to vector<64x64xf32>
    %get3A_91 = arith.constant 2 : index
    %get3A_92 = arith.constant 0 : index
    %get3A_93 = arith.constant 0 : index
    %get3A_94 = vector.load %arg2[%get3A_91, %get3A_92, %get3A_93] : memref<8x128x512xf32, #tpu.memory_space<vmem>>, vector<1x128x512xf32>
    %get3A_95 = vector.shape_cast %get3A_94 : vector<1x128x512xf32> to vector<128x512xf32>
    %dot_general3A_96 = arith.constant dense<0.000000e+00> : vector<64x512xf32>
    %dot_general3A_97 = tpu.matmul %get3A_85, %get3A_95, %dot_general3A_96 {dimension_numbers = #tpu.dot_dimension_numbers<[1], [0], [0], [1], [0, 0, 1, 1], [], []>, transpose_lhs_hint = false} : vector<64x128xf32>, vector<128x512xf32>, vector<64x512xf32> -> vector<64x512xf32>
    %mul3A_98 = arith.constant 0.0721687824 : f32
    %mul3A_99 = vector.broadcast %mul3A_98 : f32 to vector<64x512xf32>
    %mul3A_100 = arith.mulf %dot_general3A_97, %mul3A_99 : vector<64x512xf32>
    %swap3A_101 = arith.constant 0 : index
    %swap3A_102 = arith.constant 2 : index
    %swap3A_103 = arith.constant 0 : index
    %swap3A_104 = vector.load %arg3[%swap3A_101, %swap3A_102, %swap3A_103] : memref<64x8x768xf32, #tpu.memory_space<vmem>>, vector<64x1x512xf32>
    %swap3A_105 = vector.shape_cast %swap3A_104 : vector<64x1x512xf32> to vector<64x512xf32>
    %swap3A_106 = vector.shape_cast %mul3A_100 : vector<64x512xf32> to vector<64x1x512xf32>
    tpu.vector_store %arg3[%swap3A_101, %swap3A_102, %swap3A_103], %swap3A_106 {strides = array<i32>} : memref<64x8x768xf32, #tpu.memory_space<vmem>>, vector<64x1x512xf32>,
    %mul3A_107 = arith.constant 0.0721687824 : f32
    %mul3A_108 = vector.broadcast %mul3A_107 : f32 to vector<64x64xf32>
    %mul3A_109 = arith.mulf %get3A_90, %mul3A_108 : vector<64x64xf32>
    %swap3A_110 = arith.constant 0 : index
    %swap3A_111 = arith.constant 2 : index
    %swap3A_112 = arith.constant 512 : index
    %swap3A_113 = vector.load %arg3[%swap3A_110, %swap3A_111, %swap3A_112] : memref<64x8x768xf32, #tpu.memory_space<vmem>>, vector<64x1x64xf32>
    %swap3A_114 = vector.shape_cast %swap3A_113 : vector<64x1x64xf32> to vector<64x64xf32>
    %swap3A_115 = vector.shape_cast %mul3A_109 : vector<64x64xf32> to vector<64x1x64xf32>
    tpu.vector_store %arg3[%swap3A_110, %swap3A_111, %swap3A_112], %swap3A_115 {strides = array<i32>} : memref<64x8x768xf32, #tpu.memory_space<vmem>>, vector<64x1x64xf32>,
    %broadcast_in_dim3A_116 = arith.constant 0.000000e+00 : f32
    %broadcast_in_dim3A_117 = vector.broadcast %broadcast_in_dim3A_116 : f32 to vector<64x192xf32>
    %swap3A_118 = arith.constant 0 : index
    %swap3A_119 = arith.constant 2 : index
    %swap3A_120 = arith.constant 576 : index
    %swap3A_121 = vector.load %arg3[%swap3A_118, %swap3A_119, %swap3A_120] : memref<64x8x768xf32, #tpu.memory_space<vmem>>, vector<64x1x192xf32>
    %swap3A_122 = vector.shape_cast %swap3A_121 : vector<64x1x192xf32> to vector<64x192xf32>
    %swap3A_123 = vector.shape_cast %broadcast_in_dim3A_117 : vector<64x192xf32> to vector<64x1x192xf32>
    tpu.vector_store %arg3[%swap3A_118, %swap3A_119, %swap3A_120], %swap3A_123 {strides = array<i32>} : memref<64x8x768xf32, #tpu.memory_space<vmem>>, vector<64x1x192xf32>,
    %get3A_124 = arith.constant 0 : index
    %get3A_125 = arith.constant 3 : index
    %get3A_126 = arith.constant 0 : index
    %get3A_127 = vector.load %arg1[%get3A_124, %get3A_125, %get3A_126] : memref<64x8x192xf32, #tpu.memory_space<vmem>>, vector<64x1x128xf32>
    %get3A_128 = vector.shape_cast %get3A_127 : vector<64x1x128xf32> to vector<64x128xf32>
    %get3A_129 = arith.constant 0 : index
    %get3A_130 = arith.constant 3 : index
    %get3A_131 = arith.constant 128 : index
    %get3A_132 = vector.load %arg1[%get3A_129, %get3A_130, %get3A_131] : memref<64x8x192xf32, #tpu.memory_space<vmem>>, vector<64x1x64xf32>
    %get3A_133 = vector.shape_cast %get3A_132 : vector<64x1x64xf32> to vector<64x64xf32>
    %get3A_134 = arith.constant 3 : index
    %get3A_135 = arith.constant 0 : index
    %get3A_136 = arith.constant 0 : index
    %get3A_137 = vector.load %arg2[%get3A_134, %get3A_135, %get3A_136] : memref<8x128x512xf32, #tpu.memory_space<vmem>>, vector<1x128x512xf32>
    %get3A_138 = vector.shape_cast %get3A_137 : vector<1x128x512xf32> to vector<128x512xf32>
    %dot_general3A_139 = arith.constant dense<0.000000e+00> : vector<64x512xf32>
    %dot_general3A_140 = tpu.matmul %get3A_128, %get3A_138, %dot_general3A_139 {dimension_numbers = #tpu.dot_dimension_numbers<[1], [0], [0], [1], [0, 0, 1, 1], [], []>, transpose_lhs_hint = false} : vector<64x128xf32>, vector<128x512xf32>, vector<64x512xf32> -> vector<64x512xf32>
    %mul3A_141 = arith.constant 0.0721687824 : f32
    %mul3A_142 = vector.broadcast %mul3A_141 : f32 to vector<64x512xf32>
    %mul3A_143 = arith.mulf %dot_general3A_140, %mul3A_142 : vector<64x512xf32>
    %swap3A_144 = arith.constant 0 : index
    %swap3A_145 = arith.constant 3 : index
    %swap3A_146 = arith.constant 0 : index
    %swap3A_147 = vector.load %arg3[%swap3A_144, %swap3A_145, %swap3A_146] : memref<64x8x768xf32, #tpu.memory_space<vmem>>, vector<64x1x512xf32>
    %swap3A_148 = vector.shape_cast %swap3A_147 : vector<64x1x512xf32> to vector<64x512xf32>
    %swap3A_149 = vector.shape_cast %mul3A_143 : vector<64x512xf32> to vector<64x1x512xf32>
    tpu.vector_store %arg3[%swap3A_144, %swap3A_145, %swap3A_146], %swap3A_149 {strides = array<i32>} : memref<64x8x768xf32, #tpu.memory_space<vmem>>, vector<64x1x512xf32>,
    %mul3A_150 = arith.constant 0.0721687824 : f32
    %mul3A_151 = vector.broadcast %mul3A_150 : f32 to vector<64x64xf32>
    %mul3A_152 = arith.mulf %get3A_133, %mul3A_151 : vector<64x64xf32>
    %swap3A_153 = arith.constant 0 : index
    %swap3A_154 = arith.constant 3 : index
    %swap3A_155 = arith.constant 512 : index
    %swap3A_156 = vector.load %arg3[%swap3A_153, %swap3A_154, %swap3A_155] : memref<64x8x768xf32, #tpu.memory_space<vmem>>, vector<64x1x64xf32>
    %swap3A_157 = vector.shape_cast %swap3A_156 : vector<64x1x64xf32> to vector<64x64xf32>
    %swap3A_158 = vector.shape_cast %mul3A_152 : vector<64x64xf32> to vector<64x1x64xf32>
    tpu.vector_store %arg3[%swap3A_153, %swap3A_154, %swap3A_155], %swap3A_158 {strides = array<i32>} : memref<64x8x768xf32, #tpu.memory_space<vmem>>, vector<64x1x64xf32>,
    %broadcast_in_dim3A_159 = arith.constant 0.000000e+00 : f32
    %broadcast_in_dim3A_160 = vector.broadcast %broadcast_in_dim3A_159 : f32 to vector<64x192xf32>
    %swap3A_161 = arith.constant 0 : index
    %swap3A_162 = arith.constant 3 : index
    %swap3A_163 = arith.constant 576 : index
    %swap3A_164 = vector.load %arg3[%swap3A_161, %swap3A_162, %swap3A_163] : memref<64x8x768xf32, #tpu.memory_space<vmem>>, vector<64x1x192xf32>
    %swap3A_165 = vector.shape_cast %swap3A_164 : vector<64x1x192xf32> to vector<64x192xf32>
    %swap3A_166 = vector.shape_cast %broadcast_in_dim3A_160 : vector<64x192xf32> to vector<64x1x192xf32>
    tpu.vector_store %arg3[%swap3A_161, %swap3A_162, %swap3A_163], %swap3A_166 {strides = array<i32>} : memref<64x8x768xf32, #tpu.memory_space<vmem>>, vector<64x1x192xf32>,
    %get3A_167 = arith.constant 0 : index
    %get3A_168 = arith.constant 4 : index
    %get3A_169 = arith.constant 0 : index
    %get3A_170 = vector.load %arg1[%get3A_167, %get3A_168, %get3A_169] : memref<64x8x192xf32, #tpu.memory_space<vmem>>, vector<64x1x128xf32>
    %get3A_171 = vector.shape_cast %get3A_170 : vector<64x1x128xf32> to vector<64x128xf32>
    %get3A_172 = arith.constant 0 : index
    %get3A_173 = arith.constant 4 : index
    %get3A_174 = arith.constant 128 : index
    %get3A_175 = vector.load %arg1[%get3A_172, %get3A_173, %get3A_174] : memref<64x8x192xf32, #tpu.memory_space<vmem>>, vector<64x1x64xf32>
    %get3A_176 = vector.shape_cast %get3A_175 : vector<64x1x64xf32> to vector<64x64xf32>
    %get3A_177 = arith.constant 4 : index
    %get3A_178 = arith.constant 0 : index
    %get3A_179 = arith.constant 0 : index
    %get3A_180 = vector.load %arg2[%get3A_177, %get3A_178, %get3A_179] : memref<8x128x512xf32, #tpu.memory_space<vmem>>, vector<1x128x512xf32>
    %get3A_181 = vector.shape_cast %get3A_180 : vector<1x128x512xf32> to vector<128x512xf32>
    %dot_general3A_182 = arith.constant dense<0.000000e+00> : vector<64x512xf32>
    %dot_general3A_183 = tpu.matmul %get3A_171, %get3A_181, %dot_general3A_182 {dimension_numbers = #tpu.dot_dimension_numbers<[1], [0], [0], [1], [0, 0, 1, 1], [], []>, transpose_lhs_hint = false} : vector<64x128xf32>, vector<128x512xf32>, vector<64x512xf32> -> vector<64x512xf32>
    %mul3A_184 = arith.constant 0.0721687824 : f32
    %mul3A_185 = vector.broadcast %mul3A_184 : f32 to vector<64x512xf32>
    %mul3A_186 = arith.mulf %dot_general3A_183, %mul3A_185 : vector<64x512xf32>
    %swap3A_187 = arith.constant 0 : index
    %swap3A_188 = arith.constant 4 : index
    %swap3A_189 = arith.constant 0 : index
    %swap3A_190 = vector.load %arg3[%swap3A_187, %swap3A_188, %swap3A_189] : memref<64x8x768xf32, #tpu.memory_space<vmem>>, vector<64x1x512xf32>
    %swap3A_191 = vector.shape_cast %swap3A_190 : vector<64x1x512xf32> to vector<64x512xf32>
    %swap3A_192 = vector.shape_cast %mul3A_186 : vector<64x512xf32> to vector<64x1x512xf32>
    tpu.vector_store %arg3[%swap3A_187, %swap3A_188, %swap3A_189], %swap3A_192 {strides = array<i32>} : memref<64x8x768xf32, #tpu.memory_space<vmem>>, vector<64x1x512xf32>,
    %mul3A_193 = arith.constant 0.0721687824 : f32
    %mul3A_194 = vector.broadcast %mul3A_193 : f32 to vector<64x64xf32>
    %mul3A_195 = arith.mulf %get3A_176, %mul3A_194 : vector<64x64xf32>
    %swap3A_196 = arith.constant 0 : index
    %swap3A_197 = arith.constant 4 : index
    %swap3A_198 = arith.constant 512 : index
    %swap3A_199 = vector.load %arg3[%swap3A_196, %swap3A_197, %swap3A_198] : memref<64x8x768xf32, #tpu.memory_space<vmem>>, vector<64x1x64xf32>
    %swap3A_200 = vector.shape_cast %swap3A_199 : vector<64x1x64xf32> to vector<64x64xf32>
    %swap3A_201 = vector.shape_cast %mul3A_195 : vector<64x64xf32> to vector<64x1x64xf32>
    tpu.vector_store %arg3[%swap3A_196, %swap3A_197, %swap3A_198], %swap3A_201 {strides = array<i32>} : memref<64x8x768xf32, #tpu.memory_space<vmem>>, vector<64x1x64xf32>,
    %broadcast_in_dim3A_202 = arith.constant 0.000000e+00 : f32
    %broadcast_in_dim3A_203 = vector.broadcast %broadcast_in_dim3A_202 : f32 to vector<64x192xf32>
    %swap3A_204 = arith.constant 0 : index
    %swap3A_205 = arith.constant 4 : index
    %swap3A_206 = arith.constant 576 : index
    %swap3A_207 = vector.load %arg3[%swap3A_204, %swap3A_205, %swap3A_206] : memref<64x8x768xf32, #tpu.memory_space<vmem>>, vector<64x1x192xf32>
    %swap3A_208 = vector.shape_cast %swap3A_207 : vector<64x1x192xf32> to vector<64x192xf32>
    %swap3A_209 = vector.shape_cast %broadcast_in_dim3A_203 : vector<64x192xf32> to vector<64x1x192xf32>
    tpu.vector_store %arg3[%swap3A_204, %swap3A_205, %swap3A_206], %swap3A_209 {strides = array<i32>} : memref<64x8x768xf32, #tpu.memory_space<vmem>>, vector<64x1x192xf32>,
    %get3A_210 = arith.constant 0 : index
    %get3A_211 = arith.constant 5 : index
    %get3A_212 = arith.constant 0 : index
    %get3A_213 = vector.load %arg1[%get3A_210, %get3A_211, %get3A_212] : memref<64x8x192xf32, #tpu.memory_space<vmem>>, vector<64x1x128xf32>
    %get3A_214 = vector.shape_cast %get3A_213 : vector<64x1x128xf32> to vector<64x128xf32>
    %get3A_215 = arith.constant 0 : index
    %get3A_216 = arith.constant 5 : index
    %get3A_217 = arith.constant 128 : index
    %get3A_218 = vector.load %arg1[%get3A_215, %get3A_216, %get3A_217] : memref<64x8x192xf32, #tpu.memory_space<vmem>>, vector<64x1x64xf32>
    %get3A_219 = vector.shape_cast %get3A_218 : vector<64x1x64xf32> to vector<64x64xf32>
    %get3A_220 = arith.constant 5 : index
    %get3A_221 = arith.constant 0 : index
    %get3A_222 = arith.constant 0 : index
    %get3A_223 = vector.load %arg2[%get3A_220, %get3A_221, %get3A_222] : memref<8x128x512xf32, #tpu.memory_space<vmem>>, vector<1x128x512xf32>
    %get3A_224 = vector.shape_cast %get3A_223 : vector<1x128x512xf32> to vector<128x512xf32>
    %dot_general3A_225 = arith.constant dense<0.000000e+00> : vector<64x512xf32>
    %dot_general3A_226 = tpu.matmul %get3A_214, %get3A_224, %dot_general3A_225 {dimension_numbers = #tpu.dot_dimension_numbers<[1], [0], [0], [1], [0, 0, 1, 1], [], []>, transpose_lhs_hint = false} : vector<64x128xf32>, vector<128x512xf32>, vector<64x512xf32> -> vector<64x512xf32>
    %mul3A_227 = arith.constant 0.0721687824 : f32
    %mul3A_228 = vector.broadcast %mul3A_227 : f32 to vector<64x512xf32>
    %mul3A_229 = arith.mulf %dot_general3A_226, %mul3A_228 : vector<64x512xf32>
    %swap3A_230 = arith.constant 0 : index
    %swap3A_231 = arith.constant 5 : index
    %swap3A_232 = arith.constant 0 : index
    %swap3A_233 = vector.load %arg3[%swap3A_230, %swap3A_231, %swap3A_232] : memref<64x8x768xf32, #tpu.memory_space<vmem>>, vector<64x1x512xf32>
    %swap3A_234 = vector.shape_cast %swap3A_233 : vector<64x1x512xf32> to vector<64x512xf32>
    %swap3A_235 = vector.shape_cast %mul3A_229 : vector<64x512xf32> to vector<64x1x512xf32>
    tpu.vector_store %arg3[%swap3A_230, %swap3A_231, %swap3A_232], %swap3A_235 {strides = array<i32>} : memref<64x8x768xf32, #tpu.memory_space<vmem>>, vector<64x1x512xf32>,
    %mul3A_236 = arith.constant 0.0721687824 : f32
    %mul3A_237 = vector.broadcast %mul3A_236 : f32 to vector<64x64xf32>
    %mul3A_238 = arith.mulf %get3A_219, %mul3A_237 : vector<64x64xf32>
    %swap3A_239 = arith.constant 0 : index
    %swap3A_240 = arith.constant 5 : index
    %swap3A_241 = arith.constant 512 : index
    %swap3A_242 = vector.load %arg3[%swap3A_239, %swap3A_240, %swap3A_241] : memref<64x8x768xf32, #tpu.memory_space<vmem>>, vector<64x1x64xf32>
    %swap3A_243 = vector.shape_cast %swap3A_242 : vector<64x1x64xf32> to vector<64x64xf32>
    %swap3A_244 = vector.shape_cast %mul3A_238 : vector<64x64xf32> to vector<64x1x64xf32>
    tpu.vector_store %arg3[%swap3A_239, %swap3A_240, %swap3A_241], %swap3A_244 {strides = array<i32>} : memref<64x8x768xf32, #tpu.memory_space<vmem>>, vector<64x1x64xf32>,
    %broadcast_in_dim3A_245 = arith.constant 0.000000e+00 : f32
    %broadcast_in_dim3A_246 = vector.broadcast %broadcast_in_dim3A_245 : f32 to vector<64x192xf32>
    %swap3A_247 = arith.constant 0 : index
    %swap3A_248 = arith.constant 5 : index
    %swap3A_249 = arith.constant 576 : index
    %swap3A_250 = vector.load %arg3[%swap3A_247, %swap3A_248, %swap3A_249] : memref<64x8x768xf32, #tpu.memory_space<vmem>>, vector<64x1x192xf32>
    %swap3A_251 = vector.shape_cast %swap3A_250 : vector<64x1x192xf32> to vector<64x192xf32>
    %swap3A_252 = vector.shape_cast %broadcast_in_dim3A_246 : vector<64x192xf32> to vector<64x1x192xf32>
    tpu.vector_store %arg3[%swap3A_247, %swap3A_248, %swap3A_249], %swap3A_252 {strides = array<i32>} : memref<64x8x768xf32, #tpu.memory_space<vmem>>, vector<64x1x192xf32>,
    %get3A_253 = arith.constant 0 : index
    %get3A_254 = arith.constant 6 : index
    %get3A_255 = arith.constant 0 : index
    %get3A_256 = vector.load %arg1[%get3A_253, %get3A_254, %get3A_255] : memref<64x8x192xf32, #tpu.memory_space<vmem>>, vector<64x1x128xf32>
    %get3A_257 = vector.shape_cast %get3A_256 : vector<64x1x128xf32> to vector<64x128xf32>
    %get3A_258 = arith.constant 0 : index
    %get3A_259 = arith.constant 6 : index
    %get3A_260 = arith.constant 128 : index
    %get3A_261 = vector.load %arg1[%get3A_258, %get3A_259, %get3A_260] : memref<64x8x192xf32, #tpu.memory_space<vmem>>, vector<64x1x64xf32>
    %get3A_262 = vector.shape_cast %get3A_261 : vector<64x1x64xf32> to vector<64x64xf32>
    %get3A_263 = arith.constant 6 : index
    %get3A_264 = arith.constant 0 : index
    %get3A_265 = arith.constant 0 : index
    %get3A_266 = vector.load %arg2[%get3A_263, %get3A_264, %get3A_265] : memref<8x128x512xf32, #tpu.memory_space<vmem>>, vector<1x128x512xf32>
    %get3A_267 = vector.shape_cast %get3A_266 : vector<1x128x512xf32> to vector<128x512xf32>
    %dot_general3A_268 = arith.constant dense<0.000000e+00> : vector<64x512xf32>
    %dot_general3A_269 = tpu.matmul %get3A_257, %get3A_267, %dot_general3A_268 {dimension_numbers = #tpu.dot_dimension_numbers<[1], [0], [0], [1], [0, 0, 1, 1], [], []>, transpose_lhs_hint = false} : vector<64x128xf32>, vector<128x512xf32>, vector<64x512xf32> -> vector<64x512xf32>
    %mul3A_270 = arith.constant 0.0721687824 : f32
    %mul3A_271 = vector.broadcast %mul3A_270 : f32 to vector<64x512xf32>
    %mul3A_272 = arith.mulf %dot_general3A_269, %mul3A_271 : vector<64x512xf32>
    %swap3A_273 = arith.constant 0 : index
    %swap3A_274 = arith.constant 6 : index
    %swap3A_275 = arith.constant 0 : index
    %swap3A_276 = vector.load %arg3[%swap3A_273, %swap3A_274, %swap3A_275] : memref<64x8x768xf32, #tpu.memory_space<vmem>>, vector<64x1x512xf32>
    %swap3A_277 = vector.shape_cast %swap3A_276 : vector<64x1x512xf32> to vector<64x512xf32>
    %swap3A_278 = vector.shape_cast %mul3A_272 : vector<64x512xf32> to vector<64x1x512xf32>
    tpu.vector_store %arg3[%swap3A_273, %swap3A_274, %swap3A_275], %swap3A_278 {strides = array<i32>} : memref<64x8x768xf32, #tpu.memory_space<vmem>>, vector<64x1x512xf32>,
    %mul3A_279 = arith.constant 0.0721687824 : f32
    %mul3A_280 = vector.broadcast %mul3A_279 : f32 to vector<64x64xf32>
    %mul3A_281 = arith.mulf %get3A_262, %mul3A_280 : vector<64x64xf32>
    %swap3A_282 = arith.constant 0 : index
    %swap3A_283 = arith.constant 6 : index
    %swap3A_284 = arith.constant 512 : index
    %swap3A_285 = vector.load %arg3[%swap3A_282, %swap3A_283, %swap3A_284] : memref<64x8x768xf32, #tpu.memory_space<vmem>>, vector<64x1x64xf32>
    %swap3A_286 = vector.shape_cast %swap3A_285 : vector<64x1x64xf32> to vector<64x64xf32>
    %swap3A_287 = vector.shape_cast %mul3A_281 : vector<64x64xf32> to vector<64x1x64xf32>
    tpu.vector_store %arg3[%swap3A_282, %swap3A_283, %swap3A_284], %swap3A_287 {strides = array<i32>} : memref<64x8x768xf32, #tpu.memory_space<vmem>>, vector<64x1x64xf32>,
    %broadcast_in_dim3A_288 = arith.constant 0.000000e+00 : f32
    %broadcast_in_dim3A_289 = vector.broadcast %broadcast_in_dim3A_288 : f32 to vector<64x192xf32>
    %swap3A_290 = arith.constant 0 : index
    %swap3A_291 = arith.constant 6 : index
    %swap3A_292 = arith.constant 576 : index
    %swap3A_293 = vector.load %arg3[%swap3A_290, %swap3A_291, %swap3A_292] : memref<64x8x768xf32, #tpu.memory_space<vmem>>, vector<64x1x192xf32>
    %swap3A_294 = vector.shape_cast %swap3A_293 : vector<64x1x192xf32> to vector<64x192xf32>
    %swap3A_295 = vector.shape_cast %broadcast_in_dim3A_289 : vector<64x192xf32> to vector<64x1x192xf32>
    tpu.vector_store %arg3[%swap3A_290, %swap3A_291, %swap3A_292], %swap3A_295 {strides = array<i32>} : memref<64x8x768xf32, #tpu.memory_space<vmem>>, vector<64x1x192xf32>,
    %get3A_296 = arith.constant 0 : index
    %get3A_297 = arith.constant 7 : index
    %get3A_298 = arith.constant 0 : index
    %get3A_299 = vector.load %arg1[%get3A_296, %get3A_297, %get3A_298] : memref<64x8x192xf32, #tpu.memory_space<vmem>>, vector<64x1x128xf32>
    %get3A_300 = vector.shape_cast %get3A_299 : vector<64x1x128xf32> to vector<64x128xf32>
    %get3A_301 = arith.constant 0 : index
    %get3A_302 = arith.constant 7 : index
    %get3A_303 = arith.constant 128 : index
    %get3A_304 = vector.load %arg1[%get3A_301, %get3A_302, %get3A_303] : memref<64x8x192xf32, #tpu.memory_space<vmem>>, vector<64x1x64xf32>
    %get3A_305 = vector.shape_cast %get3A_304 : vector<64x1x64xf32> to vector<64x64xf32>
    %get3A_306 = arith.constant 7 : index
    %get3A_307 = arith.constant 0 : index
    %get3A_308 = arith.constant 0 : index
    %get3A_309 = vector.load %arg2[%get3A_306, %get3A_307, %get3A_308] : memref<8x128x512xf32, #tpu.memory_space<vmem>>, vector<1x128x512xf32>
    %get3A_310 = vector.shape_cast %get3A_309 : vector<1x128x512xf32> to vector<128x512xf32>
    %dot_general3A_311 = arith.constant dense<0.000000e+00> : vector<64x512xf32>
    %dot_general3A_312 = tpu.matmul %get3A_300, %get3A_310, %dot_general3A_311 {dimension_numbers = #tpu.dot_dimension_numbers<[1], [0], [0], [1], [0, 0, 1, 1], [], []>, transpose_lhs_hint = false} : vector<64x128xf32>, vector<128x512xf32>, vector<64x512xf32> -> vector<64x512xf32>
    %mul3A_313 = arith.constant 0.0721687824 : f32
    %mul3A_314 = vector.broadcast %mul3A_313 : f32 to vector<64x512xf32>
    %mul3A_315 = arith.mulf %dot_general3A_312, %mul3A_314 : vector<64x512xf32>
    %swap3A_316 = arith.constant 0 : index
    %swap3A_317 = arith.constant 7 : index
    %swap3A_318 = arith.constant 0 : index
    %swap3A_319 = vector.load %arg3[%swap3A_316, %swap3A_317, %swap3A_318] : memref<64x8x768xf32, #tpu.memory_space<vmem>>, vector<64x1x512xf32>
    %swap3A_320 = vector.shape_cast %swap3A_319 : vector<64x1x512xf32> to vector<64x512xf32>
    %swap3A_321 = vector.shape_cast %mul3A_315 : vector<64x512xf32> to vector<64x1x512xf32>
    tpu.vector_store %arg3[%swap3A_316, %swap3A_317, %swap3A_318], %swap3A_321 {strides = array<i32>} : memref<64x8x768xf32, #tpu.memory_space<vmem>>, vector<64x1x512xf32>,
    %mul3A_322 = arith.constant 0.0721687824 : f32
    %mul3A_323 = vector.broadcast %mul3A_322 : f32 to vector<64x64xf32>
    %mul3A_324 = arith.mulf %get3A_305, %mul3A_323 : vector<64x64xf32>
    %swap3A_325 = arith.constant 0 : index
    %swap3A_326 = arith.constant 7 : index
    %swap3A_327 = arith.constant 512 : index
    %swap3A_328 = vector.load %arg3[%swap3A_325, %swap3A_326, %swap3A_327] : memref<64x8x768xf32, #tpu.memory_space<vmem>>, vector<64x1x64xf32>
    %swap3A_329 = vector.shape_cast %swap3A_328 : vector<64x1x64xf32> to vector<64x64xf32>
    %swap3A_330 = vector.shape_cast %mul3A_324 : vector<64x64xf32> to vector<64x1x64xf32>
    tpu.vector_store %arg3[%swap3A_325, %swap3A_326, %swap3A_327], %swap3A_330 {strides = array<i32>} : memref<64x8x768xf32, #tpu.memory_space<vmem>>, vector<64x1x64xf32>,
    %broadcast_in_dim3A_331 = arith.constant 0.000000e+00 : f32
    %broadcast_in_dim3A_332 = vector.broadcast %broadcast_in_dim3A_331 : f32 to vector<64x192xf32>
    %swap3A_333 = arith.constant 0 : index
    %swap3A_334 = arith.constant 7 : index
    %swap3A_335 = arith.constant 576 : index
    %swap3A_336 = vector.load %arg3[%swap3A_333, %swap3A_334, %swap3A_335] : memref<64x8x768xf32, #tpu.memory_space<vmem>>, vector<64x1x192xf32>
    %swap3A_337 = vector.shape_cast %swap3A_336 : vector<64x1x192xf32> to vector<64x192xf32>
    %swap3A_338 = vector.shape_cast %broadcast_in_dim3A_332 : vector<64x192xf32> to vector<64x1x192xf32>
    tpu.vector_store %arg3[%swap3A_333, %swap3A_334, %swap3A_335], %swap3A_338 {strides = array<i32>} : memref<64x8x768xf32, #tpu.memory_space<vmem>>, vector<64x1x192xf32>,
    return
  }
  func.func @transform_0(%arg0: i32) -> (i32, i32, i32) {
    %c0_i32 = arith.constant 0 : i32
    %c0_i32_0 = arith.constant 0 : i32
    %c0_i32_1 = arith.constant 0 : i32
    return %c0_i32, %arg0, %c0_i32_0 : i32, i32, i32
  }
  func.func @transform_1(%arg0: i32) -> (i32, i32, i32) {
    %c0_i32 = arith.constant 0 : i32
    %c0_i32_0 = arith.constant 0 : i32
    %c0_i32_1 = arith.constant 0 : i32
    return %arg0, %c0_i32, %c0_i32_0 : i32, i32, i32
  }
  func.func @transform_2(%arg0: i32) -> (i32, i32, i32) {
    %c0_i32 = arith.constant 0 : i32
    %c0_i32_0 = arith.constant 0 : i32
    %c0_i32_1 = arith.constant 0 : i32
    return %c0_i32, %arg0, %c0_i32_0 : i32, i32, i32
  }
}

module attributes {stable_mosaic.version = 14 : i64} {
  func.func @_attn_body(%arg0: i32, %arg1: memref<1x64x768xf32, #tpu.memory_space<vmem>>, %arg2: memref<64x1xf32, #tpu.memory_space<vmem>>, %arg3: memref<1x2048x256xi32, #tpu.memory_space<vmem>>, %arg4: memref<1x2048x128xi32, #tpu.memory_space<vmem>>, %arg5: memref<1x64x512xf32, #tpu.memory_space<vmem>>) attributes {dimension_semantics = [#tpu.dimension_semantics<arbitrary>], iteration_bounds = array<i64: 16>, scalar_prefetch = 0 : i64, scratch_operands = 0 : i64, tpu.core_type = #tpu.core_type<tc>, window_params = [{transform_indices = @transform_0, window_bounds = array<i64: 1, 64, 768>}, {pipeline_mode = #tpu.pipeline_mode<synchronous>, transform_indices = @transform_1, window_bounds = array<i64: 64, 1>}, {transform_indices = @transform_2, window_bounds = array<i64: 1, 2048, 256>}, {transform_indices = @transform_3, window_bounds = array<i64: 1, 2048, 128>}, {transform_indices = @transform_4, window_bounds = array<i64: 1, 64, 512>}]} {
    %get3A = arith.constant 0 : index
    %get3A_0 = arith.constant 0 : index
    %get3A_1 = arith.constant 0 : index
    %get3A_2 = vector.load %arg1[%get3A, %get3A_0, %get3A_1] : memref<1x64x768xf32, #tpu.memory_space<vmem>>, vector<1x64x768xf32>
    %get3A_3 = vector.shape_cast %get3A_2 : vector<1x64x768xf32> to vector<64x768xf32>
    %convert_element_type3A = arith.truncf %get3A_3 : vector<64x768xf32> to vector<64x768xbf16>
    %get3A_4 = arith.constant 0 : index
    %get3A_5 = arith.constant 0 : index
    %get3A_6 = arith.constant 0 : index
    %get3A_7 = vector.load %arg3[%get3A_4, %get3A_5, %get3A_6] : memref<1x2048x256xi32, #tpu.memory_space<vmem>>, vector<1x2048x256xi32>
    %get3A_8 = vector.shape_cast %get3A_7 : vector<1x2048x256xi32> to vector<2048x256xi32>
    %get3A_9 = arith.constant 0 : index
    %get3A_10 = arith.constant 0 : index
    %get3A_11 = arith.constant 0 : index
    %get3A_12 = vector.load %arg4[%get3A_9, %get3A_10, %get3A_11] : memref<1x2048x128xi32, #tpu.memory_space<vmem>>, vector<1x2048x128xi32>
    %get3A_13 = vector.shape_cast %get3A_12 : vector<1x2048x128xi32> to vector<2048x128xi32>
    %shift_left3A = arith.constant 16 : i32
    %shift_left3A_14 = vector.broadcast %shift_left3A : i32 to vector<2048x256xi32>
    %shift_left3A_15 = arith.shli %get3A_8, %shift_left3A_14 : vector<2048x256xi32>
    %bitcast_convert_type3A = tpu.bitcast %shift_left3A_15 : vector<2048x256xi32> -> vector<2048x256xf32>
    %convert_element_type3A_16 = arith.truncf %bitcast_convert_type3A : vector<2048x256xf32> to vector<2048x256xbf16>
    %and3A = arith.constant -65536 : i32
    %and3A_17 = vector.broadcast %and3A : i32 to vector<2048x256xi32>
    %and3A_18 = arith.andi %get3A_8, %and3A_17 : vector<2048x256xi32>
    %bitcast_convert_type3A_19 = tpu.bitcast %and3A_18 : vector<2048x256xi32> -> vector<2048x256xf32>
    %convert_element_type3A_20 = arith.truncf %bitcast_convert_type3A_19 : vector<2048x256xf32> to vector<2048x256xbf16>
    %shift_left3A_21 = arith.constant 16 : i32
    %shift_left3A_22 = vector.broadcast %shift_left3A_21 : i32 to vector<2048x128xi32>
    %shift_left3A_23 = arith.shli %get3A_13, %shift_left3A_22 : vector<2048x128xi32>
    %bitcast_convert_type3A_24 = tpu.bitcast %shift_left3A_23 : vector<2048x128xi32> -> vector<2048x128xf32>
    %convert_element_type3A_25 = arith.truncf %bitcast_convert_type3A_24 : vector<2048x128xf32> to vector<2048x128xbf16>
    %slice3A = vector.extract_strided_slice %convert_element_type3A {offsets = [0, 0], sizes = [64, 256], strides = [1, 1]} : vector<64x768xbf16> to vector<64x256xbf16>
    %dot_general3A = arith.constant dense<0.000000e+00> : vector<64x2048xf32>
    %dot_general3A_26 = tpu.matmul %slice3A, %convert_element_type3A_16, %dot_general3A {dimension_numbers = #tpu.dot_dimension_numbers<[1], [1], [0], [0], [0, 0, 1, 0], [], []>, transpose_lhs_hint = false} : vector<64x256xbf16>, vector<2048x256xbf16>, vector<64x2048xf32> -> vector<64x2048xf32>
    %slice3A_27 = vector.extract_strided_slice %convert_element_type3A {offsets = [0, 256], sizes = [64, 128], strides = [1, 1]} : vector<64x768xbf16> to vector<64x128xbf16>
    %dot_general3A_28 = arith.constant dense<0.000000e+00> : vector<64x2048xf32>
    %dot_general3A_29 = tpu.matmul %slice3A_27, %convert_element_type3A_25, %dot_general3A_28 {dimension_numbers = #tpu.dot_dimension_numbers<[1], [1], [0], [0], [0, 0, 1, 0], [], []>, transpose_lhs_hint = false} : vector<64x128xbf16>, vector<2048x128xbf16>, vector<64x2048xf32> -> vector<64x2048xf32>
    %add3A = arith.addf %dot_general3A_26, %dot_general3A_29 : vector<64x2048xf32>
    %slice3A_30 = vector.extract_strided_slice %convert_element_type3A {offsets = [0, 384], sizes = [64, 256], strides = [1, 1]} : vector<64x768xbf16> to vector<64x256xbf16>
    %dot_general3A_31 = arith.constant dense<0.000000e+00> : vector<64x2048xf32>
    %dot_general3A_32 = tpu.matmul %slice3A_30, %convert_element_type3A_20, %dot_general3A_31 {dimension_numbers = #tpu.dot_dimension_numbers<[1], [1], [0], [0], [0, 0, 1, 0], [], []>, transpose_lhs_hint = false} : vector<64x256xbf16>, vector<2048x256xbf16>, vector<64x2048xf32> -> vector<64x2048xf32>
    %add3A_33 = arith.addf %add3A, %dot_general3A_32 : vector<64x2048xf32>
    %get3A_34 = arith.constant 0 : index
    %get3A_35 = arith.constant 0 : index
    %get3A_36 = vector.load %arg2[%get3A_34, %get3A_35] : memref<64x1xf32, #tpu.memory_space<vmem>>, vector<64x1xf32>
    %reduce_max3A = arith.constant dense<0xFF800000> : vector<64xf32>
    %reduce_max3A_37 = vector.multi_reduction <maximumf>, %add3A_33, %reduce_max3A [1] : vector<64x2048xf32> to vector<64xf32>
    %broadcast_in_dim3A = vector.shape_cast %reduce_max3A_37 : vector<64xf32> to vector<64x1xf32>
    %max3A = arith.maximumf %broadcast_in_dim3A, %get3A_36 : vector<64x1xf32>
    %sub3A = vector.broadcast %max3A : vector<64x1xf32> to vector<64x2048xf32>
    %sub3A_38 = arith.subf %add3A_33, %sub3A : vector<64x2048xf32>
    %exp3A = math.exp %sub3A_38 : vector<64x2048xf32>
    %reduce_sum3A = arith.constant dense<0.000000e+00> : vector<64xf32>
    %reduce_sum3A_39 = vector.multi_reduction <add>, %exp3A, %reduce_sum3A [1] : vector<64x2048xf32> to vector<64xf32>
    %broadcast_in_dim3A_40 = vector.shape_cast %reduce_sum3A_39 : vector<64xf32> to vector<64x1xf32>
    %sub3A_41 = arith.subf %get3A_36, %max3A : vector<64x1xf32>
    %exp3A_42 = math.exp %sub3A_41 : vector<64x1xf32>
    %add3A_43 = arith.addf %broadcast_in_dim3A_40, %exp3A_42 : vector<64x1xf32>
    %div3A = arith.constant 1.000000e+00 : f32
    %div3A_44 = vector.broadcast %div3A : f32 to vector<64x1xf32>
    %div3A_45 = arith.divf %div3A_44, %add3A_43 : vector<64x1xf32>
    %convert_element_type3A_46 = arith.truncf %exp3A : vector<64x2048xf32> to vector<64x2048xbf16>
    %dot_general3A_47 = arith.constant dense<0.000000e+00> : vector<64x256xf32>
    %dot_general3A_48 = tpu.matmul %convert_element_type3A_46, %convert_element_type3A_16, %dot_general3A_47 {dimension_numbers = #tpu.dot_dimension_numbers<[1], [0], [0], [1], [0, 0, 1, 1], [], []>, transpose_lhs_hint = false} : vector<64x2048xbf16>, vector<2048x256xbf16>, vector<64x256xf32> -> vector<64x256xf32>
    %dot_general3A_49 = arith.constant dense<0.000000e+00> : vector<64x128xf32>
    %dot_general3A_50 = tpu.matmul %convert_element_type3A_46, %convert_element_type3A_25, %dot_general3A_49 {dimension_numbers = #tpu.dot_dimension_numbers<[1], [0], [0], [1], [0, 0, 1, 1], [], []>, transpose_lhs_hint = false} : vector<64x2048xbf16>, vector<2048x128xbf16>, vector<64x128xf32> -> vector<64x128xf32>
    %slice3A_51 = vector.extract_strided_slice %convert_element_type3A_20 {offsets = [0, 0], sizes = [2048, 128], strides = [1, 1]} : vector<2048x256xbf16> to vector<2048x128xbf16>
    %dot_general3A_52 = arith.constant dense<0.000000e+00> : vector<64x128xf32>
    %dot_general3A_53 = tpu.matmul %convert_element_type3A_46, %slice3A_51, %dot_general3A_52 {dimension_numbers = #tpu.dot_dimension_numbers<[1], [0], [0], [1], [0, 0, 1, 1], [], []>, transpose_lhs_hint = false} : vector<64x2048xbf16>, vector<2048x128xbf16>, vector<64x128xf32> -> vector<64x128xf32>
    %mul3A = vector.broadcast %div3A_45 : vector<64x1xf32> to vector<64x256xf32>
    %mul3A_54 = arith.mulf %dot_general3A_48, %mul3A : vector<64x256xf32>
    %swap3A = arith.constant 0 : index
    %swap3A_55 = arith.constant 0 : index
    %swap3A_56 = arith.constant 0 : index
    %swap3A_57 = vector.load %arg5[%swap3A, %swap3A_55, %swap3A_56] : memref<1x64x512xf32, #tpu.memory_space<vmem>>, vector<1x64x256xf32>
    %swap3A_58 = vector.shape_cast %swap3A_57 : vector<1x64x256xf32> to vector<64x256xf32>
    %swap3A_59 = vector.shape_cast %mul3A_54 : vector<64x256xf32> to vector<1x64x256xf32>
    tpu.vector_store %arg5[%swap3A, %swap3A_55, %swap3A_56], %swap3A_59 {strides = array<i32>} : memref<1x64x512xf32, #tpu.memory_space<vmem>>, vector<1x64x256xf32>,
    %mul3A_60 = vector.broadcast %div3A_45 : vector<64x1xf32> to vector<64x128xf32>
    %mul3A_61 = arith.mulf %dot_general3A_50, %mul3A_60 : vector<64x128xf32>
    %swap3A_62 = arith.constant 0 : index
    %swap3A_63 = arith.constant 0 : index
    %swap3A_64 = arith.constant 256 : index
    %swap3A_65 = vector.load %arg5[%swap3A_62, %swap3A_63, %swap3A_64] : memref<1x64x512xf32, #tpu.memory_space<vmem>>, vector<1x64x128xf32>
    %swap3A_66 = vector.shape_cast %swap3A_65 : vector<1x64x128xf32> to vector<64x128xf32>
    %swap3A_67 = vector.shape_cast %mul3A_61 : vector<64x128xf32> to vector<1x64x128xf32>
    tpu.vector_store %arg5[%swap3A_62, %swap3A_63, %swap3A_64], %swap3A_67 {strides = array<i32>} : memref<1x64x512xf32, #tpu.memory_space<vmem>>, vector<1x64x128xf32>,
    %mul3A_68 = vector.broadcast %div3A_45 : vector<64x1xf32> to vector<64x128xf32>
    %mul3A_69 = arith.mulf %dot_general3A_53, %mul3A_68 : vector<64x128xf32>
    %swap3A_70 = arith.constant 0 : index
    %swap3A_71 = arith.constant 0 : index
    %swap3A_72 = arith.constant 384 : index
    %swap3A_73 = vector.load %arg5[%swap3A_70, %swap3A_71, %swap3A_72] : memref<1x64x512xf32, #tpu.memory_space<vmem>>, vector<1x64x128xf32>
    %swap3A_74 = vector.shape_cast %swap3A_73 : vector<1x64x128xf32> to vector<64x128xf32>
    %swap3A_75 = vector.shape_cast %mul3A_69 : vector<64x128xf32> to vector<1x64x128xf32>
    tpu.vector_store %arg5[%swap3A_70, %swap3A_71, %swap3A_72], %swap3A_75 {strides = array<i32>} : memref<1x64x512xf32, #tpu.memory_space<vmem>>, vector<1x64x128xf32>,
    return
  }
  func.func @transform_0(%arg0: i32) -> (i32, i32, i32) {
    %add3A = arith.constant 48 : i32
    %add3A_0 = arith.addi %add3A, %arg0 : i32
    %c0_i32 = arith.constant 0 : i32
    %c0_i32_1 = arith.constant 0 : i32
    %c0_i32_2 = arith.constant 0 : i32
    return %add3A_0, %c0_i32, %c0_i32_1 : i32, i32, i32
  }
  func.func @transform_1(%arg0: i32) -> (i32, i32) {
    %c0_i32 = arith.constant 0 : i32
    %c0_i32_0 = arith.constant 0 : i32
    %c0_i32_1 = arith.constant 0 : i32
    return %c0_i32, %c0_i32_0 : i32, i32
  }
  func.func @transform_2(%arg0: i32) -> (i32, i32, i32) {
    %c0_i32 = arith.constant 0 : i32
    %c0_i32_0 = arith.constant 0 : i32
    %c0_i32_1 = arith.constant 0 : i32
    return %arg0, %c0_i32, %c0_i32_0 : i32, i32, i32
  }
  func.func @transform_3(%arg0: i32) -> (i32, i32, i32) {
    %c0_i32 = arith.constant 0 : i32
    %c2_i32 = arith.constant 2 : i32
    %c0_i32_0 = arith.constant 0 : i32
    return %arg0, %c0_i32, %c2_i32 : i32, i32, i32
  }
  func.func @transform_4(%arg0: i32) -> (i32, i32, i32) {
    %c0_i32 = arith.constant 0 : i32
    %c0_i32_0 = arith.constant 0 : i32
    %c0_i32_1 = arith.constant 0 : i32
    return %arg0, %c0_i32, %c0_i32_0 : i32, i32, i32
  }
}

module attributes {stable_mosaic.version = 14 : i64} {
  func.func @_attn_body(%arg0: i32, %arg1: memref<1x64x768xf32, #tpu.memory_space<vmem>>, %arg2: memref<64x1xf32, #tpu.memory_space<vmem>>, %arg3: memref<1x2048x256xi32, #tpu.memory_space<vmem>>, %arg4: memref<1x2048x128xi32, #tpu.memory_space<vmem>>, %arg5: memref<1x64x512xf32, #tpu.memory_space<vmem>>) attributes {dimension_semantics = [#tpu.dimension_semantics<arbitrary>], iteration_bounds = array<i64: 16>, scalar_prefetch = 0 : i64, scratch_operands = 0 : i64, tpu.core_type = #tpu.core_type<tc>, window_params = [{transform_indices = @transform_0, window_bounds = array<i64: 1, 64, 768>}, {pipeline_mode = #tpu.pipeline_mode<synchronous>, transform_indices = @transform_1, window_bounds = array<i64: 64, 1>}, {transform_indices = @transform_2, window_bounds = array<i64: 1, 2048, 256>}, {transform_indices = @transform_3, window_bounds = array<i64: 1, 2048, 128>}, {transform_indices = @transform_4, window_bounds = array<i64: 1, 64, 512>}]} {
    %get3A = arith.constant 0 : index
    %get3A_0 = arith.constant 0 : index
    %get3A_1 = arith.constant 0 : index
    %get3A_2 = vector.load %arg1[%get3A, %get3A_0, %get3A_1] : memref<1x64x768xf32, #tpu.memory_space<vmem>>, vector<1x64x768xf32>
    %get3A_3 = vector.shape_cast %get3A_2 : vector<1x64x768xf32> to vector<64x768xf32>
    %convert_element_type3A = arith.truncf %get3A_3 : vector<64x768xf32> to vector<64x768xbf16>
    %get3A_4 = arith.constant 0 : index
    %get3A_5 = arith.constant 0 : index
    %get3A_6 = arith.constant 0 : index
    %get3A_7 = vector.load %arg3[%get3A_4, %get3A_5, %get3A_6] : memref<1x2048x256xi32, #tpu.memory_space<vmem>>, vector<1x2048x256xi32>
    %get3A_8 = vector.shape_cast %get3A_7 : vector<1x2048x256xi32> to vector<2048x256xi32>
    %get3A_9 = arith.constant 0 : index
    %get3A_10 = arith.constant 0 : index
    %get3A_11 = arith.constant 0 : index
    %get3A_12 = vector.load %arg4[%get3A_9, %get3A_10, %get3A_11] : memref<1x2048x128xi32, #tpu.memory_space<vmem>>, vector<1x2048x128xi32>
    %get3A_13 = vector.shape_cast %get3A_12 : vector<1x2048x128xi32> to vector<2048x128xi32>
    %shift_left3A = arith.constant 16 : i32
    %shift_left3A_14 = vector.broadcast %shift_left3A : i32 to vector<2048x256xi32>
    %shift_left3A_15 = arith.shli %get3A_8, %shift_left3A_14 : vector<2048x256xi32>
    %bitcast_convert_type3A = tpu.bitcast %shift_left3A_15 : vector<2048x256xi32> -> vector<2048x256xf32>
    %convert_element_type3A_16 = arith.truncf %bitcast_convert_type3A : vector<2048x256xf32> to vector<2048x256xbf16>
    %and3A = arith.constant -65536 : i32
    %and3A_17 = vector.broadcast %and3A : i32 to vector<2048x256xi32>
    %and3A_18 = arith.andi %get3A_8, %and3A_17 : vector<2048x256xi32>
    %bitcast_convert_type3A_19 = tpu.bitcast %and3A_18 : vector<2048x256xi32> -> vector<2048x256xf32>
    %convert_element_type3A_20 = arith.truncf %bitcast_convert_type3A_19 : vector<2048x256xf32> to vector<2048x256xbf16>
    %shift_left3A_21 = arith.constant 16 : i32
    %shift_left3A_22 = vector.broadcast %shift_left3A_21 : i32 to vector<2048x128xi32>
    %shift_left3A_23 = arith.shli %get3A_13, %shift_left3A_22 : vector<2048x128xi32>
    %bitcast_convert_type3A_24 = tpu.bitcast %shift_left3A_23 : vector<2048x128xi32> -> vector<2048x128xf32>
    %convert_element_type3A_25 = arith.truncf %bitcast_convert_type3A_24 : vector<2048x128xf32> to vector<2048x128xbf16>
    %slice3A = vector.extract_strided_slice %convert_element_type3A {offsets = [0, 0], sizes = [64, 256], strides = [1, 1]} : vector<64x768xbf16> to vector<64x256xbf16>
    %dot_general3A = arith.constant dense<0.000000e+00> : vector<64x2048xf32>
    %dot_general3A_26 = tpu.matmul %slice3A, %convert_element_type3A_16, %dot_general3A {dimension_numbers = #tpu.dot_dimension_numbers<[1], [1], [0], [0], [0, 0, 1, 0], [], []>, transpose_lhs_hint = false} : vector<64x256xbf16>, vector<2048x256xbf16>, vector<64x2048xf32> -> vector<64x2048xf32>
    %slice3A_27 = vector.extract_strided_slice %convert_element_type3A {offsets = [0, 256], sizes = [64, 128], strides = [1, 1]} : vector<64x768xbf16> to vector<64x128xbf16>
    %dot_general3A_28 = arith.constant dense<0.000000e+00> : vector<64x2048xf32>
    %dot_general3A_29 = tpu.matmul %slice3A_27, %convert_element_type3A_25, %dot_general3A_28 {dimension_numbers = #tpu.dot_dimension_numbers<[1], [1], [0], [0], [0, 0, 1, 0], [], []>, transpose_lhs_hint = false} : vector<64x128xbf16>, vector<2048x128xbf16>, vector<64x2048xf32> -> vector<64x2048xf32>
    %add3A = arith.addf %dot_general3A_26, %dot_general3A_29 : vector<64x2048xf32>
    %slice3A_30 = vector.extract_strided_slice %convert_element_type3A {offsets = [0, 384], sizes = [64, 256], strides = [1, 1]} : vector<64x768xbf16> to vector<64x256xbf16>
    %dot_general3A_31 = arith.constant dense<0.000000e+00> : vector<64x2048xf32>
    %dot_general3A_32 = tpu.matmul %slice3A_30, %convert_element_type3A_20, %dot_general3A_31 {dimension_numbers = #tpu.dot_dimension_numbers<[1], [1], [0], [0], [0, 0, 1, 0], [], []>, transpose_lhs_hint = false} : vector<64x256xbf16>, vector<2048x256xbf16>, vector<64x2048xf32> -> vector<64x2048xf32>
    %add3A_33 = arith.addf %add3A, %dot_general3A_32 : vector<64x2048xf32>
    %get3A_34 = arith.constant 0 : index
    %get3A_35 = arith.constant 0 : index
    %get3A_36 = vector.load %arg2[%get3A_34, %get3A_35] : memref<64x1xf32, #tpu.memory_space<vmem>>, vector<64x1xf32>
    %reduce_max3A = arith.constant dense<0xFF800000> : vector<64xf32>
    %reduce_max3A_37 = vector.multi_reduction <maximumf>, %add3A_33, %reduce_max3A [1] : vector<64x2048xf32> to vector<64xf32>
    %broadcast_in_dim3A = vector.shape_cast %reduce_max3A_37 : vector<64xf32> to vector<64x1xf32>
    %max3A = arith.maximumf %broadcast_in_dim3A, %get3A_36 : vector<64x1xf32>
    %sub3A = vector.broadcast %max3A : vector<64x1xf32> to vector<64x2048xf32>
    %sub3A_38 = arith.subf %add3A_33, %sub3A : vector<64x2048xf32>
    %exp3A = math.exp %sub3A_38 : vector<64x2048xf32>
    %reduce_sum3A = arith.constant dense<0.000000e+00> : vector<64xf32>
    %reduce_sum3A_39 = vector.multi_reduction <add>, %exp3A, %reduce_sum3A [1] : vector<64x2048xf32> to vector<64xf32>
    %broadcast_in_dim3A_40 = vector.shape_cast %reduce_sum3A_39 : vector<64xf32> to vector<64x1xf32>
    %sub3A_41 = arith.subf %get3A_36, %max3A : vector<64x1xf32>
    %exp3A_42 = math.exp %sub3A_41 : vector<64x1xf32>
    %add3A_43 = arith.addf %broadcast_in_dim3A_40, %exp3A_42 : vector<64x1xf32>
    %div3A = arith.constant 1.000000e+00 : f32
    %div3A_44 = vector.broadcast %div3A : f32 to vector<64x1xf32>
    %div3A_45 = arith.divf %div3A_44, %add3A_43 : vector<64x1xf32>
    %convert_element_type3A_46 = arith.truncf %exp3A : vector<64x2048xf32> to vector<64x2048xbf16>
    %dot_general3A_47 = arith.constant dense<0.000000e+00> : vector<64x256xf32>
    %dot_general3A_48 = tpu.matmul %convert_element_type3A_46, %convert_element_type3A_16, %dot_general3A_47 {dimension_numbers = #tpu.dot_dimension_numbers<[1], [0], [0], [1], [0, 0, 1, 1], [], []>, transpose_lhs_hint = false} : vector<64x2048xbf16>, vector<2048x256xbf16>, vector<64x256xf32> -> vector<64x256xf32>
    %dot_general3A_49 = arith.constant dense<0.000000e+00> : vector<64x128xf32>
    %dot_general3A_50 = tpu.matmul %convert_element_type3A_46, %convert_element_type3A_25, %dot_general3A_49 {dimension_numbers = #tpu.dot_dimension_numbers<[1], [0], [0], [1], [0, 0, 1, 1], [], []>, transpose_lhs_hint = false} : vector<64x2048xbf16>, vector<2048x128xbf16>, vector<64x128xf32> -> vector<64x128xf32>
    %slice3A_51 = vector.extract_strided_slice %convert_element_type3A_20 {offsets = [0, 0], sizes = [2048, 128], strides = [1, 1]} : vector<2048x256xbf16> to vector<2048x128xbf16>
    %dot_general3A_52 = arith.constant dense<0.000000e+00> : vector<64x128xf32>
    %dot_general3A_53 = tpu.matmul %convert_element_type3A_46, %slice3A_51, %dot_general3A_52 {dimension_numbers = #tpu.dot_dimension_numbers<[1], [0], [0], [1], [0, 0, 1, 1], [], []>, transpose_lhs_hint = false} : vector<64x2048xbf16>, vector<2048x128xbf16>, vector<64x128xf32> -> vector<64x128xf32>
    %mul3A = vector.broadcast %div3A_45 : vector<64x1xf32> to vector<64x256xf32>
    %mul3A_54 = arith.mulf %dot_general3A_48, %mul3A : vector<64x256xf32>
    %swap3A = arith.constant 0 : index
    %swap3A_55 = arith.constant 0 : index
    %swap3A_56 = arith.constant 0 : index
    %swap3A_57 = vector.load %arg5[%swap3A, %swap3A_55, %swap3A_56] : memref<1x64x512xf32, #tpu.memory_space<vmem>>, vector<1x64x256xf32>
    %swap3A_58 = vector.shape_cast %swap3A_57 : vector<1x64x256xf32> to vector<64x256xf32>
    %swap3A_59 = vector.shape_cast %mul3A_54 : vector<64x256xf32> to vector<1x64x256xf32>
    tpu.vector_store %arg5[%swap3A, %swap3A_55, %swap3A_56], %swap3A_59 {strides = array<i32>} : memref<1x64x512xf32, #tpu.memory_space<vmem>>, vector<1x64x256xf32>,
    %mul3A_60 = vector.broadcast %div3A_45 : vector<64x1xf32> to vector<64x128xf32>
    %mul3A_61 = arith.mulf %dot_general3A_50, %mul3A_60 : vector<64x128xf32>
    %swap3A_62 = arith.constant 0 : index
    %swap3A_63 = arith.constant 0 : index
    %swap3A_64 = arith.constant 256 : index
    %swap3A_65 = vector.load %arg5[%swap3A_62, %swap3A_63, %swap3A_64] : memref<1x64x512xf32, #tpu.memory_space<vmem>>, vector<1x64x128xf32>
    %swap3A_66 = vector.shape_cast %swap3A_65 : vector<1x64x128xf32> to vector<64x128xf32>
    %swap3A_67 = vector.shape_cast %mul3A_61 : vector<64x128xf32> to vector<1x64x128xf32>
    tpu.vector_store %arg5[%swap3A_62, %swap3A_63, %swap3A_64], %swap3A_67 {strides = array<i32>} : memref<1x64x512xf32, #tpu.memory_space<vmem>>, vector<1x64x128xf32>,
    %mul3A_68 = vector.broadcast %div3A_45 : vector<64x1xf32> to vector<64x128xf32>
    %mul3A_69 = arith.mulf %dot_general3A_53, %mul3A_68 : vector<64x128xf32>
    %swap3A_70 = arith.constant 0 : index
    %swap3A_71 = arith.constant 0 : index
    %swap3A_72 = arith.constant 384 : index
    %swap3A_73 = vector.load %arg5[%swap3A_70, %swap3A_71, %swap3A_72] : memref<1x64x512xf32, #tpu.memory_space<vmem>>, vector<1x64x128xf32>
    %swap3A_74 = vector.shape_cast %swap3A_73 : vector<1x64x128xf32> to vector<64x128xf32>
    %swap3A_75 = vector.shape_cast %mul3A_69 : vector<64x128xf32> to vector<1x64x128xf32>
    tpu.vector_store %arg5[%swap3A_70, %swap3A_71, %swap3A_72], %swap3A_75 {strides = array<i32>} : memref<1x64x512xf32, #tpu.memory_space<vmem>>, vector<1x64x128xf32>,
    return
  }
  func.func @transform_0(%arg0: i32) -> (i32, i32, i32) {
    %add3A = arith.constant 32 : i32
    %add3A_0 = arith.addi %add3A, %arg0 : i32
    %c0_i32 = arith.constant 0 : i32
    %c0_i32_1 = arith.constant 0 : i32
    %c0_i32_2 = arith.constant 0 : i32
    return %add3A_0, %c0_i32, %c0_i32_1 : i32, i32, i32
  }
  func.func @transform_1(%arg0: i32) -> (i32, i32) {
    %c0_i32 = arith.constant 0 : i32
    %c0_i32_0 = arith.constant 0 : i32
    %c0_i32_1 = arith.constant 0 : i32
    return %c0_i32, %c0_i32_0 : i32, i32
  }
  func.func @transform_2(%arg0: i32) -> (i32, i32, i32) {
    %c0_i32 = arith.constant 0 : i32
    %c0_i32_0 = arith.constant 0 : i32
    %c0_i32_1 = arith.constant 0 : i32
    return %arg0, %c0_i32, %c0_i32_0 : i32, i32, i32
  }
  func.func @transform_3(%arg0: i32) -> (i32, i32, i32) {
    %c0_i32 = arith.constant 0 : i32
    %c2_i32 = arith.constant 2 : i32
    %c0_i32_0 = arith.constant 0 : i32
    return %arg0, %c0_i32, %c2_i32 : i32, i32, i32
  }
  func.func @transform_4(%arg0: i32) -> (i32, i32, i32) {
    %c0_i32 = arith.constant 0 : i32
    %c0_i32_0 = arith.constant 0 : i32
    %c0_i32_1 = arith.constant 0 : i32
    return %arg0, %c0_i32, %c0_i32_0 : i32, i32, i32
  }
}

module attributes {stable_mosaic.version = 14 : i64} {
  func.func @_attn_body(%arg0: i32, %arg1: memref<1x64x768xf32, #tpu.memory_space<vmem>>, %arg2: memref<64x1xf32, #tpu.memory_space<vmem>>, %arg3: memref<1x2048x256xi32, #tpu.memory_space<vmem>>, %arg4: memref<1x2048x128xi32, #tpu.memory_space<vmem>>, %arg5: memref<1x64x512xf32, #tpu.memory_space<vmem>>) attributes {dimension_semantics = [#tpu.dimension_semantics<arbitrary>], iteration_bounds = array<i64: 16>, scalar_prefetch = 0 : i64, scratch_operands = 0 : i64, tpu.core_type = #tpu.core_type<tc>, window_params = [{transform_indices = @transform_0, window_bounds = array<i64: 1, 64, 768>}, {pipeline_mode = #tpu.pipeline_mode<synchronous>, transform_indices = @transform_1, window_bounds = array<i64: 64, 1>}, {transform_indices = @transform_2, window_bounds = array<i64: 1, 2048, 256>}, {transform_indices = @transform_3, window_bounds = array<i64: 1, 2048, 128>}, {transform_indices = @transform_4, window_bounds = array<i64: 1, 64, 512>}]} {
    %get3A = arith.constant 0 : index
    %get3A_0 = arith.constant 0 : index
    %get3A_1 = arith.constant 0 : index
    %get3A_2 = vector.load %arg1[%get3A, %get3A_0, %get3A_1] : memref<1x64x768xf32, #tpu.memory_space<vmem>>, vector<1x64x768xf32>
    %get3A_3 = vector.shape_cast %get3A_2 : vector<1x64x768xf32> to vector<64x768xf32>
    %convert_element_type3A = arith.truncf %get3A_3 : vector<64x768xf32> to vector<64x768xbf16>
    %get3A_4 = arith.constant 0 : index
    %get3A_5 = arith.constant 0 : index
    %get3A_6 = arith.constant 0 : index
    %get3A_7 = vector.load %arg3[%get3A_4, %get3A_5, %get3A_6] : memref<1x2048x256xi32, #tpu.memory_space<vmem>>, vector<1x2048x256xi32>
    %get3A_8 = vector.shape_cast %get3A_7 : vector<1x2048x256xi32> to vector<2048x256xi32>
    %get3A_9 = arith.constant 0 : index
    %get3A_10 = arith.constant 0 : index
    %get3A_11 = arith.constant 0 : index
    %get3A_12 = vector.load %arg4[%get3A_9, %get3A_10, %get3A_11] : memref<1x2048x128xi32, #tpu.memory_space<vmem>>, vector<1x2048x128xi32>
    %get3A_13 = vector.shape_cast %get3A_12 : vector<1x2048x128xi32> to vector<2048x128xi32>
    %shift_left3A = arith.constant 16 : i32
    %shift_left3A_14 = vector.broadcast %shift_left3A : i32 to vector<2048x256xi32>
    %shift_left3A_15 = arith.shli %get3A_8, %shift_left3A_14 : vector<2048x256xi32>
    %bitcast_convert_type3A = tpu.bitcast %shift_left3A_15 : vector<2048x256xi32> -> vector<2048x256xf32>
    %convert_element_type3A_16 = arith.truncf %bitcast_convert_type3A : vector<2048x256xf32> to vector<2048x256xbf16>
    %and3A = arith.constant -65536 : i32
    %and3A_17 = vector.broadcast %and3A : i32 to vector<2048x256xi32>
    %and3A_18 = arith.andi %get3A_8, %and3A_17 : vector<2048x256xi32>
    %bitcast_convert_type3A_19 = tpu.bitcast %and3A_18 : vector<2048x256xi32> -> vector<2048x256xf32>
    %convert_element_type3A_20 = arith.truncf %bitcast_convert_type3A_19 : vector<2048x256xf32> to vector<2048x256xbf16>
    %shift_left3A_21 = arith.constant 16 : i32
    %shift_left3A_22 = vector.broadcast %shift_left3A_21 : i32 to vector<2048x128xi32>
    %shift_left3A_23 = arith.shli %get3A_13, %shift_left3A_22 : vector<2048x128xi32>
    %bitcast_convert_type3A_24 = tpu.bitcast %shift_left3A_23 : vector<2048x128xi32> -> vector<2048x128xf32>
    %convert_element_type3A_25 = arith.truncf %bitcast_convert_type3A_24 : vector<2048x128xf32> to vector<2048x128xbf16>
    %slice3A = vector.extract_strided_slice %convert_element_type3A {offsets = [0, 0], sizes = [64, 256], strides = [1, 1]} : vector<64x768xbf16> to vector<64x256xbf16>
    %dot_general3A = arith.constant dense<0.000000e+00> : vector<64x2048xf32>
    %dot_general3A_26 = tpu.matmul %slice3A, %convert_element_type3A_16, %dot_general3A {dimension_numbers = #tpu.dot_dimension_numbers<[1], [1], [0], [0], [0, 0, 1, 0], [], []>, transpose_lhs_hint = false} : vector<64x256xbf16>, vector<2048x256xbf16>, vector<64x2048xf32> -> vector<64x2048xf32>
    %slice3A_27 = vector.extract_strided_slice %convert_element_type3A {offsets = [0, 256], sizes = [64, 128], strides = [1, 1]} : vector<64x768xbf16> to vector<64x128xbf16>
    %dot_general3A_28 = arith.constant dense<0.000000e+00> : vector<64x2048xf32>
    %dot_general3A_29 = tpu.matmul %slice3A_27, %convert_element_type3A_25, %dot_general3A_28 {dimension_numbers = #tpu.dot_dimension_numbers<[1], [1], [0], [0], [0, 0, 1, 0], [], []>, transpose_lhs_hint = false} : vector<64x128xbf16>, vector<2048x128xbf16>, vector<64x2048xf32> -> vector<64x2048xf32>
    %add3A = arith.addf %dot_general3A_26, %dot_general3A_29 : vector<64x2048xf32>
    %slice3A_30 = vector.extract_strided_slice %convert_element_type3A {offsets = [0, 384], sizes = [64, 256], strides = [1, 1]} : vector<64x768xbf16> to vector<64x256xbf16>
    %dot_general3A_31 = arith.constant dense<0.000000e+00> : vector<64x2048xf32>
    %dot_general3A_32 = tpu.matmul %slice3A_30, %convert_element_type3A_20, %dot_general3A_31 {dimension_numbers = #tpu.dot_dimension_numbers<[1], [1], [0], [0], [0, 0, 1, 0], [], []>, transpose_lhs_hint = false} : vector<64x256xbf16>, vector<2048x256xbf16>, vector<64x2048xf32> -> vector<64x2048xf32>
    %add3A_33 = arith.addf %add3A, %dot_general3A_32 : vector<64x2048xf32>
    %get3A_34 = arith.constant 0 : index
    %get3A_35 = arith.constant 0 : index
    %get3A_36 = vector.load %arg2[%get3A_34, %get3A_35] : memref<64x1xf32, #tpu.memory_space<vmem>>, vector<64x1xf32>
    %reduce_max3A = arith.constant dense<0xFF800000> : vector<64xf32>
    %reduce_max3A_37 = vector.multi_reduction <maximumf>, %add3A_33, %reduce_max3A [1] : vector<64x2048xf32> to vector<64xf32>
    %broadcast_in_dim3A = vector.shape_cast %reduce_max3A_37 : vector<64xf32> to vector<64x1xf32>
    %max3A = arith.maximumf %broadcast_in_dim3A, %get3A_36 : vector<64x1xf32>
    %sub3A = vector.broadcast %max3A : vector<64x1xf32> to vector<64x2048xf32>
    %sub3A_38 = arith.subf %add3A_33, %sub3A : vector<64x2048xf32>
    %exp3A = math.exp %sub3A_38 : vector<64x2048xf32>
    %reduce_sum3A = arith.constant dense<0.000000e+00> : vector<64xf32>
    %reduce_sum3A_39 = vector.multi_reduction <add>, %exp3A, %reduce_sum3A [1] : vector<64x2048xf32> to vector<64xf32>
    %broadcast_in_dim3A_40 = vector.shape_cast %reduce_sum3A_39 : vector<64xf32> to vector<64x1xf32>
    %sub3A_41 = arith.subf %get3A_36, %max3A : vector<64x1xf32>
    %exp3A_42 = math.exp %sub3A_41 : vector<64x1xf32>
    %add3A_43 = arith.addf %broadcast_in_dim3A_40, %exp3A_42 : vector<64x1xf32>
    %div3A = arith.constant 1.000000e+00 : f32
    %div3A_44 = vector.broadcast %div3A : f32 to vector<64x1xf32>
    %div3A_45 = arith.divf %div3A_44, %add3A_43 : vector<64x1xf32>
    %convert_element_type3A_46 = arith.truncf %exp3A : vector<64x2048xf32> to vector<64x2048xbf16>
    %dot_general3A_47 = arith.constant dense<0.000000e+00> : vector<64x256xf32>
    %dot_general3A_48 = tpu.matmul %convert_element_type3A_46, %convert_element_type3A_16, %dot_general3A_47 {dimension_numbers = #tpu.dot_dimension_numbers<[1], [0], [0], [1], [0, 0, 1, 1], [], []>, transpose_lhs_hint = false} : vector<64x2048xbf16>, vector<2048x256xbf16>, vector<64x256xf32> -> vector<64x256xf32>
    %dot_general3A_49 = arith.constant dense<0.000000e+00> : vector<64x128xf32>
    %dot_general3A_50 = tpu.matmul %convert_element_type3A_46, %convert_element_type3A_25, %dot_general3A_49 {dimension_numbers = #tpu.dot_dimension_numbers<[1], [0], [0], [1], [0, 0, 1, 1], [], []>, transpose_lhs_hint = false} : vector<64x2048xbf16>, vector<2048x128xbf16>, vector<64x128xf32> -> vector<64x128xf32>
    %slice3A_51 = vector.extract_strided_slice %convert_element_type3A_20 {offsets = [0, 0], sizes = [2048, 128], strides = [1, 1]} : vector<2048x256xbf16> to vector<2048x128xbf16>
    %dot_general3A_52 = arith.constant dense<0.000000e+00> : vector<64x128xf32>
    %dot_general3A_53 = tpu.matmul %convert_element_type3A_46, %slice3A_51, %dot_general3A_52 {dimension_numbers = #tpu.dot_dimension_numbers<[1], [0], [0], [1], [0, 0, 1, 1], [], []>, transpose_lhs_hint = false} : vector<64x2048xbf16>, vector<2048x128xbf16>, vector<64x128xf32> -> vector<64x128xf32>
    %mul3A = vector.broadcast %div3A_45 : vector<64x1xf32> to vector<64x256xf32>
    %mul3A_54 = arith.mulf %dot_general3A_48, %mul3A : vector<64x256xf32>
    %swap3A = arith.constant 0 : index
    %swap3A_55 = arith.constant 0 : index
    %swap3A_56 = arith.constant 0 : index
    %swap3A_57 = vector.load %arg5[%swap3A, %swap3A_55, %swap3A_56] : memref<1x64x512xf32, #tpu.memory_space<vmem>>, vector<1x64x256xf32>
    %swap3A_58 = vector.shape_cast %swap3A_57 : vector<1x64x256xf32> to vector<64x256xf32>
    %swap3A_59 = vector.shape_cast %mul3A_54 : vector<64x256xf32> to vector<1x64x256xf32>
    tpu.vector_store %arg5[%swap3A, %swap3A_55, %swap3A_56], %swap3A_59 {strides = array<i32>} : memref<1x64x512xf32, #tpu.memory_space<vmem>>, vector<1x64x256xf32>,
    %mul3A_60 = vector.broadcast %div3A_45 : vector<64x1xf32> to vector<64x128xf32>
    %mul3A_61 = arith.mulf %dot_general3A_50, %mul3A_60 : vector<64x128xf32>
    %swap3A_62 = arith.constant 0 : index
    %swap3A_63 = arith.constant 0 : index
    %swap3A_64 = arith.constant 256 : index
    %swap3A_65 = vector.load %arg5[%swap3A_62, %swap3A_63, %swap3A_64] : memref<1x64x512xf32, #tpu.memory_space<vmem>>, vector<1x64x128xf32>
    %swap3A_66 = vector.shape_cast %swap3A_65 : vector<1x64x128xf32> to vector<64x128xf32>
    %swap3A_67 = vector.shape_cast %mul3A_61 : vector<64x128xf32> to vector<1x64x128xf32>
    tpu.vector_store %arg5[%swap3A_62, %swap3A_63, %swap3A_64], %swap3A_67 {strides = array<i32>} : memref<1x64x512xf32, #tpu.memory_space<vmem>>, vector<1x64x128xf32>,
    %mul3A_68 = vector.broadcast %div3A_45 : vector<64x1xf32> to vector<64x128xf32>
    %mul3A_69 = arith.mulf %dot_general3A_53, %mul3A_68 : vector<64x128xf32>
    %swap3A_70 = arith.constant 0 : index
    %swap3A_71 = arith.constant 0 : index
    %swap3A_72 = arith.constant 384 : index
    %swap3A_73 = vector.load %arg5[%swap3A_70, %swap3A_71, %swap3A_72] : memref<1x64x512xf32, #tpu.memory_space<vmem>>, vector<1x64x128xf32>
    %swap3A_74 = vector.shape_cast %swap3A_73 : vector<1x64x128xf32> to vector<64x128xf32>
    %swap3A_75 = vector.shape_cast %mul3A_69 : vector<64x128xf32> to vector<1x64x128xf32>
    tpu.vector_store %arg5[%swap3A_70, %swap3A_71, %swap3A_72], %swap3A_75 {strides = array<i32>} : memref<1x64x512xf32, #tpu.memory_space<vmem>>, vector<1x64x128xf32>,
    return
  }
  func.func @transform_0(%arg0: i32) -> (i32, i32, i32) {
    %add3A = arith.constant 16 : i32
    %add3A_0 = arith.addi %add3A, %arg0 : i32
    %c0_i32 = arith.constant 0 : i32
    %c0_i32_1 = arith.constant 0 : i32
    %c0_i32_2 = arith.constant 0 : i32
    return %add3A_0, %c0_i32, %c0_i32_1 : i32, i32, i32
  }
  func.func @transform_1(%arg0: i32) -> (i32, i32) {
    %c0_i32 = arith.constant 0 : i32
    %c0_i32_0 = arith.constant 0 : i32
    %c0_i32_1 = arith.constant 0 : i32
    return %c0_i32, %c0_i32_0 : i32, i32
  }
  func.func @transform_2(%arg0: i32) -> (i32, i32, i32) {
    %c0_i32 = arith.constant 0 : i32
    %c0_i32_0 = arith.constant 0 : i32
    %c0_i32_1 = arith.constant 0 : i32
    return %arg0, %c0_i32, %c0_i32_0 : i32, i32, i32
  }
  func.func @transform_3(%arg0: i32) -> (i32, i32, i32) {
    %c0_i32 = arith.constant 0 : i32
    %c2_i32 = arith.constant 2 : i32
    %c0_i32_0 = arith.constant 0 : i32
    return %arg0, %c0_i32, %c2_i32 : i32, i32, i32
  }
  func.func @transform_4(%arg0: i32) -> (i32, i32, i32) {
    %c0_i32 = arith.constant 0 : i32
    %c0_i32_0 = arith.constant 0 : i32
    %c0_i32_1 = arith.constant 0 : i32
    return %arg0, %c0_i32, %c0_i32_0 : i32, i32, i32
  }
}

module attributes {stable_mosaic.version = 14 : i64} {
  func.func @_attn_body(%arg0: i32, %arg1: memref<1x64x768xf32, #tpu.memory_space<vmem>>, %arg2: memref<64x1xf32, #tpu.memory_space<vmem>>, %arg3: memref<1x2048x256xi32, #tpu.memory_space<vmem>>, %arg4: memref<1x2048x128xi32, #tpu.memory_space<vmem>>, %arg5: memref<1x64x512xf32, #tpu.memory_space<vmem>>) attributes {dimension_semantics = [#tpu.dimension_semantics<arbitrary>], iteration_bounds = array<i64: 16>, scalar_prefetch = 0 : i64, scratch_operands = 0 : i64, tpu.core_type = #tpu.core_type<tc>, window_params = [{transform_indices = @transform_0, window_bounds = array<i64: 1, 64, 768>}, {pipeline_mode = #tpu.pipeline_mode<synchronous>, transform_indices = @transform_1, window_bounds = array<i64: 64, 1>}, {transform_indices = @transform_2, window_bounds = array<i64: 1, 2048, 256>}, {transform_indices = @transform_3, window_bounds = array<i64: 1, 2048, 128>}, {transform_indices = @transform_4, window_bounds = array<i64: 1, 64, 512>}]} {
    %get3A = arith.constant 0 : index
    %get3A_0 = arith.constant 0 : index
    %get3A_1 = arith.constant 0 : index
    %get3A_2 = vector.load %arg1[%get3A, %get3A_0, %get3A_1] : memref<1x64x768xf32, #tpu.memory_space<vmem>>, vector<1x64x768xf32>
    %get3A_3 = vector.shape_cast %get3A_2 : vector<1x64x768xf32> to vector<64x768xf32>
    %convert_element_type3A = arith.truncf %get3A_3 : vector<64x768xf32> to vector<64x768xbf16>
    %get3A_4 = arith.constant 0 : index
    %get3A_5 = arith.constant 0 : index
    %get3A_6 = arith.constant 0 : index
    %get3A_7 = vector.load %arg3[%get3A_4, %get3A_5, %get3A_6] : memref<1x2048x256xi32, #tpu.memory_space<vmem>>, vector<1x2048x256xi32>
    %get3A_8 = vector.shape_cast %get3A_7 : vector<1x2048x256xi32> to vector<2048x256xi32>
    %get3A_9 = arith.constant 0 : index
    %get3A_10 = arith.constant 0 : index
    %get3A_11 = arith.constant 0 : index
    %get3A_12 = vector.load %arg4[%get3A_9, %get3A_10, %get3A_11] : memref<1x2048x128xi32, #tpu.memory_space<vmem>>, vector<1x2048x128xi32>
    %get3A_13 = vector.shape_cast %get3A_12 : vector<1x2048x128xi32> to vector<2048x128xi32>
    %shift_left3A = arith.constant 16 : i32
    %shift_left3A_14 = vector.broadcast %shift_left3A : i32 to vector<2048x256xi32>
    %shift_left3A_15 = arith.shli %get3A_8, %shift_left3A_14 : vector<2048x256xi32>
    %bitcast_convert_type3A = tpu.bitcast %shift_left3A_15 : vector<2048x256xi32> -> vector<2048x256xf32>
    %convert_element_type3A_16 = arith.truncf %bitcast_convert_type3A : vector<2048x256xf32> to vector<2048x256xbf16>
    %and3A = arith.constant -65536 : i32
    %and3A_17 = vector.broadcast %and3A : i32 to vector<2048x256xi32>
    %and3A_18 = arith.andi %get3A_8, %and3A_17 : vector<2048x256xi32>
    %bitcast_convert_type3A_19 = tpu.bitcast %and3A_18 : vector<2048x256xi32> -> vector<2048x256xf32>
    %convert_element_type3A_20 = arith.truncf %bitcast_convert_type3A_19 : vector<2048x256xf32> to vector<2048x256xbf16>
    %shift_left3A_21 = arith.constant 16 : i32
    %shift_left3A_22 = vector.broadcast %shift_left3A_21 : i32 to vector<2048x128xi32>
    %shift_left3A_23 = arith.shli %get3A_13, %shift_left3A_22 : vector<2048x128xi32>
    %bitcast_convert_type3A_24 = tpu.bitcast %shift_left3A_23 : vector<2048x128xi32> -> vector<2048x128xf32>
    %convert_element_type3A_25 = arith.truncf %bitcast_convert_type3A_24 : vector<2048x128xf32> to vector<2048x128xbf16>
    %slice3A = vector.extract_strided_slice %convert_element_type3A {offsets = [0, 0], sizes = [64, 256], strides = [1, 1]} : vector<64x768xbf16> to vector<64x256xbf16>
    %dot_general3A = arith.constant dense<0.000000e+00> : vector<64x2048xf32>
    %dot_general3A_26 = tpu.matmul %slice3A, %convert_element_type3A_16, %dot_general3A {dimension_numbers = #tpu.dot_dimension_numbers<[1], [1], [0], [0], [0, 0, 1, 0], [], []>, transpose_lhs_hint = false} : vector<64x256xbf16>, vector<2048x256xbf16>, vector<64x2048xf32> -> vector<64x2048xf32>
    %slice3A_27 = vector.extract_strided_slice %convert_element_type3A {offsets = [0, 256], sizes = [64, 128], strides = [1, 1]} : vector<64x768xbf16> to vector<64x128xbf16>
    %dot_general3A_28 = arith.constant dense<0.000000e+00> : vector<64x2048xf32>
    %dot_general3A_29 = tpu.matmul %slice3A_27, %convert_element_type3A_25, %dot_general3A_28 {dimension_numbers = #tpu.dot_dimension_numbers<[1], [1], [0], [0], [0, 0, 1, 0], [], []>, transpose_lhs_hint = false} : vector<64x128xbf16>, vector<2048x128xbf16>, vector<64x2048xf32> -> vector<64x2048xf32>
    %add3A = arith.addf %dot_general3A_26, %dot_general3A_29 : vector<64x2048xf32>
    %slice3A_30 = vector.extract_strided_slice %convert_element_type3A {offsets = [0, 384], sizes = [64, 256], strides = [1, 1]} : vector<64x768xbf16> to vector<64x256xbf16>
    %dot_general3A_31 = arith.constant dense<0.000000e+00> : vector<64x2048xf32>
    %dot_general3A_32 = tpu.matmul %slice3A_30, %convert_element_type3A_20, %dot_general3A_31 {dimension_numbers = #tpu.dot_dimension_numbers<[1], [1], [0], [0], [0, 0, 1, 0], [], []>, transpose_lhs_hint = false} : vector<64x256xbf16>, vector<2048x256xbf16>, vector<64x2048xf32> -> vector<64x2048xf32>
    %add3A_33 = arith.addf %add3A, %dot_general3A_32 : vector<64x2048xf32>
    %get3A_34 = arith.constant 0 : index
    %get3A_35 = arith.constant 0 : index
    %get3A_36 = vector.load %arg2[%get3A_34, %get3A_35] : memref<64x1xf32, #tpu.memory_space<vmem>>, vector<64x1xf32>
    %reduce_max3A = arith.constant dense<0xFF800000> : vector<64xf32>
    %reduce_max3A_37 = vector.multi_reduction <maximumf>, %add3A_33, %reduce_max3A [1] : vector<64x2048xf32> to vector<64xf32>
    %broadcast_in_dim3A = vector.shape_cast %reduce_max3A_37 : vector<64xf32> to vector<64x1xf32>
    %max3A = arith.maximumf %broadcast_in_dim3A, %get3A_36 : vector<64x1xf32>
    %sub3A = vector.broadcast %max3A : vector<64x1xf32> to vector<64x2048xf32>
    %sub3A_38 = arith.subf %add3A_33, %sub3A : vector<64x2048xf32>
    %exp3A = math.exp %sub3A_38 : vector<64x2048xf32>
    %reduce_sum3A = arith.constant dense<0.000000e+00> : vector<64xf32>
    %reduce_sum3A_39 = vector.multi_reduction <add>, %exp3A, %reduce_sum3A [1] : vector<64x2048xf32> to vector<64xf32>
    %broadcast_in_dim3A_40 = vector.shape_cast %reduce_sum3A_39 : vector<64xf32> to vector<64x1xf32>
    %sub3A_41 = arith.subf %get3A_36, %max3A : vector<64x1xf32>
    %exp3A_42 = math.exp %sub3A_41 : vector<64x1xf32>
    %add3A_43 = arith.addf %broadcast_in_dim3A_40, %exp3A_42 : vector<64x1xf32>
    %div3A = arith.constant 1.000000e+00 : f32
    %div3A_44 = vector.broadcast %div3A : f32 to vector<64x1xf32>
    %div3A_45 = arith.divf %div3A_44, %add3A_43 : vector<64x1xf32>
    %convert_element_type3A_46 = arith.truncf %exp3A : vector<64x2048xf32> to vector<64x2048xbf16>
    %dot_general3A_47 = arith.constant dense<0.000000e+00> : vector<64x256xf32>
    %dot_general3A_48 = tpu.matmul %convert_element_type3A_46, %convert_element_type3A_16, %dot_general3A_47 {dimension_numbers = #tpu.dot_dimension_numbers<[1], [0], [0], [1], [0, 0, 1, 1], [], []>, transpose_lhs_hint = false} : vector<64x2048xbf16>, vector<2048x256xbf16>, vector<64x256xf32> -> vector<64x256xf32>
    %dot_general3A_49 = arith.constant dense<0.000000e+00> : vector<64x128xf32>
    %dot_general3A_50 = tpu.matmul %convert_element_type3A_46, %convert_element_type3A_25, %dot_general3A_49 {dimension_numbers = #tpu.dot_dimension_numbers<[1], [0], [0], [1], [0, 0, 1, 1], [], []>, transpose_lhs_hint = false} : vector<64x2048xbf16>, vector<2048x128xbf16>, vector<64x128xf32> -> vector<64x128xf32>
    %slice3A_51 = vector.extract_strided_slice %convert_element_type3A_20 {offsets = [0, 0], sizes = [2048, 128], strides = [1, 1]} : vector<2048x256xbf16> to vector<2048x128xbf16>
    %dot_general3A_52 = arith.constant dense<0.000000e+00> : vector<64x128xf32>
    %dot_general3A_53 = tpu.matmul %convert_element_type3A_46, %slice3A_51, %dot_general3A_52 {dimension_numbers = #tpu.dot_dimension_numbers<[1], [0], [0], [1], [0, 0, 1, 1], [], []>, transpose_lhs_hint = false} : vector<64x2048xbf16>, vector<2048x128xbf16>, vector<64x128xf32> -> vector<64x128xf32>
    %mul3A = vector.broadcast %div3A_45 : vector<64x1xf32> to vector<64x256xf32>
    %mul3A_54 = arith.mulf %dot_general3A_48, %mul3A : vector<64x256xf32>
    %swap3A = arith.constant 0 : index
    %swap3A_55 = arith.constant 0 : index
    %swap3A_56 = arith.constant 0 : index
    %swap3A_57 = vector.load %arg5[%swap3A, %swap3A_55, %swap3A_56] : memref<1x64x512xf32, #tpu.memory_space<vmem>>, vector<1x64x256xf32>
    %swap3A_58 = vector.shape_cast %swap3A_57 : vector<1x64x256xf32> to vector<64x256xf32>
    %swap3A_59 = vector.shape_cast %mul3A_54 : vector<64x256xf32> to vector<1x64x256xf32>
    tpu.vector_store %arg5[%swap3A, %swap3A_55, %swap3A_56], %swap3A_59 {strides = array<i32>} : memref<1x64x512xf32, #tpu.memory_space<vmem>>, vector<1x64x256xf32>,
    %mul3A_60 = vector.broadcast %div3A_45 : vector<64x1xf32> to vector<64x128xf32>
    %mul3A_61 = arith.mulf %dot_general3A_50, %mul3A_60 : vector<64x128xf32>
    %swap3A_62 = arith.constant 0 : index
    %swap3A_63 = arith.constant 0 : index
    %swap3A_64 = arith.constant 256 : index
    %swap3A_65 = vector.load %arg5[%swap3A_62, %swap3A_63, %swap3A_64] : memref<1x64x512xf32, #tpu.memory_space<vmem>>, vector<1x64x128xf32>
    %swap3A_66 = vector.shape_cast %swap3A_65 : vector<1x64x128xf32> to vector<64x128xf32>
    %swap3A_67 = vector.shape_cast %mul3A_61 : vector<64x128xf32> to vector<1x64x128xf32>
    tpu.vector_store %arg5[%swap3A_62, %swap3A_63, %swap3A_64], %swap3A_67 {strides = array<i32>} : memref<1x64x512xf32, #tpu.memory_space<vmem>>, vector<1x64x128xf32>,
    %mul3A_68 = vector.broadcast %div3A_45 : vector<64x1xf32> to vector<64x128xf32>
    %mul3A_69 = arith.mulf %dot_general3A_53, %mul3A_68 : vector<64x128xf32>
    %swap3A_70 = arith.constant 0 : index
    %swap3A_71 = arith.constant 0 : index
    %swap3A_72 = arith.constant 384 : index
    %swap3A_73 = vector.load %arg5[%swap3A_70, %swap3A_71, %swap3A_72] : memref<1x64x512xf32, #tpu.memory_space<vmem>>, vector<1x64x128xf32>
    %swap3A_74 = vector.shape_cast %swap3A_73 : vector<1x64x128xf32> to vector<64x128xf32>
    %swap3A_75 = vector.shape_cast %mul3A_69 : vector<64x128xf32> to vector<1x64x128xf32>
    tpu.vector_store %arg5[%swap3A_70, %swap3A_71, %swap3A_72], %swap3A_75 {strides = array<i32>} : memref<1x64x512xf32, #tpu.memory_space<vmem>>, vector<1x64x128xf32>,
    return
  }
  func.func @transform_0(%arg0: i32) -> (i32, i32, i32) {
    %add3A = arith.constant 0 : i32
    %add3A_0 = arith.addi %add3A, %arg0 : i32
    %c0_i32 = arith.constant 0 : i32
    %c0_i32_1 = arith.constant 0 : i32
    %c0_i32_2 = arith.constant 0 : i32
    return %add3A_0, %c0_i32, %c0_i32_1 : i32, i32, i32
  }
  func.func @transform_1(%arg0: i32) -> (i32, i32) {
    %c0_i32 = arith.constant 0 : i32
    %c0_i32_0 = arith.constant 0 : i32
    %c0_i32_1 = arith.constant 0 : i32
    return %c0_i32, %c0_i32_0 : i32, i32
  }
  func.func @transform_2(%arg0: i32) -> (i32, i32, i32) {
    %c0_i32 = arith.constant 0 : i32
    %c0_i32_0 = arith.constant 0 : i32
    %c0_i32_1 = arith.constant 0 : i32
    return %arg0, %c0_i32, %c0_i32_0 : i32, i32, i32
  }
  func.func @transform_3(%arg0: i32) -> (i32, i32, i32) {
    %c0_i32 = arith.constant 0 : i32
    %c2_i32 = arith.constant 2 : i32
    %c0_i32_0 = arith.constant 0 : i32
    return %arg0, %c0_i32, %c2_i32 : i32, i32, i32
  }
  func.func @transform_4(%arg0: i32) -> (i32, i32, i32) {
    %c0_i32 = arith.constant 0 : i32
    %c0_i32_0 = arith.constant 0 : i32
    %c0_i32_1 = arith.constant 0 : i32
    return %arg0, %c0_i32, %c0_i32_0 : i32, i32, i32
  }
}

module attributes {stable_mosaic.version = 14 : i64} {
  func.func @_oproj_body(%arg0: i32, %arg1: memref<64x8x512xf32, #tpu.memory_space<vmem>>, %arg2: memref<8x512x128xf32, #tpu.memory_space<vmem>>, %arg3: memref<64x8x128xf32, #tpu.memory_space<vmem>>) attributes {dimension_semantics = [#tpu.dimension_semantics<arbitrary>], iteration_bounds = array<i64: 8>, scalar_prefetch = 0 : i64, scratch_operands = 0 : i64, tpu.core_type = #tpu.core_type<tc>, window_params = [{transform_indices = @transform_0, window_bounds = array<i64: 64, 8, 512>}, {transform_indices = @transform_1, window_bounds = array<i64: 8, 512, 128>}, {transform_indices = @transform_2, window_bounds = array<i64: 64, 8, 128>}]} {
    %get3A = arith.constant 0 : index
    %get3A_0 = arith.constant 0 : index
    %get3A_1 = arith.constant 0 : index
    %get3A_2 = vector.load %arg1[%get3A, %get3A_0, %get3A_1] : memref<64x8x512xf32, #tpu.memory_space<vmem>>, vector<64x1x512xf32>
    %get3A_3 = vector.shape_cast %get3A_2 : vector<64x1x512xf32> to vector<64x512xf32>
    %get3A_4 = arith.constant 0 : index
    %get3A_5 = arith.constant 0 : index
    %get3A_6 = arith.constant 0 : index
    %get3A_7 = vector.load %arg2[%get3A_4, %get3A_5, %get3A_6] : memref<8x512x128xf32, #tpu.memory_space<vmem>>, vector<1x512x128xf32>
    %get3A_8 = vector.shape_cast %get3A_7 : vector<1x512x128xf32> to vector<512x128xf32>
    %dot_general3A = arith.constant dense<0.000000e+00> : vector<64x128xf32>
    %dot_general3A_9 = tpu.matmul %get3A_3, %get3A_8, %dot_general3A {dimension_numbers = #tpu.dot_dimension_numbers<[1], [0], [0], [1], [0, 0, 1, 1], [], []>, transpose_lhs_hint = false} : vector<64x512xf32>, vector<512x128xf32>, vector<64x128xf32> -> vector<64x128xf32>
    %swap3A = arith.constant 0 : index
    %swap3A_10 = arith.constant 0 : index
    %swap3A_11 = arith.constant 0 : index
    %swap3A_12 = vector.load %arg3[%swap3A, %swap3A_10, %swap3A_11] : memref<64x8x128xf32, #tpu.memory_space<vmem>>, vector<64x1x128xf32>
    %swap3A_13 = vector.shape_cast %swap3A_12 : vector<64x1x128xf32> to vector<64x128xf32>
    %swap3A_14 = vector.shape_cast %dot_general3A_9 : vector<64x128xf32> to vector<64x1x128xf32>
    tpu.vector_store %arg3[%swap3A, %swap3A_10, %swap3A_11], %swap3A_14 {strides = array<i32>} : memref<64x8x128xf32, #tpu.memory_space<vmem>>, vector<64x1x128xf32>,
    %get3A_15 = arith.constant 0 : index
    %get3A_16 = arith.constant 1 : index
    %get3A_17 = arith.constant 0 : index
    %get3A_18 = vector.load %arg1[%get3A_15, %get3A_16, %get3A_17] : memref<64x8x512xf32, #tpu.memory_space<vmem>>, vector<64x1x512xf32>
    %get3A_19 = vector.shape_cast %get3A_18 : vector<64x1x512xf32> to vector<64x512xf32>
    %get3A_20 = arith.constant 1 : index
    %get3A_21 = arith.constant 0 : index
    %get3A_22 = arith.constant 0 : index
    %get3A_23 = vector.load %arg2[%get3A_20, %get3A_21, %get3A_22] : memref<8x512x128xf32, #tpu.memory_space<vmem>>, vector<1x512x128xf32>
    %get3A_24 = vector.shape_cast %get3A_23 : vector<1x512x128xf32> to vector<512x128xf32>
    %dot_general3A_25 = arith.constant dense<0.000000e+00> : vector<64x128xf32>
    %dot_general3A_26 = tpu.matmul %get3A_19, %get3A_24, %dot_general3A_25 {dimension_numbers = #tpu.dot_dimension_numbers<[1], [0], [0], [1], [0, 0, 1, 1], [], []>, transpose_lhs_hint = false} : vector<64x512xf32>, vector<512x128xf32>, vector<64x128xf32> -> vector<64x128xf32>
    %swap3A_27 = arith.constant 0 : index
    %swap3A_28 = arith.constant 1 : index
    %swap3A_29 = arith.constant 0 : index
    %swap3A_30 = vector.load %arg3[%swap3A_27, %swap3A_28, %swap3A_29] : memref<64x8x128xf32, #tpu.memory_space<vmem>>, vector<64x1x128xf32>
    %swap3A_31 = vector.shape_cast %swap3A_30 : vector<64x1x128xf32> to vector<64x128xf32>
    %swap3A_32 = vector.shape_cast %dot_general3A_26 : vector<64x128xf32> to vector<64x1x128xf32>
    tpu.vector_store %arg3[%swap3A_27, %swap3A_28, %swap3A_29], %swap3A_32 {strides = array<i32>} : memref<64x8x128xf32, #tpu.memory_space<vmem>>, vector<64x1x128xf32>,
    %get3A_33 = arith.constant 0 : index
    %get3A_34 = arith.constant 2 : index
    %get3A_35 = arith.constant 0 : index
    %get3A_36 = vector.load %arg1[%get3A_33, %get3A_34, %get3A_35] : memref<64x8x512xf32, #tpu.memory_space<vmem>>, vector<64x1x512xf32>
    %get3A_37 = vector.shape_cast %get3A_36 : vector<64x1x512xf32> to vector<64x512xf32>
    %get3A_38 = arith.constant 2 : index
    %get3A_39 = arith.constant 0 : index
    %get3A_40 = arith.constant 0 : index
    %get3A_41 = vector.load %arg2[%get3A_38, %get3A_39, %get3A_40] : memref<8x512x128xf32, #tpu.memory_space<vmem>>, vector<1x512x128xf32>
    %get3A_42 = vector.shape_cast %get3A_41 : vector<1x512x128xf32> to vector<512x128xf32>
    %dot_general3A_43 = arith.constant dense<0.000000e+00> : vector<64x128xf32>
    %dot_general3A_44 = tpu.matmul %get3A_37, %get3A_42, %dot_general3A_43 {dimension_numbers = #tpu.dot_dimension_numbers<[1], [0], [0], [1], [0, 0, 1, 1], [], []>, transpose_lhs_hint = false} : vector<64x512xf32>, vector<512x128xf32>, vector<64x128xf32> -> vector<64x128xf32>
    %swap3A_45 = arith.constant 0 : index
    %swap3A_46 = arith.constant 2 : index
    %swap3A_47 = arith.constant 0 : index
    %swap3A_48 = vector.load %arg3[%swap3A_45, %swap3A_46, %swap3A_47] : memref<64x8x128xf32, #tpu.memory_space<vmem>>, vector<64x1x128xf32>
    %swap3A_49 = vector.shape_cast %swap3A_48 : vector<64x1x128xf32> to vector<64x128xf32>
    %swap3A_50 = vector.shape_cast %dot_general3A_44 : vector<64x128xf32> to vector<64x1x128xf32>
    tpu.vector_store %arg3[%swap3A_45, %swap3A_46, %swap3A_47], %swap3A_50 {strides = array<i32>} : memref<64x8x128xf32, #tpu.memory_space<vmem>>, vector<64x1x128xf32>,
    %get3A_51 = arith.constant 0 : index
    %get3A_52 = arith.constant 3 : index
    %get3A_53 = arith.constant 0 : index
    %get3A_54 = vector.load %arg1[%get3A_51, %get3A_52, %get3A_53] : memref<64x8x512xf32, #tpu.memory_space<vmem>>, vector<64x1x512xf32>
    %get3A_55 = vector.shape_cast %get3A_54 : vector<64x1x512xf32> to vector<64x512xf32>
    %get3A_56 = arith.constant 3 : index
    %get3A_57 = arith.constant 0 : index
    %get3A_58 = arith.constant 0 : index
    %get3A_59 = vector.load %arg2[%get3A_56, %get3A_57, %get3A_58] : memref<8x512x128xf32, #tpu.memory_space<vmem>>, vector<1x512x128xf32>
    %get3A_60 = vector.shape_cast %get3A_59 : vector<1x512x128xf32> to vector<512x128xf32>
    %dot_general3A_61 = arith.constant dense<0.000000e+00> : vector<64x128xf32>
    %dot_general3A_62 = tpu.matmul %get3A_55, %get3A_60, %dot_general3A_61 {dimension_numbers = #tpu.dot_dimension_numbers<[1], [0], [0], [1], [0, 0, 1, 1], [], []>, transpose_lhs_hint = false} : vector<64x512xf32>, vector<512x128xf32>, vector<64x128xf32> -> vector<64x128xf32>
    %swap3A_63 = arith.constant 0 : index
    %swap3A_64 = arith.constant 3 : index
    %swap3A_65 = arith.constant 0 : index
    %swap3A_66 = vector.load %arg3[%swap3A_63, %swap3A_64, %swap3A_65] : memref<64x8x128xf32, #tpu.memory_space<vmem>>, vector<64x1x128xf32>
    %swap3A_67 = vector.shape_cast %swap3A_66 : vector<64x1x128xf32> to vector<64x128xf32>
    %swap3A_68 = vector.shape_cast %dot_general3A_62 : vector<64x128xf32> to vector<64x1x128xf32>
    tpu.vector_store %arg3[%swap3A_63, %swap3A_64, %swap3A_65], %swap3A_68 {strides = array<i32>} : memref<64x8x128xf32, #tpu.memory_space<vmem>>, vector<64x1x128xf32>,
    %get3A_69 = arith.constant 0 : index
    %get3A_70 = arith.constant 4 : index
    %get3A_71 = arith.constant 0 : index
    %get3A_72 = vector.load %arg1[%get3A_69, %get3A_70, %get3A_71] : memref<64x8x512xf32, #tpu.memory_space<vmem>>, vector<64x1x512xf32>
    %get3A_73 = vector.shape_cast %get3A_72 : vector<64x1x512xf32> to vector<64x512xf32>
    %get3A_74 = arith.constant 4 : index
    %get3A_75 = arith.constant 0 : index
    %get3A_76 = arith.constant 0 : index
    %get3A_77 = vector.load %arg2[%get3A_74, %get3A_75, %get3A_76] : memref<8x512x128xf32, #tpu.memory_space<vmem>>, vector<1x512x128xf32>
    %get3A_78 = vector.shape_cast %get3A_77 : vector<1x512x128xf32> to vector<512x128xf32>
    %dot_general3A_79 = arith.constant dense<0.000000e+00> : vector<64x128xf32>
    %dot_general3A_80 = tpu.matmul %get3A_73, %get3A_78, %dot_general3A_79 {dimension_numbers = #tpu.dot_dimension_numbers<[1], [0], [0], [1], [0, 0, 1, 1], [], []>, transpose_lhs_hint = false} : vector<64x512xf32>, vector<512x128xf32>, vector<64x128xf32> -> vector<64x128xf32>
    %swap3A_81 = arith.constant 0 : index
    %swap3A_82 = arith.constant 4 : index
    %swap3A_83 = arith.constant 0 : index
    %swap3A_84 = vector.load %arg3[%swap3A_81, %swap3A_82, %swap3A_83] : memref<64x8x128xf32, #tpu.memory_space<vmem>>, vector<64x1x128xf32>
    %swap3A_85 = vector.shape_cast %swap3A_84 : vector<64x1x128xf32> to vector<64x128xf32>
    %swap3A_86 = vector.shape_cast %dot_general3A_80 : vector<64x128xf32> to vector<64x1x128xf32>
    tpu.vector_store %arg3[%swap3A_81, %swap3A_82, %swap3A_83], %swap3A_86 {strides = array<i32>} : memref<64x8x128xf32, #tpu.memory_space<vmem>>, vector<64x1x128xf32>,
    %get3A_87 = arith.constant 0 : index
    %get3A_88 = arith.constant 5 : index
    %get3A_89 = arith.constant 0 : index
    %get3A_90 = vector.load %arg1[%get3A_87, %get3A_88, %get3A_89] : memref<64x8x512xf32, #tpu.memory_space<vmem>>, vector<64x1x512xf32>
    %get3A_91 = vector.shape_cast %get3A_90 : vector<64x1x512xf32> to vector<64x512xf32>
    %get3A_92 = arith.constant 5 : index
    %get3A_93 = arith.constant 0 : index
    %get3A_94 = arith.constant 0 : index
    %get3A_95 = vector.load %arg2[%get3A_92, %get3A_93, %get3A_94] : memref<8x512x128xf32, #tpu.memory_space<vmem>>, vector<1x512x128xf32>
    %get3A_96 = vector.shape_cast %get3A_95 : vector<1x512x128xf32> to vector<512x128xf32>
    %dot_general3A_97 = arith.constant dense<0.000000e+00> : vector<64x128xf32>
    %dot_general3A_98 = tpu.matmul %get3A_91, %get3A_96, %dot_general3A_97 {dimension_numbers = #tpu.dot_dimension_numbers<[1], [0], [0], [1], [0, 0, 1, 1], [], []>, transpose_lhs_hint = false} : vector<64x512xf32>, vector<512x128xf32>, vector<64x128xf32> -> vector<64x128xf32>
    %swap3A_99 = arith.constant 0 : index
    %swap3A_100 = arith.constant 5 : index
    %swap3A_101 = arith.constant 0 : index
    %swap3A_102 = vector.load %arg3[%swap3A_99, %swap3A_100, %swap3A_101] : memref<64x8x128xf32, #tpu.memory_space<vmem>>, vector<64x1x128xf32>
    %swap3A_103 = vector.shape_cast %swap3A_102 : vector<64x1x128xf32> to vector<64x128xf32>
    %swap3A_104 = vector.shape_cast %dot_general3A_98 : vector<64x128xf32> to vector<64x1x128xf32>
    tpu.vector_store %arg3[%swap3A_99, %swap3A_100, %swap3A_101], %swap3A_104 {strides = array<i32>} : memref<64x8x128xf32, #tpu.memory_space<vmem>>, vector<64x1x128xf32>,
    %get3A_105 = arith.constant 0 : index
    %get3A_106 = arith.constant 6 : index
    %get3A_107 = arith.constant 0 : index
    %get3A_108 = vector.load %arg1[%get3A_105, %get3A_106, %get3A_107] : memref<64x8x512xf32, #tpu.memory_space<vmem>>, vector<64x1x512xf32>
    %get3A_109 = vector.shape_cast %get3A_108 : vector<64x1x512xf32> to vector<64x512xf32>
    %get3A_110 = arith.constant 6 : index
    %get3A_111 = arith.constant 0 : index
    %get3A_112 = arith.constant 0 : index
    %get3A_113 = vector.load %arg2[%get3A_110, %get3A_111, %get3A_112] : memref<8x512x128xf32, #tpu.memory_space<vmem>>, vector<1x512x128xf32>
    %get3A_114 = vector.shape_cast %get3A_113 : vector<1x512x128xf32> to vector<512x128xf32>
    %dot_general3A_115 = arith.constant dense<0.000000e+00> : vector<64x128xf32>
    %dot_general3A_116 = tpu.matmul %get3A_109, %get3A_114, %dot_general3A_115 {dimension_numbers = #tpu.dot_dimension_numbers<[1], [0], [0], [1], [0, 0, 1, 1], [], []>, transpose_lhs_hint = false} : vector<64x512xf32>, vector<512x128xf32>, vector<64x128xf32> -> vector<64x128xf32>
    %swap3A_117 = arith.constant 0 : index
    %swap3A_118 = arith.constant 6 : index
    %swap3A_119 = arith.constant 0 : index
    %swap3A_120 = vector.load %arg3[%swap3A_117, %swap3A_118, %swap3A_119] : memref<64x8x128xf32, #tpu.memory_space<vmem>>, vector<64x1x128xf32>
    %swap3A_121 = vector.shape_cast %swap3A_120 : vector<64x1x128xf32> to vector<64x128xf32>
    %swap3A_122 = vector.shape_cast %dot_general3A_116 : vector<64x128xf32> to vector<64x1x128xf32>
    tpu.vector_store %arg3[%swap3A_117, %swap3A_118, %swap3A_119], %swap3A_122 {strides = array<i32>} : memref<64x8x128xf32, #tpu.memory_space<vmem>>, vector<64x1x128xf32>,
    %get3A_123 = arith.constant 0 : index
    %get3A_124 = arith.constant 7 : index
    %get3A_125 = arith.constant 0 : index
    %get3A_126 = vector.load %arg1[%get3A_123, %get3A_124, %get3A_125] : memref<64x8x512xf32, #tpu.memory_space<vmem>>, vector<64x1x512xf32>
    %get3A_127 = vector.shape_cast %get3A_126 : vector<64x1x512xf32> to vector<64x512xf32>
    %get3A_128 = arith.constant 7 : index
    %get3A_129 = arith.constant 0 : index
    %get3A_130 = arith.constant 0 : index
    %get3A_131 = vector.load %arg2[%get3A_128, %get3A_129, %get3A_130] : memref<8x512x128xf32, #tpu.memory_space<vmem>>, vector<1x512x128xf32>
    %get3A_132 = vector.shape_cast %get3A_131 : vector<1x512x128xf32> to vector<512x128xf32>
    %dot_general3A_133 = arith.constant dense<0.000000e+00> : vector<64x128xf32>
    %dot_general3A_134 = tpu.matmul %get3A_127, %get3A_132, %dot_general3A_133 {dimension_numbers = #tpu.dot_dimension_numbers<[1], [0], [0], [1], [0, 0, 1, 1], [], []>, transpose_lhs_hint = false} : vector<64x512xf32>, vector<512x128xf32>, vector<64x128xf32> -> vector<64x128xf32>
    %swap3A_135 = arith.constant 0 : index
    %swap3A_136 = arith.constant 7 : index
    %swap3A_137 = arith.constant 0 : index
    %swap3A_138 = vector.load %arg3[%swap3A_135, %swap3A_136, %swap3A_137] : memref<64x8x128xf32, #tpu.memory_space<vmem>>, vector<64x1x128xf32>
    %swap3A_139 = vector.shape_cast %swap3A_138 : vector<64x1x128xf32> to vector<64x128xf32>
    %swap3A_140 = vector.shape_cast %dot_general3A_134 : vector<64x128xf32> to vector<64x1x128xf32>
    tpu.vector_store %arg3[%swap3A_135, %swap3A_136, %swap3A_137], %swap3A_140 {strides = array<i32>} : memref<64x8x128xf32, #tpu.memory_space<vmem>>, vector<64x1x128xf32>,
    return
  }
  func.func @transform_0(%arg0: i32) -> (i32, i32, i32) {
    %c0_i32 = arith.constant 0 : i32
    %c0_i32_0 = arith.constant 0 : i32
    %c0_i32_1 = arith.constant 0 : i32
    return %c0_i32, %arg0, %c0_i32_0 : i32, i32, i32
  }
  func.func @transform_1(%arg0: i32) -> (i32, i32, i32) {
    %c0_i32 = arith.constant 0 : i32
    %c0_i32_0 = arith.constant 0 : i32
    %c0_i32_1 = arith.constant 0 : i32
    return %arg0, %c0_i32, %c0_i32_0 : i32, i32, i32
  }
  func.func @transform_2(%arg0: i32) -> (i32, i32, i32) {
    %c0_i32 = arith.constant 0 : i32
    %c0_i32_0 = arith.constant 0 : i32
    %c0_i32_1 = arith.constant 0 : i32
    return %c0_i32, %arg0, %c0_i32_0 : i32, i32, i32
  }
}

</mosaic_0001>

<sc_bundles>
// kernel: kernel.13.cloned.1.call-start
scs
__scs_entry_jumppad:
0x0: {  	(pc) =	sbr.rel $0x88, $3  }
0x1: {  	(tag) =	ssettag $0x0;
	lr =	simm.s32 $0x1  }
0x2: {  	[smem:$0x3F9B] =	sst lr;
	_ =	strace $0xD0000000  }
0x3: {  	_ = 	snop  }
0x4: {  	_ = 	snop  }
0x5: {  	_ = 	snop  }
0x6: {  	_ = 	snop  }
0x7: {  	_ = 	snop  }
__scs_overlays_trampoline_lowered:
0x8: {  	[smem:$0x3FAA] =	sst s0  }
0x9: {  	[smem:$0x3FAB] =	sst s1  }
0xa: {  	[smem:$0x3FAC] =	sst s2  }
0xb: {  	[smem:$0x3FAD] =	sst s3  }
0xc: {  	[smem:$0x3FAE] =	sst s4  }
0xd: {  	[smem:$0x3FAF] =	sst s5  }
0xe: {  	[smem:$0x3FB0] =	sst s6  }
0xf: {  	[smem:$0x3FB1] =	sst s7  }
0x10: {  	[smem:$0x3FB2] =	sst s8  }
0x11: {  	[smem:$0x3FB3] =	sst s9;
	s0 =	simm.s32 @!p0 $0x0  }
0x12: {  	s1 =	sld [smem:$0x3F99];
	s0 =	simm.s32 @p0 $0x1  }
0x13: {  	[smem:$0x3FB4] =	sst s0;
	s0 =	simm.s32 @!p1 $0x0  }
0x14: {  	s2 =	sld [smem:$0x3F98];
	s0 =	simm.s32 @p1 $0x1  }
0x15: {  	[smem:$0x3FB5] =	sst s0;
	s0 =	simm.s32 @!p2 $0x0  }
0x16: {  	s3 =	sld [smem:$0x3FDB];
	s0 =	simm.s32 @p2 $0x1  }
0x17: {  	s4 =	simm.s32 $0x1BF5;
	[smem:$0x3FB7] =	sst s0  }
0x18: {  	s0 =	sld [smem:$0x3F9A];
	_ =	swait.ge [sflag:s4], $0x0  }
0x19: {  	s7 =	sld [smem:$0x3F9B]  }
0x1a: {  	s8 =	sadd.s32 $0xFFFFE003, lr  }
0x1b: {  	s9 =	sadd.s32 $0xFFFFFEF7, lr;
	s5 =	simm.s32 $0xFFFFFFFF;
	p2 =	slt.u32 s8, $0xFFFFF086  }
0x1c: {  	p1 =	slt.u32 s9, $0xF7A;
	s5 =	simm.s32 @!p2 $0x0  }
0x1d: {  	s5 =	simm.s32 @p1 $0x1;
	p0 =	seq.s32 s7, s2  }
0x1e: {  	s7 =	smul.u32 @!p0 $0xF7A, s2;
	p2 =	seq.s32 @!p0 s5, $0x0  }
0x1f: {  	s9 =	smul.u32 $0xF7A, s1;
	s8 =	simm.s32 @!p0 $0x1BF5;
	p2 =	por !p2, p0  }
0x20: {  	[sflag:s8] =	ssyncset.s32 @!p0 $0xFFFFF086;
	s6 =	sadd.s32 @!p0 s3, s7;
	s7 =	simm.s32 @!p0 $0x108  }
0x21: {  	s3 =	sadd.s32 s3, s9;
	s6 =	sadd.s32 @!p0 $0x88, s6;
	s7 =	simm.s32 @p2 $0x1082  }
0x22: {  	[simem:s7], [sflag:s8] =	dma.local @!p0 [hbm:s6], $0xF7A  }
0x23: {  	s9 =	sor.u32 $0xD0000000, s2;
	s6 =	simm.s32 $0x108;
	_ =	swait.ge @!p0 [sflag:s8], $0x0  }
0x24: {  	s3 =	sadd.s32 $0x88, s3;
	s6 =	simm.s32 @!p1 $0x1082;
	[sflag:s4] =	ssyncset.s32 $0xFFFFF086  }
0x25: {  	[simem:s6], [sflag:s4] =	dma.local [hbm:s3], $0xF7A  }
0x26: {  	[smem:$0x3F9B] =	sst s1;
	(tag) =	ssettag s2;
	_ =	strace s9  }
0x27: {  	s1 =	sld [smem:$0x3FAB]  }
0x28: {  	s2 =	sld [smem:$0x3FAC]  }
0x29: {  	s4 =	sld [smem:$0x3FAE]  }
0x2a: {  	p0 =	seq.s32 s5, $0x0;
	s5 =	sld [smem:$0x3FAF]  }
0x2b: {  	s6 =	sld [smem:$0x3FB0]  }
0x2c: {  	s7 =	sld [smem:$0x3FB1]  }
0x2d: {  	s3 =	simm.s32 $0x108;
	s8 =	sld [smem:$0x3FB2]  }
0x2e: {  	s3 =	simm.s32 @!p0 $0x1082;
	s9 =	sld [smem:$0x3FB3]  }
0x2f: {  	lr =	sadd.s32 s0, s3;
	s0 =	sld [smem:$0x3FAA]  }
0x30: {  	s3 =	sld [smem:$0x3FAD]  }
0x31: {  	[smem:$0x3FB6] =	sst s10  }
0x32: {  	s10 =	sld [smem:$0x3FB4];
	_ =	sdelay $0x3  }
0x33: {  	p0 =	seq.s32 s10, $0x1;
	s10 =	sld [smem:$0x3FB6];
	_ =	sdelay $0x3  }
0x34: {  	[smem:$0x3FB6] =	sst s10  }
0x35: {  	s10 =	sld [smem:$0x3FB5];
	_ =	sdelay $0x3  }
0x36: {  	p1 =	seq.s32 s10, $0x1;
	s10 =	sld [smem:$0x3FB6];
	_ =	sdelay $0x3  }
0x37: {  	[smem:$0x3FB6] =	sst s10  }
0x38: {  	s10 =	sld [smem:$0x3FB7]  }
0x39: {  	_ = 	snop;
	(pc) =	sbr.ind lr, $3  }
0x3a: {  	_ = 	snop  }
0x3b: {  	_ = 	snop  }
0x3c: {  	p2 =	seq.s32 s10, $0x1;
	s10 =	sld [smem:$0x3FB6]  }
0x3d: {  	_ =	shalt  }
0x3e: {  	_ =	shalt  }
0x3f: {  	_ =	shalt  }
0x40: {  	_ =	shalt  }
0x41: {  	_ =	shalt  }
0x42: {  	_ =	shalt  }
0x43: {  	_ =	shalt  }
0x44: {  	_ =	shalt  }
0x45: {  	_ =	shalt  }
0x46: {  	_ =	shalt  }
0x47: {  	_ =	shalt  }
0x48: {  	_ =	shalt  }
0x49: {  	_ =	shalt  }
0x4a: {  	_ =	shalt  }
0x4b: {  	_ =	shalt  }
0x4c: {  	_ =	shalt  }
0x4d: {  	_ =	shalt  }
0x4e: {  	_ =	shalt  }
0x4f: {  	_ =	shalt  }
0x50: {  	_ =	shalt  }
0x51: {  	_ =	shalt  }
0x52: {  	_ =	shalt  }
0x53: {  	_ =	shalt  }
0x54: {  	_ =	shalt  }
0x55: {  	_ =	shalt  }
0x56: {  	_ =	shalt  }
0x57: {  	_ =	shalt  }
0x58: {  	_ =	shalt  }
0x59: {  	_ =	shalt  }
0x5a: {  	_ =	shalt  }
0x5b: {  	_ =	shalt  }
0x5c: {  	_ =	shalt  }
0x5d: {  	_ =	shalt  }
0x5e: {  	_ =	shalt  }
0x5f: {  	_ =	shalt  }
0x60: {  	_ =	shalt  }
0x61: {  	_ =	shalt  }
0x62: {  	_ =	shalt  }
0x63: {  	_ =	shalt  }
0x64: {  	_ =	shalt  }
0x65: {  	_ =	shalt  }
0x66: {  	_ =	shalt  }
0x67: {  	_ =	shalt  }
0x68: {  	_ =	shalt  }
0x69: {  	_ =	shalt  }
0x6a: {  	_ =	shalt  }
0x6b: {  	_ =	shalt  }
0x6c: {  	_ =	shalt  }
0x6d: {  	_ =	shalt  }
0x6e: {  	_ =	shalt  }
0x6f: {  	_ =	shalt  }
0x70: {  	_ =	shalt  }
0x71: {  	_ =	shalt  }
0x72: {  	_ =	shalt  }
0x73: {  	_ =	shalt  }
0x74: {  	_ =	shalt  }
0x75: {  	_ =	shalt  }
0x76: {  	_ =	shalt  }
0x77: {  	_ =	shalt  }
0x78: {  	_ =	shalt  }
0x79: {  	_ =	shalt  }
0x7a: {  	_ =	shalt  }
0x7b: {  	_ =	shalt  }
0x7c: {  	_ =	shalt  }
0x7d: {  	_ =	shalt  }
0x7e: {  	_ =	shalt  }
0x7f: {  	_ =	shalt  }
0x80: {  	_ =	shalt  }
0x81: {  	_ =	shalt  }
0x82: {  	_ =	shalt  }
0x83: {  	_ =	shalt  }
0x84: {  	_ =	shalt  }
0x85: {  	_ =	shalt  }
0x86: {  	_ =	shalt  }
0x87: {  	_ =	shalt  }
.Lfunc_end0:
.L_simem_size_0:
called_computation_lowered:
.L_overlay_start_0:
0x88: {  	s2 =	sld [smem:$0x3FD9]  }
0x89: {  	s3 =	sld [smem:$0x3FFE];
	_ =	sdelay $0x1  }
0x8a: {  	s1 =	srdreg.scid  }
0x8b: {  	s0 =	sand.u32 $0x1, s1  }
0x8c: {  	s17 =	sshll.u32 s0, $0xA;
	s2 =	sadd.s32 s3, s2  }
0x8d: {  	s2 =	sadd.s32 s2, s17  }
0x8e: {  	[smem:$0x3FC2] =	sst s2  }
0x8f: {  	_ = 	snop  }
0x90: {  	(tm) =	ssettm $0x1  }
0x91: {  	s18 =	sld [smem:$0x3FFB];
	_ =	sdelay $0x3  }
0x92: {  	_ =	strace s18  }
0x93: {  	s2 =	sld [smem:$0x3FFC];
	_ =	sdelay $0x3  }
0x94: {  	_ =	strace s2  }
0x95: {  	s2 =	sld [smem:$0x3FFD];
	_ =	sdelay $0x3  }
0x96: {  	_ =	strace s2  }
0x97: {  	_ =	strace $0x8FFFFFFF  }
0x98: {  	s19 =	sld [smem:$0x3FDB];
	_ =	sdelay $0x1  }
0x99: {  	s20 =	simm.s32 $_scs_section_size  }
0x9a: {  	s4 =	simm.s32 $_size__tile_overlayer_lowered;
	s5 =	simm.s32 $_tile_overlayer_lowered  }
0x9b: {  	s6 =	simm.s32 $0x1BFF;
	s21 =	sshll.u32 s5, $0x1;
	s3 =	sadd.s32 s20, s19  }
0x9c: {  	s22 =	simm.s32 $0x0;
	s4 =	sshll.u32 s4, $0x1;
	s5 =	sadd.s32 s21, s3  }
0x9d: {  	[timem:s22], [sflag:s6] =	dma.local [hbm:s5], s4  }
0x9e: {  	_ =	swait.ge [sflag:s6], s4  }
0x9f: {  	s4 =	ssub.s32 $0x0, s4;
	[sflag:s6] =	ssyncset.done $0x0  }
0xa0: {  	[sflag:s6] =	ssyncadd.s32 s4;
	_ =	sdelay $0x1  }
0xa1: {  	s23 =	simm.s32 $0x1B8B  }
0xa2: {  	_ =	swait.ge [sflag:s23], $0x1  }
0xa3: {  	[sflag:s23] =	ssyncset.done $0x0  }
0xa4: {  	[sflag:s23] =	ssyncadd.s32 $0xFFFFFFFF  }
0xa5: {  	s4 =	sld [smem:$0x0]  }
0xa6: {  	s5 =	sand.u32 $0xFFFFFFFE, s1  }
0xa7: {  	p0 =	sne.s32 s1, s5  }
0xa8: {  	s5 =	sshll.u32 @p0 s5, $0xE  }
0xa9: {  	s5 =	sadd.s32 @p0 $0x11B8D, s5;
	s6 =	sshll.u32 @p0 s4, $0x11  }
0xaa: {  	s5 =	sor.u32 @p0 s6, s5  }
0xab: {  	[sflag:s5] =	ssyncadd.remote.s32 @p0 $0x1;
	_ =	sdelay $0x1  }
0xac: {  	s5 =	simm.s32 @p0 $0x1B8D  }
0xad: {  	_ =	swait.eq @p0 [sflag:s5], $0x1  }
0xae: {  	[sflag:s5] =	ssyncadd.s32 @p0 $0xFFFFFFFF  }
0xaf: {  	s6 =	sshll.u32 @!p0 s1, $0xE  }
0xb0: {  	s6 =	sor.u32 @!p0 $0x4000, s6;
	s5 =	simm.s32 @!p0 $0x1B8D  }
0xb1: {  	s4 =	sshll.u32 @!p0 s4, $0x11;
	s6 =	sadd.s32 @!p0 $0x11B8D, s6;
	_ =	swait.eq @!p0 [sflag:s5], $0x1  }
0xb2: {  	s4 =	sor.u32 @!p0 s4, s6;
	[sflag:s5] =	ssyncadd.s32 @!p0 $0xFFFFFFFF  }
0xb3: {  	s25 =	simm.s32 $0x1B8E;
	s24 =	sld [smem:$0x3FFE];
	[sflag:s4] =	ssyncadd.remote.s32 @!p0 $0x1  }
0xb4: {  	s26 =	simm.s32 $execute0_lowered;
	[smem:$0x3FD2] =	sst s25  }
0xb5: {  	s5 =	sshll.u32 s26, $0x1;
	_ =	strace $0x8000004F;
	[dreg:$0x1] =	wrdreg $0xFFFFFFFF  }
0xb6: {  	s28 =	simm.s32 $_size_execute0_lowered;
	s3 =	sadd.s32 s3, s5;
	[dreg:$0x0] =	wrdreg $0x0  }
0xb7: {  	s5 =	sshll.u32 s28, $0x1;
	[dreg:$0x2] =	wrdreg s3  }
0xb8: {  	[dreg:$0x3] =	wrdreg s5  }
0xb9: {  	[dreg:$0x4] =	wrdreg $0xC0  }
0xba: {  	_ =	task [dreg:s22], $0x5FFFF  }
0xbb: {  	[dreg:$0x1] =	wrdreg $0xFFFFFFFF  }
0xbc: {  	[dreg:$0x0] =	wrdreg $0x60  }
0xbd: {  	[dreg:$0x2] =	wrdreg s24  }
0xbe: {  	[dreg:$0x3] =	wrdreg $0x9  }
0xbf: {  	_ =	task.clear_ibuf [dreg:s22], $0x4FFFF;
	_ =	strace $0x9000004F  }
0xc0: {  	s29 =	simm.s32 $0x9;
	_ =	strace $0x80000051  }
0xc1: {  	_ =	swait.ge [sflag:s29], $0x1  }
0xc2: {  	[sflag:s29] =	ssyncadd.s32 $0xFFFFFFFF  }
0xc3: {  	_ =	strace $0x90000051  }
0xc4: {  	_ =	sfence  }
0xc5: {  	s30 =	sld [smem:$0x0];
	_ =	sdelay $0x2  }
0xc6: {  	s31 =	sshll.u32 s1, $0xD;
	s1 =	sshrl.u32 s1, $0x2  }
0xc7: {  	s4 =	sand.u32 $0x4000, s31;
	s1 =	sadd.s32 s1, s30  }
0xc8: {  	s0 =	sor.u32 s4, s0;
	s1 =	sshll.u32 s1, $0x11  }
0xc9: {  	s0 =	sor.u32 s1, s0  }
0xca: {  	s0 =	sadd.s32 $0x8F2B, s0  }
0xcb: {  	[sflag:s0] =	ssyncadd.remote.s32 $0x1  }
0xcc: {  	_ =	sfence.sel $0xFFFF  }
0xcd: {  	[dreg:$0x0] =	wrdreg $0xFFFFFFFF;
	(pc) =	sbr.abs _section_cstart, $3  }
0xce: {  	[dreg:$0x1] =	wrdreg $0xFFFFFFFF  }
0xcf: {  	_ =	task.clear_ibuf [dreg:s22], $0x2FFFF;
	_ =	strace $0x9FFFFFFF  }
0xd0: {  	(tm) =	ssettm $0x7FFFFFFF  }
0xd1: {  	_ =	shalt  }
tec
execute0_lowered:
.L_overlay_start_1:
0x0: {  	(tag) =	ssettag $0x1  }
0x1: {  	s0 =	rddreg [dreg:$0x0];
	s1 =	srdreg.scid  }
0x2: {  	s2 =	simm.s32 $0x0;
	s3 =	stileid.u32;
	s9 =	simm.s32 $0x3  }
0x3: {  	s10 =	simm.s32 $0x400;
	s18 =	simm.s32 $0xC400;
	s11 =	simm.s32 $0x12C00  }
0x4: {  	s12 =	simm.s32 $0x13000;
	s13 =	simm.s32 $0x13800;
	s14 =	simm.s32 $0x13C00  }
0x5: {  	s15 =	simm.s32 $0x14400;
	s16 =	simm.s32 $0x14800;
	s17 =	simm.s32 $0x15000  }
0x6: {  	s19 =	simm.s32 $0x15400;
	s20 =	simm.s32 $0x15C00;
	s21 =	simm.s32 $0x16000  }
0x7: {  	s22 =	simm.s32 $0x16800;
	s23 =	simm.s32 $0x16C00;
	s24 =	simm.s32 $0x17400  }
0x8: {  	s25 =	simm.s32 $0x17800;
	s28 =	simm.s32 $0x1;
	s29 =	simm.s32 $0x2  }
0x9: {  	s30 =	simm.s32 $0x0;
	s1 =	sand.u32 $0x1, s1;
	[smem:$0x7FF] =	sst s2  }
0xa: {  	s3 =	sshll.u32 s3, $0xB;
	s8 =	sadd.s32 $0x604600, s0;
	s4 =	sshll.u32 s1, $0xA  }
0xb: {  	_ =	strace $0x80000050;
	s1 =	ssub.s32 $0x2, s1;
	s4 =	sor.u32 s4, s3  }
0xc: {  	s3 =	sadd.s32 $0x3600, s0;
	s7 =	sshrl.u32 s1, $0x1;
	s5 =	sshrl.u32 s4, $0x3  }
0xd: {  	s4 =	sor.u32 $0x80, s4;
	s1 =	ssub.s32 s1, s7;
	s26 =	smul.u32 $0x180, s5  }
.Ltmp0:
0xe: {  	s6 =	sadd.s32 s5, s0;
	s4 =	sshrl.u32 s4, $0x3;
	(pc) =	sbr.rel .LBB2_1-.Ltmp0, $4  }
0xf: {  	s5 =	sadd.s32 $0x3700, s0;
	s31 =	smax.u32 s1, $0x1;
	s4 =	smul.u32 $0x180, s4  }
0x10: {  	v2 =	vlaneseq.u32;
	s1 =	simm.s32 $0x11800;
	s6 =	sadd.s32 $0x603600, s6;
	[dreg:$0x3] =	wrdreg s31  }
0x11: {  	vm0 =	vmmov $0xffff;
	vm1 =	vmmov $0xff;
	v1 =	vshrl.u32 v2, $0x3;
	[dreg:$0x2] =	wrdreg s6;
	s6 =	simm.s32 $0x12400;
	s7 =	sadd.s32 s4, s8  }
0x12: {  	v0 =	vand.u32 $0x7, v2;
	v2 =	vor.u32 $0x8, v2;
	v1 =	vmul.u32 $0x8, v1;
	s8 =	sadd.s32 s26, s8;
	s4 =	simm.s32 $0x12000;
	s26 =	simm.s32 $0x18000  }
.LBB2_5:
0x13: {  	s30 =	rddreg [dreg:$0x4]  }
0x14: {  	s0 =	rddreg [dreg:$0x3];
	s30 =	sadd.s32 $0x1, s30  }
0x15: {  	p0 =	sne.s32 s30, s0  }
.Ltmp1:
0x16: {  	_ = 	snop;
	(pc) =	sbr.rel @!p0 .LBB2_6-.Ltmp1, $1  }
0x17: {  	_ =	sdelay $0x3  }
.LBB2_1:
0x18: {  	[dreg:$0x4] =	wrdreg s30  }
0x19: {  	s0 =	rddreg [dreg:$0x2]  }
0x1a: {  	[tilespmem:s2], [sflag:$0x3] =	stream.linear.gather [hbm4b:s0+s2], $0x400, $0x38;
	[tilespmem:$0x18400] =	vst v63  }
0x1b: {  	_ =	swait.ge [sflag:s9], $0x400  }
0x1c: {  	[sflag:s9] =	ssyncset.done $0x0  }
0x1d: {  	[sflag:s9] =	ssyncadd.s32 $0xFFFFFC00  }
0x1e: {  	v3 =	vld [tilespmem:$0x0];
	_ =	sdelay $0x4  }
0x1f: {  	v4 =	vshrl.u32 v3, $0x3  }
0x20: {  	v4 =	vmul.u32 $0x18, v4  }
0x21: {  	v3 =	vand.u32 $0x7, v3  }
0x22: {  	v3 =	vor.u32 v3, v4  }
0x23: {  	v4 =	vperm.xlane v3, v0;
	_ =	sdelay $0x1  }
0x24: {  	v4 =	vadd.s32 v1, v4;
	_ =	sdelay $0x1  }
0x25: {  	v3 =	vperm.xlane v3, v2;
	_ =	sdelay $0x1  }
0x26: {  	v3 =	vadd.s32 v1, v3  }
0x27: {  	[tilespmem:s10], [sflag:$0x1] =	stream.indirect_vreg.gather [hbm4b:s3+s2], $0x80, v4, vm0, $0xb8;
	[tilespmem:$0x18400] =	vst v63  }
0x28: {  	s0 =	simm.s32 $0xC00  }
0x29: {  	[tilespmem:s0], [sflag:$0x1] =	stream.indirect_vreg.gather [hbm4b:s5+s2], $0x80, v4, vm1, $0xb8;
	[tilespmem:$0x18400] =	vst v63  }
0x2a: {  	s0 =	simm.s32 $0x1000  }
0x2b: {  	[tilespmem:s0], [sflag:$0x1] =	stream.indirect_vreg.gather [hbm4b:s3+s2], $0x80, v3, vm0, $0xb8;
	[tilespmem:$0x18400] =	vst v63  }
0x2c: {  	s0 =	simm.s32 $0x1800  }
0x2d: {  	[tilespmem:s0], [sflag:$0x1] =	stream.indirect_vreg.gather [hbm4b:s5+s2], $0x80, v3, vm1, $0xb8;
	[tilespmem:$0x18400] =	vst v63  }
0x2e: {  	v3 =	vld [tilespmem:$0x10];
	_ =	sdelay $0x4  }
0x2f: {  	v57 =	vshrl.u32 v3, $0x3  }
0x30: {  	v4 =	vmul.u32 $0x18, v57  }
0x31: {  	v3 =	vand.u32 $0x7, v3  }
0x32: {  	v3 =	vor.u32 v3, v4  }
0x33: {  	v4 =	vperm.xlane v3, v0;
	_ =	sdelay $0x1  }
0x34: {  	v4 =	vadd.s32 v1, v4;
	_ =	sdelay $0x1  }
0x35: {  	v3 =	vperm.xlane v3, v2;
	_ =	sdelay $0x1  }
0x36: {  	s0 =	simm.s32 $0x1C00;
	v3 =	vadd.s32 v1, v3  }
0x37: {  	[tilespmem:s0], [sflag:$0x1] =	stream.indirect_vreg.gather [hbm4b:s3+s2], $0x80, v4, vm0, $0xb8;
	[tilespmem:$0x18400] =	vst v63  }
0x38: {  	s0 =	simm.s32 $0x2400  }
0x39: {  	[tilespmem:s0], [sflag:$0x1] =	stream.indirect_vreg.gather [hbm4b:s5+s2], $0x80, v4, vm1, $0xb8;
	[tilespmem:$0x18400] =	vst v63  }
0x3a: {  	s0 =	simm.s32 $0x2800  }
0x3b: {  	[tilespmem:s0], [sflag:$0x1] =	stream.indirect_vreg.gather [hbm4b:s3+s2], $0x80, v3, vm0, $0xb8;
	[tilespmem:$0x18400] =	vst v63  }
0x3c: {  	s0 =	simm.s32 $0x3000  }
0x3d: {  	[tilespmem:s0], [sflag:$0x1] =	stream.indirect_vreg.gather [hbm4b:s5+s2], $0x80, v3, vm1, $0xb8;
	[tilespmem:$0x18400] =	vst v63  }
0x3e: {  	v3 =	vld [tilespmem:$0x20];
	_ =	sdelay $0x4  }
0x3f: {  	v58 =	vshrl.u32 v3, $0x3  }
0x40: {  	v4 =	vmul.u32 $0x18, v58  }
0x41: {  	v3 =	vand.u32 $0x7, v3  }
0x42: {  	v3 =	vor.u32 v3, v4  }
0x43: {  	v4 =	vperm.xlane v3, v0;
	_ =	sdelay $0x1  }
0x44: {  	v4 =	vadd.s32 v1, v4;
	_ =	sdelay $0x1  }
0x45: {  	v3 =	vperm.xlane v3, v2;
	_ =	sdelay $0x1  }
0x46: {  	s0 =	simm.s32 $0x3400;
	v3 =	vadd.s32 v1, v3  }
0x47: {  	[tilespmem:s0], [sflag:$0x1] =	stream.indirect_vreg.gather [hbm4b:s3+s2], $0x80, v4, vm0, $0xb8;
	[tilespmem:$0x18400] =	vst v63  }
0x48: {  	s0 =	simm.s32 $0x3C00  }
0x49: {  	[tilespmem:s0], [sflag:$0x1] =	stream.indirect_vreg.gather [hbm4b:s5+s2], $0x80, v4, vm1, $0xb8;
	[tilespmem:$0x18400] =	vst v63  }
0x4a: {  	s0 =	simm.s32 $0x4000  }
0x4b: {  	[tilespmem:s0], [sflag:$0x1] =	stream.indirect_vreg.gather [hbm4b:s3+s2], $0x80, v3, vm0, $0xb8;
	[tilespmem:$0x18400] =	vst v63  }
0x4c: {  	s0 =	simm.s32 $0x4800  }
0x4d: {  	[tilespmem:s0], [sflag:$0x1] =	stream.indirect_vreg.gather [hbm4b:s5+s2], $0x80, v3, vm1, $0xb8;
	[tilespmem:$0x18400] =	vst v63  }
0x4e: {  	v3 =	vld [tilespmem:$0x30];
	_ =	sdelay $0x4  }
0x4f: {  	v59 =	vshrl.u32 v3, $0x3  }
0x50: {  	v4 =	vmul.u32 $0x18, v59  }
0x51: {  	v3 =	vand.u32 $0x7, v3  }
0x52: {  	v3 =	vor.u32 v3, v4  }
0x53: {  	v4 =	vperm.xlane v3, v0;
	_ =	sdelay $0x1  }
0x54: {  	v4 =	vadd.s32 v1, v4;
	_ =	sdelay $0x1  }
0x55: {  	v3 =	vperm.xlane v3, v2;
	_ =	sdelay $0x1  }
0x56: {  	s0 =	simm.s32 $0x4C00;
	v3 =	vadd.s32 v1, v3  }
0x57: {  	[tilespmem:s0], [sflag:$0x1] =	stream.indirect_vreg.gather [hbm4b:s3+s2], $0x80, v4, vm0, $0xb8;
	[tilespmem:$0x18400] =	vst v63  }
0x58: {  	s0 =	simm.s32 $0x5400  }
0x59: {  	[tilespmem:s0], [sflag:$0x1] =	stream.indirect_vreg.gather [hbm4b:s5+s2], $0x80, v4, vm1, $0xb8;
	[tilespmem:$0x18400] =	vst v63  }
0x5a: {  	s0 =	simm.s32 $0x5800  }
0x5b: {  	[tilespmem:s0], [sflag:$0x1] =	stream.indirect_vreg.gather [hbm4b:s3+s2], $0x80, v3, vm0, $0xb8;
	[tilespmem:$0x18400] =	vst v63  }
0x5c: {  	s0 =	simm.s32 $0x6000  }
0x5d: {  	[tilespmem:s0], [sflag:$0x1] =	stream.indirect_vreg.gather [hbm4b:s5+s2], $0x80, v3, vm1, $0xb8;
	[tilespmem:$0x18400] =	vst v63  }
0x5e: {  	v3 =	vld [tilespmem:$0x40];
	_ =	sdelay $0x4  }
0x5f: {  	v60 =	vshrl.u32 v3, $0x3  }
0x60: {  	v4 =	vmul.u32 $0x18, v60  }
0x61: {  	v3 =	vand.u32 $0x7, v3  }
0x62: {  	v3 =	vor.u32 v3, v4  }
0x63: {  	v4 =	vperm.xlane v3, v0;
	_ =	sdelay $0x1  }
0x64: {  	v4 =	vadd.s32 v1, v4;
	_ =	sdelay $0x1  }
0x65: {  	v3 =	vperm.xlane v3, v2;
	_ =	sdelay $0x1  }
0x66: {  	s0 =	simm.s32 $0x6400;
	v3 =	vadd.s32 v1, v3  }
0x67: {  	[tilespmem:s0], [sflag:$0x1] =	stream.indirect_vreg.gather [hbm4b:s3+s2], $0x80, v4, vm0, $0xb8;
	[tilespmem:$0x18400] =	vst v63  }
0x68: {  	s0 =	simm.s32 $0x6C00  }
0x69: {  	[tilespmem:s0], [sflag:$0x1] =	stream.indirect_vreg.gather [hbm4b:s5+s2], $0x80, v4, vm1, $0xb8;
	[tilespmem:$0x18400] =	vst v63  }
0x6a: {  	s0 =	simm.s32 $0x7000  }
0x6b: {  	[tilespmem:s0], [sflag:$0x1] =	stream.indirect_vreg.gather [hbm4b:s3+s2], $0x80, v3, vm0, $0xb8;
	[tilespmem:$0x18400] =	vst v63  }
0x6c: {  	s0 =	simm.s32 $0x7800  }
0x6d: {  	[tilespmem:s0], [sflag:$0x1] =	stream.indirect_vreg.gather [hbm4b:s5+s2], $0x80, v3, vm1, $0xb8;
	[tilespmem:$0x18400] =	vst v63  }
0x6e: {  	v3 =	vld [tilespmem:$0x50];
	_ =	sdelay $0x4  }
0x6f: {  	v61 =	vshrl.u32 v3, $0x3  }
0x70: {  	v4 =	vmul.u32 $0x18, v61  }
0x71: {  	v3 =	vand.u32 $0x7, v3  }
0x72: {  	v3 =	vor.u32 v3, v4  }
0x73: {  	v4 =	vperm.xlane v3, v0;
	_ =	sdelay $0x1  }
0x74: {  	v4 =	vadd.s32 v1, v4;
	_ =	sdelay $0x1  }
0x75: {  	v3 =	vperm.xlane v3, v2;
	_ =	sdelay $0x1  }
0x76: {  	s0 =	simm.s32 $0x7C00;
	v3 =	vadd.s32 v1, v3  }
0x77: {  	[tilespmem:s0], [sflag:$0x1] =	stream.indirect_vreg.gather [hbm4b:s3+s2], $0x80, v4, vm0, $0xb8;
	[tilespmem:$0x18400] =	vst v63  }
0x78: {  	s0 =	simm.s32 $0x8400  }
0x79: {  	[tilespmem:s0], [sflag:$0x1] =	stream.indirect_vreg.gather [hbm4b:s5+s2], $0x80, v4, vm1, $0xb8;
	[tilespmem:$0x18400] =	vst v63  }
0x7a: {  	s0 =	simm.s32 $0x8800  }
0x7b: {  	[tilespmem:s0], [sflag:$0x1] =	stream.indirect_vreg.gather [hbm4b:s3+s2], $0x80, v3, vm0, $0xb8;
	[tilespmem:$0x18400] =	vst v63  }
0x7c: {  	s0 =	simm.s32 $0x9000  }
0x7d: {  	[tilespmem:s0], [sflag:$0x1] =	stream.indirect_vreg.gather [hbm4b:s5+s2], $0x80, v3, vm1, $0xb8;
	[tilespmem:$0x18400] =	vst v63  }
0x7e: {  	v3 =	vld [tilespmem:$0x60];
	_ =	sdelay $0x4  }
0x7f: {  	v62 =	vshrl.u32 v3, $0x3  }
0x80: {  	v4 =	vmul.u32 $0x18, v62  }
0x81: {  	v3 =	vand.u32 $0x7, v3  }
0x82: {  	v3 =	vor.u32 v3, v4  }
0x83: {  	v4 =	vperm.xlane v3, v0;
	_ =	sdelay $0x1  }
0x84: {  	v4 =	vadd.s32 v1, v4;
	_ =	sdelay $0x1  }
0x85: {  	v3 =	vperm.xlane v3, v2;
	_ =	sdelay $0x1  }
0x86: {  	s0 =	simm.s32 $0x9400;
	v3 =	vadd.s32 v1, v3  }
0x87: {  	[tilespmem:s0], [sflag:$0x1] =	stream.indirect_vreg.gather [hbm4b:s3+s2], $0x80, v4, vm0, $0xb8;
	[tilespmem:$0x18400] =	vst v63  }
0x88: {  	s0 =	simm.s32 $0x9C00  }
0x89: {  	[tilespmem:s0], [sflag:$0x1] =	stream.indirect_vreg.gather [hbm4b:s5+s2], $0x80, v4, vm1, $0xb8;
	[tilespmem:$0x18400] =	vst v63  }
0x8a: {  	s0 =	simm.s32 $0xA000  }
0x8b: {  	[tilespmem:s0], [sflag:$0x1] =	stream.indirect_vreg.gather [hbm4b:s3+s2], $0x80, v3, vm0, $0xb8;
	[tilespmem:$0x18400] =	vst v63  }
0x8c: {  	s0 =	simm.s32 $0xA800  }
0x8d: {  	[tilespmem:s0], [sflag:$0x1] =	stream.indirect_vreg.gather [hbm4b:s5+s2], $0x80, v3, vm1, $0xb8;
	[tilespmem:$0x18400] =	vst v63  }
0x8e: {  	v3 =	vld [tilespmem:$0x70];
	_ =	sdelay $0x4  }
0x8f: {  	v63 =	vshrl.u32 v3, $0x3  }
0x90: {  	v4 =	vmul.u32 $0x18, v63  }
0x91: {  	v3 =	vand.u32 $0x7, v3  }
0x92: {  	v3 =	vor.u32 v3, v4  }
0x93: {  	v4 =	vperm.xlane v3, v0;
	_ =	sdelay $0x1  }
0x94: {  	v4 =	vadd.s32 v1, v4;
	_ =	sdelay $0x2  }
0x95: {  	v3 =	vperm.xlane v3, v2  }
0x96: {  	s0 =	simm.s32 $0xAC00  }
0x97: {  	v3 =	vadd.s32 v1, v3;
	[tilespmem:s0], [sflag:$0x1] =	stream.indirect_vreg.gather [hbm4b:s3+s2], $0x80, v4, vm0, $0xb8;
	[tilespmem:$0x18400] =	vst v63  }
0x98: {  	s0 =	simm.s32 $0xB400  }
0x99: {  	[tilespmem:s0], [sflag:$0x1] =	stream.indirect_vreg.gather [hbm4b:s5+s2], $0x80, v4, vm1, $0xb8;
	[tilespmem:$0x18400] =	vst v63  }
.Ltmp2:
0x9a: {  	_ = 	snop;
	(pc) =	sbr.rel .LBB2_2-.Ltmp2, $4  }
0x9b: {  	s0 =	simm.s32 $0xB800  }
0x9c: {  	[tilespmem:s0], [sflag:$0x1] =	stream.indirect_vreg.gather [hbm4b:s3+s2], $0x80, v3, vm0, $0xb8;
	[tilespmem:$0x18400] =	vst v63  }
0x9d: {  	s30 =	simm.s32 $0xC0;
	s31 =	simm.s32 $0x0;
	s0 =	simm.s32 $0xC000  }
0x9e: {  	[tilespmem:s0], [sflag:$0x1] =	stream.indirect_vreg.gather [hbm4b:s5+s2], $0x80, v3, vm1, $0xb8;
	[tilespmem:$0x18400] =	vst v63  }
.LBB2_4:
0x9f: {  	_ =	swait.ge [sflag:s29], $0xC000;
	s0 =	sadd.s32 s31, s7;
	s31 =	sadd.s32 $0x3000, s31  }
0xa0: {  	[sflag:s29] =	ssyncset.done $0x0;
	p0 =	sne.s32 s31, $0xC000  }
.Ltmp3:
0xa1: {  	[sflag:s29] =	ssyncadd.s32 $0xFFFF4000;
	(pc) =	sbr.rel @!p0 .LBB2_5-.Ltmp3, $4  }
0xa2: {  	[hbm4b:s0+s2] =	stream.linear.scatter [tilespmem:s18], [sflag:$0x3], $0xC000, $0x38;
	[tilespmem:$0x18400] =	vst v63  }
0xa3: {  	_ =	swait.ge [sflag:s9], $0xC000  }
0xa4: {  	[sflag:s9] =	ssyncset.done $0x0  }
0xa5: {  	s30 =	sadd.s32 $0x100, s30;
	[sflag:s9] =	ssyncadd.s32 $0xFFFF4000  }
.LBB2_2:
0xa6: {  	v3 =	vld [tilespmem:s30+$0xFFFFFFC0];
	_ =	sdelay $0x4  }
0xa7: {  	v4 =	vshrl.u32 v3, $0x3  }
0xa8: {  	v4 =	vmul.u32 $0x18, v4  }
0xa9: {  	v3 =	vand.u32 $0x7, v3  }
0xaa: {  	v3 =	vor.u32 v3, v4  }
0xab: {  	v4 =	vperm.xlane v3, v0;
	_ =	sdelay $0x1  }
0xac: {  	v4 =	vadd.s32 v1, v4;
	_ =	sdelay $0x1  }
0xad: {  	v3 =	vperm.xlane v3, v2;
	_ =	sdelay $0x1  }
0xae: {  	v3 =	vadd.s32 v1, v3  }
0xaf: {  	[tilespmem:s18], [sflag:$0x2] =	stream.indirect_vreg.gather [hbm4b:s3+s2], $0x80, v4, vm0, $0xb8;
	[tilespmem:$0x18400] =	vst v63  }
0xb0: {  	s0 =	simm.s32 $0xCC00  }
0xb1: {  	[tilespmem:s0], [sflag:$0x2] =	stream.indirect_vreg.gather [hbm4b:s5+s2], $0x80, v4, vm1, $0xb8;
	[tilespmem:$0x18400] =	vst v63  }
0xb2: {  	s0 =	simm.s32 $0xD000  }
0xb3: {  	[tilespmem:s0], [sflag:$0x2] =	stream.indirect_vreg.gather [hbm4b:s3+s2], $0x80, v3, vm0, $0xb8;
	[tilespmem:$0x18400] =	vst v63  }
0xb4: {  	s0 =	simm.s32 $0xD800  }
0xb5: {  	[tilespmem:s0], [sflag:$0x2] =	stream.indirect_vreg.gather [hbm4b:s5+s2], $0x80, v3, vm1, $0xb8;
	[tilespmem:$0x18400] =	vst v63  }
0xb6: {  	v3 =	vld [tilespmem:s30+$0xFFFFFFD0];
	_ =	sdelay $0x4  }
0xb7: {  	v57 =	vshrl.u32 v3, $0x3  }
0xb8: {  	v4 =	vmul.u32 $0x18, v57  }
0xb9: {  	v3 =	vand.u32 $0x7, v3  }
0xba: {  	v3 =	vor.u32 v3, v4  }
0xbb: {  	v4 =	vperm.xlane v3, v0;
	_ =	sdelay $0x1  }
0xbc: {  	v4 =	vadd.s32 v1, v4;
	_ =	sdelay $0x1  }
0xbd: {  	v3 =	vperm.xlane v3, v2;
	_ =	sdelay $0x1  }
0xbe: {  	s0 =	simm.s32 $0xDC00;
	v3 =	vadd.s32 v1, v3  }
0xbf: {  	[tilespmem:s0], [sflag:$0x2] =	stream.indirect_vreg.gather [hbm4b:s3+s2], $0x80, v4, vm0, $0xb8;
	[tilespmem:$0x18400] =	vst v63  }
0xc0: {  	s0 =	simm.s32 $0xE400  }
0xc1: {  	[tilespmem:s0], [sflag:$0x2] =	stream.indirect_vreg.gather [hbm4b:s5+s2], $0x80, v4, vm1, $0xb8;
	[tilespmem:$0x18400] =	vst v63  }
0xc2: {  	s0 =	simm.s32 $0xE800  }
0xc3: {  	[tilespmem:s0], [sflag:$0x2] =	stream.indirect_vreg.gather [hbm4b:s3+s2], $0x80, v3, vm0, $0xb8;
	[tilespmem:$0x18400] =	vst v63  }
0xc4: {  	s0 =	simm.s32 $0xF000  }
0xc5: {  	[tilespmem:s0], [sflag:$0x2] =	stream.indirect_vreg.gather [hbm4b:s5+s2], $0x80, v3, vm1, $0xb8;
	[tilespmem:$0x18400] =	vst v63  }
0xc6: {  	v3 =	vld [tilespmem:s30+$0xFFFFFFE0];
	_ =	sdelay $0x4  }
0xc7: {  	v58 =	vshrl.u32 v3, $0x3  }
0xc8: {  	v4 =	vmul.u32 $0x18, v58  }
0xc9: {  	v3 =	vand.u32 $0x7, v3  }
0xca: {  	v3 =	vor.u32 v3, v4  }
0xcb: {  	v4 =	vperm.xlane v3, v0;
	_ =	sdelay $0x1  }
0xcc: {  	v4 =	vadd.s32 v1, v4;
	_ =	sdelay $0x1  }
0xcd: {  	v3 =	vperm.xlane v3, v2;
	_ =	sdelay $0x1  }
0xce: {  	s0 =	simm.s32 $0xF400;
	v3 =	vadd.s32 v1, v3  }
0xcf: {  	[tilespmem:s0], [sflag:$0x2] =	stream.indirect_vreg.gather [hbm4b:s3+s2], $0x80, v4, vm0, $0xb8;
	[tilespmem:$0x18400] =	vst v63  }
0xd0: {  	s0 =	simm.s32 $0xFC00  }
0xd1: {  	[tilespmem:s0], [sflag:$0x2] =	stream.indirect_vreg.gather [hbm4b:s5+s2], $0x80, v4, vm1, $0xb8;
	[tilespmem:$0x18400] =	vst v63  }
0xd2: {  	s0 =	simm.s32 $0x10000  }
0xd3: {  	[tilespmem:s0], [sflag:$0x2] =	stream.indirect_vreg.gather [hbm4b:s3+s2], $0x80, v3, vm0, $0xb8;
	[tilespmem:$0x18400] =	vst v63  }
0xd4: {  	s0 =	simm.s32 $0x10800  }
0xd5: {  	[tilespmem:s0], [sflag:$0x2] =	stream.indirect_vreg.gather [hbm4b:s5+s2], $0x80, v3, vm1, $0xb8;
	[tilespmem:$0x18400] =	vst v63  }
0xd6: {  	v3 =	vld [tilespmem:s30+$0xFFFFFFF0];
	_ =	sdelay $0x4  }
0xd7: {  	v59 =	vshrl.u32 v3, $0x3  }
0xd8: {  	v4 =	vmul.u32 $0x18, v59  }
0xd9: {  	v3 =	vand.u32 $0x7, v3  }
0xda: {  	v3 =	vor.u32 v3, v4  }
0xdb: {  	v4 =	vperm.xlane v3, v0;
	_ =	sdelay $0x1  }
0xdc: {  	v4 =	vadd.s32 v1, v4;
	_ =	sdelay $0x1  }
0xdd: {  	v3 =	vperm.xlane v3, v2;
	_ =	sdelay $0x1  }
0xde: {  	s0 =	simm.s32 $0x10C00;
	v3 =	vadd.s32 v1, v3  }
0xdf: {  	[tilespmem:s0], [sflag:$0x2] =	stream.indirect_vreg.gather [hbm4b:s3+s2], $0x80, v4, vm0, $0xb8;
	[tilespmem:$0x18400] =	vst v63  }
0xe0: {  	s0 =	simm.s32 $0x11400  }
0xe1: {  	[tilespmem:s0], [sflag:$0x2] =	stream.indirect_vreg.gather [hbm4b:s5+s2], $0x80, v4, vm1, $0xb8;
	[tilespmem:$0x18400] =	vst v63  }
0xe2: {  	_ = 	snop  }
0xe3: {  	[tilespmem:s1], [sflag:$0x2] =	stream.indirect_vreg.gather [hbm4b:s3+s2], $0x80, v3, vm0, $0xb8;
	[tilespmem:$0x18400] =	vst v63  }
0xe4: {  	_ = 	snop  }
0xe5: {  	[tilespmem:s4], [sflag:$0x2] =	stream.indirect_vreg.gather [hbm4b:s5+s2], $0x80, v3, vm1, $0xb8;
	[tilespmem:$0x18400] =	vst v63  }
0xe6: {  	v3 =	vld [tilespmem:s30+$0x0];
	_ =	sdelay $0x4  }
0xe7: {  	v60 =	vshrl.u32 v3, $0x3  }
0xe8: {  	v4 =	vmul.u32 $0x18, v60  }
0xe9: {  	v3 =	vand.u32 $0x7, v3  }
0xea: {  	v3 =	vor.u32 v3, v4  }
0xeb: {  	v4 =	vperm.xlane v3, v0;
	_ =	sdelay $0x1  }
0xec: {  	v4 =	vadd.s32 v1, v4;
	_ =	sdelay $0x1  }
0xed: {  	v3 =	vperm.xlane v3, v2;
	_ =	sdelay $0x1  }
0xee: {  	v3 =	vadd.s32 v1, v3  }
0xef: {  	[tilespmem:s6], [sflag:$0x2] =	stream.indirect_vreg.gather [hbm4b:s3+s2], $0x80, v4, vm0, $0xb8;
	[tilespmem:$0x18400] =	vst v63  }
0xf0: {  	_ = 	snop  }
0xf1: {  	[tilespmem:s11], [sflag:$0x2] =	stream.indirect_vreg.gather [hbm4b:s5+s2], $0x80, v4, vm1, $0xb8;
	[tilespmem:$0x18400] =	vst v63  }
0xf2: {  	_ = 	snop  }
0xf3: {  	[tilespmem:s12], [sflag:$0x2] =	stream.indirect_vreg.gather [hbm4b:s3+s2], $0x80, v3, vm0, $0xb8;
	[tilespmem:$0x18400] =	vst v63  }
0xf4: {  	_ = 	snop  }
0xf5: {  	[tilespmem:s13], [sflag:$0x2] =	stream.indirect_vreg.gather [hbm4b:s5+s2], $0x80, v3, vm1, $0xb8;
	[tilespmem:$0x18400] =	vst v63  }
0xf6: {  	v3 =	vld [tilespmem:s30+$0x10];
	_ =	sdelay $0x4  }
0xf7: {  	v61 =	vshrl.u32 v3, $0x3  }
0xf8: {  	v4 =	vmul.u32 $0x18, v61  }
0xf9: {  	v3 =	vand.u32 $0x7, v3  }
0xfa: {  	v3 =	vor.u32 v3, v4  }
0xfb: {  	v4 =	vperm.xlane v3, v0;
	_ =	sdelay $0x1  }
0xfc: {  	v4 =	vadd.s32 v1, v4;
	_ =	sdelay $0x1  }
0xfd: {  	v3 =	vperm.xlane v3, v2;
	_ =	sdelay $0x1  }
0xfe: {  	v3 =	vadd.s32 v1, v3  }
0xff: {  	[tilespmem:s14], [sflag:$0x2] =	stream.indirect_vreg.gather [hbm4b:s3+s2], $0x80, v4, vm0, $0xb8;
	[tilespmem:$0x18400] =	vst v63  }
0x100: {  	_ = 	snop  }
0x101: {  	[tilespmem:s15], [sflag:$0x2] =	stream.indirect_vreg.gather [hbm4b:s5+s2], $0x80, v4, vm1, $0xb8;
	[tilespmem:$0x18400] =	vst v63  }
0x102: {  	_ = 	snop  }
0x103: {  	[tilespmem:s16], [sflag:$0x2] =	stream.indirect_vreg.gather [hbm4b:s3+s2], $0x80, v3, vm0, $0xb8;
	[tilespmem:$0x18400] =	vst v63  }
0x104: {  	_ = 	snop  }
0x105: {  	[tilespmem:s17], [sflag:$0x2] =	stream.indirect_vreg.gather [hbm4b:s5+s2], $0x80, v3, vm1, $0xb8;
	[tilespmem:$0x18400] =	vst v63  }
0x106: {  	v3 =	vld [tilespmem:s30+$0x20];
	_ =	sdelay $0x4  }
0x107: {  	v62 =	vshrl.u32 v3, $0x3  }
0x108: {  	v4 =	vmul.u32 $0x18, v62  }
0x109: {  	v3 =	vand.u32 $0x7, v3  }
0x10a: {  	v3 =	vor.u32 v3, v4  }
0x10b: {  	v4 =	vperm.xlane v3, v0;
	_ =	sdelay $0x1  }
0x10c: {  	v4 =	vadd.s32 v1, v4;
	_ =	sdelay $0x1  }
0x10d: {  	v3 =	vperm.xlane v3, v2;
	_ =	sdelay $0x1  }
0x10e: {  	v3 =	vadd.s32 v1, v3  }
0x10f: {  	[tilespmem:s19], [sflag:$0x2] =	stream.indirect_vreg.gather [hbm4b:s3+s2], $0x80, v4, vm0, $0xb8;
	[tilespmem:$0x18400] =	vst v63  }
0x110: {  	_ = 	snop  }
0x111: {  	[tilespmem:s20], [sflag:$0x2] =	stream.indirect_vreg.gather [hbm4b:s5+s2], $0x80, v4, vm1, $0xb8;
	[tilespmem:$0x18400] =	vst v63  }
0x112: {  	_ = 	snop  }
0x113: {  	[tilespmem:s21], [sflag:$0x2] =	stream.indirect_vreg.gather [hbm4b:s3+s2], $0x80, v3, vm0, $0xb8;
	[tilespmem:$0x18400] =	vst v63  }
0x114: {  	_ = 	snop  }
0x115: {  	[tilespmem:s22], [sflag:$0x2] =	stream.indirect_vreg.gather [hbm4b:s5+s2], $0x80, v3, vm1, $0xb8;
	[tilespmem:$0x18400] =	vst v63  }
0x116: {  	v3 =	vld [tilespmem:s30+$0x30];
	_ =	sdelay $0x4  }
0x117: {  	v63 =	vshrl.u32 v3, $0x3  }
0x118: {  	v4 =	vmul.u32 $0x18, v63  }
0x119: {  	v3 =	vand.u32 $0x7, v3  }
0x11a: {  	v3 =	vor.u32 v3, v4  }
0x11b: {  	v4 =	vperm.xlane v3, v0;
	_ =	sdelay $0x1  }
0x11c: {  	v4 =	vadd.s32 v1, v4;
	_ =	sdelay $0x1  }
0x11d: {  	v3 =	vperm.xlane v3, v2;
	_ =	sdelay $0x1  }
0x11e: {  	v3 =	vadd.s32 v1, v3  }
0x11f: {  	[tilespmem:s23], [sflag:$0x2] =	stream.indirect_vreg.gather [hbm4b:s3+s2], $0x80, v4, vm0, $0xb8;
	[tilespmem:$0x18400] =	vst v63  }
0x120: {  	_ = 	snop  }
0x121: {  	[tilespmem:s24], [sflag:$0x2] =	stream.indirect_vreg.gather [hbm4b:s5+s2], $0x80, v4, vm1, $0xb8;
	[tilespmem:$0x18400] =	vst v63  }
0x122: {  	_ = 	snop  }
0x123: {  	[tilespmem:s25], [sflag:$0x2] =	stream.indirect_vreg.gather [hbm4b:s3+s2], $0x80, v3, vm0, $0xb8;
	[tilespmem:$0x18400] =	vst v63  }
0x124: {  	_ = 	snop  }
0x125: {  	[tilespmem:s26], [sflag:$0x2] =	stream.indirect_vreg.gather [hbm4b:s5+s2], $0x80, v3, vm1, $0xb8;
	[tilespmem:$0x18400] =	vst v63  }
0x126: {  	_ =	swait.ge [sflag:s28], $0xC000  }
0x127: {  	p0 =	seq.s32 s31, $0x9000;
	[sflag:s28] =	ssyncset.done $0x0  }
.Ltmp4:
0x128: {  	s0 =	sadd.s32 s31, s8;
	[sflag:s28] =	ssyncadd.s32 $0xFFFF4000;
	(pc) =	sbr.rel @p0 .LBB2_4-.Ltmp4, $4  }
0x129: {  	[hbm4b:s0+s2] =	stream.linear.scatter [tilespmem:s10], [sflag:$0x3], $0xC000, $0x38;
	[tilespmem:$0x18400] =	vst v63  }
0x12a: {  	_ =	swait.ge [sflag:s9], $0xC000  }
0x12b: {  	[sflag:s9] =	ssyncset.done $0x0  }
0x12c: {  	[sflag:s9] =	ssyncadd.s32 $0xFFFF4000  }
0x12d: {  	v3 =	vld [tilespmem:s30+$0x40];
	_ =	sdelay $0x4  }
0x12e: {  	v4 =	vshrl.u32 v3, $0x3  }
0x12f: {  	v4 =	vmul.u32 $0x18, v4  }
0x130: {  	v3 =	vand.u32 $0x7, v3  }
0x131: {  	v3 =	vor.u32 v3, v4  }
0x132: {  	v4 =	vperm.xlane v3, v0;
	_ =	sdelay $0x1  }
0x133: {  	v4 =	vadd.s32 v1, v4;
	_ =	sdelay $0x1  }
0x134: {  	v3 =	vperm.xlane v3, v2;
	_ =	sdelay $0x1  }
0x135: {  	v3 =	vadd.s32 v1, v3  }
0x136: {  	[tilespmem:s10], [sflag:$0x1] =	stream.indirect_vreg.gather [hbm4b:s3+s2], $0x80, v4, vm0, $0xb8;
	[tilespmem:$0x18400] =	vst v63  }
0x137: {  	s0 =	simm.s32 $0xC00  }
0x138: {  	[tilespmem:s0], [sflag:$0x1] =	stream.indirect_vreg.gather [hbm4b:s5+s2], $0x80, v4, vm1, $0xb8;
	[tilespmem:$0x18400] =	vst v63  }
0x139: {  	s0 =	simm.s32 $0x1000  }
0x13a: {  	[tilespmem:s0], [sflag:$0x1] =	stream.indirect_vreg.gather [hbm4b:s3+s2], $0x80, v3, vm0, $0xb8;
	[tilespmem:$0x18400] =	vst v63  }
0x13b: {  	s0 =	simm.s32 $0x1800  }
0x13c: {  	[tilespmem:s0], [sflag:$0x1] =	stream.indirect_vreg.gather [hbm4b:s5+s2], $0x80, v3, vm1, $0xb8;
	[tilespmem:$0x18400] =	vst v63  }
0x13d: {  	v3 =	vld [tilespmem:s30+$0x50];
	_ =	sdelay $0x4  }
0x13e: {  	v57 =	vshrl.u32 v3, $0x3  }
0x13f: {  	v4 =	vmul.u32 $0x18, v57  }
0x140: {  	v3 =	vand.u32 $0x7, v3  }
0x141: {  	v3 =	vor.u32 v3, v4  }
0x142: {  	v4 =	vperm.xlane v3, v0;
	_ =	sdelay $0x1  }
0x143: {  	v4 =	vadd.s32 v1, v4;
	_ =	sdelay $0x1  }
0x144: {  	v3 =	vperm.xlane v3, v2;
	_ =	sdelay $0x1  }
0x145: {  	s0 =	simm.s32 $0x1C00;
	v3 =	vadd.s32 v1, v3  }
0x146: {  	[tilespmem:s0], [sflag:$0x1] =	stream.indirect_vreg.gather [hbm4b:s3+s2], $0x80, v4, vm0, $0xb8;
	[tilespmem:$0x18400] =	vst v63  }
0x147: {  	s0 =	simm.s32 $0x2400  }
0x148: {  	[tilespmem:s0], [sflag:$0x1] =	stream.indirect_vreg.gather [hbm4b:s5+s2], $0x80, v4, vm1, $0xb8;
	[tilespmem:$0x18400] =	vst v63  }
0x149: {  	s0 =	simm.s32 $0x2800  }
0x14a: {  	[tilespmem:s0], [sflag:$0x1] =	stream.indirect_vreg.gather [hbm4b:s3+s2], $0x80, v3, vm0, $0xb8;
	[tilespmem:$0x18400] =	vst v63  }
0x14b: {  	s0 =	simm.s32 $0x3000  }
0x14c: {  	[tilespmem:s0], [sflag:$0x1] =	stream.indirect_vreg.gather [hbm4b:s5+s2], $0x80, v3, vm1, $0xb8;
	[tilespmem:$0x18400] =	vst v63  }
0x14d: {  	v3 =	vld [tilespmem:s30+$0x60];
	_ =	sdelay $0x4  }
0x14e: {  	v58 =	vshrl.u32 v3, $0x3  }
0x14f: {  	v4 =	vmul.u32 $0x18, v58  }
0x150: {  	v3 =	vand.u32 $0x7, v3  }
0x151: {  	v3 =	vor.u32 v3, v4  }
0x152: {  	v4 =	vperm.xlane v3, v0;
	_ =	sdelay $0x1  }
0x153: {  	v4 =	vadd.s32 v1, v4;
	_ =	sdelay $0x1  }
0x154: {  	v3 =	vperm.xlane v3, v2;
	_ =	sdelay $0x1  }
0x155: {  	s0 =	simm.s32 $0x3400;
	v3 =	vadd.s32 v1, v3  }
0x156: {  	[tilespmem:s0], [sflag:$0x1] =	stream.indirect_vreg.gather [hbm4b:s3+s2], $0x80, v4, vm0, $0xb8;
	[tilespmem:$0x18400] =	vst v63  }
0x157: {  	s0 =	simm.s32 $0x3C00  }
0x158: {  	[tilespmem:s0], [sflag:$0x1] =	stream.indirect_vreg.gather [hbm4b:s5+s2], $0x80, v4, vm1, $0xb8;
	[tilespmem:$0x18400] =	vst v63  }
0x159: {  	s0 =	simm.s32 $0x4000  }
0x15a: {  	[tilespmem:s0], [sflag:$0x1] =	stream.indirect_vreg.gather [hbm4b:s3+s2], $0x80, v3, vm0, $0xb8;
	[tilespmem:$0x18400] =	vst v63  }
0x15b: {  	s0 =	simm.s32 $0x4800  }
0x15c: {  	[tilespmem:s0], [sflag:$0x1] =	stream.indirect_vreg.gather [hbm4b:s5+s2], $0x80, v3, vm1, $0xb8;
	[tilespmem:$0x18400] =	vst v63  }
0x15d: {  	v3 =	vld [tilespmem:s30+$0x70];
	_ =	sdelay $0x4  }
0x15e: {  	v59 =	vshrl.u32 v3, $0x3  }
0x15f: {  	v4 =	vmul.u32 $0x18, v59  }
0x160: {  	v3 =	vand.u32 $0x7, v3  }
0x161: {  	v3 =	vor.u32 v3, v4  }
0x162: {  	v4 =	vperm.xlane v3, v0;
	_ =	sdelay $0x1  }
0x163: {  	v4 =	vadd.s32 v1, v4;
	_ =	sdelay $0x1  }
0x164: {  	v3 =	vperm.xlane v3, v2;
	_ =	sdelay $0x1  }
0x165: {  	s0 =	simm.s32 $0x4C00;
	v3 =	vadd.s32 v1, v3  }
0x166: {  	[tilespmem:s0], [sflag:$0x1] =	stream.indirect_vreg.gather [hbm4b:s3+s2], $0x80, v4, vm0, $0xb8;
	[tilespmem:$0x18400] =	vst v63  }
0x167: {  	s0 =	simm.s32 $0x5400  }
0x168: {  	[tilespmem:s0], [sflag:$0x1] =	stream.indirect_vreg.gather [hbm4b:s5+s2], $0x80, v4, vm1, $0xb8;
	[tilespmem:$0x18400] =	vst v63  }
0x169: {  	s0 =	simm.s32 $0x5800  }
0x16a: {  	[tilespmem:s0], [sflag:$0x1] =	stream.indirect_vreg.gather [hbm4b:s3+s2], $0x80, v3, vm0, $0xb8;
	[tilespmem:$0x18400] =	vst v63  }
0x16b: {  	s0 =	simm.s32 $0x6000  }
0x16c: {  	[tilespmem:s0], [sflag:$0x1] =	stream.indirect_vreg.gather [hbm4b:s5+s2], $0x80, v3, vm1, $0xb8;
	[tilespmem:$0x18400] =	vst v63  }
0x16d: {  	v3 =	vld [tilespmem:s30+$0x80];
	_ =	sdelay $0x4  }
0x16e: {  	v60 =	vshrl.u32 v3, $0x3  }
0x16f: {  	v4 =	vmul.u32 $0x18, v60  }
0x170: {  	v3 =	vand.u32 $0x7, v3  }
0x171: {  	v3 =	vor.u32 v3, v4  }
0x172: {  	v4 =	vperm.xlane v3, v0;
	_ =	sdelay $0x1  }
0x173: {  	v4 =	vadd.s32 v1, v4;
	_ =	sdelay $0x1  }
0x174: {  	v3 =	vperm.xlane v3, v2;
	_ =	sdelay $0x1  }
0x175: {  	s0 =	simm.s32 $0x6400;
	v3 =	vadd.s32 v1, v3  }
0x176: {  	[tilespmem:s0], [sflag:$0x1] =	stream.indirect_vreg.gather [hbm4b:s3+s2], $0x80, v4, vm0, $0xb8;
	[tilespmem:$0x18400] =	vst v63  }
0x177: {  	s0 =	simm.s32 $0x6C00  }
0x178: {  	[tilespmem:s0], [sflag:$0x1] =	stream.indirect_vreg.gather [hbm4b:s5+s2], $0x80, v4, vm1, $0xb8;
	[tilespmem:$0x18400] =	vst v63  }
0x179: {  	s0 =	simm.s32 $0x7000  }
0x17a: {  	[tilespmem:s0], [sflag:$0x1] =	stream.indirect_vreg.gather [hbm4b:s3+s2], $0x80, v3, vm0, $0xb8;
	[tilespmem:$0x18400] =	vst v63  }
0x17b: {  	s0 =	simm.s32 $0x7800  }
0x17c: {  	[tilespmem:s0], [sflag:$0x1] =	stream.indirect_vreg.gather [hbm4b:s5+s2], $0x80, v3, vm1, $0xb8;
	[tilespmem:$0x18400] =	vst v63  }
0x17d: {  	v3 =	vld [tilespmem:s30+$0x90];
	_ =	sdelay $0x4  }
0x17e: {  	v61 =	vshrl.u32 v3, $0x3  }
0x17f: {  	v4 =	vmul.u32 $0x18, v61  }
0x180: {  	v3 =	vand.u32 $0x7, v3  }
0x181: {  	v3 =	vor.u32 v3, v4  }
0x182: {  	v4 =	vperm.xlane v3, v0;
	_ =	sdelay $0x1  }
0x183: {  	v4 =	vadd.s32 v1, v4;
	_ =	sdelay $0x1  }
0x184: {  	v3 =	vperm.xlane v3, v2;
	_ =	sdelay $0x1  }
0x185: {  	s0 =	simm.s32 $0x7C00;
	v3 =	vadd.s32 v1, v3  }
0x186: {  	[tilespmem:s0], [sflag:$0x1] =	stream.indirect_vreg.gather [hbm4b:s3+s2], $0x80, v4, vm0, $0xb8;
	[tilespmem:$0x18400] =	vst v63  }
0x187: {  	s0 =	simm.s32 $0x8400  }
0x188: {  	[tilespmem:s0], [sflag:$0x1] =	stream.indirect_vreg.gather [hbm4b:s5+s2], $0x80, v4, vm1, $0xb8;
	[tilespmem:$0x18400] =	vst v63  }
0x189: {  	s0 =	simm.s32 $0x8800  }
0x18a: {  	[tilespmem:s0], [sflag:$0x1] =	stream.indirect_vreg.gather [hbm4b:s3+s2], $0x80, v3, vm0, $0xb8;
	[tilespmem:$0x18400] =	vst v63  }
0x18b: {  	s0 =	simm.s32 $0x9000  }
0x18c: {  	[tilespmem:s0], [sflag:$0x1] =	stream.indirect_vreg.gather [hbm4b:s5+s2], $0x80, v3, vm1, $0xb8;
	[tilespmem:$0x18400] =	vst v63  }
0x18d: {  	v3 =	vld [tilespmem:s30+$0xA0];
	_ =	sdelay $0x4  }
0x18e: {  	v62 =	vshrl.u32 v3, $0x3  }
0x18f: {  	v4 =	vmul.u32 $0x18, v62  }
0x190: {  	v3 =	vand.u32 $0x7, v3  }
0x191: {  	v3 =	vor.u32 v3, v4  }
0x192: {  	v4 =	vperm.xlane v3, v0;
	_ =	sdelay $0x1  }
0x193: {  	v4 =	vadd.s32 v1, v4;
	_ =	sdelay $0x1  }
0x194: {  	v3 =	vperm.xlane v3, v2;
	_ =	sdelay $0x1  }
0x195: {  	s0 =	simm.s32 $0x9400;
	v3 =	vadd.s32 v1, v3  }
0x196: {  	[tilespmem:s0], [sflag:$0x1] =	stream.indirect_vreg.gather [hbm4b:s3+s2], $0x80, v4, vm0, $0xb8;
	[tilespmem:$0x18400] =	vst v63  }
0x197: {  	s0 =	simm.s32 $0x9C00  }
0x198: {  	[tilespmem:s0], [sflag:$0x1] =	stream.indirect_vreg.gather [hbm4b:s5+s2], $0x80, v4, vm1, $0xb8;
	[tilespmem:$0x18400] =	vst v63  }
0x199: {  	s0 =	simm.s32 $0xA000  }
0x19a: {  	[tilespmem:s0], [sflag:$0x1] =	stream.indirect_vreg.gather [hbm4b:s3+s2], $0x80, v3, vm0, $0xb8;
	[tilespmem:$0x18400] =	vst v63  }
0x19b: {  	s0 =	simm.s32 $0xA800  }
0x19c: {  	[tilespmem:s0], [sflag:$0x1] =	stream.indirect_vreg.gather [hbm4b:s5+s2], $0x80, v3, vm1, $0xb8;
	[tilespmem:$0x18400] =	vst v63  }
0x19d: {  	v3 =	vld [tilespmem:s30+$0xB0];
	_ =	sdelay $0x4  }
0x19e: {  	v63 =	vshrl.u32 v3, $0x3  }
0x19f: {  	v4 =	vmul.u32 $0x18, v63  }
0x1a0: {  	v3 =	vand.u32 $0x7, v3  }
0x1a1: {  	v3 =	vor.u32 v3, v4  }
0x1a2: {  	v4 =	vperm.xlane v3, v0;
	_ =	sdelay $0x1  }
0x1a3: {  	v4 =	vadd.s32 v1, v4;
	_ =	sdelay $0x2  }
0x1a4: {  	v3 =	vperm.xlane v3, v2  }
0x1a5: {  	s0 =	simm.s32 $0xAC00  }
0x1a6: {  	v3 =	vadd.s32 v1, v3;
	[tilespmem:s0], [sflag:$0x1] =	stream.indirect_vreg.gather [hbm4b:s3+s2], $0x80, v4, vm0, $0xb8;
	[tilespmem:$0x18400] =	vst v63  }
0x1a7: {  	s0 =	simm.s32 $0xB400  }
0x1a8: {  	[tilespmem:s0], [sflag:$0x1] =	stream.indirect_vreg.gather [hbm4b:s5+s2], $0x80, v4, vm1, $0xb8;
	[tilespmem:$0x18400] =	vst v63  }
.Ltmp5:
0x1a9: {  	_ = 	snop;
	(pc) =	sbr.rel .LBB2_4-.Ltmp5, $4  }
0x1aa: {  	s0 =	simm.s32 $0xB800  }
0x1ab: {  	[tilespmem:s0], [sflag:$0x1] =	stream.indirect_vreg.gather [hbm4b:s3+s2], $0x80, v3, vm0, $0xb8;
	[tilespmem:$0x18400] =	vst v63  }
0x1ac: {  	s0 =	simm.s32 $0xC000  }
0x1ad: {  	[tilespmem:s0], [sflag:$0x1] =	stream.indirect_vreg.gather [hbm4b:s5+s2], $0x80, v3, vm1, $0xb8;
	[tilespmem:$0x18400] =	vst v63  }
.LBB2_6:
0x1ae: {  	_ =	sfence.sel $0x180000  }
0x1af: {  	[bflag:$0x0] =	sbarrier.arrive $0xFFFF  }
0x1b0: {  	_ =	strace $0x90000050  }
0x1b1: {  	s0 =	stileid.u32;
	[bflag:$0x2] =	sbarrier.arrive $0xFFFF  }
0x1b2: {  	p0 =	sne.s32 s0, $0x0;
	s0 =	rddreg [dreg:$0x1]  }
0x1b3: {  	s0 =	sadd.s32 @!p0 $0x100000, s0  }
0x1b4: {  	[sflag:s0] =	ssyncadd.tile.s32 @!p0 $0x1;
	_ =	shalt  }
.Lfunc_end2:
_tile_overlayer_lowered:
.L_overlay_start_2:
0x1b5: {  	(tag) =	ssettag $0x2  }
0x1b6: {  	s0 =	rddreg [dreg:$0x0];
	s2 =	stileid.u32  }
0x1b7: {  	s1 =	rddreg [dreg:$0x1];
	p0 =	sne.s32 s2, $0x0  }
0x1b8: {  	s3 =	rddreg [dreg:$0x2];
	[bflag:$0x3] =	sbarrier.arrive $0xFFFF;
	s2 =	simm.s32 @!p0 $0x1C03  }
0x1b9: {  	[timem:s3], [sflag:s2] =	dma.local @!p0 [hbm:s0], s1  }
0x1ba: {  	s0 =	simm.s32 @!p0 $0x3  }
0x1bb: {  	_ =	swait.ge @!p0 [sflag:s0], s1  }
0x1bc: {  	s1 =	ssub.s32 @!p0 $0x0, s1;
	[sflag:s0] =	ssyncset.done @!p0 $0x0  }
0x1bd: {  	[sflag:s0] =	ssyncadd.s32 @!p0 s1  }
0x1be: {  	[bflag:$0x3] =	sbarrier.arrive $0xFFFF  }
0x1bf: {  	_ =	shalt  }

// kernel: kernel.16.cloned.1.call-start
scs
__scs_entry_jumppad:
0x0: {  	(pc) =	sbr.rel $0x88, $3  }
0x1: {  	(tag) =	ssettag $0x0;
	lr =	simm.s32 $0x1  }
0x2: {  	[smem:$0x3F9B] =	sst lr;
	_ =	strace $0xD0000000  }
0x3: {  	_ = 	snop  }
0x4: {  	_ = 	snop  }
0x5: {  	_ = 	snop  }
0x6: {  	_ = 	snop  }
0x7: {  	_ = 	snop  }
__scs_overlays_trampoline_lowered:
0x8: {  	[smem:$0x3FAA] =	sst s0  }
0x9: {  	[smem:$0x3FAB] =	sst s1  }
0xa: {  	[smem:$0x3FAC] =	sst s2  }
0xb: {  	[smem:$0x3FAD] =	sst s3  }
0xc: {  	[smem:$0x3FAE] =	sst s4  }
0xd: {  	[smem:$0x3FAF] =	sst s5  }
0xe: {  	[smem:$0x3FB0] =	sst s6  }
0xf: {  	[smem:$0x3FB1] =	sst s7  }
0x10: {  	[smem:$0x3FB2] =	sst s8  }
0x11: {  	[smem:$0x3FB3] =	sst s9;
	s0 =	simm.s32 @!p0 $0x0  }
0x12: {  	s1 =	sld [smem:$0x3F99];
	s0 =	simm.s32 @p0 $0x1  }
0x13: {  	[smem:$0x3FB4] =	sst s0;
	s0 =	simm.s32 @!p1 $0x0  }
0x14: {  	s2 =	sld [smem:$0x3F98];
	s0 =	simm.s32 @p1 $0x1  }
0x15: {  	[smem:$0x3FB5] =	sst s0;
	s0 =	simm.s32 @!p2 $0x0  }
0x16: {  	s3 =	sld [smem:$0x3FDB];
	s0 =	simm.s32 @p2 $0x1  }
0x17: {  	s4 =	simm.s32 $0x1BF5;
	[smem:$0x3FB7] =	sst s0  }
0x18: {  	s0 =	sld [smem:$0x3F9A];
	_ =	swait.ge [sflag:s4], $0x0  }
0x19: {  	s7 =	sld [smem:$0x3F9B]  }
0x1a: {  	s8 =	sadd.s32 $0xFFFFE003, lr  }
0x1b: {  	s9 =	sadd.s32 $0xFFFFFEF7, lr;
	s5 =	simm.s32 $0xFFFFFFFF;
	p2 =	slt.u32 s8, $0xFFFFF086  }
0x1c: {  	p1 =	slt.u32 s9, $0xF7A;
	s5 =	simm.s32 @!p2 $0x0  }
0x1d: {  	s5 =	simm.s32 @p1 $0x1;
	p0 =	seq.s32 s7, s2  }
0x1e: {  	s7 =	smul.u32 @!p0 $0xF7A, s2;
	p2 =	seq.s32 @!p0 s5, $0x0  }
0x1f: {  	s9 =	smul.u32 $0xF7A, s1;
	s8 =	simm.s32 @!p0 $0x1BF5;
	p2 =	por !p2, p0  }
0x20: {  	[sflag:s8] =	ssyncset.s32 @!p0 $0xFFFFF086;
	s6 =	sadd.s32 @!p0 s3, s7;
	s7 =	simm.s32 @!p0 $0x108  }
0x21: {  	s3 =	sadd.s32 s3, s9;
	s6 =	sadd.s32 @!p0 $0x88, s6;
	s7 =	simm.s32 @p2 $0x1082  }
0x22: {  	[simem:s7], [sflag:s8] =	dma.local @!p0 [hbm:s6], $0xF7A  }
0x23: {  	s9 =	sor.u32 $0xD0000000, s2;
	s6 =	simm.s32 $0x108;
	_ =	swait.ge @!p0 [sflag:s8], $0x0  }
0x24: {  	s3 =	sadd.s32 $0x88, s3;
	s6 =	simm.s32 @!p1 $0x1082;
	[sflag:s4] =	ssyncset.s32 $0xFFFFF086  }
0x25: {  	[simem:s6], [sflag:s4] =	dma.local [hbm:s3], $0xF7A  }
0x26: {  	[smem:$0x3F9B] =	sst s1;
	(tag) =	ssettag s2;
	_ =	strace s9  }
0x27: {  	s1 =	sld [smem:$0x3FAB]  }
0x28: {  	s2 =	sld [smem:$0x3FAC]  }
0x29: {  	s4 =	sld [smem:$0x3FAE]  }
0x2a: {  	p0 =	seq.s32 s5, $0x0;
	s5 =	sld [smem:$0x3FAF]  }
0x2b: {  	s6 =	sld [smem:$0x3FB0]  }
0x2c: {  	s7 =	sld [smem:$0x3FB1]  }
0x2d: {  	s3 =	simm.s32 $0x108;
	s8 =	sld [smem:$0x3FB2]  }
0x2e: {  	s3 =	simm.s32 @!p0 $0x1082;
	s9 =	sld [smem:$0x3FB3]  }
0x2f: {  	lr =	sadd.s32 s0, s3;
	s0 =	sld [smem:$0x3FAA]  }
0x30: {  	s3 =	sld [smem:$0x3FAD]  }
0x31: {  	[smem:$0x3FB6] =	sst s10  }
0x32: {  	s10 =	sld [smem:$0x3FB4];
	_ =	sdelay $0x3  }
0x33: {  	p0 =	seq.s32 s10, $0x1;
	s10 =	sld [smem:$0x3FB6];
	_ =	sdelay $0x3  }
0x34: {  	[smem:$0x3FB6] =	sst s10  }
0x35: {  	s10 =	sld [smem:$0x3FB5];
	_ =	sdelay $0x3  }
0x36: {  	p1 =	seq.s32 s10, $0x1;
	s10 =	sld [smem:$0x3FB6];
	_ =	sdelay $0x3  }
0x37: {  	[smem:$0x3FB6] =	sst s10  }
0x38: {  	s10 =	sld [smem:$0x3FB7]  }
0x39: {  	_ = 	snop;
	(pc) =	sbr.ind lr, $3  }
0x3a: {  	_ = 	snop  }
0x3b: {  	_ = 	snop  }
0x3c: {  	p2 =	seq.s32 s10, $0x1;
	s10 =	sld [smem:$0x3FB6]  }
0x3d: {  	_ =	shalt  }
0x3e: {  	_ =	shalt  }
0x3f: {  	_ =	shalt  }
0x40: {  	_ =	shalt  }
0x41: {  	_ =	shalt  }
0x42: {  	_ =	shalt  }
0x43: {  	_ =	shalt  }
0x44: {  	_ =	shalt  }
0x45: {  	_ =	shalt  }
0x46: {  	_ =	shalt  }
0x47: {  	_ =	shalt  }
0x48: {  	_ =	shalt  }
0x49: {  	_ =	shalt  }
0x4a: {  	_ =	shalt  }
0x4b: {  	_ =	shalt  }
0x4c: {  	_ =	shalt  }
0x4d: {  	_ =	shalt  }
0x4e: {  	_ =	shalt  }
0x4f: {  	_ =	shalt  }
0x50: {  	_ =	shalt  }
0x51: {  	_ =	shalt  }
0x52: {  	_ =	shalt  }
0x53: {  	_ =	shalt  }
0x54: {  	_ =	shalt  }
0x55: {  	_ =	shalt  }
0x56: {  	_ =	shalt  }
0x57: {  	_ =	shalt  }
0x58: {  	_ =	shalt  }
0x59: {  	_ =	shalt  }
0x5a: {  	_ =	shalt  }
0x5b: {  	_ =	shalt  }
0x5c: {  	_ =	shalt  }
0x5d: {  	_ =	shalt  }
0x5e: {  	_ =	shalt  }
0x5f: {  	_ =	shalt  }
0x60: {  	_ =	shalt  }
0x61: {  	_ =	shalt  }
0x62: {  	_ =	shalt  }
0x63: {  	_ =	shalt  }
0x64: {  	_ =	shalt  }
0x65: {  	_ =	shalt  }
0x66: {  	_ =	shalt  }
0x67: {  	_ =	shalt  }
0x68: {  	_ =	shalt  }
0x69: {  	_ =	shalt  }
0x6a: {  	_ =	shalt  }
0x6b: {  	_ =	shalt  }
0x6c: {  	_ =	shalt  }
0x6d: {  	_ =	shalt  }
0x6e: {  	_ =	shalt  }
0x6f: {  	_ =	shalt  }
0x70: {  	_ =	shalt  }
0x71: {  	_ =	shalt  }
0x72: {  	_ =	shalt  }
0x73: {  	_ =	shalt  }
0x74: {  	_ =	shalt  }
0x75: {  	_ =	shalt  }
0x76: {  	_ =	shalt  }
0x77: {  	_ =	shalt  }
0x78: {  	_ =	shalt  }
0x79: {  	_ =	shalt  }
0x7a: {  	_ =	shalt  }
0x7b: {  	_ =	shalt  }
0x7c: {  	_ =	shalt  }
0x7d: {  	_ =	shalt  }
0x7e: {  	_ =	shalt  }
0x7f: {  	_ =	shalt  }
0x80: {  	_ =	shalt  }
0x81: {  	_ =	shalt  }
0x82: {  	_ =	shalt  }
0x83: {  	_ =	shalt  }
0x84: {  	_ =	shalt  }
0x85: {  	_ =	shalt  }
0x86: {  	_ =	shalt  }
0x87: {  	_ =	shalt  }
.Lfunc_end0:
.L_simem_size_0:
called_computation.1_lowered:
.L_overlay_start_0:
0x88: {  	s2 =	sld [smem:$0x3FD9]  }
0x89: {  	s3 =	sld [smem:$0x3FFE];
	_ =	sdelay $0x1  }
0x8a: {  	s1 =	srdreg.scid  }
0x8b: {  	s0 =	sand.u32 $0x1, s1  }
0x8c: {  	s17 =	sshll.u32 s0, $0xA;
	s2 =	sadd.s32 s3, s2  }
0x8d: {  	s2 =	sadd.s32 s2, s17  }
0x8e: {  	[smem:$0x3FC2] =	sst s2  }
0x8f: {  	_ = 	snop  }
0x90: {  	s18 =	sld [smem:$0x3FD0];
	(tm) =	ssettm $0x1  }
0x91: {  	s19 =	sld [smem:$0x3FFB];
	_ =	sdelay $0x3  }
0x92: {  	_ =	strace s19  }
0x93: {  	s2 =	sld [smem:$0x3FFC];
	_ =	sdelay $0x3  }
0x94: {  	_ =	strace s2  }
0x95: {  	s2 =	sld [smem:$0x3FFD];
	_ =	sdelay $0x3  }
0x96: {  	_ =	strace s2  }
0x97: {  	_ =	strace $0x8FFFFFFF  }
0x98: {  	s20 =	sld [smem:$0x3FDB];
	_ =	sdelay $0x1  }
0x99: {  	s4 =	simm.s32 $_scs_section_size  }
0x9a: {  	s5 =	simm.s32 $_size__tile_overlayer_lowered;
	s6 =	simm.s32 $_tile_overlayer_lowered  }
0x9b: {  	s7 =	simm.s32 $0x1BFF;
	s21 =	sshll.u32 s6, $0x1;
	s4 =	sadd.s32 s4, s20  }
0x9c: {  	s22 =	simm.s32 $0x0;
	s5 =	sshll.u32 s5, $0x1;
	s6 =	sadd.s32 s21, s4  }
0x9d: {  	[timem:s22], [sflag:s7] =	dma.local [hbm:s6], s5  }
0x9e: {  	_ =	swait.ge [sflag:s7], s5  }
0x9f: {  	s5 =	ssub.s32 $0x0, s5;
	[sflag:s7] =	ssyncset.done $0x0  }
0xa0: {  	[sflag:s7] =	ssyncadd.s32 s5;
	_ =	sdelay $0x1  }
0xa1: {  	s23 =	simm.s32 $0x1B8B  }
0xa2: {  	_ =	swait.ge [sflag:s23], $0x1  }
0xa3: {  	[sflag:s23] =	ssyncset.done $0x0  }
0xa4: {  	[sflag:s23] =	ssyncadd.s32 $0xFFFFFFFF  }
0xa5: {  	s5 =	sld [smem:$0x0]  }
0xa6: {  	s6 =	sand.u32 $0xFFFFFFFE, s1  }
0xa7: {  	p0 =	sne.s32 s1, s6  }
0xa8: {  	s6 =	sshll.u32 @p0 s6, $0xE  }
0xa9: {  	s6 =	sadd.s32 @p0 $0x11B8D, s6;
	s7 =	sshll.u32 @p0 s5, $0x11  }
0xaa: {  	s6 =	sor.u32 @p0 s7, s6  }
0xab: {  	[sflag:s6] =	ssyncadd.remote.s32 @p0 $0x1;
	_ =	sdelay $0x1  }
0xac: {  	s6 =	simm.s32 @p0 $0x1B8D  }
0xad: {  	_ =	swait.eq @p0 [sflag:s6], $0x1  }
0xae: {  	[sflag:s6] =	ssyncadd.s32 @p0 $0xFFFFFFFF  }
0xaf: {  	s7 =	sshll.u32 @!p0 s1, $0xE  }
0xb0: {  	s7 =	sor.u32 @!p0 $0x4000, s7;
	s6 =	simm.s32 @!p0 $0x1B8D  }
0xb1: {  	s5 =	sshll.u32 @!p0 s5, $0x11;
	s7 =	sadd.s32 @!p0 $0x11B8D, s7;
	_ =	swait.eq @!p0 [sflag:s6], $0x1  }
0xb2: {  	s5 =	sor.u32 @!p0 s5, s7;
	[sflag:s6] =	ssyncadd.s32 @!p0 $0xFFFFFFFF  }
0xb3: {  	s25 =	simm.s32 $0x1B8E;
	s24 =	sld [smem:$0x3FFE];
	[sflag:s5] =	ssyncadd.remote.s32 @!p0 $0x1  }
0xb4: {  	s26 =	simm.s32 $execute0_lowered;
	[smem:$0x3FD2] =	sst s25  }
0xb5: {  	s6 =	sshll.u32 s26, $0x1;
	_ =	strace $0x8000004C;
	[dreg:$0x1] =	wrdreg $0xFFFFFFFF  }
0xb6: {  	s28 =	simm.s32 $_size_execute0_lowered;
	s4 =	sadd.s32 s4, s6;
	[dreg:$0x0] =	wrdreg $0x0  }
0xb7: {  	s6 =	sshll.u32 s28, $0x1;
	[dreg:$0x2] =	wrdreg s4  }
0xb8: {  	[dreg:$0x3] =	wrdreg s6  }
0xb9: {  	[dreg:$0x4] =	wrdreg $0xC0  }
0xba: {  	_ =	task [dreg:s22], $0x5FFFF  }
0xbb: {  	[dreg:$0x1] =	wrdreg $0xFFFFFFFF  }
0xbc: {  	[dreg:$0x0] =	wrdreg $0x60  }
0xbd: {  	[dreg:$0x2] =	wrdreg s24  }
0xbe: {  	[dreg:$0x3] =	wrdreg s18  }
0xbf: {  	[dreg:$0x4] =	wrdreg $0xA  }
0xc0: {  	_ =	task.clear_ibuf [dreg:s22], $0x5FFFF;
	_ =	strace $0x9000004C  }
0xc1: {  	s29 =	simm.s32 $0xA;
	_ =	strace $0x8000004E  }
0xc2: {  	_ =	swait.ge [sflag:s29], $0x1  }
0xc3: {  	[sflag:s29] =	ssyncadd.s32 $0xFFFFFFFF  }
0xc4: {  	_ =	strace $0x9000004E  }
0xc5: {  	_ =	sfence  }
0xc6: {  	s30 =	sld [smem:$0x0];
	_ =	sdelay $0x2  }
0xc7: {  	s31 =	sshll.u32 s1, $0xD;
	s1 =	sshrl.u32 s1, $0x2  }
0xc8: {  	s4 =	sand.u32 $0x4000, s31;
	s1 =	sadd.s32 s1, s30  }
0xc9: {  	s0 =	sor.u32 s4, s0;
	s1 =	sshll.u32 s1, $0x11  }
0xca: {  	s0 =	sor.u32 s1, s0  }
0xcb: {  	s0 =	sadd.s32 $0x8F2B, s0  }
0xcc: {  	[sflag:s0] =	ssyncadd.remote.s32 $0x1  }
0xcd: {  	_ =	sfence.sel $0xFFFF  }
0xce: {  	[dreg:$0x0] =	wrdreg $0xFFFFFFFF;
	(pc) =	sbr.abs _section_cstart, $3  }
0xcf: {  	[dreg:$0x1] =	wrdreg $0xFFFFFFFF  }
0xd0: {  	_ =	task.clear_ibuf [dreg:s22], $0x2FFFF;
	_ =	strace $0x9FFFFFFF  }
0xd1: {  	(tm) =	ssettm $0x7FFFFFFF  }
tec
execute0_lowered:
.L_overlay_start_1:
0x0: {  	(tag) =	ssettag $0x1  }
0x1: {  	s0 =	rddreg [dreg:$0x0]  }
0x2: {  	s1 =	rddreg [dreg:$0x1]  }
0x3: {  	s2 =	srdreg.scid;
	s3 =	stileid.u32;
	s9 =	simm.s32 $0x3  }
0x4: {  	s10 =	simm.s32 $0x400;
	s18 =	simm.s32 $0xC400;
	s11 =	simm.s32 $0x12C00  }
0x5: {  	s12 =	simm.s32 $0x13000;
	s13 =	simm.s32 $0x13800;
	s14 =	simm.s32 $0x13C00  }
0x6: {  	s15 =	simm.s32 $0x14400;
	s16 =	simm.s32 $0x14800;
	s17 =	simm.s32 $0x15000  }
0x7: {  	s19 =	simm.s32 $0x15400;
	s20 =	simm.s32 $0x15C00;
	s21 =	simm.s32 $0x16000  }
0x8: {  	s22 =	simm.s32 $0x16800;
	s23 =	simm.s32 $0x16C00;
	s24 =	simm.s32 $0x17400  }
0x9: {  	s25 =	simm.s32 $0x17800;
	s28 =	simm.s32 $0x1;
	s29 =	simm.s32 $0x2  }
0xa: {  	s30 =	simm.s32 $0x0;
	s4 =	sand.u32 $0x1, s2;
	s2 =	simm.s32 $0x0  }
0xb: {  	s3 =	sshll.u32 s3, $0xB;
	s8 =	sadd.s32 $0x483600, s0;
	s5 =	sshll.u32 s4, $0xA  }
0xc: {  	[smem:$0x7FF] =	sst s2;
	s4 =	ssub.s32 $0x2, s4;
	s5 =	sor.u32 s5, s3  }
0xd: {  	_ =	strace $0x8000004D;
	s6 =	sor.u32 $0x80, s5;
	s5 =	sshrl.u32 s5, $0x3  }
0xe: {  	s3 =	sadd.s32 $0x3600, s0;
	s7 =	sshrl.u32 s4, $0x1;
	s26 =	smul.u32 $0x180, s5  }
.Ltmp0:
0xf: {  	s4 =	ssub.s32 s4, s7;
	s6 =	sshrl.u32 s6, $0x3;
	(pc) =	sbr.rel .LBB2_1-.Ltmp0, $4  }
0x10: {  	s1 =	sadd.s32 s1, s5;
	s5 =	sadd.s32 $0x3700, s0;
	s6 =	smul.u32 $0x180, s6  }
0x11: {  	v2 =	vlaneseq.u32;
	s31 =	smax.u32 s4, $0x1;
	s4 =	simm.s32 $0x12000;
	[dreg:$0x3] =	wrdreg s1  }
0x12: {  	vm0 =	vmmov $0xffff;
	vm1 =	vmmov $0xff;
	v1 =	vshrl.u32 v2, $0x3;
	[dreg:$0x4] =	wrdreg s31;
	s1 =	simm.s32 $0x11800;
	s7 =	sadd.s32 s6, s8  }
0x13: {  	v0 =	vand.u32 $0x7, v2;
	v2 =	vor.u32 $0x8, v2;
	v1 =	vmul.u32 $0x8, v1;
	s8 =	sadd.s32 s26, s8;
	s6 =	simm.s32 $0x12400;
	s26 =	simm.s32 $0x18000  }
.LBB2_5:
0x14: {  	s30 =	rddreg [dreg:$0x5]  }
0x15: {  	s0 =	rddreg [dreg:$0x4];
	s30 =	sadd.s32 $0x1, s30  }
0x16: {  	p0 =	sne.s32 s30, s0  }
.Ltmp1:
0x17: {  	_ = 	snop;
	(pc) =	sbr.rel @!p0 .LBB2_6-.Ltmp1, $1  }
0x18: {  	_ =	sdelay $0x3  }
.LBB2_1:
0x19: {  	[dreg:$0x5] =	wrdreg s30  }
0x1a: {  	s0 =	rddreg [dreg:$0x3]  }
0x1b: {  	[tilespmem:s2], [sflag:$0x3] =	stream.linear.gather [hbm4b:s0+s2], $0x400, $0x38;
	[tilespmem:$0x18400] =	vst v63  }
0x1c: {  	_ =	swait.ge [sflag:s9], $0x400  }
0x1d: {  	[sflag:s9] =	ssyncset.done $0x0  }
0x1e: {  	[sflag:s9] =	ssyncadd.s32 $0xFFFFFC00  }
0x1f: {  	v3 =	vld [tilespmem:$0x0];
	_ =	sdelay $0x4  }
0x20: {  	v4 =	vshrl.u32 v3, $0x3  }
0x21: {  	v4 =	vmul.u32 $0x18, v4  }
0x22: {  	v3 =	vand.u32 $0x7, v3  }
0x23: {  	v3 =	vor.u32 v3, v4  }
0x24: {  	v4 =	vperm.xlane v3, v0;
	_ =	sdelay $0x1  }
0x25: {  	v4 =	vadd.s32 v1, v4;
	_ =	sdelay $0x1  }
0x26: {  	v3 =	vperm.xlane v3, v2;
	_ =	sdelay $0x1  }
0x27: {  	v3 =	vadd.s32 v1, v3  }
0x28: {  	[tilespmem:s10], [sflag:$0x1] =	stream.indirect_vreg.gather [hbm4b:s3+s2], $0x80, v4, vm0, $0xb8;
	[tilespmem:$0x18400] =	vst v63  }
0x29: {  	s0 =	simm.s32 $0xC00  }
0x2a: {  	[tilespmem:s0], [sflag:$0x1] =	stream.indirect_vreg.gather [hbm4b:s5+s2], $0x80, v4, vm1, $0xb8;
	[tilespmem:$0x18400] =	vst v63  }
0x2b: {  	s0 =	simm.s32 $0x1000  }
0x2c: {  	[tilespmem:s0], [sflag:$0x1] =	stream.indirect_vreg.gather [hbm4b:s3+s2], $0x80, v3, vm0, $0xb8;
	[tilespmem:$0x18400] =	vst v63  }
0x2d: {  	s0 =	simm.s32 $0x1800  }
0x2e: {  	[tilespmem:s0], [sflag:$0x1] =	stream.indirect_vreg.gather [hbm4b:s5+s2], $0x80, v3, vm1, $0xb8;
	[tilespmem:$0x18400] =	vst v63  }
0x2f: {  	v3 =	vld [tilespmem:$0x10];
	_ =	sdelay $0x4  }
0x30: {  	v57 =	vshrl.u32 v3, $0x3  }
0x31: {  	v4 =	vmul.u32 $0x18, v57  }
0x32: {  	v3 =	vand.u32 $0x7, v3  }
0x33: {  	v3 =	vor.u32 v3, v4  }
0x34: {  	v4 =	vperm.xlane v3, v0;
	_ =	sdelay $0x1  }
0x35: {  	v4 =	vadd.s32 v1, v4;
	_ =	sdelay $0x1  }
0x36: {  	v3 =	vperm.xlane v3, v2;
	_ =	sdelay $0x1  }
0x37: {  	s0 =	simm.s32 $0x1C00;
	v3 =	vadd.s32 v1, v3  }
0x38: {  	[tilespmem:s0], [sflag:$0x1] =	stream.indirect_vreg.gather [hbm4b:s3+s2], $0x80, v4, vm0, $0xb8;
	[tilespmem:$0x18400] =	vst v63  }
0x39: {  	s0 =	simm.s32 $0x2400  }
0x3a: {  	[tilespmem:s0], [sflag:$0x1] =	stream.indirect_vreg.gather [hbm4b:s5+s2], $0x80, v4, vm1, $0xb8;
	[tilespmem:$0x18400] =	vst v63  }
0x3b: {  	s0 =	simm.s32 $0x2800  }
0x3c: {  	[tilespmem:s0], [sflag:$0x1] =	stream.indirect_vreg.gather [hbm4b:s3+s2], $0x80, v3, vm0, $0xb8;
	[tilespmem:$0x18400] =	vst v63  }
0x3d: {  	s0 =	simm.s32 $0x3000  }
0x3e: {  	[tilespmem:s0], [sflag:$0x1] =	stream.indirect_vreg.gather [hbm4b:s5+s2], $0x80, v3, vm1, $0xb8;
	[tilespmem:$0x18400] =	vst v63  }
0x3f: {  	v3 =	vld [tilespmem:$0x20];
	_ =	sdelay $0x4  }
0x40: {  	v58 =	vshrl.u32 v3, $0x3  }
0x41: {  	v4 =	vmul.u32 $0x18, v58  }
0x42: {  	v3 =	vand.u32 $0x7, v3  }
0x43: {  	v3 =	vor.u32 v3, v4  }
0x44: {  	v4 =	vperm.xlane v3, v0;
	_ =	sdelay $0x1  }
0x45: {  	v4 =	vadd.s32 v1, v4;
	_ =	sdelay $0x1  }
0x46: {  	v3 =	vperm.xlane v3, v2;
	_ =	sdelay $0x1  }
0x47: {  	s0 =	simm.s32 $0x3400;
	v3 =	vadd.s32 v1, v3  }
0x48: {  	[tilespmem:s0], [sflag:$0x1] =	stream.indirect_vreg.gather [hbm4b:s3+s2], $0x80, v4, vm0, $0xb8;
	[tilespmem:$0x18400] =	vst v63  }
0x49: {  	s0 =	simm.s32 $0x3C00  }
0x4a: {  	[tilespmem:s0], [sflag:$0x1] =	stream.indirect_vreg.gather [hbm4b:s5+s2], $0x80, v4, vm1, $0xb8;
	[tilespmem:$0x18400] =	vst v63  }
0x4b: {  	s0 =	simm.s32 $0x4000  }
0x4c: {  	[tilespmem:s0], [sflag:$0x1] =	stream.indirect_vreg.gather [hbm4b:s3+s2], $0x80, v3, vm0, $0xb8;
	[tilespmem:$0x18400] =	vst v63  }
0x4d: {  	s0 =	simm.s32 $0x4800  }
0x4e: {  	[tilespmem:s0], [sflag:$0x1] =	stream.indirect_vreg.gather [hbm4b:s5+s2], $0x80, v3, vm1, $0xb8;
	[tilespmem:$0x18400] =	vst v63  }
0x4f: {  	v3 =	vld [tilespmem:$0x30];
	_ =	sdelay $0x4  }
0x50: {  	v59 =	vshrl.u32 v3, $0x3  }
0x51: {  	v4 =	vmul.u32 $0x18, v59  }
0x52: {  	v3 =	vand.u32 $0x7, v3  }
0x53: {  	v3 =	vor.u32 v3, v4  }
0x54: {  	v4 =	vperm.xlane v3, v0;
	_ =	sdelay $0x1  }
0x55: {  	v4 =	vadd.s32 v1, v4;
	_ =	sdelay $0x1  }
0x56: {  	v3 =	vperm.xlane v3, v2;
	_ =	sdelay $0x1  }
0x57: {  	s0 =	simm.s32 $0x4C00;
	v3 =	vadd.s32 v1, v3  }
0x58: {  	[tilespmem:s0], [sflag:$0x1] =	stream.indirect_vreg.gather [hbm4b:s3+s2], $0x80, v4, vm0, $0xb8;
	[tilespmem:$0x18400] =	vst v63  }
0x59: {  	s0 =	simm.s32 $0x5400  }
0x5a: {  	[tilespmem:s0], [sflag:$0x1] =	stream.indirect_vreg.gather [hbm4b:s5+s2], $0x80, v4, vm1, $0xb8;
	[tilespmem:$0x18400] =	vst v63  }
0x5b: {  	s0 =	simm.s32 $0x5800  }
0x5c: {  	[tilespmem:s0], [sflag:$0x1] =	stream.indirect_vreg.gather [hbm4b:s3+s2], $0x80, v3, vm0, $0xb8;
	[tilespmem:$0x18400] =	vst v63  }
0x5d: {  	s0 =	simm.s32 $0x6000  }
0x5e: {  	[tilespmem:s0], [sflag:$0x1] =	stream.indirect_vreg.gather [hbm4b:s5+s2], $0x80, v3, vm1, $0xb8;
	[tilespmem:$0x18400] =	vst v63  }
0x5f: {  	v3 =	vld [tilespmem:$0x40];
	_ =	sdelay $0x4  }
0x60: {  	v60 =	vshrl.u32 v3, $0x3  }
0x61: {  	v4 =	vmul.u32 $0x18, v60  }
0x62: {  	v3 =	vand.u32 $0x7, v3  }
0x63: {  	v3 =	vor.u32 v3, v4  }
0x64: {  	v4 =	vperm.xlane v3, v0;
	_ =	sdelay $0x1  }
0x65: {  	v4 =	vadd.s32 v1, v4;
	_ =	sdelay $0x1  }
0x66: {  	v3 =	vperm.xlane v3, v2;
	_ =	sdelay $0x1  }
0x67: {  	s0 =	simm.s32 $0x6400;
	v3 =	vadd.s32 v1, v3  }
0x68: {  	[tilespmem:s0], [sflag:$0x1] =	stream.indirect_vreg.gather [hbm4b:s3+s2], $0x80, v4, vm0, $0xb8;
	[tilespmem:$0x18400] =	vst v63  }
0x69: {  	s0 =	simm.s32 $0x6C00  }
0x6a: {  	[tilespmem:s0], [sflag:$0x1] =	stream.indirect_vreg.gather [hbm4b:s5+s2], $0x80, v4, vm1, $0xb8;
	[tilespmem:$0x18400] =	vst v63  }
0x6b: {  	s0 =	simm.s32 $0x7000  }
0x6c: {  	[tilespmem:s0], [sflag:$0x1] =	stream.indirect_vreg.gather [hbm4b:s3+s2], $0x80, v3, vm0, $0xb8;
	[tilespmem:$0x18400] =	vst v63  }
0x6d: {  	s0 =	simm.s32 $0x7800  }
0x6e: {  	[tilespmem:s0], [sflag:$0x1] =	stream.indirect_vreg.gather [hbm4b:s5+s2], $0x80, v3, vm1, $0xb8;
	[tilespmem:$0x18400] =	vst v63  }
0x6f: {  	v3 =	vld [tilespmem:$0x50];
	_ =	sdelay $0x4  }
0x70: {  	v61 =	vshrl.u32 v3, $0x3  }
0x71: {  	v4 =	vmul.u32 $0x18, v61  }
0x72: {  	v3 =	vand.u32 $0x7, v3  }
0x73: {  	v3 =	vor.u32 v3, v4  }
0x74: {  	v4 =	vperm.xlane v3, v0;
	_ =	sdelay $0x1  }
0x75: {  	v4 =	vadd.s32 v1, v4;
	_ =	sdelay $0x1  }
0x76: {  	v3 =	vperm.xlane v3, v2;
	_ =	sdelay $0x1  }
0x77: {  	s0 =	simm.s32 $0x7C00;
	v3 =	vadd.s32 v1, v3  }
0x78: {  	[tilespmem:s0], [sflag:$0x1] =	stream.indirect_vreg.gather [hbm4b:s3+s2], $0x80, v4, vm0, $0xb8;
	[tilespmem:$0x18400] =	vst v63  }
0x79: {  	s0 =	simm.s32 $0x8400  }
0x7a: {  	[tilespmem:s0], [sflag:$0x1] =	stream.indirect_vreg.gather [hbm4b:s5+s2], $0x80, v4, vm1, $0xb8;
	[tilespmem:$0x18400] =	vst v63  }
0x7b: {  	s0 =	simm.s32 $0x8800  }
0x7c: {  	[tilespmem:s0], [sflag:$0x1] =	stream.indirect_vreg.gather [hbm4b:s3+s2], $0x80, v3, vm0, $0xb8;
	[tilespmem:$0x18400] =	vst v63  }
0x7d: {  	s0 =	simm.s32 $0x9000  }
0x7e: {  	[tilespmem:s0], [sflag:$0x1] =	stream.indirect_vreg.gather [hbm4b:s5+s2], $0x80, v3, vm1, $0xb8;
	[tilespmem:$0x18400] =	vst v63  }
0x7f: {  	v3 =	vld [tilespmem:$0x60];
	_ =	sdelay $0x4  }
0x80: {  	v62 =	vshrl.u32 v3, $0x3  }
0x81: {  	v4 =	vmul.u32 $0x18, v62  }
0x82: {  	v3 =	vand.u32 $0x7, v3  }
0x83: {  	v3 =	vor.u32 v3, v4  }
0x84: {  	v4 =	vperm.xlane v3, v0;
	_ =	sdelay $0x1  }
0x85: {  	v4 =	vadd.s32 v1, v4;
	_ =	sdelay $0x1  }
0x86: {  	v3 =	vperm.xlane v3, v2;
	_ =	sdelay $0x1  }
0x87: {  	s0 =	simm.s32 $0x9400;
	v3 =	vadd.s32 v1, v3  }
0x88: {  	[tilespmem:s0], [sflag:$0x1] =	stream.indirect_vreg.gather [hbm4b:s3+s2], $0x80, v4, vm0, $0xb8;
	[tilespmem:$0x18400] =	vst v63  }
0x89: {  	s0 =	simm.s32 $0x9C00  }
0x8a: {  	[tilespmem:s0], [sflag:$0x1] =	stream.indirect_vreg.gather [hbm4b:s5+s2], $0x80, v4, vm1, $0xb8;
	[tilespmem:$0x18400] =	vst v63  }
0x8b: {  	s0 =	simm.s32 $0xA000  }
0x8c: {  	[tilespmem:s0], [sflag:$0x1] =	stream.indirect_vreg.gather [hbm4b:s3+s2], $0x80, v3, vm0, $0xb8;
	[tilespmem:$0x18400] =	vst v63  }
0x8d: {  	s0 =	simm.s32 $0xA800  }
0x8e: {  	[tilespmem:s0], [sflag:$0x1] =	stream.indirect_vreg.gather [hbm4b:s5+s2], $0x80, v3, vm1, $0xb8;
	[tilespmem:$0x18400] =	vst v63  }
0x8f: {  	v3 =	vld [tilespmem:$0x70];
	_ =	sdelay $0x4  }
0x90: {  	v63 =	vshrl.u32 v3, $0x3  }
0x91: {  	v4 =	vmul.u32 $0x18, v63  }
0x92: {  	v3 =	vand.u32 $0x7, v3  }
0x93: {  	v3 =	vor.u32 v3, v4  }
0x94: {  	v4 =	vperm.xlane v3, v0;
	_ =	sdelay $0x1  }
0x95: {  	v4 =	vadd.s32 v1, v4;
	_ =	sdelay $0x2  }
0x96: {  	v3 =	vperm.xlane v3, v2  }
0x97: {  	s0 =	simm.s32 $0xAC00  }
0x98: {  	v3 =	vadd.s32 v1, v3;
	[tilespmem:s0], [sflag:$0x1] =	stream.indirect_vreg.gather [hbm4b:s3+s2], $0x80, v4, vm0, $0xb8;
	[tilespmem:$0x18400] =	vst v63  }
0x99: {  	s0 =	simm.s32 $0xB400  }
0x9a: {  	[tilespmem:s0], [sflag:$0x1] =	stream.indirect_vreg.gather [hbm4b:s5+s2], $0x80, v4, vm1, $0xb8;
	[tilespmem:$0x18400] =	vst v63  }
.Ltmp2:
0x9b: {  	_ = 	snop;
	(pc) =	sbr.rel .LBB2_2-.Ltmp2, $4  }
0x9c: {  	s0 =	simm.s32 $0xB800  }
0x9d: {  	[tilespmem:s0], [sflag:$0x1] =	stream.indirect_vreg.gather [hbm4b:s3+s2], $0x80, v3, vm0, $0xb8;
	[tilespmem:$0x18400] =	vst v63  }
0x9e: {  	s30 =	simm.s32 $0xC0;
	s31 =	simm.s32 $0x0;
	s0 =	simm.s32 $0xC000  }
0x9f: {  	[tilespmem:s0], [sflag:$0x1] =	stream.indirect_vreg.gather [hbm4b:s5+s2], $0x80, v3, vm1, $0xb8;
	[tilespmem:$0x18400] =	vst v63  }
.LBB2_4:
0xa0: {  	_ =	swait.ge [sflag:s29], $0xC000;
	s0 =	sadd.s32 s31, s7;
	s31 =	sadd.s32 $0x3000, s31  }
0xa1: {  	[sflag:s29] =	ssyncset.done $0x0;
	p0 =	sne.s32 s31, $0xC000  }
.Ltmp3:
0xa2: {  	[sflag:s29] =	ssyncadd.s32 $0xFFFF4000;
	(pc) =	sbr.rel @!p0 .LBB2_5-.Ltmp3, $4  }
0xa3: {  	[hbm4b:s0+s2] =	stream.linear.scatter [tilespmem:s18], [sflag:$0x3], $0xC000, $0x38;
	[tilespmem:$0x18400] =	vst v63  }
0xa4: {  	_ =	swait.ge [sflag:s9], $0xC000  }
0xa5: {  	[sflag:s9] =	ssyncset.done $0x0  }
0xa6: {  	s30 =	sadd.s32 $0x100, s30;
	[sflag:s9] =	ssyncadd.s32 $0xFFFF4000  }
.LBB2_2:
0xa7: {  	v3 =	vld [tilespmem:s30+$0xFFFFFFC0];
	_ =	sdelay $0x4  }
0xa8: {  	v4 =	vshrl.u32 v3, $0x3  }
0xa9: {  	v4 =	vmul.u32 $0x18, v4  }
0xaa: {  	v3 =	vand.u32 $0x7, v3  }
0xab: {  	v3 =	vor.u32 v3, v4  }
0xac: {  	v4 =	vperm.xlane v3, v0;
	_ =	sdelay $0x1  }
0xad: {  	v4 =	vadd.s32 v1, v4;
	_ =	sdelay $0x1  }
0xae: {  	v3 =	vperm.xlane v3, v2;
	_ =	sdelay $0x1  }
0xaf: {  	v3 =	vadd.s32 v1, v3  }
0xb0: {  	[tilespmem:s18], [sflag:$0x2] =	stream.indirect_vreg.gather [hbm4b:s3+s2], $0x80, v4, vm0, $0xb8;
	[tilespmem:$0x18400] =	vst v63  }
0xb1: {  	s0 =	simm.s32 $0xCC00  }
0xb2: {  	[tilespmem:s0], [sflag:$0x2] =	stream.indirect_vreg.gather [hbm4b:s5+s2], $0x80, v4, vm1, $0xb8;
	[tilespmem:$0x18400] =	vst v63  }
0xb3: {  	s0 =	simm.s32 $0xD000  }
0xb4: {  	[tilespmem:s0], [sflag:$0x2] =	stream.indirect_vreg.gather [hbm4b:s3+s2], $0x80, v3, vm0, $0xb8;
	[tilespmem:$0x18400] =	vst v63  }
0xb5: {  	s0 =	simm.s32 $0xD800  }
0xb6: {  	[tilespmem:s0], [sflag:$0x2] =	stream.indirect_vreg.gather [hbm4b:s5+s2], $0x80, v3, vm1, $0xb8;
	[tilespmem:$0x18400] =	vst v63  }
0xb7: {  	v3 =	vld [tilespmem:s30+$0xFFFFFFD0];
	_ =	sdelay $0x4  }
0xb8: {  	v57 =	vshrl.u32 v3, $0x3  }
0xb9: {  	v4 =	vmul.u32 $0x18, v57  }
0xba: {  	v3 =	vand.u32 $0x7, v3  }
0xbb: {  	v3 =	vor.u32 v3, v4  }
0xbc: {  	v4 =	vperm.xlane v3, v0;
	_ =	sdelay $0x1  }
0xbd: {  	v4 =	vadd.s32 v1, v4;
	_ =	sdelay $0x1  }
0xbe: {  	v3 =	vperm.xlane v3, v2;
	_ =	sdelay $0x1  }
0xbf: {  	s0 =	simm.s32 $0xDC00;
	v3 =	vadd.s32 v1, v3  }
0xc0: {  	[tilespmem:s0], [sflag:$0x2] =	stream.indirect_vreg.gather [hbm4b:s3+s2], $0x80, v4, vm0, $0xb8;
	[tilespmem:$0x18400] =	vst v63  }
0xc1: {  	s0 =	simm.s32 $0xE400  }
0xc2: {  	[tilespmem:s0], [sflag:$0x2] =	stream.indirect_vreg.gather [hbm4b:s5+s2], $0x80, v4, vm1, $0xb8;
	[tilespmem:$0x18400] =	vst v63  }
0xc3: {  	s0 =	simm.s32 $0xE800  }
0xc4: {  	[tilespmem:s0], [sflag:$0x2] =	stream.indirect_vreg.gather [hbm4b:s3+s2], $0x80, v3, vm0, $0xb8;
	[tilespmem:$0x18400] =	vst v63  }
0xc5: {  	s0 =	simm.s32 $0xF000  }
0xc6: {  	[tilespmem:s0], [sflag:$0x2] =	stream.indirect_vreg.gather [hbm4b:s5+s2], $0x80, v3, vm1, $0xb8;
	[tilespmem:$0x18400] =	vst v63  }
0xc7: {  	v3 =	vld [tilespmem:s30+$0xFFFFFFE0];
	_ =	sdelay $0x4  }
0xc8: {  	v58 =	vshrl.u32 v3, $0x3  }
0xc9: {  	v4 =	vmul.u32 $0x18, v58  }
0xca: {  	v3 =	vand.u32 $0x7, v3  }
0xcb: {  	v3 =	vor.u32 v3, v4  }
0xcc: {  	v4 =	vperm.xlane v3, v0;
	_ =	sdelay $0x1  }
0xcd: {  	v4 =	vadd.s32 v1, v4;
	_ =	sdelay $0x1  }
0xce: {  	v3 =	vperm.xlane v3, v2;
	_ =	sdelay $0x1  }
0xcf: {  	s0 =	simm.s32 $0xF400;
	v3 =	vadd.s32 v1, v3  }
0xd0: {  	[tilespmem:s0], [sflag:$0x2] =	stream.indirect_vreg.gather [hbm4b:s3+s2], $0x80, v4, vm0, $0xb8;
	[tilespmem:$0x18400] =	vst v63  }
0xd1: {  	s0 =	simm.s32 $0xFC00  }
0xd2: {  	[tilespmem:s0], [sflag:$0x2] =	stream.indirect_vreg.gather [hbm4b:s5+s2], $0x80, v4, vm1, $0xb8;
	[tilespmem:$0x18400] =	vst v63  }
0xd3: {  	s0 =	simm.s32 $0x10000  }
0xd4: {  	[tilespmem:s0], [sflag:$0x2] =	stream.indirect_vreg.gather [hbm4b:s3+s2], $0x80, v3, vm0, $0xb8;
	[tilespmem:$0x18400] =	vst v63  }
0xd5: {  	s0 =	simm.s32 $0x10800  }
0xd6: {  	[tilespmem:s0], [sflag:$0x2] =	stream.indirect_vreg.gather [hbm4b:s5+s2], $0x80, v3, vm1, $0xb8;
	[tilespmem:$0x18400] =	vst v63  }
0xd7: {  	v3 =	vld [tilespmem:s30+$0xFFFFFFF0];
	_ =	sdelay $0x4  }
0xd8: {  	v59 =	vshrl.u32 v3, $0x3  }
0xd9: {  	v4 =	vmul.u32 $0x18, v59  }
0xda: {  	v3 =	vand.u32 $0x7, v3  }
0xdb: {  	v3 =	vor.u32 v3, v4  }
0xdc: {  	v4 =	vperm.xlane v3, v0;
	_ =	sdelay $0x1  }
0xdd: {  	v4 =	vadd.s32 v1, v4;
	_ =	sdelay $0x1  }
0xde: {  	v3 =	vperm.xlane v3, v2;
	_ =	sdelay $0x1  }
0xdf: {  	s0 =	simm.s32 $0x10C00;
	v3 =	vadd.s32 v1, v3  }
0xe0: {  	[tilespmem:s0], [sflag:$0x2] =	stream.indirect_vreg.gather [hbm4b:s3+s2], $0x80, v4, vm0, $0xb8;
	[tilespmem:$0x18400] =	vst v63  }
0xe1: {  	s0 =	simm.s32 $0x11400  }
0xe2: {  	[tilespmem:s0], [sflag:$0x2] =	stream.indirect_vreg.gather [hbm4b:s5+s2], $0x80, v4, vm1, $0xb8;
	[tilespmem:$0x18400] =	vst v63  }
0xe3: {  	_ = 	snop  }
0xe4: {  	[tilespmem:s1], [sflag:$0x2] =	stream.indirect_vreg.gather [hbm4b:s3+s2], $0x80, v3, vm0, $0xb8;
	[tilespmem:$0x18400] =	vst v63  }
0xe5: {  	_ = 	snop  }
0xe6: {  	[tilespmem:s4], [sflag:$0x2] =	stream.indirect_vreg.gather [hbm4b:s5+s2], $0x80, v3, vm1, $0xb8;
	[tilespmem:$0x18400] =	vst v63  }
0xe7: {  	v3 =	vld [tilespmem:s30+$0x0];
	_ =	sdelay $0x4  }
0xe8: {  	v60 =	vshrl.u32 v3, $0x3  }
0xe9: {  	v4 =	vmul.u32 $0x18, v60  }
0xea: {  	v3 =	vand.u32 $0x7, v3  }
0xeb: {  	v3 =	vor.u32 v3, v4  }
0xec: {  	v4 =	vperm.xlane v3, v0;
	_ =	sdelay $0x1  }
0xed: {  	v4 =	vadd.s32 v1, v4;
	_ =	sdelay $0x1  }
0xee: {  	v3 =	vperm.xlane v3, v2;
	_ =	sdelay $0x1  }
0xef: {  	v3 =	vadd.s32 v1, v3  }
0xf0: {  	[tilespmem:s6], [sflag:$0x2] =	stream.indirect_vreg.gather [hbm4b:s3+s2], $0x80, v4, vm0, $0xb8;
	[tilespmem:$0x18400] =	vst v63  }
0xf1: {  	_ = 	snop  }
0xf2: {  	[tilespmem:s11], [sflag:$0x2] =	stream.indirect_vreg.gather [hbm4b:s5+s2], $0x80, v4, vm1, $0xb8;
	[tilespmem:$0x18400] =	vst v63  }
0xf3: {  	_ = 	snop  }
0xf4: {  	[tilespmem:s12], [sflag:$0x2] =	stream.indirect_vreg.gather [hbm4b:s3+s2], $0x80, v3, vm0, $0xb8;
	[tilespmem:$0x18400] =	vst v63  }
0xf5: {  	_ = 	snop  }
0xf6: {  	[tilespmem:s13], [sflag:$0x2] =	stream.indirect_vreg.gather [hbm4b:s5+s2], $0x80, v3, vm1, $0xb8;
	[tilespmem:$0x18400] =	vst v63  }
0xf7: {  	v3 =	vld [tilespmem:s30+$0x10];
	_ =	sdelay $0x4  }
0xf8: {  	v61 =	vshrl.u32 v3, $0x3  }
0xf9: {  	v4 =	vmul.u32 $0x18, v61  }
0xfa: {  	v3 =	vand.u32 $0x7, v3  }
0xfb: {  	v3 =	vor.u32 v3, v4  }
0xfc: {  	v4 =	vperm.xlane v3, v0;
	_ =	sdelay $0x1  }
0xfd: {  	v4 =	vadd.s32 v1, v4;
	_ =	sdelay $0x1  }
0xfe: {  	v3 =	vperm.xlane v3, v2;
	_ =	sdelay $0x1  }
0xff: {  	v3 =	vadd.s32 v1, v3  }
0x100: {  	[tilespmem:s14], [sflag:$0x2] =	stream.indirect_vreg.gather [hbm4b:s3+s2], $0x80, v4, vm0, $0xb8;
	[tilespmem:$0x18400] =	vst v63  }
0x101: {  	_ = 	snop  }
0x102: {  	[tilespmem:s15], [sflag:$0x2] =	stream.indirect_vreg.gather [hbm4b:s5+s2], $0x80, v4, vm1, $0xb8;
	[tilespmem:$0x18400] =	vst v63  }
0x103: {  	_ = 	snop  }
0x104: {  	[tilespmem:s16], [sflag:$0x2] =	stream.indirect_vreg.gather [hbm4b:s3+s2], $0x80, v3, vm0, $0xb8;
	[tilespmem:$0x18400] =	vst v63  }
0x105: {  	_ = 	snop  }
0x106: {  	[tilespmem:s17], [sflag:$0x2] =	stream.indirect_vreg.gather [hbm4b:s5+s2], $0x80, v3, vm1, $0xb8;
	[tilespmem:$0x18400] =	vst v63  }
0x107: {  	v3 =	vld [tilespmem:s30+$0x20];
	_ =	sdelay $0x4  }
0x108: {  	v62 =	vshrl.u32 v3, $0x3  }
0x109: {  	v4 =	vmul.u32 $0x18, v62  }
0x10a: {  	v3 =	vand.u32 $0x7, v3  }
0x10b: {  	v3 =	vor.u32 v3, v4  }
0x10c: {  	v4 =	vperm.xlane v3, v0;
	_ =	sdelay $0x1  }
0x10d: {  	v4 =	vadd.s32 v1, v4;
	_ =	sdelay $0x1  }
0x10e: {  	v3 =	vperm.xlane v3, v2;
	_ =	sdelay $0x1  }
0x10f: {  	v3 =	vadd.s32 v1, v3  }
0x110: {  	[tilespmem:s19], [sflag:$0x2] =	stream.indirect_vreg.gather [hbm4b:s3+s2], $0x80, v4, vm0, $0xb8;
	[tilespmem:$0x18400] =	vst v63  }
0x111: {  	_ = 	snop  }
0x112: {  	[tilespmem:s20], [sflag:$0x2] =	stream.indirect_vreg.gather [hbm4b:s5+s2], $0x80, v4, vm1, $0xb8;
	[tilespmem:$0x18400] =	vst v63  }
0x113: {  	_ = 	snop  }
0x114: {  	[tilespmem:s21], [sflag:$0x2] =	stream.indirect_vreg.gather [hbm4b:s3+s2], $0x80, v3, vm0, $0xb8;
	[tilespmem:$0x18400] =	vst v63  }
0x115: {  	_ = 	snop  }
0x116: {  	[tilespmem:s22], [sflag:$0x2] =	stream.indirect_vreg.gather [hbm4b:s5+s2], $0x80, v3, vm1, $0xb8;
	[tilespmem:$0x18400] =	vst v63  }
0x117: {  	v3 =	vld [tilespmem:s30+$0x30];
	_ =	sdelay $0x4  }
0x118: {  	v63 =	vshrl.u32 v3, $0x3  }
0x119: {  	v4 =	vmul.u32 $0x18, v63  }
0x11a: {  	v3 =	vand.u32 $0x7, v3  }
0x11b: {  	v3 =	vor.u32 v3, v4  }
0x11c: {  	v4 =	vperm.xlane v3, v0;
	_ =	sdelay $0x1  }
0x11d: {  	v4 =	vadd.s32 v1, v4;
	_ =	sdelay $0x1  }
0x11e: {  	v3 =	vperm.xlane v3, v2;
	_ =	sdelay $0x1  }
0x11f: {  	v3 =	vadd.s32 v1, v3  }
0x120: {  	[tilespmem:s23], [sflag:$0x2] =	stream.indirect_vreg.gather [hbm4b:s3+s2], $0x80, v4, vm0, $0xb8;
	[tilespmem:$0x18400] =	vst v63  }
0x121: {  	_ = 	snop  }
0x122: {  	[tilespmem:s24], [sflag:$0x2] =	stream.indirect_vreg.gather [hbm4b:s5+s2], $0x80, v4, vm1, $0xb8;
	[tilespmem:$0x18400] =	vst v63  }
0x123: {  	_ = 	snop  }
0x124: {  	[tilespmem:s25], [sflag:$0x2] =	stream.indirect_vreg.gather [hbm4b:s3+s2], $0x80, v3, vm0, $0xb8;
	[tilespmem:$0x18400] =	vst v63  }
0x125: {  	_ = 	snop  }
0x126: {  	[tilespmem:s26], [sflag:$0x2] =	stream.indirect_vreg.gather [hbm4b:s5+s2], $0x80, v3, vm1, $0xb8;
	[tilespmem:$0x18400] =	vst v63  }
0x127: {  	_ =	swait.ge [sflag:s28], $0xC000  }
0x128: {  	p0 =	seq.s32 s31, $0x9000;
	[sflag:s28] =	ssyncset.done $0x0  }
.Ltmp4:
0x129: {  	s0 =	sadd.s32 s31, s8;
	[sflag:s28] =	ssyncadd.s32 $0xFFFF4000;
	(pc) =	sbr.rel @p0 .LBB2_4-.Ltmp4, $4  }
0x12a: {  	[hbm4b:s0+s2] =	stream.linear.scatter [tilespmem:s10], [sflag:$0x3], $0xC000, $0x38;
	[tilespmem:$0x18400] =	vst v63  }
0x12b: {  	_ =	swait.ge [sflag:s9], $0xC000  }
0x12c: {  	[sflag:s9] =	ssyncset.done $0x0  }
0x12d: {  	[sflag:s9] =	ssyncadd.s32 $0xFFFF4000  }
0x12e: {  	v3 =	vld [tilespmem:s30+$0x40];
	_ =	sdelay $0x4  }
0x12f: {  	v4 =	vshrl.u32 v3, $0x3  }
0x130: {  	v4 =	vmul.u32 $0x18, v4  }
0x131: {  	v3 =	vand.u32 $0x7, v3  }
0x132: {  	v3 =	vor.u32 v3, v4  }
0x133: {  	v4 =	vperm.xlane v3, v0;
	_ =	sdelay $0x1  }
0x134: {  	v4 =	vadd.s32 v1, v4;
	_ =	sdelay $0x1  }
0x135: {  	v3 =	vperm.xlane v3, v2;
	_ =	sdelay $0x1  }
0x136: {  	v3 =	vadd.s32 v1, v3  }
0x137: {  	[tilespmem:s10], [sflag:$0x1] =	stream.indirect_vreg.gather [hbm4b:s3+s2], $0x80, v4, vm0, $0xb8;
	[tilespmem:$0x18400] =	vst v63  }
0x138: {  	s0 =	simm.s32 $0xC00  }
0x139: {  	[tilespmem:s0], [sflag:$0x1] =	stream.indirect_vreg.gather [hbm4b:s5+s2], $0x80, v4, vm1, $0xb8;
	[tilespmem:$0x18400] =	vst v63  }
0x13a: {  	s0 =	simm.s32 $0x1000  }
0x13b: {  	[tilespmem:s0], [sflag:$0x1] =	stream.indirect_vreg.gather [hbm4b:s3+s2], $0x80, v3, vm0, $0xb8;
	[tilespmem:$0x18400] =	vst v63  }
0x13c: {  	s0 =	simm.s32 $0x1800  }
0x13d: {  	[tilespmem:s0], [sflag:$0x1] =	stream.indirect_vreg.gather [hbm4b:s5+s2], $0x80, v3, vm1, $0xb8;
	[tilespmem:$0x18400] =	vst v63  }
0x13e: {  	v3 =	vld [tilespmem:s30+$0x50];
	_ =	sdelay $0x4  }
0x13f: {  	v57 =	vshrl.u32 v3, $0x3  }
0x140: {  	v4 =	vmul.u32 $0x18, v57  }
0x141: {  	v3 =	vand.u32 $0x7, v3  }
0x142: {  	v3 =	vor.u32 v3, v4  }
0x143: {  	v4 =	vperm.xlane v3, v0;
	_ =	sdelay $0x1  }
0x144: {  	v4 =	vadd.s32 v1, v4;
	_ =	sdelay $0x1  }
0x145: {  	v3 =	vperm.xlane v3, v2;
	_ =	sdelay $0x1  }
0x146: {  	s0 =	simm.s32 $0x1C00;
	v3 =	vadd.s32 v1, v3  }
0x147: {  	[tilespmem:s0], [sflag:$0x1] =	stream.indirect_vreg.gather [hbm4b:s3+s2], $0x80, v4, vm0, $0xb8;
	[tilespmem:$0x18400] =	vst v63  }
0x148: {  	s0 =	simm.s32 $0x2400  }
0x149: {  	[tilespmem:s0], [sflag:$0x1] =	stream.indirect_vreg.gather [hbm4b:s5+s2], $0x80, v4, vm1, $0xb8;
	[tilespmem:$0x18400] =	vst v63  }
0x14a: {  	s0 =	simm.s32 $0x2800  }
0x14b: {  	[tilespmem:s0], [sflag:$0x1] =	stream.indirect_vreg.gather [hbm4b:s3+s2], $0x80, v3, vm0, $0xb8;
	[tilespmem:$0x18400] =	vst v63  }
0x14c: {  	s0 =	simm.s32 $0x3000  }
0x14d: {  	[tilespmem:s0], [sflag:$0x1] =	stream.indirect_vreg.gather [hbm4b:s5+s2], $0x80, v3, vm1, $0xb8;
	[tilespmem:$0x18400] =	vst v63  }
0x14e: {  	v3 =	vld [tilespmem:s30+$0x60];
	_ =	sdelay $0x4  }
0x14f: {  	v58 =	vshrl.u32 v3, $0x3  }
0x150: {  	v4 =	vmul.u32 $0x18, v58  }
0x151: {  	v3 =	vand.u32 $0x7, v3  }
0x152: {  	v3 =	vor.u32 v3, v4  }
0x153: {  	v4 =	vperm.xlane v3, v0;
	_ =	sdelay $0x1  }
0x154: {  	v4 =	vadd.s32 v1, v4;
	_ =	sdelay $0x1  }
0x155: {  	v3 =	vperm.xlane v3, v2;
	_ =	sdelay $0x1  }
0x156: {  	s0 =	simm.s32 $0x3400;
	v3 =	vadd.s32 v1, v3  }
0x157: {  	[tilespmem:s0], [sflag:$0x1] =	stream.indirect_vreg.gather [hbm4b:s3+s2], $0x80, v4, vm0, $0xb8;
	[tilespmem:$0x18400] =	vst v63  }
0x158: {  	s0 =	simm.s32 $0x3C00  }
0x159: {  	[tilespmem:s0], [sflag:$0x1] =	stream.indirect_vreg.gather [hbm4b:s5+s2], $0x80, v4, vm1, $0xb8;
	[tilespmem:$0x18400] =	vst v63  }
0x15a: {  	s0 =	simm.s32 $0x4000  }
0x15b: {  	[tilespmem:s0], [sflag:$0x1] =	stream.indirect_vreg.gather [hbm4b:s3+s2], $0x80, v3, vm0, $0xb8;
	[tilespmem:$0x18400] =	vst v63  }
0x15c: {  	s0 =	simm.s32 $0x4800  }
0x15d: {  	[tilespmem:s0], [sflag:$0x1] =	stream.indirect_vreg.gather [hbm4b:s5+s2], $0x80, v3, vm1, $0xb8;
	[tilespmem:$0x18400] =	vst v63  }
0x15e: {  	v3 =	vld [tilespmem:s30+$0x70];
	_ =	sdelay $0x4  }
0x15f: {  	v59 =	vshrl.u32 v3, $0x3  }
0x160: {  	v4 =	vmul.u32 $0x18, v59  }
0x161: {  	v3 =	vand.u32 $0x7, v3  }
0x162: {  	v3 =	vor.u32 v3, v4  }
0x163: {  	v4 =	vperm.xlane v3, v0;
	_ =	sdelay $0x1  }
0x164: {  	v4 =	vadd.s32 v1, v4;
	_ =	sdelay $0x1  }
0x165: {  	v3 =	vperm.xlane v3, v2;
	_ =	sdelay $0x1  }
0x166: {  	s0 =	simm.s32 $0x4C00;
	v3 =	vadd.s32 v1, v3  }
0x167: {  	[tilespmem:s0], [sflag:$0x1] =	stream.indirect_vreg.gather [hbm4b:s3+s2], $0x80, v4, vm0, $0xb8;
	[tilespmem:$0x18400] =	vst v63  }
0x168: {  	s0 =	simm.s32 $0x5400  }
0x169: {  	[tilespmem:s0], [sflag:$0x1] =	stream.indirect_vreg.gather [hbm4b:s5+s2], $0x80, v4, vm1, $0xb8;
	[tilespmem:$0x18400] =	vst v63  }
0x16a: {  	s0 =	simm.s32 $0x5800  }
0x16b: {  	[tilespmem:s0], [sflag:$0x1] =	stream.indirect_vreg.gather [hbm4b:s3+s2], $0x80, v3, vm0, $0xb8;
	[tilespmem:$0x18400] =	vst v63  }
0x16c: {  	s0 =	simm.s32 $0x6000  }
0x16d: {  	[tilespmem:s0], [sflag:$0x1] =	stream.indirect_vreg.gather [hbm4b:s5+s2], $0x80, v3, vm1, $0xb8;
	[tilespmem:$0x18400] =	vst v63  }
0x16e: {  	v3 =	vld [tilespmem:s30+$0x80];
	_ =	sdelay $0x4  }
0x16f: {  	v60 =	vshrl.u32 v3, $0x3  }
0x170: {  	v4 =	vmul.u32 $0x18, v60  }
0x171: {  	v3 =	vand.u32 $0x7, v3  }
0x172: {  	v3 =	vor.u32 v3, v4  }
0x173: {  	v4 =	vperm.xlane v3, v0;
	_ =	sdelay $0x1  }
0x174: {  	v4 =	vadd.s32 v1, v4;
	_ =	sdelay $0x1  }
0x175: {  	v3 =	vperm.xlane v3, v2;
	_ =	sdelay $0x1  }
0x176: {  	s0 =	simm.s32 $0x6400;
	v3 =	vadd.s32 v1, v3  }
0x177: {  	[tilespmem:s0], [sflag:$0x1] =	stream.indirect_vreg.gather [hbm4b:s3+s2], $0x80, v4, vm0, $0xb8;
	[tilespmem:$0x18400] =	vst v63  }
0x178: {  	s0 =	simm.s32 $0x6C00  }
0x179: {  	[tilespmem:s0], [sflag:$0x1] =	stream.indirect_vreg.gather [hbm4b:s5+s2], $0x80, v4, vm1, $0xb8;
	[tilespmem:$0x18400] =	vst v63  }
0x17a: {  	s0 =	simm.s32 $0x7000  }
0x17b: {  	[tilespmem:s0], [sflag:$0x1] =	stream.indirect_vreg.gather [hbm4b:s3+s2], $0x80, v3, vm0, $0xb8;
	[tilespmem:$0x18400] =	vst v63  }
0x17c: {  	s0 =	simm.s32 $0x7800  }
0x17d: {  	[tilespmem:s0], [sflag:$0x1] =	stream.indirect_vreg.gather [hbm4b:s5+s2], $0x80, v3, vm1, $0xb8;
	[tilespmem:$0x18400] =	vst v63  }
0x17e: {  	v3 =	vld [tilespmem:s30+$0x90];
	_ =	sdelay $0x4  }
0x17f: {  	v61 =	vshrl.u32 v3, $0x3  }
0x180: {  	v4 =	vmul.u32 $0x18, v61  }
0x181: {  	v3 =	vand.u32 $0x7, v3  }
0x182: {  	v3 =	vor.u32 v3, v4  }
0x183: {  	v4 =	vperm.xlane v3, v0;
	_ =	sdelay $0x1  }
0x184: {  	v4 =	vadd.s32 v1, v4;
	_ =	sdelay $0x1  }
0x185: {  	v3 =	vperm.xlane v3, v2;
	_ =	sdelay $0x1  }
0x186: {  	s0 =	simm.s32 $0x7C00;
	v3 =	vadd.s32 v1, v3  }
0x187: {  	[tilespmem:s0], [sflag:$0x1] =	stream.indirect_vreg.gather [hbm4b:s3+s2], $0x80, v4, vm0, $0xb8;
	[tilespmem:$0x18400] =	vst v63  }
0x188: {  	s0 =	simm.s32 $0x8400  }
0x189: {  	[tilespmem:s0], [sflag:$0x1] =	stream.indirect_vreg.gather [hbm4b:s5+s2], $0x80, v4, vm1, $0xb8;
	[tilespmem:$0x18400] =	vst v63  }
0x18a: {  	s0 =	simm.s32 $0x8800  }
0x18b: {  	[tilespmem:s0], [sflag:$0x1] =	stream.indirect_vreg.gather [hbm4b:s3+s2], $0x80, v3, vm0, $0xb8;
	[tilespmem:$0x18400] =	vst v63  }
0x18c: {  	s0 =	simm.s32 $0x9000  }
0x18d: {  	[tilespmem:s0], [sflag:$0x1] =	stream.indirect_vreg.gather [hbm4b:s5+s2], $0x80, v3, vm1, $0xb8;
	[tilespmem:$0x18400] =	vst v63  }
0x18e: {  	v3 =	vld [tilespmem:s30+$0xA0];
	_ =	sdelay $0x4  }
0x18f: {  	v62 =	vshrl.u32 v3, $0x3  }
0x190: {  	v4 =	vmul.u32 $0x18, v62  }
0x191: {  	v3 =	vand.u32 $0x7, v3  }
0x192: {  	v3 =	vor.u32 v3, v4  }
0x193: {  	v4 =	vperm.xlane v3, v0;
	_ =	sdelay $0x1  }
0x194: {  	v4 =	vadd.s32 v1, v4;
	_ =	sdelay $0x1  }
0x195: {  	v3 =	vperm.xlane v3, v2;
	_ =	sdelay $0x1  }
0x196: {  	s0 =	simm.s32 $0x9400;
	v3 =	vadd.s32 v1, v3  }
0x197: {  	[tilespmem:s0], [sflag:$0x1] =	stream.indirect_vreg.gather [hbm4b:s3+s2], $0x80, v4, vm0, $0xb8;
	[tilespmem:$0x18400] =	vst v63  }
0x198: {  	s0 =	simm.s32 $0x9C00  }
0x199: {  	[tilespmem:s0], [sflag:$0x1] =	stream.indirect_vreg.gather [hbm4b:s5+s2], $0x80, v4, vm1, $0xb8;
	[tilespmem:$0x18400] =	vst v63  }
0x19a: {  	s0 =	simm.s32 $0xA000  }
0x19b: {  	[tilespmem:s0], [sflag:$0x1] =	stream.indirect_vreg.gather [hbm4b:s3+s2], $0x80, v3, vm0, $0xb8;
	[tilespmem:$0x18400] =	vst v63  }
0x19c: {  	s0 =	simm.s32 $0xA800  }
0x19d: {  	[tilespmem:s0], [sflag:$0x1] =	stream.indirect_vreg.gather [hbm4b:s5+s2], $0x80, v3, vm1, $0xb8;
	[tilespmem:$0x18400] =	vst v63  }
0x19e: {  	v3 =	vld [tilespmem:s30+$0xB0];
	_ =	sdelay $0x4  }
0x19f: {  	v63 =	vshrl.u32 v3, $0x3  }
0x1a0: {  	v4 =	vmul.u32 $0x18, v63  }
0x1a1: {  	v3 =	vand.u32 $0x7, v3  }
0x1a2: {  	v3 =	vor.u32 v3, v4  }
0x1a3: {  	v4 =	vperm.xlane v3, v0;
	_ =	sdelay $0x1  }
0x1a4: {  	v4 =	vadd.s32 v1, v4;
	_ =	sdelay $0x2  }
0x1a5: {  	v3 =	vperm.xlane v3, v2  }
0x1a6: {  	s0 =	simm.s32 $0xAC00  }
0x1a7: {  	v3 =	vadd.s32 v1, v3;
	[tilespmem:s0], [sflag:$0x1] =	stream.indirect_vreg.gather [hbm4b:s3+s2], $0x80, v4, vm0, $0xb8;
	[tilespmem:$0x18400] =	vst v63  }
0x1a8: {  	s0 =	simm.s32 $0xB400  }
0x1a9: {  	[tilespmem:s0], [sflag:$0x1] =	stream.indirect_vreg.gather [hbm4b:s5+s2], $0x80, v4, vm1, $0xb8;
	[tilespmem:$0x18400] =	vst v63  }
.Ltmp5:
0x1aa: {  	_ = 	snop;
	(pc) =	sbr.rel .LBB2_4-.Ltmp5, $4  }
0x1ab: {  	s0 =	simm.s32 $0xB800  }
0x1ac: {  	[tilespmem:s0], [sflag:$0x1] =	stream.indirect_vreg.gather [hbm4b:s3+s2], $0x80, v3, vm0, $0xb8;
	[tilespmem:$0x18400] =	vst v63  }
0x1ad: {  	s0 =	simm.s32 $0xC000  }
0x1ae: {  	[tilespmem:s0], [sflag:$0x1] =	stream.indirect_vreg.gather [hbm4b:s5+s2], $0x80, v3, vm1, $0xb8;
	[tilespmem:$0x18400] =	vst v63  }
.LBB2_6:
0x1af: {  	_ =	sfence.sel $0x180000  }
0x1b0: {  	[bflag:$0x0] =	sbarrier.arrive $0xFFFF  }
0x1b1: {  	_ =	strace $0x9000004D  }
0x1b2: {  	s0 =	stileid.u32;
	[bflag:$0x2] =	sbarrier.arrive $0xFFFF  }
0x1b3: {  	p0 =	sne.s32 s0, $0x0;
	s0 =	rddreg [dreg:$0x2]  }
0x1b4: {  	s0 =	sadd.s32 @!p0 $0x100000, s0  }
0x1b5: {  	[sflag:s0] =	ssyncadd.tile.s32 @!p0 $0x1;
	_ =	shalt  }
.Lfunc_end2:
_tile_overlayer_lowered:
.L_overlay_start_2:
0x1b6: {  	(tag) =	ssettag $0x2  }
0x1b7: {  	s0 =	rddreg [dreg:$0x0];
	s2 =	stileid.u32  }
0x1b8: {  	s1 =	rddreg [dreg:$0x1];
	p0 =	sne.s32 s2, $0x0  }
0x1b9: {  	s3 =	rddreg [dreg:$0x2];
	[bflag:$0x3] =	sbarrier.arrive $0xFFFF;
	s2 =	simm.s32 @!p0 $0x1C03  }
0x1ba: {  	[timem:s3], [sflag:s2] =	dma.local @!p0 [hbm:s0], s1  }
0x1bb: {  	s0 =	simm.s32 @!p0 $0x3  }
0x1bc: {  	_ =	swait.ge @!p0 [sflag:s0], s1  }
0x1bd: {  	s1 =	ssub.s32 @!p0 $0x0, s1;
	[sflag:s0] =	ssyncset.done @!p0 $0x0  }
0x1be: {  	[sflag:s0] =	ssyncadd.s32 @!p0 s1  }
0x1bf: {  	[bflag:$0x3] =	sbarrier.arrive $0xFFFF  }
0x1c0: {  	_ =	shalt  }

// kernel: kernel.19.cloned.1.call-start
scs
__scs_entry_jumppad:
0x0: {  	(pc) =	sbr.rel $0x88, $3  }
0x1: {  	(tag) =	ssettag $0x0;
	lr =	simm.s32 $0x1  }
0x2: {  	[smem:$0x3F9B] =	sst lr;
	_ =	strace $0xD0000000  }
0x3: {  	_ = 	snop  }
0x4: {  	_ = 	snop  }
0x5: {  	_ = 	snop  }
0x6: {  	_ = 	snop  }
0x7: {  	_ = 	snop  }
__scs_overlays_trampoline_lowered:
0x8: {  	[smem:$0x3FAA] =	sst s0  }
0x9: {  	[smem:$0x3FAB] =	sst s1  }
0xa: {  	[smem:$0x3FAC] =	sst s2  }
0xb: {  	[smem:$0x3FAD] =	sst s3  }
0xc: {  	[smem:$0x3FAE] =	sst s4  }
0xd: {  	[smem:$0x3FAF] =	sst s5  }
0xe: {  	[smem:$0x3FB0] =	sst s6  }
0xf: {  	[smem:$0x3FB1] =	sst s7  }
0x10: {  	[smem:$0x3FB2] =	sst s8  }
0x11: {  	[smem:$0x3FB3] =	sst s9;
	s0 =	simm.s32 @!p0 $0x0  }
0x12: {  	s1 =	sld [smem:$0x3F99];
	s0 =	simm.s32 @p0 $0x1  }
0x13: {  	[smem:$0x3FB4] =	sst s0;
	s0 =	simm.s32 @!p1 $0x0  }
0x14: {  	s2 =	sld [smem:$0x3F98];
	s0 =	simm.s32 @p1 $0x1  }
0x15: {  	[smem:$0x3FB5] =	sst s0;
	s0 =	simm.s32 @!p2 $0x0  }
0x16: {  	s3 =	sld [smem:$0x3FDB];
	s0 =	simm.s32 @p2 $0x1  }
0x17: {  	s4 =	simm.s32 $0x1BF5;
	[smem:$0x3FB7] =	sst s0  }
0x18: {  	s0 =	sld [smem:$0x3F9A];
	_ =	swait.ge [sflag:s4], $0x0  }
0x19: {  	s7 =	sld [smem:$0x3F9B]  }
0x1a: {  	s8 =	sadd.s32 $0xFFFFE003, lr  }
0x1b: {  	s9 =	sadd.s32 $0xFFFFFEF7, lr;
	s5 =	simm.s32 $0xFFFFFFFF;
	p2 =	slt.u32 s8, $0xFFFFF086  }
0x1c: {  	p1 =	slt.u32 s9, $0xF7A;
	s5 =	simm.s32 @!p2 $0x0  }
0x1d: {  	s5 =	simm.s32 @p1 $0x1;
	p0 =	seq.s32 s7, s2  }
0x1e: {  	s7 =	smul.u32 @!p0 $0xF7A, s2;
	p2 =	seq.s32 @!p0 s5, $0x0  }
0x1f: {  	s9 =	smul.u32 $0xF7A, s1;
	s8 =	simm.s32 @!p0 $0x1BF5;
	p2 =	por !p2, p0  }
0x20: {  	[sflag:s8] =	ssyncset.s32 @!p0 $0xFFFFF086;
	s6 =	sadd.s32 @!p0 s3, s7;
	s7 =	simm.s32 @!p0 $0x108  }
0x21: {  	s3 =	sadd.s32 s3, s9;
	s6 =	sadd.s32 @!p0 $0x88, s6;
	s7 =	simm.s32 @p2 $0x1082  }
0x22: {  	[simem:s7], [sflag:s8] =	dma.local @!p0 [hbm:s6], $0xF7A  }
0x23: {  	s9 =	sor.u32 $0xD0000000, s2;
	s6 =	simm.s32 $0x108;
	_ =	swait.ge @!p0 [sflag:s8], $0x0  }
0x24: {  	s3 =	sadd.s32 $0x88, s3;
	s6 =	simm.s32 @!p1 $0x1082;
	[sflag:s4] =	ssyncset.s32 $0xFFFFF086  }
0x25: {  	[simem:s6], [sflag:s4] =	dma.local [hbm:s3], $0xF7A  }
0x26: {  	[smem:$0x3F9B] =	sst s1;
	(tag) =	ssettag s2;
	_ =	strace s9  }
0x27: {  	s1 =	sld [smem:$0x3FAB]  }
0x28: {  	s2 =	sld [smem:$0x3FAC]  }
0x29: {  	s4 =	sld [smem:$0x3FAE]  }
0x2a: {  	p0 =	seq.s32 s5, $0x0;
	s5 =	sld [smem:$0x3FAF]  }
0x2b: {  	s6 =	sld [smem:$0x3FB0]  }
0x2c: {  	s7 =	sld [smem:$0x3FB1]  }
0x2d: {  	s3 =	simm.s32 $0x108;
	s8 =	sld [smem:$0x3FB2]  }
0x2e: {  	s3 =	simm.s32 @!p0 $0x1082;
	s9 =	sld [smem:$0x3FB3]  }
0x2f: {  	lr =	sadd.s32 s0, s3;
	s0 =	sld [smem:$0x3FAA]  }
0x30: {  	s3 =	sld [smem:$0x3FAD]  }
0x31: {  	[smem:$0x3FB6] =	sst s10  }
0x32: {  	s10 =	sld [smem:$0x3FB4];
	_ =	sdelay $0x3  }
0x33: {  	p0 =	seq.s32 s10, $0x1;
	s10 =	sld [smem:$0x3FB6];
	_ =	sdelay $0x3  }
0x34: {  	[smem:$0x3FB6] =	sst s10  }
0x35: {  	s10 =	sld [smem:$0x3FB5];
	_ =	sdelay $0x3  }
0x36: {  	p1 =	seq.s32 s10, $0x1;
	s10 =	sld [smem:$0x3FB6];
	_ =	sdelay $0x3  }
0x37: {  	[smem:$0x3FB6] =	sst s10  }
0x38: {  	s10 =	sld [smem:$0x3FB7]  }
0x39: {  	_ = 	snop;
	(pc) =	sbr.ind lr, $3  }
0x3a: {  	_ = 	snop  }
0x3b: {  	_ = 	snop  }
0x3c: {  	p2 =	seq.s32 s10, $0x1;
	s10 =	sld [smem:$0x3FB6]  }
0x3d: {  	_ =	shalt  }
0x3e: {  	_ =	shalt  }
0x3f: {  	_ =	shalt  }
0x40: {  	_ =	shalt  }
0x41: {  	_ =	shalt  }
0x42: {  	_ =	shalt  }
0x43: {  	_ =	shalt  }
0x44: {  	_ =	shalt  }
0x45: {  	_ =	shalt  }
0x46: {  	_ =	shalt  }
0x47: {  	_ =	shalt  }
0x48: {  	_ =	shalt  }
0x49: {  	_ =	shalt  }
0x4a: {  	_ =	shalt  }
0x4b: {  	_ =	shalt  }
0x4c: {  	_ =	shalt  }
0x4d: {  	_ =	shalt  }
0x4e: {  	_ =	shalt  }
0x4f: {  	_ =	shalt  }
0x50: {  	_ =	shalt  }
0x51: {  	_ =	shalt  }
0x52: {  	_ =	shalt  }
0x53: {  	_ =	shalt  }
0x54: {  	_ =	shalt  }
0x55: {  	_ =	shalt  }
0x56: {  	_ =	shalt  }
0x57: {  	_ =	shalt  }
0x58: {  	_ =	shalt  }
0x59: {  	_ =	shalt  }
0x5a: {  	_ =	shalt  }
0x5b: {  	_ =	shalt  }
0x5c: {  	_ =	shalt  }
0x5d: {  	_ =	shalt  }
0x5e: {  	_ =	shalt  }
0x5f: {  	_ =	shalt  }
0x60: {  	_ =	shalt  }
0x61: {  	_ =	shalt  }
0x62: {  	_ =	shalt  }
0x63: {  	_ =	shalt  }
0x64: {  	_ =	shalt  }
0x65: {  	_ =	shalt  }
0x66: {  	_ =	shalt  }
0x67: {  	_ =	shalt  }
0x68: {  	_ =	shalt  }
0x69: {  	_ =	shalt  }
0x6a: {  	_ =	shalt  }
0x6b: {  	_ =	shalt  }
0x6c: {  	_ =	shalt  }
0x6d: {  	_ =	shalt  }
0x6e: {  	_ =	shalt  }
0x6f: {  	_ =	shalt  }
0x70: {  	_ =	shalt  }
0x71: {  	_ =	shalt  }
0x72: {  	_ =	shalt  }
0x73: {  	_ =	shalt  }
0x74: {  	_ =	shalt  }
0x75: {  	_ =	shalt  }
0x76: {  	_ =	shalt  }
0x77: {  	_ =	shalt  }
0x78: {  	_ =	shalt  }
0x79: {  	_ =	shalt  }
0x7a: {  	_ =	shalt  }
0x7b: {  	_ =	shalt  }
0x7c: {  	_ =	shalt  }
0x7d: {  	_ =	shalt  }
0x7e: {  	_ =	shalt  }
0x7f: {  	_ =	shalt  }
0x80: {  	_ =	shalt  }
0x81: {  	_ =	shalt  }
0x82: {  	_ =	shalt  }
0x83: {  	_ =	shalt  }
0x84: {  	_ =	shalt  }
0x85: {  	_ =	shalt  }
0x86: {  	_ =	shalt  }
0x87: {  	_ =	shalt  }
.Lfunc_end0:
.L_simem_size_0:
called_computation.2_lowered:
.L_overlay_start_0:
0x88: {  	s2 =	sld [smem:$0x3FD9]  }
0x89: {  	s3 =	sld [smem:$0x3FFE];
	_ =	sdelay $0x1  }
0x8a: {  	s1 =	srdreg.scid  }
0x8b: {  	s0 =	sand.u32 $0x1, s1  }
0x8c: {  	s17 =	sshll.u32 s0, $0xA;
	s2 =	sadd.s32 s3, s2  }
0x8d: {  	s2 =	sadd.s32 s2, s17  }
0x8e: {  	[smem:$0x3FC2] =	sst s2  }
0x8f: {  	_ = 	snop  }
0x90: {  	(tm) =	ssettm $0x1  }
0x91: {  	s18 =	sld [smem:$0x3FFB];
	_ =	sdelay $0x3  }
0x92: {  	_ =	strace s18  }
0x93: {  	s2 =	sld [smem:$0x3FFC];
	_ =	sdelay $0x3  }
0x94: {  	_ =	strace s2  }
0x95: {  	s2 =	sld [smem:$0x3FFD];
	_ =	sdelay $0x3  }
0x96: {  	_ =	strace s2  }
0x97: {  	_ =	strace $0x8FFFFFFF  }
0x98: {  	s19 =	sld [smem:$0x3FDB];
	_ =	sdelay $0x1  }
0x99: {  	s20 =	simm.s32 $_scs_section_size  }
0x9a: {  	s4 =	simm.s32 $_size__tile_overlayer_lowered;
	s5 =	simm.s32 $_tile_overlayer_lowered  }
0x9b: {  	s6 =	simm.s32 $0x1BFF;
	s21 =	sshll.u32 s5, $0x1;
	s3 =	sadd.s32 s20, s19  }
0x9c: {  	s22 =	simm.s32 $0x0;
	s4 =	sshll.u32 s4, $0x1;
	s5 =	sadd.s32 s21, s3  }
0x9d: {  	[timem:s22], [sflag:s6] =	dma.local [hbm:s5], s4  }
0x9e: {  	_ =	swait.ge [sflag:s6], s4  }
0x9f: {  	s4 =	ssub.s32 $0x0, s4;
	[sflag:s6] =	ssyncset.done $0x0  }
0xa0: {  	[sflag:s6] =	ssyncadd.s32 s4;
	_ =	sdelay $0x1  }
0xa1: {  	s23 =	simm.s32 $0x1B8B  }
0xa2: {  	_ =	swait.ge [sflag:s23], $0x1  }
0xa3: {  	[sflag:s23] =	ssyncset.done $0x0  }
0xa4: {  	[sflag:s23] =	ssyncadd.s32 $0xFFFFFFFF  }
0xa5: {  	s4 =	sld [smem:$0x0]  }
0xa6: {  	s5 =	sand.u32 $0xFFFFFFFE, s1  }
0xa7: {  	p0 =	sne.s32 s1, s5  }
0xa8: {  	s5 =	sshll.u32 @p0 s5, $0xE  }
0xa9: {  	s5 =	sadd.s32 @p0 $0x11B8D, s5;
	s6 =	sshll.u32 @p0 s4, $0x11  }
0xaa: {  	s5 =	sor.u32 @p0 s6, s5  }
0xab: {  	[sflag:s5] =	ssyncadd.remote.s32 @p0 $0x1;
	_ =	sdelay $0x1  }
0xac: {  	s5 =	simm.s32 @p0 $0x1B8D  }
0xad: {  	_ =	swait.eq @p0 [sflag:s5], $0x1  }
0xae: {  	[sflag:s5] =	ssyncadd.s32 @p0 $0xFFFFFFFF  }
0xaf: {  	s6 =	sshll.u32 @!p0 s1, $0xE  }
0xb0: {  	s6 =	sor.u32 @!p0 $0x4000, s6;
	s5 =	simm.s32 @!p0 $0x1B8D  }
0xb1: {  	s4 =	sshll.u32 @!p0 s4, $0x11;
	s6 =	sadd.s32 @!p0 $0x11B8D, s6;
	_ =	swait.eq @!p0 [sflag:s5], $0x1  }
0xb2: {  	s4 =	sor.u32 @!p0 s4, s6;
	[sflag:s5] =	ssyncadd.s32 @!p0 $0xFFFFFFFF  }
0xb3: {  	s25 =	simm.s32 $0x1B8E;
	s24 =	sld [smem:$0x3FFE];
	[sflag:s4] =	ssyncadd.remote.s32 @!p0 $0x1  }
0xb4: {  	s26 =	simm.s32 $execute0_lowered;
	[smem:$0x3FD2] =	sst s25  }
0xb5: {  	s5 =	sshll.u32 s26, $0x1;
	_ =	strace $0x80000049;
	[dreg:$0x1] =	wrdreg $0xFFFFFFFF  }
0xb6: {  	s28 =	simm.s32 $_size_execute0_lowered;
	s3 =	sadd.s32 s3, s5;
	[dreg:$0x0] =	wrdreg $0x0  }
0xb7: {  	s5 =	sshll.u32 s28, $0x1;
	[dreg:$0x2] =	wrdreg s3  }
0xb8: {  	[dreg:$0x3] =	wrdreg s5  }
0xb9: {  	[dreg:$0x4] =	wrdreg $0xC0  }
0xba: {  	_ =	task [dreg:s22], $0x5FFFF  }
0xbb: {  	[dreg:$0x1] =	wrdreg $0xFFFFFFFF  }
0xbc: {  	[dreg:$0x0] =	wrdreg $0x60  }
0xbd: {  	[dreg:$0x2] =	wrdreg s24  }
0xbe: {  	[dreg:$0x3] =	wrdreg $0xB  }
0xbf: {  	_ =	task.clear_ibuf [dreg:s22], $0x4FFFF;
	_ =	strace $0x90000049  }
0xc0: {  	s29 =	simm.s32 $0xB;
	_ =	strace $0x8000004B  }
0xc1: {  	_ =	swait.ge [sflag:s29], $0x1  }
0xc2: {  	[sflag:s29] =	ssyncadd.s32 $0xFFFFFFFF  }
0xc3: {  	_ =	strace $0x9000004B  }
0xc4: {  	_ =	sfence  }
0xc5: {  	s30 =	sld [smem:$0x0];
	_ =	sdelay $0x2  }
0xc6: {  	s31 =	sshll.u32 s1, $0xD;
	s1 =	sshrl.u32 s1, $0x2  }
0xc7: {  	s4 =	sand.u32 $0x4000, s31;
	s1 =	sadd.s32 s1, s30  }
0xc8: {  	s0 =	sor.u32 s4, s0;
	s1 =	sshll.u32 s1, $0x11  }
0xc9: {  	s0 =	sor.u32 s1, s0  }
0xca: {  	s0 =	sadd.s32 $0x8F2B, s0  }
0xcb: {  	[sflag:s0] =	ssyncadd.remote.s32 $0x1  }
0xcc: {  	_ =	sfence.sel $0xFFFF  }
0xcd: {  	[dreg:$0x0] =	wrdreg $0xFFFFFFFF;
	(pc) =	sbr.abs _section_cstart, $3  }
0xce: {  	[dreg:$0x1] =	wrdreg $0xFFFFFFFF  }
0xcf: {  	_ =	task.clear_ibuf [dreg:s22], $0x2FFFF;
	_ =	strace $0x9FFFFFFF  }
0xd0: {  	(tm) =	ssettm $0x7FFFFFFF  }
0xd1: {  	_ =	shalt  }
tec
execute0_lowered:
.L_overlay_start_1:
0x0: {  	(tag) =	ssettag $0x1  }
0x1: {  	s0 =	rddreg [dreg:$0x0];
	s1 =	srdreg.scid  }
0x2: {  	s2 =	simm.s32 $0x0;
	s3 =	stileid.u32;
	s9 =	simm.s32 $0x3  }
0x3: {  	s10 =	simm.s32 $0x400;
	s18 =	simm.s32 $0xC400;
	s11 =	simm.s32 $0x12C00  }
0x4: {  	s12 =	simm.s32 $0x13000;
	s13 =	simm.s32 $0x13800;
	s14 =	simm.s32 $0x13C00  }
0x5: {  	s15 =	simm.s32 $0x14400;
	s16 =	simm.s32 $0x14800;
	s17 =	simm.s32 $0x15000  }
0x6: {  	s19 =	simm.s32 $0x15400;
	s20 =	simm.s32 $0x15C00;
	s21 =	simm.s32 $0x16000  }
0x7: {  	s22 =	simm.s32 $0x16800;
	s23 =	simm.s32 $0x16C00;
	s24 =	simm.s32 $0x17400  }
0x8: {  	s25 =	simm.s32 $0x17800;
	s28 =	simm.s32 $0x1;
	s29 =	simm.s32 $0x2  }
0x9: {  	s30 =	simm.s32 $0x0;
	s1 =	sand.u32 $0x1, s1;
	[smem:$0x7FF] =	sst s2  }
0xa: {  	s3 =	sshll.u32 s3, $0xB;
	s8 =	sadd.s32 $0x303600, s0;
	s4 =	sshll.u32 s1, $0xA  }
0xb: {  	_ =	strace $0x8000004A;
	s1 =	ssub.s32 $0x2, s1;
	s4 =	sor.u32 s4, s3  }
0xc: {  	s3 =	sadd.s32 $0x3600, s0;
	s7 =	sshrl.u32 s1, $0x1;
	s5 =	sshrl.u32 s4, $0x3  }
0xd: {  	s4 =	sor.u32 $0x80, s4;
	s1 =	ssub.s32 s1, s7;
	s26 =	smul.u32 $0x180, s5  }
.Ltmp0:
0xe: {  	s6 =	sadd.s32 s5, s0;
	s4 =	sshrl.u32 s4, $0x3;
	(pc) =	sbr.rel .LBB2_1-.Ltmp0, $4  }
0xf: {  	s5 =	sadd.s32 $0x3700, s0;
	s31 =	smax.u32 s1, $0x1;
	s4 =	smul.u32 $0x180, s4  }
0x10: {  	v2 =	vlaneseq.u32;
	s1 =	simm.s32 $0x11800;
	s6 =	sadd.s32 $0x2600, s6;
	[dreg:$0x3] =	wrdreg s31  }
0x11: {  	vm0 =	vmmov $0xffff;
	vm1 =	vmmov $0xff;
	v1 =	vshrl.u32 v2, $0x3;
	[dreg:$0x2] =	wrdreg s6;
	s6 =	simm.s32 $0x12400;
	s7 =	sadd.s32 s4, s8  }
0x12: {  	v0 =	vand.u32 $0x7, v2;
	v2 =	vor.u32 $0x8, v2;
	v1 =	vmul.u32 $0x8, v1;
	s8 =	sadd.s32 s26, s8;
	s4 =	simm.s32 $0x12000;
	s26 =	simm.s32 $0x18000  }
.LBB2_5:
0x13: {  	s30 =	rddreg [dreg:$0x4]  }
0x14: {  	s0 =	rddreg [dreg:$0x3];
	s30 =	sadd.s32 $0x1, s30  }
0x15: {  	p0 =	sne.s32 s30, s0  }
.Ltmp1:
0x16: {  	_ = 	snop;
	(pc) =	sbr.rel @!p0 .LBB2_6-.Ltmp1, $1  }
0x17: {  	_ =	sdelay $0x3  }
.LBB2_1:
0x18: {  	[dreg:$0x4] =	wrdreg s30  }
0x19: {  	s0 =	rddreg [dreg:$0x2]  }
0x1a: {  	[tilespmem:s2], [sflag:$0x3] =	stream.linear.gather [hbm4b:s0+s2], $0x400, $0x38;
	[tilespmem:$0x18400] =	vst v63  }
0x1b: {  	_ =	swait.ge [sflag:s9], $0x400  }
0x1c: {  	[sflag:s9] =	ssyncset.done $0x0  }
0x1d: {  	[sflag:s9] =	ssyncadd.s32 $0xFFFFFC00  }
0x1e: {  	v3 =	vld [tilespmem:$0x0];
	_ =	sdelay $0x4  }
0x1f: {  	v4 =	vshrl.u32 v3, $0x3  }
0x20: {  	v4 =	vmul.u32 $0x18, v4  }
0x21: {  	v3 =	vand.u32 $0x7, v3  }
0x22: {  	v3 =	vor.u32 v3, v4  }
0x23: {  	v4 =	vperm.xlane v3, v0;
	_ =	sdelay $0x1  }
0x24: {  	v4 =	vadd.s32 v1, v4;
	_ =	sdelay $0x1  }
0x25: {  	v3 =	vperm.xlane v3, v2;
	_ =	sdelay $0x1  }
0x26: {  	v3 =	vadd.s32 v1, v3  }
0x27: {  	[tilespmem:s10], [sflag:$0x1] =	stream.indirect_vreg.gather [hbm4b:s3+s2], $0x80, v4, vm0, $0xb8;
	[tilespmem:$0x18400] =	vst v63  }
0x28: {  	s0 =	simm.s32 $0xC00  }
0x29: {  	[tilespmem:s0], [sflag:$0x1] =	stream.indirect_vreg.gather [hbm4b:s5+s2], $0x80, v4, vm1, $0xb8;
	[tilespmem:$0x18400] =	vst v63  }
0x2a: {  	s0 =	simm.s32 $0x1000  }
0x2b: {  	[tilespmem:s0], [sflag:$0x1] =	stream.indirect_vreg.gather [hbm4b:s3+s2], $0x80, v3, vm0, $0xb8;
	[tilespmem:$0x18400] =	vst v63  }
0x2c: {  	s0 =	simm.s32 $0x1800  }
0x2d: {  	[tilespmem:s0], [sflag:$0x1] =	stream.indirect_vreg.gather [hbm4b:s5+s2], $0x80, v3, vm1, $0xb8;
	[tilespmem:$0x18400] =	vst v63  }
0x2e: {  	v3 =	vld [tilespmem:$0x10];
	_ =	sdelay $0x4  }
0x2f: {  	v57 =	vshrl.u32 v3, $0x3  }
0x30: {  	v4 =	vmul.u32 $0x18, v57  }
0x31: {  	v3 =	vand.u32 $0x7, v3  }
0x32: {  	v3 =	vor.u32 v3, v4  }
0x33: {  	v4 =	vperm.xlane v3, v0;
	_ =	sdelay $0x1  }
0x34: {  	v4 =	vadd.s32 v1, v4;
	_ =	sdelay $0x1  }
0x35: {  	v3 =	vperm.xlane v3, v2;
	_ =	sdelay $0x1  }
0x36: {  	s0 =	simm.s32 $0x1C00;
	v3 =	vadd.s32 v1, v3  }
0x37: {  	[tilespmem:s0], [sflag:$0x1] =	stream.indirect_vreg.gather [hbm4b:s3+s2], $0x80, v4, vm0, $0xb8;
	[tilespmem:$0x18400] =	vst v63  }
0x38: {  	s0 =	simm.s32 $0x2400  }
0x39: {  	[tilespmem:s0], [sflag:$0x1] =	stream.indirect_vreg.gather [hbm4b:s5+s2], $0x80, v4, vm1, $0xb8;
	[tilespmem:$0x18400] =	vst v63  }
0x3a: {  	s0 =	simm.s32 $0x2800  }
0x3b: {  	[tilespmem:s0], [sflag:$0x1] =	stream.indirect_vreg.gather [hbm4b:s3+s2], $0x80, v3, vm0, $0xb8;
	[tilespmem:$0x18400] =	vst v63  }
0x3c: {  	s0 =	simm.s32 $0x3000  }
0x3d: {  	[tilespmem:s0], [sflag:$0x1] =	stream.indirect_vreg.gather [hbm4b:s5+s2], $0x80, v3, vm1, $0xb8;
	[tilespmem:$0x18400] =	vst v63  }
0x3e: {  	v3 =	vld [tilespmem:$0x20];
	_ =	sdelay $0x4  }
0x3f: {  	v58 =	vshrl.u32 v3, $0x3  }
0x40: {  	v4 =	vmul.u32 $0x18, v58  }
0x41: {  	v3 =	vand.u32 $0x7, v3  }
0x42: {  	v3 =	vor.u32 v3, v4  }
0x43: {  	v4 =	vperm.xlane v3, v0;
	_ =	sdelay $0x1  }
0x44: {  	v4 =	vadd.s32 v1, v4;
	_ =	sdelay $0x1  }
0x45: {  	v3 =	vperm.xlane v3, v2;
	_ =	sdelay $0x1  }
0x46: {  	s0 =	simm.s32 $0x3400;
	v3 =	vadd.s32 v1, v3  }
0x47: {  	[tilespmem:s0], [sflag:$0x1] =	stream.indirect_vreg.gather [hbm4b:s3+s2], $0x80, v4, vm0, $0xb8;
	[tilespmem:$0x18400] =	vst v63  }
0x48: {  	s0 =	simm.s32 $0x3C00  }
0x49: {  	[tilespmem:s0], [sflag:$0x1] =	stream.indirect_vreg.gather [hbm4b:s5+s2], $0x80, v4, vm1, $0xb8;
	[tilespmem:$0x18400] =	vst v63  }
0x4a: {  	s0 =	simm.s32 $0x4000  }
0x4b: {  	[tilespmem:s0], [sflag:$0x1] =	stream.indirect_vreg.gather [hbm4b:s3+s2], $0x80, v3, vm0, $0xb8;
	[tilespmem:$0x18400] =	vst v63  }
0x4c: {  	s0 =	simm.s32 $0x4800  }
0x4d: {  	[tilespmem:s0], [sflag:$0x1] =	stream.indirect_vreg.gather [hbm4b:s5+s2], $0x80, v3, vm1, $0xb8;
	[tilespmem:$0x18400] =	vst v63  }
0x4e: {  	v3 =	vld [tilespmem:$0x30];
	_ =	sdelay $0x4  }
0x4f: {  	v59 =	vshrl.u32 v3, $0x3  }
0x50: {  	v4 =	vmul.u32 $0x18, v59  }
0x51: {  	v3 =	vand.u32 $0x7, v3  }
0x52: {  	v3 =	vor.u32 v3, v4  }
0x53: {  	v4 =	vperm.xlane v3, v0;
	_ =	sdelay $0x1  }
0x54: {  	v4 =	vadd.s32 v1, v4;
	_ =	sdelay $0x1  }
0x55: {  	v3 =	vperm.xlane v3, v2;
	_ =	sdelay $0x1  }
0x56: {  	s0 =	simm.s32 $0x4C00;
	v3 =	vadd.s32 v1, v3  }
0x57: {  	[tilespmem:s0], [sflag:$0x1] =	stream.indirect_vreg.gather [hbm4b:s3+s2], $0x80, v4, vm0, $0xb8;
	[tilespmem:$0x18400] =	vst v63  }
0x58: {  	s0 =	simm.s32 $0x5400  }
0x59: {  	[tilespmem:s0], [sflag:$0x1] =	stream.indirect_vreg.gather [hbm4b:s5+s2], $0x80, v4, vm1, $0xb8;
	[tilespmem:$0x18400] =	vst v63  }
0x5a: {  	s0 =	simm.s32 $0x5800  }
0x5b: {  	[tilespmem:s0], [sflag:$0x1] =	stream.indirect_vreg.gather [hbm4b:s3+s2], $0x80, v3, vm0, $0xb8;
	[tilespmem:$0x18400] =	vst v63  }
0x5c: {  	s0 =	simm.s32 $0x6000  }
0x5d: {  	[tilespmem:s0], [sflag:$0x1] =	stream.indirect_vreg.gather [hbm4b:s5+s2], $0x80, v3, vm1, $0xb8;
	[tilespmem:$0x18400] =	vst v63  }
0x5e: {  	v3 =	vld [tilespmem:$0x40];
	_ =	sdelay $0x4  }
0x5f: {  	v60 =	vshrl.u32 v3, $0x3  }
0x60: {  	v4 =	vmul.u32 $0x18, v60  }
0x61: {  	v3 =	vand.u32 $0x7, v3  }
0x62: {  	v3 =	vor.u32 v3, v4  }
0x63: {  	v4 =	vperm.xlane v3, v0;
	_ =	sdelay $0x1  }
0x64: {  	v4 =	vadd.s32 v1, v4;
	_ =	sdelay $0x1  }
0x65: {  	v3 =	vperm.xlane v3, v2;
	_ =	sdelay $0x1  }
0x66: {  	s0 =	simm.s32 $0x6400;
	v3 =	vadd.s32 v1, v3  }
0x67: {  	[tilespmem:s0], [sflag:$0x1] =	stream.indirect_vreg.gather [hbm4b:s3+s2], $0x80, v4, vm0, $0xb8;
	[tilespmem:$0x18400] =	vst v63  }
0x68: {  	s0 =	simm.s32 $0x6C00  }
0x69: {  	[tilespmem:s0], [sflag:$0x1] =	stream.indirect_vreg.gather [hbm4b:s5+s2], $0x80, v4, vm1, $0xb8;
	[tilespmem:$0x18400] =	vst v63  }
0x6a: {  	s0 =	simm.s32 $0x7000  }
0x6b: {  	[tilespmem:s0], [sflag:$0x1] =	stream.indirect_vreg.gather [hbm4b:s3+s2], $0x80, v3, vm0, $0xb8;
	[tilespmem:$0x18400] =	vst v63  }
0x6c: {  	s0 =	simm.s32 $0x7800  }
0x6d: {  	[tilespmem:s0], [sflag:$0x1] =	stream.indirect_vreg.gather [hbm4b:s5+s2], $0x80, v3, vm1, $0xb8;
	[tilespmem:$0x18400] =	vst v63  }
0x6e: {  	v3 =	vld [tilespmem:$0x50];
	_ =	sdelay $0x4  }
0x6f: {  	v61 =	vshrl.u32 v3, $0x3  }
0x70: {  	v4 =	vmul.u32 $0x18, v61  }
0x71: {  	v3 =	vand.u32 $0x7, v3  }
0x72: {  	v3 =	vor.u32 v3, v4  }
0x73: {  	v4 =	vperm.xlane v3, v0;
	_ =	sdelay $0x1  }
0x74: {  	v4 =	vadd.s32 v1, v4;
	_ =	sdelay $0x1  }
0x75: {  	v3 =	vperm.xlane v3, v2;
	_ =	sdelay $0x1  }
0x76: {  	s0 =	simm.s32 $0x7C00;
	v3 =	vadd.s32 v1, v3  }
0x77: {  	[tilespmem:s0], [sflag:$0x1] =	stream.indirect_vreg.gather [hbm4b:s3+s2], $0x80, v4, vm0, $0xb8;
	[tilespmem:$0x18400] =	vst v63  }
0x78: {  	s0 =	simm.s32 $0x8400  }
0x79: {  	[tilespmem:s0], [sflag:$0x1] =	stream.indirect_vreg.gather [hbm4b:s5+s2], $0x80, v4, vm1, $0xb8;
	[tilespmem:$0x18400] =	vst v63  }
0x7a: {  	s0 =	simm.s32 $0x8800  }
0x7b: {  	[tilespmem:s0], [sflag:$0x1] =	stream.indirect_vreg.gather [hbm4b:s3+s2], $0x80, v3, vm0, $0xb8;
	[tilespmem:$0x18400] =	vst v63  }
0x7c: {  	s0 =	simm.s32 $0x9000  }
0x7d: {  	[tilespmem:s0], [sflag:$0x1] =	stream.indirect_vreg.gather [hbm4b:s5+s2], $0x80, v3, vm1, $0xb8;
	[tilespmem:$0x18400] =	vst v63  }
0x7e: {  	v3 =	vld [tilespmem:$0x60];
	_ =	sdelay $0x4  }
0x7f: {  	v62 =	vshrl.u32 v3, $0x3  }
0x80: {  	v4 =	vmul.u32 $0x18, v62  }
0x81: {  	v3 =	vand.u32 $0x7, v3  }
0x82: {  	v3 =	vor.u32 v3, v4  }
0x83: {  	v4 =	vperm.xlane v3, v0;
	_ =	sdelay $0x1  }
0x84: {  	v4 =	vadd.s32 v1, v4;
	_ =	sdelay $0x1  }
0x85: {  	v3 =	vperm.xlane v3, v2;
	_ =	sdelay $0x1  }
0x86: {  	s0 =	simm.s32 $0x9400;
	v3 =	vadd.s32 v1, v3  }
0x87: {  	[tilespmem:s0], [sflag:$0x1] =	stream.indirect_vreg.gather [hbm4b:s3+s2], $0x80, v4, vm0, $0xb8;
	[tilespmem:$0x18400] =	vst v63  }
0x88: {  	s0 =	simm.s32 $0x9C00  }
0x89: {  	[tilespmem:s0], [sflag:$0x1] =	stream.indirect_vreg.gather [hbm4b:s5+s2], $0x80, v4, vm1, $0xb8;
	[tilespmem:$0x18400] =	vst v63  }
0x8a: {  	s0 =	simm.s32 $0xA000  }
0x8b: {  	[tilespmem:s0], [sflag:$0x1] =	stream.indirect_vreg.gather [hbm4b:s3+s2], $0x80, v3, vm0, $0xb8;
	[tilespmem:$0x18400] =	vst v63  }
0x8c: {  	s0 =	simm.s32 $0xA800  }
0x8d: {  	[tilespmem:s0], [sflag:$0x1] =	stream.indirect_vreg.gather [hbm4b:s5+s2], $0x80, v3, vm1, $0xb8;
	[tilespmem:$0x18400] =	vst v63  }
0x8e: {  	v3 =	vld [tilespmem:$0x70];
	_ =	sdelay $0x4  }
0x8f: {  	v63 =	vshrl.u32 v3, $0x3  }
0x90: {  	v4 =	vmul.u32 $0x18, v63  }
0x91: {  	v3 =	vand.u32 $0x7, v3  }
0x92: {  	v3 =	vor.u32 v3, v4  }
0x93: {  	v4 =	vperm.xlane v3, v0;
	_ =	sdelay $0x1  }
0x94: {  	v4 =	vadd.s32 v1, v4;
	_ =	sdelay $0x2  }
0x95: {  	v3 =	vperm.xlane v3, v2  }
0x96: {  	s0 =	simm.s32 $0xAC00  }
0x97: {  	v3 =	vadd.s32 v1, v3;
	[tilespmem:s0], [sflag:$0x1] =	stream.indirect_vreg.gather [hbm4b:s3+s2], $0x80, v4, vm0, $0xb8;
	[tilespmem:$0x18400] =	vst v63  }
0x98: {  	s0 =	simm.s32 $0xB400  }
0x99: {  	[tilespmem:s0], [sflag:$0x1] =	stream.indirect_vreg.gather [hbm4b:s5+s2], $0x80, v4, vm1, $0xb8;
	[tilespmem:$0x18400] =	vst v63  }
.Ltmp2:
0x9a: {  	_ = 	snop;
	(pc) =	sbr.rel .LBB2_2-.Ltmp2, $4  }
0x9b: {  	s0 =	simm.s32 $0xB800  }
0x9c: {  	[tilespmem:s0], [sflag:$0x1] =	stream.indirect_vreg.gather [hbm4b:s3+s2], $0x80, v3, vm0, $0xb8;
	[tilespmem:$0x18400] =	vst v63  }
0x9d: {  	s30 =	simm.s32 $0xC0;
	s31 =	simm.s32 $0x0;
	s0 =	simm.s32 $0xC000  }
0x9e: {  	[tilespmem:s0], [sflag:$0x1] =	stream.indirect_vreg.gather [hbm4b:s5+s2], $0x80, v3, vm1, $0xb8;
	[tilespmem:$0x18400] =	vst v63  }
.LBB2_4:
0x9f: {  	_ =	swait.ge [sflag:s29], $0xC000;
	s0 =	sadd.s32 s31, s7;
	s31 =	sadd.s32 $0x3000, s31  }
0xa0: {  	[sflag:s29] =	ssyncset.done $0x0;
	p0 =	sne.s32 s31, $0xC000  }
.Ltmp3:
0xa1: {  	[sflag:s29] =	ssyncadd.s32 $0xFFFF4000;
	(pc) =	sbr.rel @!p0 .LBB2_5-.Ltmp3, $4  }
0xa2: {  	[hbm4b:s0+s2] =	stream.linear.scatter [tilespmem:s18], [sflag:$0x3], $0xC000, $0x38;
	[tilespmem:$0x18400] =	vst v63  }
0xa3: {  	_ =	swait.ge [sflag:s9], $0xC000  }
0xa4: {  	[sflag:s9] =	ssyncset.done $0x0  }
0xa5: {  	s30 =	sadd.s32 $0x100, s30;
	[sflag:s9] =	ssyncadd.s32 $0xFFFF4000  }
.LBB2_2:
0xa6: {  	v3 =	vld [tilespmem:s30+$0xFFFFFFC0];
	_ =	sdelay $0x4  }
0xa7: {  	v4 =	vshrl.u32 v3, $0x3  }
0xa8: {  	v4 =	vmul.u32 $0x18, v4  }
0xa9: {  	v3 =	vand.u32 $0x7, v3  }
0xaa: {  	v3 =	vor.u32 v3, v4  }
0xab: {  	v4 =	vperm.xlane v3, v0;
	_ =	sdelay $0x1  }
0xac: {  	v4 =	vadd.s32 v1, v4;
	_ =	sdelay $0x1  }
0xad: {  	v3 =	vperm.xlane v3, v2;
	_ =	sdelay $0x1  }
0xae: {  	v3 =	vadd.s32 v1, v3  }
0xaf: {  	[tilespmem:s18], [sflag:$0x2] =	stream.indirect_vreg.gather [hbm4b:s3+s2], $0x80, v4, vm0, $0xb8;
	[tilespmem:$0x18400] =	vst v63  }
0xb0: {  	s0 =	simm.s32 $0xCC00  }
0xb1: {  	[tilespmem:s0], [sflag:$0x2] =	stream.indirect_vreg.gather [hbm4b:s5+s2], $0x80, v4, vm1, $0xb8;
	[tilespmem:$0x18400] =	vst v63  }
0xb2: {  	s0 =	simm.s32 $0xD000  }
0xb3: {  	[tilespmem:s0], [sflag:$0x2] =	stream.indirect_vreg.gather [hbm4b:s3+s2], $0x80, v3, vm0, $0xb8;
	[tilespmem:$0x18400] =	vst v63  }
0xb4: {  	s0 =	simm.s32 $0xD800  }
0xb5: {  	[tilespmem:s0], [sflag:$0x2] =	stream.indirect_vreg.gather [hbm4b:s5+s2], $0x80, v3, vm1, $0xb8;
	[tilespmem:$0x18400] =	vst v63  }
0xb6: {  	v3 =	vld [tilespmem:s30+$0xFFFFFFD0];
	_ =	sdelay $0x4  }
0xb7: {  	v57 =	vshrl.u32 v3, $0x3  }
0xb8: {  	v4 =	vmul.u32 $0x18, v57  }
0xb9: {  	v3 =	vand.u32 $0x7, v3  }
0xba: {  	v3 =	vor.u32 v3, v4  }
0xbb: {  	v4 =	vperm.xlane v3, v0;
	_ =	sdelay $0x1  }
0xbc: {  	v4 =	vadd.s32 v1, v4;
	_ =	sdelay $0x1  }
0xbd: {  	v3 =	vperm.xlane v3, v2;
	_ =	sdelay $0x1  }
0xbe: {  	s0 =	simm.s32 $0xDC00;
	v3 =	vadd.s32 v1, v3  }
0xbf: {  	[tilespmem:s0], [sflag:$0x2] =	stream.indirect_vreg.gather [hbm4b:s3+s2], $0x80, v4, vm0, $0xb8;
	[tilespmem:$0x18400] =	vst v63  }
0xc0: {  	s0 =	simm.s32 $0xE400  }
0xc1: {  	[tilespmem:s0], [sflag:$0x2] =	stream.indirect_vreg.gather [hbm4b:s5+s2], $0x80, v4, vm1, $0xb8;
	[tilespmem:$0x18400] =	vst v63  }
0xc2: {  	s0 =	simm.s32 $0xE800  }
0xc3: {  	[tilespmem:s0], [sflag:$0x2] =	stream.indirect_vreg.gather [hbm4b:s3+s2], $0x80, v3, vm0, $0xb8;
	[tilespmem:$0x18400] =	vst v63  }
0xc4: {  	s0 =	simm.s32 $0xF000  }
0xc5: {  	[tilespmem:s0], [sflag:$0x2] =	stream.indirect_vreg.gather [hbm4b:s5+s2], $0x80, v3, vm1, $0xb8;
	[tilespmem:$0x18400] =	vst v63  }
0xc6: {  	v3 =	vld [tilespmem:s30+$0xFFFFFFE0];
	_ =	sdelay $0x4  }
0xc7: {  	v58 =	vshrl.u32 v3, $0x3  }
0xc8: {  	v4 =	vmul.u32 $0x18, v58  }
0xc9: {  	v3 =	vand.u32 $0x7, v3  }
0xca: {  	v3 =	vor.u32 v3, v4  }
0xcb: {  	v4 =	vperm.xlane v3, v0;
	_ =	sdelay $0x1  }
0xcc: {  	v4 =	vadd.s32 v1, v4;
	_ =	sdelay $0x1  }
0xcd: {  	v3 =	vperm.xlane v3, v2;
	_ =	sdelay $0x1  }
0xce: {  	s0 =	simm.s32 $0xF400;
	v3 =	vadd.s32 v1, v3  }
0xcf: {  	[tilespmem:s0], [sflag:$0x2] =	stream.indirect_vreg.gather [hbm4b:s3+s2], $0x80, v4, vm0, $0xb8;
	[tilespmem:$0x18400] =	vst v63  }
0xd0: {  	s0 =	simm.s32 $0xFC00  }
0xd1: {  	[tilespmem:s0], [sflag:$0x2] =	stream.indirect_vreg.gather [hbm4b:s5+s2], $0x80, v4, vm1, $0xb8;
	[tilespmem:$0x18400] =	vst v63  }
0xd2: {  	s0 =	simm.s32 $0x10000  }
0xd3: {  	[tilespmem:s0], [sflag:$0x2] =	stream.indirect_vreg.gather [hbm4b:s3+s2], $0x80, v3, vm0, $0xb8;
	[tilespmem:$0x18400] =	vst v63  }
0xd4: {  	s0 =	simm.s32 $0x10800  }
0xd5: {  	[tilespmem:s0], [sflag:$0x2] =	stream.indirect_vreg.gather [hbm4b:s5+s2], $0x80, v3, vm1, $0xb8;
	[tilespmem:$0x18400] =	vst v63  }
0xd6: {  	v3 =	vld [tilespmem:s30+$0xFFFFFFF0];
	_ =	sdelay $0x4  }
0xd7: {  	v59 =	vshrl.u32 v3, $0x3  }
0xd8: {  	v4 =	vmul.u32 $0x18, v59  }
0xd9: {  	v3 =	vand.u32 $0x7, v3  }
0xda: {  	v3 =	vor.u32 v3, v4  }
0xdb: {  	v4 =	vperm.xlane v3, v0;
	_ =	sdelay $0x1  }
0xdc: {  	v4 =	vadd.s32 v1, v4;
	_ =	sdelay $0x1  }
0xdd: {  	v3 =	vperm.xlane v3, v2;
	_ =	sdelay $0x1  }
0xde: {  	s0 =	simm.s32 $0x10C00;
	v3 =	vadd.s32 v1, v3  }
0xdf: {  	[tilespmem:s0], [sflag:$0x2] =	stream.indirect_vreg.gather [hbm4b:s3+s2], $0x80, v4, vm0, $0xb8;
	[tilespmem:$0x18400] =	vst v63  }
0xe0: {  	s0 =	simm.s32 $0x11400  }
0xe1: {  	[tilespmem:s0], [sflag:$0x2] =	stream.indirect_vreg.gather [hbm4b:s5+s2], $0x80, v4, vm1, $0xb8;
	[tilespmem:$0x18400] =	vst v63  }
0xe2: {  	_ = 	snop  }
0xe3: {  	[tilespmem:s1], [sflag:$0x2] =	stream.indirect_vreg.gather [hbm4b:s3+s2], $0x80, v3, vm0, $0xb8;
	[tilespmem:$0x18400] =	vst v63  }
0xe4: {  	_ = 	snop  }
0xe5: {  	[tilespmem:s4], [sflag:$0x2] =	stream.indirect_vreg.gather [hbm4b:s5+s2], $0x80, v3, vm1, $0xb8;
	[tilespmem:$0x18400] =	vst v63  }
0xe6: {  	v3 =	vld [tilespmem:s30+$0x0];
	_ =	sdelay $0x4  }
0xe7: {  	v60 =	vshrl.u32 v3, $0x3  }
0xe8: {  	v4 =	vmul.u32 $0x18, v60  }
0xe9: {  	v3 =	vand.u32 $0x7, v3  }
0xea: {  	v3 =	vor.u32 v3, v4  }
0xeb: {  	v4 =	vperm.xlane v3, v0;
	_ =	sdelay $0x1  }
0xec: {  	v4 =	vadd.s32 v1, v4;
	_ =	sdelay $0x1  }
0xed: {  	v3 =	vperm.xlane v3, v2;
	_ =	sdelay $0x1  }
0xee: {  	v3 =	vadd.s32 v1, v3  }
0xef: {  	[tilespmem:s6], [sflag:$0x2] =	stream.indirect_vreg.gather [hbm4b:s3+s2], $0x80, v4, vm0, $0xb8;
	[tilespmem:$0x18400] =	vst v63  }
0xf0: {  	_ = 	snop  }
0xf1: {  	[tilespmem:s11], [sflag:$0x2] =	stream.indirect_vreg.gather [hbm4b:s5+s2], $0x80, v4, vm1, $0xb8;
	[tilespmem:$0x18400] =	vst v63  }
0xf2: {  	_ = 	snop  }
0xf3: {  	[tilespmem:s12], [sflag:$0x2] =	stream.indirect_vreg.gather [hbm4b:s3+s2], $0x80, v3, vm0, $0xb8;
	[tilespmem:$0x18400] =	vst v63  }
0xf4: {  	_ = 	snop  }
0xf5: {  	[tilespmem:s13], [sflag:$0x2] =	stream.indirect_vreg.gather [hbm4b:s5+s2], $0x80, v3, vm1, $0xb8;
	[tilespmem:$0x18400] =	vst v63  }
0xf6: {  	v3 =	vld [tilespmem:s30+$0x10];
	_ =	sdelay $0x4  }
0xf7: {  	v61 =	vshrl.u32 v3, $0x3  }
0xf8: {  	v4 =	vmul.u32 $0x18, v61  }
0xf9: {  	v3 =	vand.u32 $0x7, v3  }
0xfa: {  	v3 =	vor.u32 v3, v4  }
0xfb: {  	v4 =	vperm.xlane v3, v0;
	_ =	sdelay $0x1  }
0xfc: {  	v4 =	vadd.s32 v1, v4;
	_ =	sdelay $0x1  }
0xfd: {  	v3 =	vperm.xlane v3, v2;
	_ =	sdelay $0x1  }
0xfe: {  	v3 =	vadd.s32 v1, v3  }
0xff: {  	[tilespmem:s14], [sflag:$0x2] =	stream.indirect_vreg.gather [hbm4b:s3+s2], $0x80, v4, vm0, $0xb8;
	[tilespmem:$0x18400] =	vst v63  }
0x100: {  	_ = 	snop  }
0x101: {  	[tilespmem:s15], [sflag:$0x2] =	stream.indirect_vreg.gather [hbm4b:s5+s2], $0x80, v4, vm1, $0xb8;
	[tilespmem:$0x18400] =	vst v63  }
0x102: {  	_ = 	snop  }
0x103: {  	[tilespmem:s16], [sflag:$0x2] =	stream.indirect_vreg.gather [hbm4b:s3+s2], $0x80, v3, vm0, $0xb8;
	[tilespmem:$0x18400] =	vst v63  }
0x104: {  	_ = 	snop  }
0x105: {  	[tilespmem:s17], [sflag:$0x2] =	stream.indirect_vreg.gather [hbm4b:s5+s2], $0x80, v3, vm1, $0xb8;
	[tilespmem:$0x18400] =	vst v63  }
0x106: {  	v3 =	vld [tilespmem:s30+$0x20];
	_ =	sdelay $0x4  }
0x107: {  	v62 =	vshrl.u32 v3, $0x3  }
0x108: {  	v4 =	vmul.u32 $0x18, v62  }
0x109: {  	v3 =	vand.u32 $0x7, v3  }
0x10a: {  	v3 =	vor.u32 v3, v4  }
0x10b: {  	v4 =	vperm.xlane v3, v0;
	_ =	sdelay $0x1  }
0x10c: {  	v4 =	vadd.s32 v1, v4;
	_ =	sdelay $0x1  }
0x10d: {  	v3 =	vperm.xlane v3, v2;
	_ =	sdelay $0x1  }
0x10e: {  	v3 =	vadd.s32 v1, v3  }
0x10f: {  	[tilespmem:s19], [sflag:$0x2] =	stream.indirect_vreg.gather [hbm4b:s3+s2], $0x80, v4, vm0, $0xb8;
	[tilespmem:$0x18400] =	vst v63  }
0x110: {  	_ = 	snop  }
0x111: {  	[tilespmem:s20], [sflag:$0x2] =	stream.indirect_vreg.gather [hbm4b:s5+s2], $0x80, v4, vm1, $0xb8;
	[tilespmem:$0x18400] =	vst v63  }
0x112: {  	_ = 	snop  }
0x113: {  	[tilespmem:s21], [sflag:$0x2] =	stream.indirect_vreg.gather [hbm4b:s3+s2], $0x80, v3, vm0, $0xb8;
	[tilespmem:$0x18400] =	vst v63  }
0x114: {  	_ = 	snop  }
0x115: {  	[tilespmem:s22], [sflag:$0x2] =	stream.indirect_vreg.gather [hbm4b:s5+s2], $0x80, v3, vm1, $0xb8;
	[tilespmem:$0x18400] =	vst v63  }
0x116: {  	v3 =	vld [tilespmem:s30+$0x30];
	_ =	sdelay $0x4  }
0x117: {  	v63 =	vshrl.u32 v3, $0x3  }
0x118: {  	v4 =	vmul.u32 $0x18, v63  }
0x119: {  	v3 =	vand.u32 $0x7, v3  }
0x11a: {  	v3 =	vor.u32 v3, v4  }
0x11b: {  	v4 =	vperm.xlane v3, v0;
	_ =	sdelay $0x1  }
0x11c: {  	v4 =	vadd.s32 v1, v4;
	_ =	sdelay $0x1  }
0x11d: {  	v3 =	vperm.xlane v3, v2;
	_ =	sdelay $0x1  }
0x11e: {  	v3 =	vadd.s32 v1, v3  }
0x11f: {  	[tilespmem:s23], [sflag:$0x2] =	stream.indirect_vreg.gather [hbm4b:s3+s2], $0x80, v4, vm0, $0xb8;
	[tilespmem:$0x18400] =	vst v63  }
0x120: {  	_ = 	snop  }
0x121: {  	[tilespmem:s24], [sflag:$0x2] =	stream.indirect_vreg.gather [hbm4b:s5+s2], $0x80, v4, vm1, $0xb8;
	[tilespmem:$0x18400] =	vst v63  }
0x122: {  	_ = 	snop  }
0x123: {  	[tilespmem:s25], [sflag:$0x2] =	stream.indirect_vreg.gather [hbm4b:s3+s2], $0x80, v3, vm0, $0xb8;
	[tilespmem:$0x18400] =	vst v63  }
0x124: {  	_ = 	snop  }
0x125: {  	[tilespmem:s26], [sflag:$0x2] =	stream.indirect_vreg.gather [hbm4b:s5+s2], $0x80, v3, vm1, $0xb8;
	[tilespmem:$0x18400] =	vst v63  }
0x126: {  	_ =	swait.ge [sflag:s28], $0xC000  }
0x127: {  	p0 =	seq.s32 s31, $0x9000;
	[sflag:s28] =	ssyncset.done $0x0  }
.Ltmp4:
0x128: {  	s0 =	sadd.s32 s31, s8;
	[sflag:s28] =	ssyncadd.s32 $0xFFFF4000;
	(pc) =	sbr.rel @p0 .LBB2_4-.Ltmp4, $4  }
0x129: {  	[hbm4b:s0+s2] =	stream.linear.scatter [tilespmem:s10], [sflag:$0x3], $0xC000, $0x38;
	[tilespmem:$0x18400] =	vst v63  }
0x12a: {  	_ =	swait.ge [sflag:s9], $0xC000  }
0x12b: {  	[sflag:s9] =	ssyncset.done $0x0  }
0x12c: {  	[sflag:s9] =	ssyncadd.s32 $0xFFFF4000  }
0x12d: {  	v3 =	vld [tilespmem:s30+$0x40];
	_ =	sdelay $0x4  }
0x12e: {  	v4 =	vshrl.u32 v3, $0x3  }
0x12f: {  	v4 =	vmul.u32 $0x18, v4  }
0x130: {  	v3 =	vand.u32 $0x7, v3  }
0x131: {  	v3 =	vor.u32 v3, v4  }
0x132: {  	v4 =	vperm.xlane v3, v0;
	_ =	sdelay $0x1  }
0x133: {  	v4 =	vadd.s32 v1, v4;
	_ =	sdelay $0x1  }
0x134: {  	v3 =	vperm.xlane v3, v2;
	_ =	sdelay $0x1  }
0x135: {  	v3 =	vadd.s32 v1, v3  }
0x136: {  	[tilespmem:s10], [sflag:$0x1] =	stream.indirect_vreg.gather [hbm4b:s3+s2], $0x80, v4, vm0, $0xb8;
	[tilespmem:$0x18400] =	vst v63  }
0x137: {  	s0 =	simm.s32 $0xC00  }
0x138: {  	[tilespmem:s0], [sflag:$0x1] =	stream.indirect_vreg.gather [hbm4b:s5+s2], $0x80, v4, vm1, $0xb8;
	[tilespmem:$0x18400] =	vst v63  }
0x139: {  	s0 =	simm.s32 $0x1000  }
0x13a: {  	[tilespmem:s0], [sflag:$0x1] =	stream.indirect_vreg.gather [hbm4b:s3+s2], $0x80, v3, vm0, $0xb8;
	[tilespmem:$0x18400] =	vst v63  }
0x13b: {  	s0 =	simm.s32 $0x1800  }
0x13c: {  	[tilespmem:s0], [sflag:$0x1] =	stream.indirect_vreg.gather [hbm4b:s5+s2], $0x80, v3, vm1, $0xb8;
	[tilespmem:$0x18400] =	vst v63  }
0x13d: {  	v3 =	vld [tilespmem:s30+$0x50];
	_ =	sdelay $0x4  }
0x13e: {  	v57 =	vshrl.u32 v3, $0x3  }
0x13f: {  	v4 =	vmul.u32 $0x18, v57  }
0x140: {  	v3 =	vand.u32 $0x7, v3  }
0x141: {  	v3 =	vor.u32 v3, v4  }
0x142: {  	v4 =	vperm.xlane v3, v0;
	_ =	sdelay $0x1  }
0x143: {  	v4 =	vadd.s32 v1, v4;
	_ =	sdelay $0x1  }
0x144: {  	v3 =	vperm.xlane v3, v2;
	_ =	sdelay $0x1  }
0x145: {  	s0 =	simm.s32 $0x1C00;
	v3 =	vadd.s32 v1, v3  }
0x146: {  	[tilespmem:s0], [sflag:$0x1] =	stream.indirect_vreg.gather [hbm4b:s3+s2], $0x80, v4, vm0, $0xb8;
	[tilespmem:$0x18400] =	vst v63  }
0x147: {  	s0 =	simm.s32 $0x2400  }
0x148: {  	[tilespmem:s0], [sflag:$0x1] =	stream.indirect_vreg.gather [hbm4b:s5+s2], $0x80, v4, vm1, $0xb8;
	[tilespmem:$0x18400] =	vst v63  }
0x149: {  	s0 =	simm.s32 $0x2800  }
0x14a: {  	[tilespmem:s0], [sflag:$0x1] =	stream.indirect_vreg.gather [hbm4b:s3+s2], $0x80, v3, vm0, $0xb8;
	[tilespmem:$0x18400] =	vst v63  }
0x14b: {  	s0 =	simm.s32 $0x3000  }
0x14c: {  	[tilespmem:s0], [sflag:$0x1] =	stream.indirect_vreg.gather [hbm4b:s5+s2], $0x80, v3, vm1, $0xb8;
	[tilespmem:$0x18400] =	vst v63  }
0x14d: {  	v3 =	vld [tilespmem:s30+$0x60];
	_ =	sdelay $0x4  }
0x14e: {  	v58 =	vshrl.u32 v3, $0x3  }
0x14f: {  	v4 =	vmul.u32 $0x18, v58  }
0x150: {  	v3 =	vand.u32 $0x7, v3  }
0x151: {  	v3 =	vor.u32 v3, v4  }
0x152: {  	v4 =	vperm.xlane v3, v0;
	_ =	sdelay $0x1  }
0x153: {  	v4 =	vadd.s32 v1, v4;
	_ =	sdelay $0x1  }
0x154: {  	v3 =	vperm.xlane v3, v2;
	_ =	sdelay $0x1  }
0x155: {  	s0 =	simm.s32 $0x3400;
	v3 =	vadd.s32 v1, v3  }
0x156: {  	[tilespmem:s0], [sflag:$0x1] =	stream.indirect_vreg.gather [hbm4b:s3+s2], $0x80, v4, vm0, $0xb8;
	[tilespmem:$0x18400] =	vst v63  }
0x157: {  	s0 =	simm.s32 $0x3C00  }
0x158: {  	[tilespmem:s0], [sflag:$0x1] =	stream.indirect_vreg.gather [hbm4b:s5+s2], $0x80, v4, vm1, $0xb8;
	[tilespmem:$0x18400] =	vst v63  }
0x159: {  	s0 =	simm.s32 $0x4000  }
0x15a: {  	[tilespmem:s0], [sflag:$0x1] =	stream.indirect_vreg.gather [hbm4b:s3+s2], $0x80, v3, vm0, $0xb8;
	[tilespmem:$0x18400] =	vst v63  }
0x15b: {  	s0 =	simm.s32 $0x4800  }
0x15c: {  	[tilespmem:s0], [sflag:$0x1] =	stream.indirect_vreg.gather [hbm4b:s5+s2], $0x80, v3, vm1, $0xb8;
	[tilespmem:$0x18400] =	vst v63  }
0x15d: {  	v3 =	vld [tilespmem:s30+$0x70];
	_ =	sdelay $0x4  }
0x15e: {  	v59 =	vshrl.u32 v3, $0x3  }
0x15f: {  	v4 =	vmul.u32 $0x18, v59  }
0x160: {  	v3 =	vand.u32 $0x7, v3  }
0x161: {  	v3 =	vor.u32 v3, v4  }
0x162: {  	v4 =	vperm.xlane v3, v0;
	_ =	sdelay $0x1  }
0x163: {  	v4 =	vadd.s32 v1, v4;
	_ =	sdelay $0x1  }
0x164: {  	v3 =	vperm.xlane v3, v2;
	_ =	sdelay $0x1  }
0x165: {  	s0 =	simm.s32 $0x4C00;
	v3 =	vadd.s32 v1, v3  }
0x166: {  	[tilespmem:s0], [sflag:$0x1] =	stream.indirect_vreg.gather [hbm4b:s3+s2], $0x80, v4, vm0, $0xb8;
	[tilespmem:$0x18400] =	vst v63  }
0x167: {  	s0 =	simm.s32 $0x5400  }
0x168: {  	[tilespmem:s0], [sflag:$0x1] =	stream.indirect_vreg.gather [hbm4b:s5+s2], $0x80, v4, vm1, $0xb8;
	[tilespmem:$0x18400] =	vst v63  }
0x169: {  	s0 =	simm.s32 $0x5800  }
0x16a: {  	[tilespmem:s0], [sflag:$0x1] =	stream.indirect_vreg.gather [hbm4b:s3+s2], $0x80, v3, vm0, $0xb8;
	[tilespmem:$0x18400] =	vst v63  }
0x16b: {  	s0 =	simm.s32 $0x6000  }
0x16c: {  	[tilespmem:s0], [sflag:$0x1] =	stream.indirect_vreg.gather [hbm4b:s5+s2], $0x80, v3, vm1, $0xb8;
	[tilespmem:$0x18400] =	vst v63  }
0x16d: {  	v3 =	vld [tilespmem:s30+$0x80];
	_ =	sdelay $0x4  }
0x16e: {  	v60 =	vshrl.u32 v3, $0x3  }
0x16f: {  	v4 =	vmul.u32 $0x18, v60  }
0x170: {  	v3 =	vand.u32 $0x7, v3  }
0x171: {  	v3 =	vor.u32 v3, v4  }
0x172: {  	v4 =	vperm.xlane v3, v0;
	_ =	sdelay $0x1  }
0x173: {  	v4 =	vadd.s32 v1, v4;
	_ =	sdelay $0x1  }
0x174: {  	v3 =	vperm.xlane v3, v2;
	_ =	sdelay $0x1  }
0x175: {  	s0 =	simm.s32 $0x6400;
	v3 =	vadd.s32 v1, v3  }
0x176: {  	[tilespmem:s0], [sflag:$0x1] =	stream.indirect_vreg.gather [hbm4b:s3+s2], $0x80, v4, vm0, $0xb8;
	[tilespmem:$0x18400] =	vst v63  }
0x177: {  	s0 =	simm.s32 $0x6C00  }
0x178: {  	[tilespmem:s0], [sflag:$0x1] =	stream.indirect_vreg.gather [hbm4b:s5+s2], $0x80, v4, vm1, $0xb8;
	[tilespmem:$0x18400] =	vst v63  }
0x179: {  	s0 =	simm.s32 $0x7000  }
0x17a: {  	[tilespmem:s0], [sflag:$0x1] =	stream.indirect_vreg.gather [hbm4b:s3+s2], $0x80, v3, vm0, $0xb8;
	[tilespmem:$0x18400] =	vst v63  }
0x17b: {  	s0 =	simm.s32 $0x7800  }
0x17c: {  	[tilespmem:s0], [sflag:$0x1] =	stream.indirect_vreg.gather [hbm4b:s5+s2], $0x80, v3, vm1, $0xb8;
	[tilespmem:$0x18400] =	vst v63  }
0x17d: {  	v3 =	vld [tilespmem:s30+$0x90];
	_ =	sdelay $0x4  }
0x17e: {  	v61 =	vshrl.u32 v3, $0x3  }
0x17f: {  	v4 =	vmul.u32 $0x18, v61  }
0x180: {  	v3 =	vand.u32 $0x7, v3  }
0x181: {  	v3 =	vor.u32 v3, v4  }
0x182: {  	v4 =	vperm.xlane v3, v0;
	_ =	sdelay $0x1  }
0x183: {  	v4 =	vadd.s32 v1, v4;
	_ =	sdelay $0x1  }
0x184: {  	v3 =	vperm.xlane v3, v2;
	_ =	sdelay $0x1  }
0x185: {  	s0 =	simm.s32 $0x7C00;
	v3 =	vadd.s32 v1, v3  }
0x186: {  	[tilespmem:s0], [sflag:$0x1] =	stream.indirect_vreg.gather [hbm4b:s3+s2], $0x80, v4, vm0, $0xb8;
	[tilespmem:$0x18400] =	vst v63  }
0x187: {  	s0 =	simm.s32 $0x8400  }
0x188: {  	[tilespmem:s0], [sflag:$0x1] =	stream.indirect_vreg.gather [hbm4b:s5+s2], $0x80, v4, vm1, $0xb8;
	[tilespmem:$0x18400] =	vst v63  }
0x189: {  	s0 =	simm.s32 $0x8800  }
0x18a: {  	[tilespmem:s0], [sflag:$0x1] =	stream.indirect_vreg.gather [hbm4b:s3+s2], $0x80, v3, vm0, $0xb8;
	[tilespmem:$0x18400] =	vst v63  }
0x18b: {  	s0 =	simm.s32 $0x9000  }
0x18c: {  	[tilespmem:s0], [sflag:$0x1] =	stream.indirect_vreg.gather [hbm4b:s5+s2], $0x80, v3, vm1, $0xb8;
	[tilespmem:$0x18400] =	vst v63  }
0x18d: {  	v3 =	vld [tilespmem:s30+$0xA0];
	_ =	sdelay $0x4  }
0x18e: {  	v62 =	vshrl.u32 v3, $0x3  }
0x18f: {  	v4 =	vmul.u32 $0x18, v62  }
0x190: {  	v3 =	vand.u32 $0x7, v3  }
0x191: {  	v3 =	vor.u32 v3, v4  }
0x192: {  	v4 =	vperm.xlane v3, v0;
	_ =	sdelay $0x1  }
0x193: {  	v4 =	vadd.s32 v1, v4;
	_ =	sdelay $0x1  }
0x194: {  	v3 =	vperm.xlane v3, v2;
	_ =	sdelay $0x1  }
0x195: {  	s0 =	simm.s32 $0x9400;
	v3 =	vadd.s32 v1, v3  }
0x196: {  	[tilespmem:s0], [sflag:$0x1] =	stream.indirect_vreg.gather [hbm4b:s3+s2], $0x80, v4, vm0, $0xb8;
	[tilespmem:$0x18400] =	vst v63  }
0x197: {  	s0 =	simm.s32 $0x9C00  }
0x198: {  	[tilespmem:s0], [sflag:$0x1] =	stream.indirect_vreg.gather [hbm4b:s5+s2], $0x80, v4, vm1, $0xb8;
	[tilespmem:$0x18400] =	vst v63  }
0x199: {  	s0 =	simm.s32 $0xA000  }
0x19a: {  	[tilespmem:s0], [sflag:$0x1] =	stream.indirect_vreg.gather [hbm4b:s3+s2], $0x80, v3, vm0, $0xb8;
	[tilespmem:$0x18400] =	vst v63  }
0x19b: {  	s0 =	simm.s32 $0xA800  }
0x19c: {  	[tilespmem:s0], [sflag:$0x1] =	stream.indirect_vreg.gather [hbm4b:s5+s2], $0x80, v3, vm1, $0xb8;
	[tilespmem:$0x18400] =	vst v63  }
0x19d: {  	v3 =	vld [tilespmem:s30+$0xB0];
	_ =	sdelay $0x4  }
0x19e: {  	v63 =	vshrl.u32 v3, $0x3  }
0x19f: {  	v4 =	vmul.u32 $0x18, v63  }
0x1a0: {  	v3 =	vand.u32 $0x7, v3  }
0x1a1: {  	v3 =	vor.u32 v3, v4  }
0x1a2: {  	v4 =	vperm.xlane v3, v0;
	_ =	sdelay $0x1  }
0x1a3: {  	v4 =	vadd.s32 v1, v4;
	_ =	sdelay $0x2  }
0x1a4: {  	v3 =	vperm.xlane v3, v2  }
0x1a5: {  	s0 =	simm.s32 $0xAC00  }
0x1a6: {  	v3 =	vadd.s32 v1, v3;
	[tilespmem:s0], [sflag:$0x1] =	stream.indirect_vreg.gather [hbm4b:s3+s2], $0x80, v4, vm0, $0xb8;
	[tilespmem:$0x18400] =	vst v63  }
0x1a7: {  	s0 =	simm.s32 $0xB400  }
0x1a8: {  	[tilespmem:s0], [sflag:$0x1] =	stream.indirect_vreg.gather [hbm4b:s5+s2], $0x80, v4, vm1, $0xb8;
	[tilespmem:$0x18400] =	vst v63  }
.Ltmp5:
0x1a9: {  	_ = 	snop;
	(pc) =	sbr.rel .LBB2_4-.Ltmp5, $4  }
0x1aa: {  	s0 =	simm.s32 $0xB800  }
0x1ab: {  	[tilespmem:s0], [sflag:$0x1] =	stream.indirect_vreg.gather [hbm4b:s3+s2], $0x80, v3, vm0, $0xb8;
	[tilespmem:$0x18400] =	vst v63  }
0x1ac: {  	s0 =	simm.s32 $0xC000  }
0x1ad: {  	[tilespmem:s0], [sflag:$0x1] =	stream.indirect_vreg.gather [hbm4b:s5+s2], $0x80, v3, vm1, $0xb8;
	[tilespmem:$0x18400] =	vst v63  }
.LBB2_6:
0x1ae: {  	_ =	sfence.sel $0x180000  }
0x1af: {  	[bflag:$0x0] =	sbarrier.arrive $0xFFFF  }
0x1b0: {  	_ =	strace $0x9000004A  }
0x1b1: {  	s0 =	stileid.u32;
	[bflag:$0x2] =	sbarrier.arrive $0xFFFF  }
0x1b2: {  	p0 =	sne.s32 s0, $0x0;
	s0 =	rddreg [dreg:$0x1]  }
0x1b3: {  	s0 =	sadd.s32 @!p0 $0x100000, s0  }
0x1b4: {  	[sflag:s0] =	ssyncadd.tile.s32 @!p0 $0x1;
	_ =	shalt  }
.Lfunc_end2:
_tile_overlayer_lowered:
.L_overlay_start_2:
0x1b5: {  	(tag) =	ssettag $0x2  }
0x1b6: {  	s0 =	rddreg [dreg:$0x0];
	s2 =	stileid.u32  }
0x1b7: {  	s1 =	rddreg [dreg:$0x1];
	p0 =	sne.s32 s2, $0x0  }
0x1b8: {  	s3 =	rddreg [dreg:$0x2];
	[bflag:$0x3] =	sbarrier.arrive $0xFFFF;
	s2 =	simm.s32 @!p0 $0x1C03  }
0x1b9: {  	[timem:s3], [sflag:s2] =	dma.local @!p0 [hbm:s0], s1  }
0x1ba: {  	s0 =	simm.s32 @!p0 $0x3  }
0x1bb: {  	_ =	swait.ge @!p0 [sflag:s0], s1  }
0x1bc: {  	s1 =	ssub.s32 @!p0 $0x0, s1;
	[sflag:s0] =	ssyncset.done @!p0 $0x0  }
0x1bd: {  	[sflag:s0] =	ssyncadd.s32 @!p0 s1  }
0x1be: {  	[bflag:$0x3] =	sbarrier.arrive $0xFFFF  }
0x1bf: {  	_ =	shalt  }

// kernel: kernel.22.cloned.1.call-start
scs
__scs_entry_jumppad:
0x0: {  	(pc) =	sbr.rel $0x88, $3  }
0x1: {  	(tag) =	ssettag $0x0;
	lr =	simm.s32 $0x1  }
0x2: {  	[smem:$0x3F9B] =	sst lr;
	_ =	strace $0xD0000000  }
0x3: {  	_ = 	snop  }
0x4: {  	_ = 	snop  }
0x5: {  	_ = 	snop  }
0x6: {  	_ = 	snop  }
0x7: {  	_ = 	snop  }
__scs_overlays_trampoline_lowered:
0x8: {  	[smem:$0x3FAA] =	sst s0  }
0x9: {  	[smem:$0x3FAB] =	sst s1  }
0xa: {  	[smem:$0x3FAC] =	sst s2  }
0xb: {  	[smem:$0x3FAD] =	sst s3  }
0xc: {  	[smem:$0x3FAE] =	sst s4  }
0xd: {  	[smem:$0x3FAF] =	sst s5  }
0xe: {  	[smem:$0x3FB0] =	sst s6  }
0xf: {  	[smem:$0x3FB1] =	sst s7  }
0x10: {  	[smem:$0x3FB2] =	sst s8  }
0x11: {  	[smem:$0x3FB3] =	sst s9;
	s0 =	simm.s32 @!p0 $0x0  }
0x12: {  	s1 =	sld [smem:$0x3F99];
	s0 =	simm.s32 @p0 $0x1  }
0x13: {  	[smem:$0x3FB4] =	sst s0;
	s0 =	simm.s32 @!p1 $0x0  }
0x14: {  	s2 =	sld [smem:$0x3F98];
	s0 =	simm.s32 @p1 $0x1  }
0x15: {  	[smem:$0x3FB5] =	sst s0;
	s0 =	simm.s32 @!p2 $0x0  }
0x16: {  	s3 =	sld [smem:$0x3FDB];
	s0 =	simm.s32 @p2 $0x1  }
0x17: {  	s4 =	simm.s32 $0x1BF5;
	[smem:$0x3FB7] =	sst s0  }
0x18: {  	s0 =	sld [smem:$0x3F9A];
	_ =	swait.ge [sflag:s4], $0x0  }
0x19: {  	s7 =	sld [smem:$0x3F9B]  }
0x1a: {  	s8 =	sadd.s32 $0xFFFFE003, lr  }
0x1b: {  	s9 =	sadd.s32 $0xFFFFFEF7, lr;
	s5 =	simm.s32 $0xFFFFFFFF;
	p2 =	slt.u32 s8, $0xFFFFF086  }
0x1c: {  	p1 =	slt.u32 s9, $0xF7A;
	s5 =	simm.s32 @!p2 $0x0  }
0x1d: {  	s5 =	simm.s32 @p1 $0x1;
	p0 =	seq.s32 s7, s2  }
0x1e: {  	s7 =	smul.u32 @!p0 $0xF7A, s2;
	p2 =	seq.s32 @!p0 s5, $0x0  }
0x1f: {  	s9 =	smul.u32 $0xF7A, s1;
	s8 =	simm.s32 @!p0 $0x1BF5;
	p2 =	por !p2, p0  }
0x20: {  	[sflag:s8] =	ssyncset.s32 @!p0 $0xFFFFF086;
	s6 =	sadd.s32 @!p0 s3, s7;
	s7 =	simm.s32 @!p0 $0x108  }
0x21: {  	s3 =	sadd.s32 s3, s9;
	s6 =	sadd.s32 @!p0 $0x88, s6;
	s7 =	simm.s32 @p2 $0x1082  }
0x22: {  	[simem:s7], [sflag:s8] =	dma.local @!p0 [hbm:s6], $0xF7A  }
0x23: {  	s9 =	sor.u32 $0xD0000000, s2;
	s6 =	simm.s32 $0x108;
	_ =	swait.ge @!p0 [sflag:s8], $0x0  }
0x24: {  	s3 =	sadd.s32 $0x88, s3;
	s6 =	simm.s32 @!p1 $0x1082;
	[sflag:s4] =	ssyncset.s32 $0xFFFFF086  }
0x25: {  	[simem:s6], [sflag:s4] =	dma.local [hbm:s3], $0xF7A  }
0x26: {  	[smem:$0x3F9B] =	sst s1;
	(tag) =	ssettag s2;
	_ =	strace s9  }
0x27: {  	s1 =	sld [smem:$0x3FAB]  }
0x28: {  	s2 =	sld [smem:$0x3FAC]  }
0x29: {  	s4 =	sld [smem:$0x3FAE]  }
0x2a: {  	p0 =	seq.s32 s5, $0x0;
	s5 =	sld [smem:$0x3FAF]  }
0x2b: {  	s6 =	sld [smem:$0x3FB0]  }
0x2c: {  	s7 =	sld [smem:$0x3FB1]  }
0x2d: {  	s3 =	simm.s32 $0x108;
	s8 =	sld [smem:$0x3FB2]  }
0x2e: {  	s3 =	simm.s32 @!p0 $0x1082;
	s9 =	sld [smem:$0x3FB3]  }
0x2f: {  	lr =	sadd.s32 s0, s3;
	s0 =	sld [smem:$0x3FAA]  }
0x30: {  	s3 =	sld [smem:$0x3FAD]  }
0x31: {  	[smem:$0x3FB6] =	sst s10  }
0x32: {  	s10 =	sld [smem:$0x3FB4];
	_ =	sdelay $0x3  }
0x33: {  	p0 =	seq.s32 s10, $0x1;
	s10 =	sld [smem:$0x3FB6];
	_ =	sdelay $0x3  }
0x34: {  	[smem:$0x3FB6] =	sst s10  }
0x35: {  	s10 =	sld [smem:$0x3FB5];
	_ =	sdelay $0x3  }
0x36: {  	p1 =	seq.s32 s10, $0x1;
	s10 =	sld [smem:$0x3FB6];
	_ =	sdelay $0x3  }
0x37: {  	[smem:$0x3FB6] =	sst s10  }
0x38: {  	s10 =	sld [smem:$0x3FB7]  }
0x39: {  	_ = 	snop;
	(pc) =	sbr.ind lr, $3  }
0x3a: {  	_ = 	snop  }
0x3b: {  	_ = 	snop  }
0x3c: {  	p2 =	seq.s32 s10, $0x1;
	s10 =	sld [smem:$0x3FB6]  }
0x3d: {  	_ =	shalt  }
0x3e: {  	_ =	shalt  }
0x3f: {  	_ =	shalt  }
0x40: {  	_ =	shalt  }
0x41: {  	_ =	shalt  }
0x42: {  	_ =	shalt  }
0x43: {  	_ =	shalt  }
0x44: {  	_ =	shalt  }
0x45: {  	_ =	shalt  }
0x46: {  	_ =	shalt  }
0x47: {  	_ =	shalt  }
0x48: {  	_ =	shalt  }
0x49: {  	_ =	shalt  }
0x4a: {  	_ =	shalt  }
0x4b: {  	_ =	shalt  }
0x4c: {  	_ =	shalt  }
0x4d: {  	_ =	shalt  }
0x4e: {  	_ =	shalt  }
0x4f: {  	_ =	shalt  }
0x50: {  	_ =	shalt  }
0x51: {  	_ =	shalt  }
0x52: {  	_ =	shalt  }
0x53: {  	_ =	shalt  }
0x54: {  	_ =	shalt  }
0x55: {  	_ =	shalt  }
0x56: {  	_ =	shalt  }
0x57: {  	_ =	shalt  }
0x58: {  	_ =	shalt  }
0x59: {  	_ =	shalt  }
0x5a: {  	_ =	shalt  }
0x5b: {  	_ =	shalt  }
0x5c: {  	_ =	shalt  }
0x5d: {  	_ =	shalt  }
0x5e: {  	_ =	shalt  }
0x5f: {  	_ =	shalt  }
0x60: {  	_ =	shalt  }
0x61: {  	_ =	shalt  }
0x62: {  	_ =	shalt  }
0x63: {  	_ =	shalt  }
0x64: {  	_ =	shalt  }
0x65: {  	_ =	shalt  }
0x66: {  	_ =	shalt  }
0x67: {  	_ =	shalt  }
0x68: {  	_ =	shalt  }
0x69: {  	_ =	shalt  }
0x6a: {  	_ =	shalt  }
0x6b: {  	_ =	shalt  }
0x6c: {  	_ =	shalt  }
0x6d: {  	_ =	shalt  }
0x6e: {  	_ =	shalt  }
0x6f: {  	_ =	shalt  }
0x70: {  	_ =	shalt  }
0x71: {  	_ =	shalt  }
0x72: {  	_ =	shalt  }
0x73: {  	_ =	shalt  }
0x74: {  	_ =	shalt  }
0x75: {  	_ =	shalt  }
0x76: {  	_ =	shalt  }
0x77: {  	_ =	shalt  }
0x78: {  	_ =	shalt  }
0x79: {  	_ =	shalt  }
0x7a: {  	_ =	shalt  }
0x7b: {  	_ =	shalt  }
0x7c: {  	_ =	shalt  }
0x7d: {  	_ =	shalt  }
0x7e: {  	_ =	shalt  }
0x7f: {  	_ =	shalt  }
0x80: {  	_ =	shalt  }
0x81: {  	_ =	shalt  }
0x82: {  	_ =	shalt  }
0x83: {  	_ =	shalt  }
0x84: {  	_ =	shalt  }
0x85: {  	_ =	shalt  }
0x86: {  	_ =	shalt  }
0x87: {  	_ =	shalt  }
.Lfunc_end0:
.L_simem_size_0:
called_computation.3_lowered:
.L_overlay_start_0:
0x88: {  	s2 =	sld [smem:$0x3FD9]  }
0x89: {  	s3 =	sld [smem:$0x3FFE];
	_ =	sdelay $0x1  }
0x8a: {  	s1 =	srdreg.scid  }
0x8b: {  	s0 =	sand.u32 $0x1, s1  }
0x8c: {  	s16 =	sshll.u32 s0, $0xA;
	s2 =	sadd.s32 s3, s2  }
0x8d: {  	s2 =	sadd.s32 s2, s16  }
0x8e: {  	[smem:$0x3FC2] =	sst s2  }
0x8f: {  	_ = 	snop  }
0x90: {  	(tm) =	ssettm $0x1  }
0x91: {  	s17 =	sld [smem:$0x3FFB];
	_ =	sdelay $0x3  }
0x92: {  	_ =	strace s17  }
0x93: {  	s2 =	sld [smem:$0x3FFC];
	_ =	sdelay $0x3  }
0x94: {  	_ =	strace s2  }
0x95: {  	s2 =	sld [smem:$0x3FFD];
	_ =	sdelay $0x3  }
0x96: {  	_ =	strace s2  }
0x97: {  	_ =	strace $0x8FFFFFFF  }
0x98: {  	s18 =	sld [smem:$0x3FDB];
	_ =	sdelay $0x1  }
0x99: {  	s19 =	simm.s32 $_scs_section_size  }
0x9a: {  	s4 =	simm.s32 $_size__tile_overlayer_lowered;
	s5 =	simm.s32 $_tile_overlayer_lowered  }
0x9b: {  	s22 =	simm.s32 $0x1BFF;
	s21 =	sshll.u32 s5, $0x1;
	s2 =	sadd.s32 s19, s18  }
0x9c: {  	s6 =	simm.s32 $0x0;
	s20 =	sshll.u32 s4, $0x1;
	s4 =	sadd.s32 s21, s2  }
0x9d: {  	[timem:s6], [sflag:s22] =	dma.local [hbm:s4], s20  }
0x9e: {  	_ =	swait.ge [sflag:s22], s20  }
0x9f: {  	s3 =	ssub.s32 $0x0, s20;
	[sflag:s22] =	ssyncset.done $0x0  }
0xa0: {  	[sflag:s22] =	ssyncadd.s32 s3;
	_ =	sdelay $0x1  }
0xa1: {  	s23 =	simm.s32 $0x1B8B  }
0xa2: {  	_ =	swait.ge [sflag:s23], $0x1  }
0xa3: {  	[sflag:s23] =	ssyncset.done $0x0  }
0xa4: {  	s25 =	simm.s32 $0x1B8E;
	s24 =	sld [smem:$0x3FFE];
	[sflag:s23] =	ssyncadd.s32 $0xFFFFFFFF  }
0xa5: {  	s26 =	simm.s32 $execute0_lowered;
	[smem:$0x3FD2] =	sst s25  }
0xa6: {  	s4 =	sshll.u32 s26, $0x1;
	_ =	strace $0x80000046;
	[dreg:$0x1] =	wrdreg $0xFFFFFFFF  }
0xa7: {  	s28 =	simm.s32 $_size_execute0_lowered;
	s2 =	sadd.s32 s2, s4;
	[dreg:$0x0] =	wrdreg $0x0  }
0xa8: {  	s4 =	sshll.u32 s28, $0x1;
	[dreg:$0x2] =	wrdreg s2  }
0xa9: {  	[dreg:$0x3] =	wrdreg s4  }
0xaa: {  	[dreg:$0x4] =	wrdreg $0xC0  }
0xab: {  	_ =	task [dreg:s6], $0x5FFFF  }
0xac: {  	[dreg:$0x1] =	wrdreg $0xFFFFFFFF  }
0xad: {  	[dreg:$0x0] =	wrdreg $0x60  }
0xae: {  	[dreg:$0x2] =	wrdreg s24  }
0xaf: {  	[dreg:$0x3] =	wrdreg $0xC  }
0xb0: {  	_ =	task.clear_ibuf [dreg:s6], $0x4FFFF;
	_ =	strace $0x90000046  }
0xb1: {  	s29 =	simm.s32 $0xC;
	_ =	strace $0x80000048  }
0xb2: {  	_ =	swait.ge [sflag:s29], $0x1  }
0xb3: {  	[sflag:s29] =	ssyncadd.s32 $0xFFFFFFFF  }
0xb4: {  	_ =	strace $0x90000048  }
0xb5: {  	_ =	sfence  }
0xb6: {  	s30 =	sld [smem:$0x0];
	_ =	sdelay $0x2  }
0xb7: {  	s31 =	sshll.u32 s1, $0xD;
	s1 =	sshrl.u32 s1, $0x2  }
0xb8: {  	s3 =	sand.u32 $0x4000, s31;
	s1 =	sadd.s32 s1, s30  }
0xb9: {  	s0 =	sor.u32 s3, s0;
	s1 =	sshll.u32 s1, $0x11  }
0xba: {  	s0 =	sor.u32 s1, s0  }
0xbb: {  	s0 =	sadd.s32 $0x8F2B, s0  }
0xbc: {  	[sflag:s0] =	ssyncadd.remote.s32 $0x1  }
0xbd: {  	_ =	sfence.sel $0xFFFF  }
0xbe: {  	[dreg:$0x0] =	wrdreg $0xFFFFFFFF;
	(pc) =	sbr.abs _section_cstart, $3  }
0xbf: {  	[dreg:$0x1] =	wrdreg $0xFFFFFFFF  }
0xc0: {  	_ =	task.clear_ibuf [dreg:s6], $0x2FFFF;
	_ =	strace $0x9FFFFFFF  }
0xc1: {  	(tm) =	ssettm $0x7FFFFFFF  }
tec
execute0_lowered:
.L_overlay_start_1:
0x0: {  	(tag) =	ssettag $0x1  }
0x1: {  	s0 =	rddreg [dreg:$0x0];
	s1 =	srdreg.scid  }
0x2: {  	s2 =	simm.s32 $0x0;
	s3 =	stileid.u32;
	s9 =	simm.s32 $0x3  }
0x3: {  	s10 =	simm.s32 $0x400;
	s18 =	simm.s32 $0xC400;
	s11 =	simm.s32 $0x12C00  }
0x4: {  	s12 =	simm.s32 $0x13000;
	s13 =	simm.s32 $0x13800;
	s14 =	simm.s32 $0x13C00  }
0x5: {  	s15 =	simm.s32 $0x14400;
	s16 =	simm.s32 $0x14800;
	s17 =	simm.s32 $0x15000  }
0x6: {  	s19 =	simm.s32 $0x15400;
	s20 =	simm.s32 $0x15C00;
	s21 =	simm.s32 $0x16000  }
0x7: {  	s22 =	simm.s32 $0x16800;
	s23 =	simm.s32 $0x16C00;
	s24 =	simm.s32 $0x17400  }
0x8: {  	s25 =	simm.s32 $0x17800;
	s28 =	simm.s32 $0x1;
	s29 =	simm.s32 $0x2  }
0x9: {  	s30 =	simm.s32 $0x0;
	s1 =	sand.u32 $0x1, s1;
	[smem:$0x7FF] =	sst s2  }
0xa: {  	s3 =	sshll.u32 s3, $0xB;
	s8 =	sadd.s32 $0x183600, s0;
	s4 =	sshll.u32 s1, $0xA  }
0xb: {  	_ =	strace $0x80000047;
	s1 =	ssub.s32 $0x2, s1;
	s4 =	sor.u32 s4, s3  }
0xc: {  	s3 =	sadd.s32 $0x3600, s0;
	s7 =	sshrl.u32 s1, $0x1;
	s5 =	sshrl.u32 s4, $0x3  }
0xd: {  	s4 =	sor.u32 $0x80, s4;
	s1 =	ssub.s32 s1, s7;
	s26 =	smul.u32 $0x180, s5  }
.Ltmp0:
0xe: {  	s6 =	sadd.s32 s5, s0;
	s4 =	sshrl.u32 s4, $0x3;
	(pc) =	sbr.rel .LBB2_1-.Ltmp0, $4  }
0xf: {  	s5 =	sadd.s32 $0x3700, s0;
	s31 =	smax.u32 s1, $0x1;
	s4 =	smul.u32 $0x180, s4  }
0x10: {  	v2 =	vlaneseq.u32;
	s1 =	simm.s32 $0x11800;
	s6 =	sadd.s32 $0x1600, s6;
	[dreg:$0x3] =	wrdreg s31  }
0x11: {  	vm0 =	vmmov $0xffff;
	vm1 =	vmmov $0xff;
	v1 =	vshrl.u32 v2, $0x3;
	[dreg:$0x2] =	wrdreg s6;
	s6 =	simm.s32 $0x12400;
	s7 =	sadd.s32 s4, s8  }
0x12: {  	v0 =	vand.u32 $0x7, v2;
	v2 =	vor.u32 $0x8, v2;
	v1 =	vmul.u32 $0x8, v1;
	s8 =	sadd.s32 s26, s8;
	s4 =	simm.s32 $0x12000;
	s26 =	simm.s32 $0x18000  }
.LBB2_5:
0x13: {  	s30 =	rddreg [dreg:$0x4]  }
0x14: {  	s0 =	rddreg [dreg:$0x3];
	s30 =	sadd.s32 $0x1, s30  }
0x15: {  	p0 =	sne.s32 s30, s0  }
.Ltmp1:
0x16: {  	_ = 	snop;
	(pc) =	sbr.rel @!p0 .LBB2_6-.Ltmp1, $1  }
0x17: {  	_ =	sdelay $0x3  }
.LBB2_1:
0x18: {  	[dreg:$0x4] =	wrdreg s30  }
0x19: {  	s0 =	rddreg [dreg:$0x2]  }
0x1a: {  	[tilespmem:s2], [sflag:$0x3] =	stream.linear.gather [hbm4b:s0+s2], $0x400, $0x38;
	[tilespmem:$0x18400] =	vst v63  }
0x1b: {  	_ =	swait.ge [sflag:s9], $0x400  }
0x1c: {  	[sflag:s9] =	ssyncset.done $0x0  }
0x1d: {  	[sflag:s9] =	ssyncadd.s32 $0xFFFFFC00  }
0x1e: {  	v3 =	vld [tilespmem:$0x0];
	_ =	sdelay $0x4  }
0x1f: {  	v4 =	vshrl.u32 v3, $0x3  }
0x20: {  	v4 =	vmul.u32 $0x18, v4  }
0x21: {  	v3 =	vand.u32 $0x7, v3  }
0x22: {  	v3 =	vor.u32 v3, v4  }
0x23: {  	v4 =	vperm.xlane v3, v0;
	_ =	sdelay $0x1  }
0x24: {  	v4 =	vadd.s32 v1, v4;
	_ =	sdelay $0x1  }
0x25: {  	v3 =	vperm.xlane v3, v2;
	_ =	sdelay $0x1  }
0x26: {  	v3 =	vadd.s32 v1, v3  }
0x27: {  	[tilespmem:s10], [sflag:$0x1] =	stream.indirect_vreg.gather [hbm4b:s3+s2], $0x80, v4, vm0, $0xb8;
	[tilespmem:$0x18400] =	vst v63  }
0x28: {  	s0 =	simm.s32 $0xC00  }
0x29: {  	[tilespmem:s0], [sflag:$0x1] =	stream.indirect_vreg.gather [hbm4b:s5+s2], $0x80, v4, vm1, $0xb8;
	[tilespmem:$0x18400] =	vst v63  }
0x2a: {  	s0 =	simm.s32 $0x1000  }
0x2b: {  	[tilespmem:s0], [sflag:$0x1] =	stream.indirect_vreg.gather [hbm4b:s3+s2], $0x80, v3, vm0, $0xb8;
	[tilespmem:$0x18400] =	vst v63  }
0x2c: {  	s0 =	simm.s32 $0x1800  }
0x2d: {  	[tilespmem:s0], [sflag:$0x1] =	stream.indirect_vreg.gather [hbm4b:s5+s2], $0x80, v3, vm1, $0xb8;
	[tilespmem:$0x18400] =	vst v63  }
0x2e: {  	v3 =	vld [tilespmem:$0x10];
	_ =	sdelay $0x4  }
0x2f: {  	v57 =	vshrl.u32 v3, $0x3  }
0x30: {  	v4 =	vmul.u32 $0x18, v57  }
0x31: {  	v3 =	vand.u32 $0x7, v3  }
0x32: {  	v3 =	vor.u32 v3, v4  }
0x33: {  	v4 =	vperm.xlane v3, v0;
	_ =	sdelay $0x1  }
0x34: {  	v4 =	vadd.s32 v1, v4;
	_ =	sdelay $0x1  }
0x35: {  	v3 =	vperm.xlane v3, v2;
	_ =	sdelay $0x1  }
0x36: {  	s0 =	simm.s32 $0x1C00;
	v3 =	vadd.s32 v1, v3  }
0x37: {  	[tilespmem:s0], [sflag:$0x1] =	stream.indirect_vreg.gather [hbm4b:s3+s2], $0x80, v4, vm0, $0xb8;
	[tilespmem:$0x18400] =	vst v63  }
0x38: {  	s0 =	simm.s32 $0x2400  }
0x39: {  	[tilespmem:s0], [sflag:$0x1] =	stream.indirect_vreg.gather [hbm4b:s5+s2], $0x80, v4, vm1, $0xb8;
	[tilespmem:$0x18400] =	vst v63  }
0x3a: {  	s0 =	simm.s32 $0x2800  }
0x3b: {  	[tilespmem:s0], [sflag:$0x1] =	stream.indirect_vreg.gather [hbm4b:s3+s2], $0x80, v3, vm0, $0xb8;
	[tilespmem:$0x18400] =	vst v63  }
0x3c: {  	s0 =	simm.s32 $0x3000  }
0x3d: {  	[tilespmem:s0], [sflag:$0x1] =	stream.indirect_vreg.gather [hbm4b:s5+s2], $0x80, v3, vm1, $0xb8;
	[tilespmem:$0x18400] =	vst v63  }
0x3e: {  	v3 =	vld [tilespmem:$0x20];
	_ =	sdelay $0x4  }
0x3f: {  	v58 =	vshrl.u32 v3, $0x3  }
0x40: {  	v4 =	vmul.u32 $0x18, v58  }
0x41: {  	v3 =	vand.u32 $0x7, v3  }
0x42: {  	v3 =	vor.u32 v3, v4  }
0x43: {  	v4 =	vperm.xlane v3, v0;
	_ =	sdelay $0x1  }
0x44: {  	v4 =	vadd.s32 v1, v4;
	_ =	sdelay $0x1  }
0x45: {  	v3 =	vperm.xlane v3, v2;
	_ =	sdelay $0x1  }
0x46: {  	s0 =	simm.s32 $0x3400;
	v3 =	vadd.s32 v1, v3  }
0x47: {  	[tilespmem:s0], [sflag:$0x1] =	stream.indirect_vreg.gather [hbm4b:s3+s2], $0x80, v4, vm0, $0xb8;
	[tilespmem:$0x18400] =	vst v63  }
0x48: {  	s0 =	simm.s32 $0x3C00  }
0x49: {  	[tilespmem:s0], [sflag:$0x1] =	stream.indirect_vreg.gather [hbm4b:s5+s2], $0x80, v4, vm1, $0xb8;
	[tilespmem:$0x18400] =	vst v63  }
0x4a: {  	s0 =	simm.s32 $0x4000  }
0x4b: {  	[tilespmem:s0], [sflag:$0x1] =	stream.indirect_vreg.gather [hbm4b:s3+s2], $0x80, v3, vm0, $0xb8;
	[tilespmem:$0x18400] =	vst v63  }
0x4c: {  	s0 =	simm.s32 $0x4800  }
0x4d: {  	[tilespmem:s0], [sflag:$0x1] =	stream.indirect_vreg.gather [hbm4b:s5+s2], $0x80, v3, vm1, $0xb8;
	[tilespmem:$0x18400] =	vst v63  }
0x4e: {  	v3 =	vld [tilespmem:$0x30];
	_ =	sdelay $0x4  }
0x4f: {  	v59 =	vshrl.u32 v3, $0x3  }
0x50: {  	v4 =	vmul.u32 $0x18, v59  }
0x51: {  	v3 =	vand.u32 $0x7, v3  }
0x52: {  	v3 =	vor.u32 v3, v4  }
0x53: {  	v4 =	vperm.xlane v3, v0;
	_ =	sdelay $0x1  }
0x54: {  	v4 =	vadd.s32 v1, v4;
	_ =	sdelay $0x1  }
0x55: {  	v3 =	vperm.xlane v3, v2;
	_ =	sdelay $0x1  }
0x56: {  	s0 =	simm.s32 $0x4C00;
	v3 =	vadd.s32 v1, v3  }
0x57: {  	[tilespmem:s0], [sflag:$0x1] =	stream.indirect_vreg.gather [hbm4b:s3+s2], $0x80, v4, vm0, $0xb8;
	[tilespmem:$0x18400] =	vst v63  }
0x58: {  	s0 =	simm.s32 $0x5400  }
0x59: {  	[tilespmem:s0], [sflag:$0x1] =	stream.indirect_vreg.gather [hbm4b:s5+s2], $0x80, v4, vm1, $0xb8;
	[tilespmem:$0x18400] =	vst v63  }
0x5a: {  	s0 =	simm.s32 $0x5800  }
0x5b: {  	[tilespmem:s0], [sflag:$0x1] =	stream.indirect_vreg.gather [hbm4b:s3+s2], $0x80, v3, vm0, $0xb8;
	[tilespmem:$0x18400] =	vst v63  }
0x5c: {  	s0 =	simm.s32 $0x6000  }
0x5d: {  	[tilespmem:s0], [sflag:$0x1] =	stream.indirect_vreg.gather [hbm4b:s5+s2], $0x80, v3, vm1, $0xb8;
	[tilespmem:$0x18400] =	vst v63  }
0x5e: {  	v3 =	vld [tilespmem:$0x40];
	_ =	sdelay $0x4  }
0x5f: {  	v60 =	vshrl.u32 v3, $0x3  }
0x60: {  	v4 =	vmul.u32 $0x18, v60  }
0x61: {  	v3 =	vand.u32 $0x7, v3  }
0x62: {  	v3 =	vor.u32 v3, v4  }
0x63: {  	v4 =	vperm.xlane v3, v0;
	_ =	sdelay $0x1  }
0x64: {  	v4 =	vadd.s32 v1, v4;
	_ =	sdelay $0x1  }
0x65: {  	v3 =	vperm.xlane v3, v2;
	_ =	sdelay $0x1  }
0x66: {  	s0 =	simm.s32 $0x6400;
	v3 =	vadd.s32 v1, v3  }
0x67: {  	[tilespmem:s0], [sflag:$0x1] =	stream.indirect_vreg.gather [hbm4b:s3+s2], $0x80, v4, vm0, $0xb8;
	[tilespmem:$0x18400] =	vst v63  }
0x68: {  	s0 =	simm.s32 $0x6C00  }
0x69: {  	[tilespmem:s0], [sflag:$0x1] =	stream.indirect_vreg.gather [hbm4b:s5+s2], $0x80, v4, vm1, $0xb8;
	[tilespmem:$0x18400] =	vst v63  }
0x6a: {  	s0 =	simm.s32 $0x7000  }
0x6b: {  	[tilespmem:s0], [sflag:$0x1] =	stream.indirect_vreg.gather [hbm4b:s3+s2], $0x80, v3, vm0, $0xb8;
	[tilespmem:$0x18400] =	vst v63  }
0x6c: {  	s0 =	simm.s32 $0x7800  }
0x6d: {  	[tilespmem:s0], [sflag:$0x1] =	stream.indirect_vreg.gather [hbm4b:s5+s2], $0x80, v3, vm1, $0xb8;
	[tilespmem:$0x18400] =	vst v63  }
0x6e: {  	v3 =	vld [tilespmem:$0x50];
	_ =	sdelay $0x4  }
0x6f: {  	v61 =	vshrl.u32 v3, $0x3  }
0x70: {  	v4 =	vmul.u32 $0x18, v61  }
0x71: {  	v3 =	vand.u32 $0x7, v3  }
0x72: {  	v3 =	vor.u32 v3, v4  }
0x73: {  	v4 =	vperm.xlane v3, v0;
	_ =	sdelay $0x1  }
0x74: {  	v4 =	vadd.s32 v1, v4;
	_ =	sdelay $0x1  }
0x75: {  	v3 =	vperm.xlane v3, v2;
	_ =	sdelay $0x1  }
0x76: {  	s0 =	simm.s32 $0x7C00;
	v3 =	vadd.s32 v1, v3  }
0x77: {  	[tilespmem:s0], [sflag:$0x1] =	stream.indirect_vreg.gather [hbm4b:s3+s2], $0x80, v4, vm0, $0xb8;
	[tilespmem:$0x18400] =	vst v63  }
0x78: {  	s0 =	simm.s32 $0x8400  }
0x79: {  	[tilespmem:s0], [sflag:$0x1] =	stream.indirect_vreg.gather [hbm4b:s5+s2], $0x80, v4, vm1, $0xb8;
	[tilespmem:$0x18400] =	vst v63  }
0x7a: {  	s0 =	simm.s32 $0x8800  }
0x7b: {  	[tilespmem:s0], [sflag:$0x1] =	stream.indirect_vreg.gather [hbm4b:s3+s2], $0x80, v3, vm0, $0xb8;
	[tilespmem:$0x18400] =	vst v63  }
0x7c: {  	s0 =	simm.s32 $0x9000  }
0x7d: {  	[tilespmem:s0], [sflag:$0x1] =	stream.indirect_vreg.gather [hbm4b:s5+s2], $0x80, v3, vm1, $0xb8;
	[tilespmem:$0x18400] =	vst v63  }
0x7e: {  	v3 =	vld [tilespmem:$0x60];
	_ =	sdelay $0x4  }
0x7f: {  	v62 =	vshrl.u32 v3, $0x3  }
0x80: {  	v4 =	vmul.u32 $0x18, v62  }
0x81: {  	v3 =	vand.u32 $0x7, v3  }
0x82: {  	v3 =	vor.u32 v3, v4  }
0x83: {  	v4 =	vperm.xlane v3, v0;
	_ =	sdelay $0x1  }
0x84: {  	v4 =	vadd.s32 v1, v4;
	_ =	sdelay $0x1  }
0x85: {  	v3 =	vperm.xlane v3, v2;
	_ =	sdelay $0x1  }
0x86: {  	s0 =	simm.s32 $0x9400;
	v3 =	vadd.s32 v1, v3  }
0x87: {  	[tilespmem:s0], [sflag:$0x1] =	stream.indirect_vreg.gather [hbm4b:s3+s2], $0x80, v4, vm0, $0xb8;
	[tilespmem:$0x18400] =	vst v63  }
0x88: {  	s0 =	simm.s32 $0x9C00  }
0x89: {  	[tilespmem:s0], [sflag:$0x1] =	stream.indirect_vreg.gather [hbm4b:s5+s2], $0x80, v4, vm1, $0xb8;
	[tilespmem:$0x18400] =	vst v63  }
0x8a: {  	s0 =	simm.s32 $0xA000  }
0x8b: {  	[tilespmem:s0], [sflag:$0x1] =	stream.indirect_vreg.gather [hbm4b:s3+s2], $0x80, v3, vm0, $0xb8;
	[tilespmem:$0x18400] =	vst v63  }
0x8c: {  	s0 =	simm.s32 $0xA800  }
0x8d: {  	[tilespmem:s0], [sflag:$0x1] =	stream.indirect_vreg.gather [hbm4b:s5+s2], $0x80, v3, vm1, $0xb8;
	[tilespmem:$0x18400] =	vst v63  }
0x8e: {  	v3 =	vld [tilespmem:$0x70];
	_ =	sdelay $0x4  }
0x8f: {  	v63 =	vshrl.u32 v3, $0x3  }
0x90: {  	v4 =	vmul.u32 $0x18, v63  }
0x91: {  	v3 =	vand.u32 $0x7, v3  }
0x92: {  	v3 =	vor.u32 v3, v4  }
0x93: {  	v4 =	vperm.xlane v3, v0;
	_ =	sdelay $0x1  }
0x94: {  	v4 =	vadd.s32 v1, v4;
	_ =	sdelay $0x2  }
0x95: {  	v3 =	vperm.xlane v3, v2  }
0x96: {  	s0 =	simm.s32 $0xAC00  }
0x97: {  	v3 =	vadd.s32 v1, v3;
	[tilespmem:s0], [sflag:$0x1] =	stream.indirect_vreg.gather [hbm4b:s3+s2], $0x80, v4, vm0, $0xb8;
	[tilespmem:$0x18400] =	vst v63  }
0x98: {  	s0 =	simm.s32 $0xB400  }
0x99: {  	[tilespmem:s0], [sflag:$0x1] =	stream.indirect_vreg.gather [hbm4b:s5+s2], $0x80, v4, vm1, $0xb8;
	[tilespmem:$0x18400] =	vst v63  }
.Ltmp2:
0x9a: {  	_ = 	snop;
	(pc) =	sbr.rel .LBB2_2-.Ltmp2, $4  }
0x9b: {  	s0 =	simm.s32 $0xB800  }
0x9c: {  	[tilespmem:s0], [sflag:$0x1] =	stream.indirect_vreg.gather [hbm4b:s3+s2], $0x80, v3, vm0, $0xb8;
	[tilespmem:$0x18400] =	vst v63  }
0x9d: {  	s30 =	simm.s32 $0xC0;
	s31 =	simm.s32 $0x0;
	s0 =	simm.s32 $0xC000  }
0x9e: {  	[tilespmem:s0], [sflag:$0x1] =	stream.indirect_vreg.gather [hbm4b:s5+s2], $0x80, v3, vm1, $0xb8;
	[tilespmem:$0x18400] =	vst v63  }
.LBB2_4:
0x9f: {  	_ =	swait.ge [sflag:s29], $0xC000;
	s0 =	sadd.s32 s31, s7;
	s31 =	sadd.s32 $0x3000, s31  }
0xa0: {  	[sflag:s29] =	ssyncset.done $0x0;
	p0 =	sne.s32 s31, $0xC000  }
.Ltmp3:
0xa1: {  	[sflag:s29] =	ssyncadd.s32 $0xFFFF4000;
	(pc) =	sbr.rel @!p0 .LBB2_5-.Ltmp3, $4  }
0xa2: {  	[hbm4b:s0+s2] =	stream.linear.scatter [tilespmem:s18], [sflag:$0x3], $0xC000, $0x38;
	[tilespmem:$0x18400] =	vst v63  }
0xa3: {  	_ =	swait.ge [sflag:s9], $0xC000  }
0xa4: {  	[sflag:s9] =	ssyncset.done $0x0  }
0xa5: {  	s30 =	sadd.s32 $0x100, s30;
	[sflag:s9] =	ssyncadd.s32 $0xFFFF4000  }
.LBB2_2:
0xa6: {  	v3 =	vld [tilespmem:s30+$0xFFFFFFC0];
	_ =	sdelay $0x4  }
0xa7: {  	v4 =	vshrl.u32 v3, $0x3  }
0xa8: {  	v4 =	vmul.u32 $0x18, v4  }
0xa9: {  	v3 =	vand.u32 $0x7, v3  }
0xaa: {  	v3 =	vor.u32 v3, v4  }
0xab: {  	v4 =	vperm.xlane v3, v0;
	_ =	sdelay $0x1  }
0xac: {  	v4 =	vadd.s32 v1, v4;
	_ =	sdelay $0x1  }
0xad: {  	v3 =	vperm.xlane v3, v2;
	_ =	sdelay $0x1  }
0xae: {  	v3 =	vadd.s32 v1, v3  }
0xaf: {  	[tilespmem:s18], [sflag:$0x2] =	stream.indirect_vreg.gather [hbm4b:s3+s2], $0x80, v4, vm0, $0xb8;
	[tilespmem:$0x18400] =	vst v63  }
0xb0: {  	s0 =	simm.s32 $0xCC00  }
0xb1: {  	[tilespmem:s0], [sflag:$0x2] =	stream.indirect_vreg.gather [hbm4b:s5+s2], $0x80, v4, vm1, $0xb8;
	[tilespmem:$0x18400] =	vst v63  }
0xb2: {  	s0 =	simm.s32 $0xD000  }
0xb3: {  	[tilespmem:s0], [sflag:$0x2] =	stream.indirect_vreg.gather [hbm4b:s3+s2], $0x80, v3, vm0, $0xb8;
	[tilespmem:$0x18400] =	vst v63  }
0xb4: {  	s0 =	simm.s32 $0xD800  }
0xb5: {  	[tilespmem:s0], [sflag:$0x2] =	stream.indirect_vreg.gather [hbm4b:s5+s2], $0x80, v3, vm1, $0xb8;
	[tilespmem:$0x18400] =	vst v63  }
0xb6: {  	v3 =	vld [tilespmem:s30+$0xFFFFFFD0];
	_ =	sdelay $0x4  }
0xb7: {  	v57 =	vshrl.u32 v3, $0x3  }
0xb8: {  	v4 =	vmul.u32 $0x18, v57  }
0xb9: {  	v3 =	vand.u32 $0x7, v3  }
0xba: {  	v3 =	vor.u32 v3, v4  }
0xbb: {  	v4 =	vperm.xlane v3, v0;
	_ =	sdelay $0x1  }
0xbc: {  	v4 =	vadd.s32 v1, v4;
	_ =	sdelay $0x1  }
0xbd: {  	v3 =	vperm.xlane v3, v2;
	_ =	sdelay $0x1  }
0xbe: {  	s0 =	simm.s32 $0xDC00;
	v3 =	vadd.s32 v1, v3  }
0xbf: {  	[tilespmem:s0], [sflag:$0x2] =	stream.indirect_vreg.gather [hbm4b:s3+s2], $0x80, v4, vm0, $0xb8;
	[tilespmem:$0x18400] =	vst v63  }
0xc0: {  	s0 =	simm.s32 $0xE400  }
0xc1: {  	[tilespmem:s0], [sflag:$0x2] =	stream.indirect_vreg.gather [hbm4b:s5+s2], $0x80, v4, vm1, $0xb8;
	[tilespmem:$0x18400] =	vst v63  }
0xc2: {  	s0 =	simm.s32 $0xE800  }
0xc3: {  	[tilespmem:s0], [sflag:$0x2] =	stream.indirect_vreg.gather [hbm4b:s3+s2], $0x80, v3, vm0, $0xb8;
	[tilespmem:$0x18400] =	vst v63  }
0xc4: {  	s0 =	simm.s32 $0xF000  }
0xc5: {  	[tilespmem:s0], [sflag:$0x2] =	stream.indirect_vreg.gather [hbm4b:s5+s2], $0x80, v3, vm1, $0xb8;
	[tilespmem:$0x18400] =	vst v63  }
0xc6: {  	v3 =	vld [tilespmem:s30+$0xFFFFFFE0];
	_ =	sdelay $0x4  }
0xc7: {  	v58 =	vshrl.u32 v3, $0x3  }
0xc8: {  	v4 =	vmul.u32 $0x18, v58  }
0xc9: {  	v3 =	vand.u32 $0x7, v3  }
0xca: {  	v3 =	vor.u32 v3, v4  }
0xcb: {  	v4 =	vperm.xlane v3, v0;
	_ =	sdelay $0x1  }
0xcc: {  	v4 =	vadd.s32 v1, v4;
	_ =	sdelay $0x1  }
0xcd: {  	v3 =	vperm.xlane v3, v2;
	_ =	sdelay $0x1  }
0xce: {  	s0 =	simm.s32 $0xF400;
	v3 =	vadd.s32 v1, v3  }
0xcf: {  	[tilespmem:s0], [sflag:$0x2] =	stream.indirect_vreg.gather [hbm4b:s3+s2], $0x80, v4, vm0, $0xb8;
	[tilespmem:$0x18400] =	vst v63  }
0xd0: {  	s0 =	simm.s32 $0xFC00  }
0xd1: {  	[tilespmem:s0], [sflag:$0x2] =	stream.indirect_vreg.gather [hbm4b:s5+s2], $0x80, v4, vm1, $0xb8;
	[tilespmem:$0x18400] =	vst v63  }
0xd2: {  	s0 =	simm.s32 $0x10000  }
0xd3: {  	[tilespmem:s0], [sflag:$0x2] =	stream.indirect_vreg.gather [hbm4b:s3+s2], $0x80, v3, vm0, $0xb8;
	[tilespmem:$0x18400] =	vst v63  }
0xd4: {  	s0 =	simm.s32 $0x10800  }
0xd5: {  	[tilespmem:s0], [sflag:$0x2] =	stream.indirect_vreg.gather [hbm4b:s5+s2], $0x80, v3, vm1, $0xb8;
	[tilespmem:$0x18400] =	vst v63  }
0xd6: {  	v3 =	vld [tilespmem:s30+$0xFFFFFFF0];
	_ =	sdelay $0x4  }
0xd7: {  	v59 =	vshrl.u32 v3, $0x3  }
0xd8: {  	v4 =	vmul.u32 $0x18, v59  }
0xd9: {  	v3 =	vand.u32 $0x7, v3  }
0xda: {  	v3 =	vor.u32 v3, v4  }
0xdb: {  	v4 =	vperm.xlane v3, v0;
	_ =	sdelay $0x1  }
0xdc: {  	v4 =	vadd.s32 v1, v4;
	_ =	sdelay $0x1  }
0xdd: {  	v3 =	vperm.xlane v3, v2;
	_ =	sdelay $0x1  }
0xde: {  	s0 =	simm.s32 $0x10C00;
	v3 =	vadd.s32 v1, v3  }
0xdf: {  	[tilespmem:s0], [sflag:$0x2] =	stream.indirect_vreg.gather [hbm4b:s3+s2], $0x80, v4, vm0, $0xb8;
	[tilespmem:$0x18400] =	vst v63  }
0xe0: {  	s0 =	simm.s32 $0x11400  }
0xe1: {  	[tilespmem:s0], [sflag:$0x2] =	stream.indirect_vreg.gather [hbm4b:s5+s2], $0x80, v4, vm1, $0xb8;
	[tilespmem:$0x18400] =	vst v63  }
0xe2: {  	_ = 	snop  }
0xe3: {  	[tilespmem:s1], [sflag:$0x2] =	stream.indirect_vreg.gather [hbm4b:s3+s2], $0x80, v3, vm0, $0xb8;
	[tilespmem:$0x18400] =	vst v63  }
0xe4: {  	_ = 	snop  }
0xe5: {  	[tilespmem:s4], [sflag:$0x2] =	stream.indirect_vreg.gather [hbm4b:s5+s2], $0x80, v3, vm1, $0xb8;
	[tilespmem:$0x18400] =	vst v63  }
0xe6: {  	v3 =	vld [tilespmem:s30+$0x0];
	_ =	sdelay $0x4  }
0xe7: {  	v60 =	vshrl.u32 v3, $0x3  }
0xe8: {  	v4 =	vmul.u32 $0x18, v60  }
0xe9: {  	v3 =	vand.u32 $0x7, v3  }
0xea: {  	v3 =	vor.u32 v3, v4  }
0xeb: {  	v4 =	vperm.xlane v3, v0;
	_ =	sdelay $0x1  }
0xec: {  	v4 =	vadd.s32 v1, v4;
	_ =	sdelay $0x1  }
0xed: {  	v3 =	vperm.xlane v3, v2;
	_ =	sdelay $0x1  }
0xee: {  	v3 =	vadd.s32 v1, v3  }
0xef: {  	[tilespmem:s6], [sflag:$0x2] =	stream.indirect_vreg.gather [hbm4b:s3+s2], $0x80, v4, vm0, $0xb8;
	[tilespmem:$0x18400] =	vst v63  }
0xf0: {  	_ = 	snop  }
0xf1: {  	[tilespmem:s11], [sflag:$0x2] =	stream.indirect_vreg.gather [hbm4b:s5+s2], $0x80, v4, vm1, $0xb8;
	[tilespmem:$0x18400] =	vst v63  }
0xf2: {  	_ = 	snop  }
0xf3: {  	[tilespmem:s12], [sflag:$0x2] =	stream.indirect_vreg.gather [hbm4b:s3+s2], $0x80, v3, vm0, $0xb8;
	[tilespmem:$0x18400] =	vst v63  }
0xf4: {  	_ = 	snop  }
0xf5: {  	[tilespmem:s13], [sflag:$0x2] =	stream.indirect_vreg.gather [hbm4b:s5+s2], $0x80, v3, vm1, $0xb8;
	[tilespmem:$0x18400] =	vst v63  }
0xf6: {  	v3 =	vld [tilespmem:s30+$0x10];
	_ =	sdelay $0x4  }
0xf7: {  	v61 =	vshrl.u32 v3, $0x3  }
0xf8: {  	v4 =	vmul.u32 $0x18, v61  }
0xf9: {  	v3 =	vand.u32 $0x7, v3  }
0xfa: {  	v3 =	vor.u32 v3, v4  }
0xfb: {  	v4 =	vperm.xlane v3, v0;
	_ =	sdelay $0x1  }
0xfc: {  	v4 =	vadd.s32 v1, v4;
	_ =	sdelay $0x1  }
0xfd: {  	v3 =	vperm.xlane v3, v2;
	_ =	sdelay $0x1  }
0xfe: {  	v3 =	vadd.s32 v1, v3  }
0xff: {  	[tilespmem:s14], [sflag:$0x2] =	stream.indirect_vreg.gather [hbm4b:s3+s2], $0x80, v4, vm0, $0xb8;
	[tilespmem:$0x18400] =	vst v63  }
0x100: {  	_ = 	snop  }
0x101: {  	[tilespmem:s15], [sflag:$0x2] =	stream.indirect_vreg.gather [hbm4b:s5+s2], $0x80, v4, vm1, $0xb8;
	[tilespmem:$0x18400] =	vst v63  }
0x102: {  	_ = 	snop  }
0x103: {  	[tilespmem:s16], [sflag:$0x2] =	stream.indirect_vreg.gather [hbm4b:s3+s2], $0x80, v3, vm0, $0xb8;
	[tilespmem:$0x18400] =	vst v63  }
0x104: {  	_ = 	snop  }
0x105: {  	[tilespmem:s17], [sflag:$0x2] =	stream.indirect_vreg.gather [hbm4b:s5+s2], $0x80, v3, vm1, $0xb8;
	[tilespmem:$0x18400] =	vst v63  }
0x106: {  	v3 =	vld [tilespmem:s30+$0x20];
	_ =	sdelay $0x4  }
0x107: {  	v62 =	vshrl.u32 v3, $0x3  }
0x108: {  	v4 =	vmul.u32 $0x18, v62  }
0x109: {  	v3 =	vand.u32 $0x7, v3  }
0x10a: {  	v3 =	vor.u32 v3, v4  }
0x10b: {  	v4 =	vperm.xlane v3, v0;
	_ =	sdelay $0x1  }
0x10c: {  	v4 =	vadd.s32 v1, v4;
	_ =	sdelay $0x1  }
0x10d: {  	v3 =	vperm.xlane v3, v2;
	_ =	sdelay $0x1  }
0x10e: {  	v3 =	vadd.s32 v1, v3  }
0x10f: {  	[tilespmem:s19], [sflag:$0x2] =	stream.indirect_vreg.gather [hbm4b:s3+s2], $0x80, v4, vm0, $0xb8;
	[tilespmem:$0x18400] =	vst v63  }
0x110: {  	_ = 	snop  }
0x111: {  	[tilespmem:s20], [sflag:$0x2] =	stream.indirect_vreg.gather [hbm4b:s5+s2], $0x80, v4, vm1, $0xb8;
	[tilespmem:$0x18400] =	vst v63  }
0x112: {  	_ = 	snop  }
0x113: {  	[tilespmem:s21], [sflag:$0x2] =	stream.indirect_vreg.gather [hbm4b:s3+s2], $0x80, v3, vm0, $0xb8;
	[tilespmem:$0x18400] =	vst v63  }
0x114: {  	_ = 	snop  }
0x115: {  	[tilespmem:s22], [sflag:$0x2] =	stream.indirect_vreg.gather [hbm4b:s5+s2], $0x80, v3, vm1, $0xb8;
	[tilespmem:$0x18400] =	vst v63  }
0x116: {  	v3 =	vld [tilespmem:s30+$0x30];
	_ =	sdelay $0x4  }
0x117: {  	v63 =	vshrl.u32 v3, $0x3  }
0x118: {  	v4 =	vmul.u32 $0x18, v63  }
0x119: {  	v3 =	vand.u32 $0x7, v3  }
0x11a: {  	v3 =	vor.u32 v3, v4  }
0x11b: {  	v4 =	vperm.xlane v3, v0;
	_ =	sdelay $0x1  }
0x11c: {  	v4 =	vadd.s32 v1, v4;
	_ =	sdelay $0x1  }
0x11d: {  	v3 =	vperm.xlane v3, v2;
	_ =	sdelay $0x1  }
0x11e: {  	v3 =	vadd.s32 v1, v3  }
0x11f: {  	[tilespmem:s23], [sflag:$0x2] =	stream.indirect_vreg.gather [hbm4b:s3+s2], $0x80, v4, vm0, $0xb8;
	[tilespmem:$0x18400] =	vst v63  }
0x120: {  	_ = 	snop  }
0x121: {  	[tilespmem:s24], [sflag:$0x2] =	stream.indirect_vreg.gather [hbm4b:s5+s2], $0x80, v4, vm1, $0xb8;
	[tilespmem:$0x18400] =	vst v63  }
0x122: {  	_ = 	snop  }
0x123: {  	[tilespmem:s25], [sflag:$0x2] =	stream.indirect_vreg.gather [hbm4b:s3+s2], $0x80, v3, vm0, $0xb8;
	[tilespmem:$0x18400] =	vst v63  }
0x124: {  	_ = 	snop  }
0x125: {  	[tilespmem:s26], [sflag:$0x2] =	stream.indirect_vreg.gather [hbm4b:s5+s2], $0x80, v3, vm1, $0xb8;
	[tilespmem:$0x18400] =	vst v63  }
0x126: {  	_ =	swait.ge [sflag:s28], $0xC000  }
0x127: {  	p0 =	seq.s32 s31, $0x9000;
	[sflag:s28] =	ssyncset.done $0x0  }
.Ltmp4:
0x128: {  	s0 =	sadd.s32 s31, s8;
	[sflag:s28] =	ssyncadd.s32 $0xFFFF4000;
	(pc) =	sbr.rel @p0 .LBB2_4-.Ltmp4, $4  }
0x129: {  	[hbm4b:s0+s2] =	stream.linear.scatter [tilespmem:s10], [sflag:$0x3], $0xC000, $0x38;
	[tilespmem:$0x18400] =	vst v63  }
0x12a: {  	_ =	swait.ge [sflag:s9], $0xC000  }
0x12b: {  	[sflag:s9] =	ssyncset.done $0x0  }
0x12c: {  	[sflag:s9] =	ssyncadd.s32 $0xFFFF4000  }
0x12d: {  	v3 =	vld [tilespmem:s30+$0x40];
	_ =	sdelay $0x4  }
0x12e: {  	v4 =	vshrl.u32 v3, $0x3  }
0x12f: {  	v4 =	vmul.u32 $0x18, v4  }
0x130: {  	v3 =	vand.u32 $0x7, v3  }
0x131: {  	v3 =	vor.u32 v3, v4  }
0x132: {  	v4 =	vperm.xlane v3, v0;
	_ =	sdelay $0x1  }
0x133: {  	v4 =	vadd.s32 v1, v4;
	_ =	sdelay $0x1  }
0x134: {  	v3 =	vperm.xlane v3, v2;
	_ =	sdelay $0x1  }
0x135: {  	v3 =	vadd.s32 v1, v3  }
0x136: {  	[tilespmem:s10], [sflag:$0x1] =	stream.indirect_vreg.gather [hbm4b:s3+s2], $0x80, v4, vm0, $0xb8;
	[tilespmem:$0x18400] =	vst v63  }
0x137: {  	s0 =	simm.s32 $0xC00  }
0x138: {  	[tilespmem:s0], [sflag:$0x1] =	stream.indirect_vreg.gather [hbm4b:s5+s2], $0x80, v4, vm1, $0xb8;
	[tilespmem:$0x18400] =	vst v63  }
0x139: {  	s0 =	simm.s32 $0x1000  }
0x13a: {  	[tilespmem:s0], [sflag:$0x1] =	stream.indirect_vreg.gather [hbm4b:s3+s2], $0x80, v3, vm0, $0xb8;
	[tilespmem:$0x18400] =	vst v63  }
0x13b: {  	s0 =	simm.s32 $0x1800  }
0x13c: {  	[tilespmem:s0], [sflag:$0x1] =	stream.indirect_vreg.gather [hbm4b:s5+s2], $0x80, v3, vm1, $0xb8;
	[tilespmem:$0x18400] =	vst v63  }
0x13d: {  	v3 =	vld [tilespmem:s30+$0x50];
	_ =	sdelay $0x4  }
0x13e: {  	v57 =	vshrl.u32 v3, $0x3  }
0x13f: {  	v4 =	vmul.u32 $0x18, v57  }
0x140: {  	v3 =	vand.u32 $0x7, v3  }
0x141: {  	v3 =	vor.u32 v3, v4  }
0x142: {  	v4 =	vperm.xlane v3, v0;
	_ =	sdelay $0x1  }
0x143: {  	v4 =	vadd.s32 v1, v4;
	_ =	sdelay $0x1  }
0x144: {  	v3 =	vperm.xlane v3, v2;
	_ =	sdelay $0x1  }
0x145: {  	s0 =	simm.s32 $0x1C00;
	v3 =	vadd.s32 v1, v3  }
0x146: {  	[tilespmem:s0], [sflag:$0x1] =	stream.indirect_vreg.gather [hbm4b:s3+s2], $0x80, v4, vm0, $0xb8;
	[tilespmem:$0x18400] =	vst v63  }
0x147: {  	s0 =	simm.s32 $0x2400  }
0x148: {  	[tilespmem:s0], [sflag:$0x1] =	stream.indirect_vreg.gather [hbm4b:s5+s2], $0x80, v4, vm1, $0xb8;
	[tilespmem:$0x18400] =	vst v63  }
0x149: {  	s0 =	simm.s32 $0x2800  }
0x14a: {  	[tilespmem:s0], [sflag:$0x1] =	stream.indirect_vreg.gather [hbm4b:s3+s2], $0x80, v3, vm0, $0xb8;
	[tilespmem:$0x18400] =	vst v63  }
0x14b: {  	s0 =	simm.s32 $0x3000  }
0x14c: {  	[tilespmem:s0], [sflag:$0x1] =	stream.indirect_vreg.gather [hbm4b:s5+s2], $0x80, v3, vm1, $0xb8;
	[tilespmem:$0x18400] =	vst v63  }
0x14d: {  	v3 =	vld [tilespmem:s30+$0x60];
	_ =	sdelay $0x4  }
0x14e: {  	v58 =	vshrl.u32 v3, $0x3  }
0x14f: {  	v4 =	vmul.u32 $0x18, v58  }
0x150: {  	v3 =	vand.u32 $0x7, v3  }
0x151: {  	v3 =	vor.u32 v3, v4  }
0x152: {  	v4 =	vperm.xlane v3, v0;
	_ =	sdelay $0x1  }
0x153: {  	v4 =	vadd.s32 v1, v4;
	_ =	sdelay $0x1  }
0x154: {  	v3 =	vperm.xlane v3, v2;
	_ =	sdelay $0x1  }
0x155: {  	s0 =	simm.s32 $0x3400;
	v3 =	vadd.s32 v1, v3  }
0x156: {  	[tilespmem:s0], [sflag:$0x1] =	stream.indirect_vreg.gather [hbm4b:s3+s2], $0x80, v4, vm0, $0xb8;
	[tilespmem:$0x18400] =	vst v63  }
0x157: {  	s0 =	simm.s32 $0x3C00  }
0x158: {  	[tilespmem:s0], [sflag:$0x1] =	stream.indirect_vreg.gather [hbm4b:s5+s2], $0x80, v4, vm1, $0xb8;
	[tilespmem:$0x18400] =	vst v63  }
0x159: {  	s0 =	simm.s32 $0x4000  }
0x15a: {  	[tilespmem:s0], [sflag:$0x1] =	stream.indirect_vreg.gather [hbm4b:s3+s2], $0x80, v3, vm0, $0xb8;
	[tilespmem:$0x18400] =	vst v63  }
0x15b: {  	s0 =	simm.s32 $0x4800  }
0x15c: {  	[tilespmem:s0], [sflag:$0x1] =	stream.indirect_vreg.gather [hbm4b:s5+s2], $0x80, v3, vm1, $0xb8;
	[tilespmem:$0x18400] =	vst v63  }
0x15d: {  	v3 =	vld [tilespmem:s30+$0x70];
	_ =	sdelay $0x4  }
0x15e: {  	v59 =	vshrl.u32 v3, $0x3  }
0x15f: {  	v4 =	vmul.u32 $0x18, v59  }
0x160: {  	v3 =	vand.u32 $0x7, v3  }
0x161: {  	v3 =	vor.u32 v3, v4  }
0x162: {  	v4 =	vperm.xlane v3, v0;
	_ =	sdelay $0x1  }
0x163: {  	v4 =	vadd.s32 v1, v4;
	_ =	sdelay $0x1  }
0x164: {  	v3 =	vperm.xlane v3, v2;
	_ =	sdelay $0x1  }
0x165: {  	s0 =	simm.s32 $0x4C00;
	v3 =	vadd.s32 v1, v3  }
0x166: {  	[tilespmem:s0], [sflag:$0x1] =	stream.indirect_vreg.gather [hbm4b:s3+s2], $0x80, v4, vm0, $0xb8;
	[tilespmem:$0x18400] =	vst v63  }
0x167: {  	s0 =	simm.s32 $0x5400  }
0x168: {  	[tilespmem:s0], [sflag:$0x1] =	stream.indirect_vreg.gather [hbm4b:s5+s2], $0x80, v4, vm1, $0xb8;
	[tilespmem:$0x18400] =	vst v63  }
0x169: {  	s0 =	simm.s32 $0x5800  }
0x16a: {  	[tilespmem:s0], [sflag:$0x1] =	stream.indirect_vreg.gather [hbm4b:s3+s2], $0x80, v3, vm0, $0xb8;
	[tilespmem:$0x18400] =	vst v63  }
0x16b: {  	s0 =	simm.s32 $0x6000  }
0x16c: {  	[tilespmem:s0], [sflag:$0x1] =	stream.indirect_vreg.gather [hbm4b:s5+s2], $0x80, v3, vm1, $0xb8;
	[tilespmem:$0x18400] =	vst v63  }
0x16d: {  	v3 =	vld [tilespmem:s30+$0x80];
	_ =	sdelay $0x4  }
0x16e: {  	v60 =	vshrl.u32 v3, $0x3  }
0x16f: {  	v4 =	vmul.u32 $0x18, v60  }
0x170: {  	v3 =	vand.u32 $0x7, v3  }
0x171: {  	v3 =	vor.u32 v3, v4  }
0x172: {  	v4 =	vperm.xlane v3, v0;
	_ =	sdelay $0x1  }
0x173: {  	v4 =	vadd.s32 v1, v4;
	_ =	sdelay $0x1  }
0x174: {  	v3 =	vperm.xlane v3, v2;
	_ =	sdelay $0x1  }
0x175: {  	s0 =	simm.s32 $0x6400;
	v3 =	vadd.s32 v1, v3  }
0x176: {  	[tilespmem:s0], [sflag:$0x1] =	stream.indirect_vreg.gather [hbm4b:s3+s2], $0x80, v4, vm0, $0xb8;
	[tilespmem:$0x18400] =	vst v63  }
0x177: {  	s0 =	simm.s32 $0x6C00  }
0x178: {  	[tilespmem:s0], [sflag:$0x1] =	stream.indirect_vreg.gather [hbm4b:s5+s2], $0x80, v4, vm1, $0xb8;
	[tilespmem:$0x18400] =	vst v63  }
0x179: {  	s0 =	simm.s32 $0x7000  }
0x17a: {  	[tilespmem:s0], [sflag:$0x1] =	stream.indirect_vreg.gather [hbm4b:s3+s2], $0x80, v3, vm0, $0xb8;
	[tilespmem:$0x18400] =	vst v63  }
0x17b: {  	s0 =	simm.s32 $0x7800  }
0x17c: {  	[tilespmem:s0], [sflag:$0x1] =	stream.indirect_vreg.gather [hbm4b:s5+s2], $0x80, v3, vm1, $0xb8;
	[tilespmem:$0x18400] =	vst v63  }
0x17d: {  	v3 =	vld [tilespmem:s30+$0x90];
	_ =	sdelay $0x4  }
0x17e: {  	v61 =	vshrl.u32 v3, $0x3  }
0x17f: {  	v4 =	vmul.u32 $0x18, v61  }
0x180: {  	v3 =	vand.u32 $0x7, v3  }
0x181: {  	v3 =	vor.u32 v3, v4  }
0x182: {  	v4 =	vperm.xlane v3, v0;
	_ =	sdelay $0x1  }
0x183: {  	v4 =	vadd.s32 v1, v4;
	_ =	sdelay $0x1  }
0x184: {  	v3 =	vperm.xlane v3, v2;
	_ =	sdelay $0x1  }
0x185: {  	s0 =	simm.s32 $0x7C00;
	v3 =	vadd.s32 v1, v3  }
0x186: {  	[tilespmem:s0], [sflag:$0x1] =	stream.indirect_vreg.gather [hbm4b:s3+s2], $0x80, v4, vm0, $0xb8;
	[tilespmem:$0x18400] =	vst v63  }
0x187: {  	s0 =	simm.s32 $0x8400  }
0x188: {  	[tilespmem:s0], [sflag:$0x1] =	stream.indirect_vreg.gather [hbm4b:s5+s2], $0x80, v4, vm1, $0xb8;
	[tilespmem:$0x18400] =	vst v63  }
0x189: {  	s0 =	simm.s32 $0x8800  }
0x18a: {  	[tilespmem:s0], [sflag:$0x1] =	stream.indirect_vreg.gather [hbm4b:s3+s2], $0x80, v3, vm0, $0xb8;
	[tilespmem:$0x18400] =	vst v63  }
0x18b: {  	s0 =	simm.s32 $0x9000  }
0x18c: {  	[tilespmem:s0], [sflag:$0x1] =	stream.indirect_vreg.gather [hbm4b:s5+s2], $0x80, v3, vm1, $0xb8;
	[tilespmem:$0x18400] =	vst v63  }
0x18d: {  	v3 =	vld [tilespmem:s30+$0xA0];
	_ =	sdelay $0x4  }
0x18e: {  	v62 =	vshrl.u32 v3, $0x3  }
0x18f: {  	v4 =	vmul.u32 $0x18, v62  }
0x190: {  	v3 =	vand.u32 $0x7, v3  }
0x191: {  	v3 =	vor.u32 v3, v4  }
0x192: {  	v4 =	vperm.xlane v3, v0;
	_ =	sdelay $0x1  }
0x193: {  	v4 =	vadd.s32 v1, v4;
	_ =	sdelay $0x1  }
0x194: {  	v3 =	vperm.xlane v3, v2;
	_ =	sdelay $0x1  }
0x195: {  	s0 =	simm.s32 $0x9400;
	v3 =	vadd.s32 v1, v3  }
0x196: {  	[tilespmem:s0], [sflag:$0x1] =	stream.indirect_vreg.gather [hbm4b:s3+s2], $0x80, v4, vm0, $0xb8;
	[tilespmem:$0x18400] =	vst v63  }
0x197: {  	s0 =	simm.s32 $0x9C00  }
0x198: {  	[tilespmem:s0], [sflag:$0x1] =	stream.indirect_vreg.gather [hbm4b:s5+s2], $0x80, v4, vm1, $0xb8;
	[tilespmem:$0x18400] =	vst v63  }
0x199: {  	s0 =	simm.s32 $0xA000  }
0x19a: {  	[tilespmem:s0], [sflag:$0x1] =	stream.indirect_vreg.gather [hbm4b:s3+s2], $0x80, v3, vm0, $0xb8;
	[tilespmem:$0x18400] =	vst v63  }
0x19b: {  	s0 =	simm.s32 $0xA800  }
0x19c: {  	[tilespmem:s0], [sflag:$0x1] =	stream.indirect_vreg.gather [hbm4b:s5+s2], $0x80, v3, vm1, $0xb8;
	[tilespmem:$0x18400] =	vst v63  }
0x19d: {  	v3 =	vld [tilespmem:s30+$0xB0];
	_ =	sdelay $0x4  }
0x19e: {  	v63 =	vshrl.u32 v3, $0x3  }
0x19f: {  	v4 =	vmul.u32 $0x18, v63  }
0x1a0: {  	v3 =	vand.u32 $0x7, v3  }
0x1a1: {  	v3 =	vor.u32 v3, v4  }
0x1a2: {  	v4 =	vperm.xlane v3, v0;
	_ =	sdelay $0x1  }
0x1a3: {  	v4 =	vadd.s32 v1, v4;
	_ =	sdelay $0x2  }
0x1a4: {  	v3 =	vperm.xlane v3, v2  }
0x1a5: {  	s0 =	simm.s32 $0xAC00  }
0x1a6: {  	v3 =	vadd.s32 v1, v3;
	[tilespmem:s0], [sflag:$0x1] =	stream.indirect_vreg.gather [hbm4b:s3+s2], $0x80, v4, vm0, $0xb8;
	[tilespmem:$0x18400] =	vst v63  }
0x1a7: {  	s0 =	simm.s32 $0xB400  }
0x1a8: {  	[tilespmem:s0], [sflag:$0x1] =	stream.indirect_vreg.gather [hbm4b:s5+s2], $0x80, v4, vm1, $0xb8;
	[tilespmem:$0x18400] =	vst v63  }
.Ltmp5:
0x1a9: {  	_ = 	snop;
	(pc) =	sbr.rel .LBB2_4-.Ltmp5, $4  }
0x1aa: {  	s0 =	simm.s32 $0xB800  }
0x1ab: {  	[tilespmem:s0], [sflag:$0x1] =	stream.indirect_vreg.gather [hbm4b:s3+s2], $0x80, v3, vm0, $0xb8;
	[tilespmem:$0x18400] =	vst v63  }
0x1ac: {  	s0 =	simm.s32 $0xC000  }
0x1ad: {  	[tilespmem:s0], [sflag:$0x1] =	stream.indirect_vreg.gather [hbm4b:s5+s2], $0x80, v3, vm1, $0xb8;
	[tilespmem:$0x18400] =	vst v63  }
.LBB2_6:
0x1ae: {  	_ =	sfence.sel $0x180000  }
0x1af: {  	[bflag:$0x0] =	sbarrier.arrive $0xFFFF  }
0x1b0: {  	_ =	strace $0x90000047  }
0x1b1: {  	s0 =	stileid.u32;
	[bflag:$0x2] =	sbarrier.arrive $0xFFFF  }
0x1b2: {  	p0 =	sne.s32 s0, $0x0;
	s0 =	rddreg [dreg:$0x1]  }
0x1b3: {  	s0 =	sadd.s32 @!p0 $0x100000, s0  }
0x1b4: {  	[sflag:s0] =	ssyncadd.tile.s32 @!p0 $0x1;
	_ =	shalt  }
.Lfunc_end2:
_tile_overlayer_lowered:
.L_overlay_start_2:
0x1b5: {  	(tag) =	ssettag $0x2  }
0x1b6: {  	s0 =	rddreg [dreg:$0x0];
	s2 =	stileid.u32  }
0x1b7: {  	s1 =	rddreg [dreg:$0x1];
	p0 =	sne.s32 s2, $0x0  }
0x1b8: {  	s3 =	rddreg [dreg:$0x2];
	[bflag:$0x3] =	sbarrier.arrive $0xFFFF;
	s2 =	simm.s32 @!p0 $0x1C03  }
0x1b9: {  	[timem:s3], [sflag:s2] =	dma.local @!p0 [hbm:s0], s1  }
0x1ba: {  	s0 =	simm.s32 @!p0 $0x3  }
0x1bb: {  	_ =	swait.ge @!p0 [sflag:s0], s1  }
0x1bc: {  	s1 =	ssub.s32 @!p0 $0x0, s1;
	[sflag:s0] =	ssyncset.done @!p0 $0x0  }
0x1bd: {  	[sflag:s0] =	ssyncadd.s32 @!p0 s1  }
0x1be: {  	[bflag:$0x3] =	sbarrier.arrive $0xFFFF  }
0x1bf: {  	_ =	shalt  }

</sc_bundles>
